<compile_context>
chip_gen: v7x
topology: tpu7x:2x2x1
jax: 0.10.2.dev20260603
libtpu: 0.0.44.dev20260713+nightly
codegen_flags: <defaults>
</compile_context>

<pallas_src>
import dataclasses

import jax
import jax.numpy as jnp
from jax import lax
from jax.experimental import pallas as pl
from jax.experimental.pallas import tpu as pltpu
from jax.experimental.pallas import tpu_sc as plsc

M = 1536
H = 224
W = 224
N = H * W
NW = 32
ROWS_PER_W = M // NW
HCHUNK = 8
NCHUNK = H // HCHUNK
CODE_CHUNK = HCHUNK * W // 2
VEC = 16
NBUF = 4
NRES = 4


def _gather_chunk(row_v, code_v, koff, out_v, slot):

    @pl.loop(0, HCHUNK)
    def _h(h):

        @plsc.parallel_loop(0, W // 2, step=VEC, unroll=7)
        def _vec(j):
            w32 = code_v[pl.ds(koff + h * (W // 2) + j, VEC)]
            lo = jnp.bitwise_and(w32, 0xFFFF)
            hi = lax.shift_right_logical(w32, 16)
            out_v[slot, h, pl.ds(2 * j, VEC)] = plsc.load_gather(
                row_v, [lax.shift_right_logical(lo, 8),
                        jnp.bitwise_and(lo, 255)])
            out_v[slot, h, pl.ds(2 * j + VEC, VEC)] = plsc.load_gather(
                row_v, [lax.shift_right_logical(hi, 8),
                        jnp.bitwise_and(hi, 255)])


def _jumble_body(x_hbm, code_hbm, out_hbm, code_res, code_ring, row_a,
                 row_b, out_v, out_sem, fill_sem, code_sem):
    wid = lax.axis_index("s") * 2 + lax.axis_index("c")
    base = wid * ROWS_PER_W
    slabs = (row_a, row_b)
    pltpu.sync_copy(code_hbm.at[pl.ds(0, NRES * CODE_CHUNK)], code_res)

    def fill(sl, row):
        return pltpu.make_async_copy(
            x_hbm.at[jnp.minimum(row, M - 1)], slabs[sl], fill_sem.at[sl])

    def ring_cp(rs, k):
        return pltpu.make_async_copy(
            code_hbm.at[pl.ds(k * CODE_CHUNK, CODE_CHUNK)],
            code_ring.at[pl.ds(rs * CODE_CHUNK, CODE_CHUNK)],
            code_sem.at[rs])

    def out_cp(sl, row, k):
        return pltpu.make_async_copy(
            out_v.at[sl],
            out_hbm.at[row, pl.ds(k * HCHUNK, HCHUNK), :],
            out_sem.at[sl])

    fill(0, base).start()

    @pl.loop(0, ROWS_PER_W // 2)
    def _rows(p):
        r0 = base + 2 * p

        for sl, row, nrow in ((0, r0, r0 + 1), (1, r0 + 1, r0 + 2)):
            for u in range(NBUF):
                ring_cp(u, NRES + u).start()
            fill(sl, row).wait()
            fill(1 - sl, nrow).start()

            for k in range(NRES):
                i = k % NBUF
                _gather_chunk(slabs[sl], code_res, k * CODE_CHUNK,
                              out_v, i)
                out_cp(i, row, k).start()

            @pl.loop(0, (NCHUNK - NRES) // NBUF)
            def _stream(g, sl=sl, row=row):
                for u in range(NBUF):
                    k = NRES + g * NBUF + u
                    ring_cp(u, k).wait()
                    out_cp(u, row, k - NBUF).wait()
                    _gather_chunk(slabs[sl], code_ring, u * CODE_CHUNK,
                                  out_v, u)
                    out_cp(u, row, k).start()

                    @pl.when(k + NBUF < NCHUNK)
                    def _():
                        ring_cp(u, k + NBUF).start()

            for k in range(NCHUNK - NBUF, NCHUNK):
                out_cp(k % NBUF, row, k).wait()


def kernel(x, idx):
    b, c, h, w = x.shape
    x3 = x.reshape(M, H, W)
    idx32 = idx.astype(jnp.int32)
    codes = ((idx32 // W) << 8) | (idx32 % W)
    cr = codes.reshape(-1, 2, VEC)
    codeu = cr[:, 0, :] | (cr[:, 1, :] << 16)
    codeu = codeu.reshape(-1)
    mesh = plsc.VectorSubcoreMesh(core_axis_name="c", subcore_axis_name="s")
    cp = pltpu.CompilerParams()
    if "needs_layout_passes" in pltpu.CompilerParams.__dataclass_fields__:
        cp = dataclasses.replace(cp, needs_layout_passes=False)
    run = pl.kernel(
        _jumble_body,
        out_type=jax.ShapeDtypeStruct((M, H, W), jnp.float32),
        mesh=mesh,
        scratch_types=[
            pltpu.VMEM((NRES * CODE_CHUNK,), jnp.int32),
            pltpu.VMEM((NBUF * CODE_CHUNK,), jnp.int32),
            pltpu.VMEM((H, W), jnp.float32),
            pltpu.VMEM((H, W), jnp.float32),
            pltpu.VMEM((NBUF, HCHUNK, W), jnp.float32),
            pltpu.SemaphoreType.DMA((NBUF,)),
            pltpu.SemaphoreType.DMA((2,)),
            pltpu.SemaphoreType.DMA((NBUF,)),
        ],
        compiler_params=cp,
    )
    return run(x3, codeu).reshape(b, c, h, w)

# --- scband reference (transcript-rebuilt; emitter-appended) ---
"""Pipeline reference for scband-jumble-module-1760936591568 (READ-ONLY COPY).

The authoritative reference and input builder live on the scoring server;
editing this copy changes nothing except your own understanding.
"""

import jax, jax.numpy as jnp
import numpy as np


def setup_inputs(seed: int = 0) -> dict:
    key = jax.random.key(seed)
    kx, kp = jax.random.split(key)
    x = jax.random.normal(kx, (8, 192, 224, 224), dtype=jnp.float32)
    # Deterministic surrogate for torch.randperm(H*W): a fixed random permutation
    # of the flattened spatial dimension. The stochastic gate (torch.rand(1) < p)
    # is assumed to fire (training mode, jumble branch taken).
    idx = jax.random.permutation(kp, 224 * 224)
    return {"x": x, "idx": idx}


def reference(x, idx):
    b, c, h, w = x.shape
    xf = x.reshape(b, c, h * w)
    # gather along the flattened spatial axis with the random permutation
    xf = jnp.take(xf, idx, axis=2)
    return xf.reshape(b, c, h, w)

if __name__ == "__main__":
    import jax
    _d = setup_inputs()
    print(jax.jit(kernel)(*tuple(_d.values())))

</pallas_src>

<mosaic_0001>
#map = affine_map<(d0, d1) -> (0, 0, 0)>
#map1 = affine_map<(d0, d1) -> (0)>
module attributes {stable_mosaic.version = 14 : i64} {
  func.func @_jumble_body(%arg0: i32, %arg1: i32, %arg2: memref<1536x224x224xf32, #tpu.memory_space<hbm>>, %arg3: memref<25088xi32, #tpu.memory_space<hbm>>, %arg4: memref<1536x224x224xf32, #tpu.memory_space<hbm>>, %arg5: memref<3584xi32, #tpu.memory_space<vmem>>, %arg6: memref<3584xi32, #tpu.memory_space<vmem>>, %arg7: memref<224x224xf32, #tpu.memory_space<vmem>>, %arg8: memref<224x224xf32, #tpu.memory_space<vmem>>, %arg9: memref<4x8x224xf32, #tpu.memory_space<vmem>>, %arg10: memref<4x!tpu.dma_semaphore, #tpu.memory_space<semaphore_mem>>, %arg11: memref<2x!tpu.dma_semaphore, #tpu.memory_space<semaphore_mem>>, %arg12: memref<4x!tpu.dma_semaphore, #tpu.memory_space<semaphore_mem>>) attributes {dimension_semantics = [#tpu.dimension_semantics<core_parallel>, #tpu.dimension_semantics<subcore_parallel>], iteration_bounds = array<i64: 2, 16>, scalar_prefetch = 0 : i64, scratch_operands = 8 : i64, tpu.core_type = #tpu.core_type<sc_vector_subcore>, window_params = [{transform_indices = #map}, {transform_indices = #map1}, {transform_indices = #map}]} {
    %mul3A = arith.constant 2 : i32
    %mul3A_0 = arith.muli %arg1, %mul3A : i32
    %add3A = arith.addi %mul3A_0, %arg0 : i32
    %mul3A_1 = arith.constant 48 : i32
    %mul3A_2 = arith.muli %add3A, %mul3A_1 : i32
    "tpu.region"() ({
      %run_scoped3A = tpu.sem_alloc : memref<!tpu.dma_semaphore, #tpu.memory_space<semaphore_mem>>
      %dma_start3A_18 = arith.constant 0 : i32
      %dma_start3A_19 = tpu.memref_slice %arg3[%dma_start3A_18] : memref<25088xi32, #tpu.memory_space<hbm>> -> memref<3584xi32, #tpu.memory_space<hbm>>
      %dma_start3A_20 = arith.constant 0 : i32
      %dma_start3A_21 = tpu.memref_slice %arg3[%dma_start3A_20] : memref<25088xi32, #tpu.memory_space<hbm>> -> memref<3584xi32, #tpu.memory_space<hbm>>
      tpu.enqueue_dma source(%dma_start3A_21 : memref<3584xi32, #tpu.memory_space<hbm>>) target(%arg5 : memref<3584xi32, #tpu.memory_space<vmem>>) target_semaphore(%run_scoped3A : memref<!tpu.dma_semaphore, #tpu.memory_space<semaphore_mem>>)
      %dma_wait3A = arith.constant 0 : i32
      %dma_wait3A_22 = tpu.memref_slice %arg3[%dma_wait3A] : memref<25088xi32, #tpu.memory_space<hbm>> -> memref<3584xi32, #tpu.memory_space<hbm>>
      %dma_wait3A_23 = arith.constant 0 : i32
      %dma_wait3A_24 = tpu.memref_slice %arg3[%dma_wait3A_23] : memref<25088xi32, #tpu.memory_space<hbm>> -> memref<3584xi32, #tpu.memory_space<hbm>>
      tpu.wait_dma2 semaphore(%run_scoped3A : memref<!tpu.dma_semaphore, #tpu.memory_space<semaphore_mem>>) src(%dma_wait3A_24 : memref<3584xi32, #tpu.memory_space<hbm>>) dst(%arg5 : memref<3584xi32, #tpu.memory_space<vmem>>)
      tpu.yield
    }) : () -> ()
    %min3A = arith.constant 1535 : i32
    %min3A_3 = arith.minsi %mul3A_2, %min3A : i32
    %dma_start3A = arith.constant 0 : i32
    %dma_start3A_4 = arith.constant 0 : i32
    %dma_start3A_5 = arith.constant 0 : i32
    %dma_start3A_6 = tpu.memref_slice %arg2[%min3A_3, %dma_start3A_4, %dma_start3A_5] : memref<1536x224x224xf32, #tpu.memory_space<hbm>> -> memref<1x224x224xf32, #tpu.memory_space<hbm>>
    %dma_start3A_7 = tpu.memref_squeeze %dma_start3A_6 : memref<1x224x224xf32, #tpu.memory_space<hbm>> -> memref<224x224xf32, #tpu.memory_space<hbm>>
    %dma_start3A_8 = tpu.memref_slice %arg11[%dma_start3A] : memref<2x!tpu.dma_semaphore, #tpu.memory_space<semaphore_mem>> -> memref<1x!tpu.dma_semaphore, #tpu.memory_space<semaphore_mem>>
    %dma_start3A_9 = tpu.memref_squeeze %dma_start3A_8 : memref<1x!tpu.dma_semaphore, #tpu.memory_space<semaphore_mem>> -> memref<!tpu.dma_semaphore, #tpu.memory_space<semaphore_mem>>
    %dma_start3A_10 = arith.constant 0 : i32
    %dma_start3A_11 = arith.constant 0 : i32
    %dma_start3A_12 = tpu.memref_slice %arg2[%min3A_3, %dma_start3A_10, %dma_start3A_11] : memref<1536x224x224xf32, #tpu.memory_space<hbm>> -> memref<1x224x224xf32, #tpu.memory_space<hbm>>
    %dma_start3A_13 = tpu.memref_squeeze %dma_start3A_12 : memref<1x224x224xf32, #tpu.memory_space<hbm>> -> memref<224x224xf32, #tpu.memory_space<hbm>>
    tpu.enqueue_dma source(%dma_start3A_13 : memref<224x224xf32, #tpu.memory_space<hbm>>) target(%arg7 : memref<224x224xf32, #tpu.memory_space<vmem>>) target_semaphore(%dma_start3A_9 : memref<!tpu.dma_semaphore, #tpu.memory_space<semaphore_mem>>)
    %scan3A = arith.constant 0 : i32
    %scan3A_14 = arith.constant 24 : i32
    %scan3A_15 = arith.addi %scan3A, %scan3A_14 : i32
    %scan3A_16 = arith.constant 1 : i32
    scf.for %scan3A_18 = %scan3A to %scan3A_15 step %scan3A_16  : i32 {
      %mul3A_19 = arith.constant 1 : i32
      %mul3A_20 = arith.muli %scan3A_18, %mul3A_19 : i32
      %add3A_21 = arith.constant 0 : i32
      %add3A_22 = arith.addi %add3A_21, %mul3A_20 : i32
      %mul3A_23 = arith.constant 2 : i32
      %mul3A_24 = arith.muli %mul3A_23, %add3A_22 : i32
      %add3A_25 = arith.addi %mul3A_2, %mul3A_24 : i32
      %add3A_26 = arith.constant 1 : i32
      %add3A_27 = arith.addi %add3A_25, %add3A_26 : i32
      %add3A_28 = arith.constant 1 : i32
      %add3A_29 = arith.addi %add3A_25, %add3A_28 : i32
      %add3A_30 = arith.constant 2 : i32
      %add3A_31 = arith.addi %add3A_25, %add3A_30 : i32
      %dma_start3A_32 = arith.constant 0 : i32
      %dma_start3A_33 = arith.constant 0 : i32
      %dma_start3A_34 = tpu.memref_slice %arg6[%dma_start3A_33] : memref<3584xi32, #tpu.memory_space<vmem>> -> memref<896xi32, #tpu.memory_space<vmem>>
      %dma_start3A_35 = arith.constant 3584 : i32
      %dma_start3A_36 = tpu.memref_slice %arg3[%dma_start3A_35] : memref<25088xi32, #tpu.memory_space<hbm>> -> memref<896xi32, #tpu.memory_space<hbm>>
      %dma_start3A_37 = tpu.memref_slice %arg12[%dma_start3A_32] : memref<4x!tpu.dma_semaphore, #tpu.memory_space<semaphore_mem>> -> memref<1x!tpu.dma_semaphore, #tpu.memory_space<semaphore_mem>>
      %dma_start3A_38 = tpu.memref_squeeze %dma_start3A_37 : memref<1x!tpu.dma_semaphore, #tpu.memory_space<semaphore_mem>> -> memref<!tpu.dma_semaphore, #tpu.memory_space<semaphore_mem>>
      %dma_start3A_39 = arith.constant 0 : i32
      %dma_start3A_40 = tpu.memref_slice %arg6[%dma_start3A_39] : memref<3584xi32, #tpu.memory_space<vmem>> -> memref<896xi32, #tpu.memory_space<vmem>>
      %dma_start3A_41 = arith.constant 3584 : i32
      %dma_start3A_42 = tpu.memref_slice %arg3[%dma_start3A_41] : memref<25088xi32, #tpu.memory_space<hbm>> -> memref<896xi32, #tpu.memory_space<hbm>>
      tpu.enqueue_dma source(%dma_start3A_42 : memref<896xi32, #tpu.memory_space<hbm>>) target(%dma_start3A_40 : memref<896xi32, #tpu.memory_space<vmem>>) target_semaphore(%dma_start3A_38 : memref<!tpu.dma_semaphore, #tpu.memory_space<semaphore_mem>>)
      %dma_start3A_43 = arith.constant 1 : i32
      %dma_start3A_44 = arith.constant 896 : i32
      %dma_start3A_45 = tpu.memref_slice %arg6[%dma_start3A_44] : memref<3584xi32, #tpu.memory_space<vmem>> -> memref<896xi32, #tpu.memory_space<vmem>>
      %dma_start3A_46 = arith.constant 4480 : i32
      %dma_start3A_47 = tpu.memref_slice %arg3[%dma_start3A_46] : memref<25088xi32, #tpu.memory_space<hbm>> -> memref<896xi32, #tpu.memory_space<hbm>>
      %dma_start3A_48 = tpu.memref_slice %arg12[%dma_start3A_43] : memref<4x!tpu.dma_semaphore, #tpu.memory_space<semaphore_mem>> -> memref<1x!tpu.dma_semaphore, #tpu.memory_space<semaphore_mem>>
      %dma_start3A_49 = tpu.memref_squeeze %dma_start3A_48 : memref<1x!tpu.dma_semaphore, #tpu.memory_space<semaphore_mem>> -> memref<!tpu.dma_semaphore, #tpu.memory_space<semaphore_mem>>
      %dma_start3A_50 = arith.constant 896 : i32
      %dma_start3A_51 = tpu.memref_slice %arg6[%dma_start3A_50] : memref<3584xi32, #tpu.memory_space<vmem>> -> memref<896xi32, #tpu.memory_space<vmem>>
      %dma_start3A_52 = arith.constant 4480 : i32
      %dma_start3A_53 = tpu.memref_slice %arg3[%dma_start3A_52] : memref<25088xi32, #tpu.memory_space<hbm>> -> memref<896xi32, #tpu.memory_space<hbm>>
      tpu.enqueue_dma source(%dma_start3A_53 : memref<896xi32, #tpu.memory_space<hbm>>) target(%dma_start3A_51 : memref<896xi32, #tpu.memory_space<vmem>>) target_semaphore(%dma_start3A_49 : memref<!tpu.dma_semaphore, #tpu.memory_space<semaphore_mem>>)
      %dma_start3A_54 = arith.constant 2 : i32
      %dma_start3A_55 = arith.constant 1792 : i32
      %dma_start3A_56 = tpu.memref_slice %arg6[%dma_start3A_55] : memref<3584xi32, #tpu.memory_space<vmem>> -> memref<896xi32, #tpu.memory_space<vmem>>
      %dma_start3A_57 = arith.constant 5376 : i32
      %dma_start3A_58 = tpu.memref_slice %arg3[%dma_start3A_57] : memref<25088xi32, #tpu.memory_space<hbm>> -> memref<896xi32, #tpu.memory_space<hbm>>
      %dma_start3A_59 = tpu.memref_slice %arg12[%dma_start3A_54] : memref<4x!tpu.dma_semaphore, #tpu.memory_space<semaphore_mem>> -> memref<1x!tpu.dma_semaphore, #tpu.memory_space<semaphore_mem>>
      %dma_start3A_60 = tpu.memref_squeeze %dma_start3A_59 : memref<1x!tpu.dma_semaphore, #tpu.memory_space<semaphore_mem>> -> memref<!tpu.dma_semaphore, #tpu.memory_space<semaphore_mem>>
      %dma_start3A_61 = arith.constant 1792 : i32
      %dma_start3A_62 = tpu.memref_slice %arg6[%dma_start3A_61] : memref<3584xi32, #tpu.memory_space<vmem>> -> memref<896xi32, #tpu.memory_space<vmem>>
      %dma_start3A_63 = arith.constant 5376 : i32
      %dma_start3A_64 = tpu.memref_slice %arg3[%dma_start3A_63] : memref<25088xi32, #tpu.memory_space<hbm>> -> memref<896xi32, #tpu.memory_space<hbm>>
      tpu.enqueue_dma source(%dma_start3A_64 : memref<896xi32, #tpu.memory_space<hbm>>) target(%dma_start3A_62 : memref<896xi32, #tpu.memory_space<vmem>>) target_semaphore(%dma_start3A_60 : memref<!tpu.dma_semaphore, #tpu.memory_space<semaphore_mem>>)
      %dma_start3A_65 = arith.constant 3 : i32
      %dma_start3A_66 = arith.constant 2688 : i32
      %dma_start3A_67 = tpu.memref_slice %arg6[%dma_start3A_66] : memref<3584xi32, #tpu.memory_space<vmem>> -> memref<896xi32, #tpu.memory_space<vmem>>
      %dma_start3A_68 = arith.constant 6272 : i32
      %dma_start3A_69 = tpu.memref_slice %arg3[%dma_start3A_68] : memref<25088xi32, #tpu.memory_space<hbm>> -> memref<896xi32, #tpu.memory_space<hbm>>
      %dma_start3A_70 = tpu.memref_slice %arg12[%dma_start3A_65] : memref<4x!tpu.dma_semaphore, #tpu.memory_space<semaphore_mem>> -> memref<1x!tpu.dma_semaphore, #tpu.memory_space<semaphore_mem>>
      %dma_start3A_71 = tpu.memref_squeeze %dma_start3A_70 : memref<1x!tpu.dma_semaphore, #tpu.memory_space<semaphore_mem>> -> memref<!tpu.dma_semaphore, #tpu.memory_space<semaphore_mem>>
      %dma_start3A_72 = arith.constant 2688 : i32
      %dma_start3A_73 = tpu.memref_slice %arg6[%dma_start3A_72] : memref<3584xi32, #tpu.memory_space<vmem>> -> memref<896xi32, #tpu.memory_space<vmem>>
      %dma_start3A_74 = arith.constant 6272 : i32
      %dma_start3A_75 = tpu.memref_slice %arg3[%dma_start3A_74] : memref<25088xi32, #tpu.memory_space<hbm>> -> memref<896xi32, #tpu.memory_space<hbm>>
      tpu.enqueue_dma source(%dma_start3A_75 : memref<896xi32, #tpu.memory_space<hbm>>) target(%dma_start3A_73 : memref<896xi32, #tpu.memory_space<vmem>>) target_semaphore(%dma_start3A_71 : memref<!tpu.dma_semaphore, #tpu.memory_space<semaphore_mem>>)
      %min3A_76 = arith.constant 1535 : i32
      %min3A_77 = arith.minsi %add3A_25, %min3A_76 : i32
      %dma_wait3A = arith.constant 0 : i32
      %dma_wait3A_78 = arith.constant 0 : i32
      %dma_wait3A_79 = arith.constant 0 : i32
      %dma_wait3A_80 = tpu.memref_slice %arg2[%min3A_77, %dma_wait3A_78, %dma_wait3A_79] : memref<1536x224x224xf32, #tpu.memory_space<hbm>> -> memref<1x224x224xf32, #tpu.memory_space<hbm>>
      %dma_wait3A_81 = tpu.memref_squeeze %dma_wait3A_80 : memref<1x224x224xf32, #tpu.memory_space<hbm>> -> memref<224x224xf32, #tpu.memory_space<hbm>>
      %dma_wait3A_82 = tpu.memref_slice %arg11[%dma_wait3A] : memref<2x!tpu.dma_semaphore, #tpu.memory_space<semaphore_mem>> -> memref<1x!tpu.dma_semaphore, #tpu.memory_space<semaphore_mem>>
      %dma_wait3A_83 = tpu.memref_squeeze %dma_wait3A_82 : memref<1x!tpu.dma_semaphore, #tpu.memory_space<semaphore_mem>> -> memref<!tpu.dma_semaphore, #tpu.memory_space<semaphore_mem>>
      %dma_wait3A_84 = arith.constant 0 : i32
      %dma_wait3A_85 = arith.constant 0 : i32
      %dma_wait3A_86 = tpu.memref_slice %arg2[%min3A_77, %dma_wait3A_84, %dma_wait3A_85] : memref<1536x224x224xf32, #tpu.memory_space<hbm>> -> memref<1x224x224xf32, #tpu.memory_space<hbm>>
      %dma_wait3A_87 = tpu.memref_squeeze %dma_wait3A_86 : memref<1x224x224xf32, #tpu.memory_space<hbm>> -> memref<224x224xf32, #tpu.memory_space<hbm>>
      tpu.wait_dma2 semaphore(%dma_wait3A_83 : memref<!tpu.dma_semaphore, #tpu.memory_space<semaphore_mem>>) src(%dma_wait3A_87 : memref<224x224xf32, #tpu.memory_space<hbm>>) dst(%arg7 : memref<224x224xf32, #tpu.memory_space<vmem>>)
      %min3A_88 = arith.constant 1535 : i32
      %min3A_89 = arith.minsi %add3A_27, %min3A_88 : i32
      %dma_start3A_90 = arith.constant 1 : i32
      %dma_start3A_91 = arith.constant 0 : i32
      %dma_start3A_92 = arith.constant 0 : i32
      %dma_start3A_93 = tpu.memref_slice %arg2[%min3A_89, %dma_start3A_91, %dma_start3A_92] : memref<1536x224x224xf32, #tpu.memory_space<hbm>> -> memref<1x224x224xf32, #tpu.memory_space<hbm>>
      %dma_start3A_94 = tpu.memref_squeeze %dma_start3A_93 : memref<1x224x224xf32, #tpu.memory_space<hbm>> -> memref<224x224xf32, #tpu.memory_space<hbm>>
      %dma_start3A_95 = tpu.memref_slice %arg11[%dma_start3A_90] : memref<2x!tpu.dma_semaphore, #tpu.memory_space<semaphore_mem>> -> memref<1x!tpu.dma_semaphore, #tpu.memory_space<semaphore_mem>>
      %dma_start3A_96 = tpu.memref_squeeze %dma_start3A_95 : memref<1x!tpu.dma_semaphore, #tpu.memory_space<semaphore_mem>> -> memref<!tpu.dma_semaphore, #tpu.memory_space<semaphore_mem>>
      %dma_start3A_97 = arith.constant 0 : i32
      %dma_start3A_98 = arith.constant 0 : i32
      %dma_start3A_99 = tpu.memref_slice %arg2[%min3A_89, %dma_start3A_97, %dma_start3A_98] : memref<1536x224x224xf32, #tpu.memory_space<hbm>> -> memref<1x224x224xf32, #tpu.memory_space<hbm>>
      %dma_start3A_100 = tpu.memref_squeeze %dma_start3A_99 : memref<1x224x224xf32, #tpu.memory_space<hbm>> -> memref<224x224xf32, #tpu.memory_space<hbm>>
      tpu.enqueue_dma source(%dma_start3A_100 : memref<224x224xf32, #tpu.memory_space<hbm>>) target(%arg8 : memref<224x224xf32, #tpu.memory_space<vmem>>) target_semaphore(%dma_start3A_96 : memref<!tpu.dma_semaphore, #tpu.memory_space<semaphore_mem>>)
      %scan3A_101 = arith.constant 0 : i32
      %scan3A_102 = arith.constant 8 : i32
      %scan3A_103 = arith.addi %scan3A_101, %scan3A_102 : i32
      %scan3A_104 = arith.constant 1 : i32
      scf.for %scan3A_541 = %scan3A_101 to %scan3A_103 step %scan3A_104  : i32 {
        %mul3A_542 = arith.constant 1 : i32
        %mul3A_543 = arith.muli %scan3A_541, %mul3A_542 : i32
        %add3A_544 = arith.constant 0 : i32
        %add3A_545 = arith.addi %add3A_544, %mul3A_543 : i32
        %parallel_loop3A = arith.constant 0 : i32
        %parallel_loop3A_546 = arith.constant 112 : i32
        %parallel_loop3A_547 = arith.constant 16 : i32
        scf.for %parallel_loop3A_548 = %parallel_loop3A to %parallel_loop3A_546 step %parallel_loop3A_547  : i32 {
          %parallel_loop3A_549 = arith.constant 112 : i32
          %parallel_loop3A_550 = arith.muli %add3A_545, %parallel_loop3A_549 : i32
          %parallel_loop3A_551 = arith.constant 0 : i32
          %parallel_loop3A_552 = arith.addi %parallel_loop3A_551, %parallel_loop3A_550 : i32
          %parallel_loop3A_553 = arith.addi %parallel_loop3A_552, %parallel_loop3A_548 : i32
          %parallel_loop3A_554 = arith.index_cast %parallel_loop3A_553 : i32 to index
          %parallel_loop3A_555 = tpu.vector_load %arg5[%parallel_loop3A_554] {strides = array<i32>} : memref<3584xi32, #tpu.memory_space<vmem>>, vector<16xi32>,
          %parallel_loop3A_556 = arith.constant 65535 : i32
          %parallel_loop3A_557 = vector.broadcast %parallel_loop3A_556 : i32 to vector<16xi32>
          %parallel_loop3A_558 = arith.andi %parallel_loop3A_555, %parallel_loop3A_557 : vector<16xi32>
          %parallel_loop3A_559 = arith.constant 16 : i32
          %parallel_loop3A_560 = vector.broadcast %parallel_loop3A_559 : i32 to vector<16xi32>
          %parallel_loop3A_561 = arith.shrui %parallel_loop3A_555, %parallel_loop3A_560 : vector<16xi32>
          %parallel_loop3A_562 = arith.constant 8 : i32
          %parallel_loop3A_563 = vector.broadcast %parallel_loop3A_562 : i32 to vector<16xi32>
          %parallel_loop3A_564 = arith.shrui %parallel_loop3A_558, %parallel_loop3A_563 : vector<16xi32>
          %parallel_loop3A_565 = arith.constant 255 : i32
          %parallel_loop3A_566 = vector.broadcast %parallel_loop3A_565 : i32 to vector<16xi32>
          %parallel_loop3A_567 = arith.andi %parallel_loop3A_558, %parallel_loop3A_566 : vector<16xi32>
          %parallel_loop3A_568 = tpu.vector_load_idx %arg7[%parallel_loop3A_564, %parallel_loop3A_567] : memref<224x224xf32, #tpu.memory_space<vmem>>[vector<16xi32>, vector<16xi32>], vector<16xf32>,
          %parallel_loop3A_569 = arith.constant 2 : i32
          %parallel_loop3A_570 = arith.muli %parallel_loop3A_569, %parallel_loop3A_548 : i32
          %parallel_loop3A_571 = arith.constant 0 : i32
          %parallel_loop3A_572 = arith.index_cast %parallel_loop3A_571 : i32 to index
          %parallel_loop3A_573 = arith.index_cast %add3A_545 : i32 to index
          %parallel_loop3A_574 = arith.index_cast %parallel_loop3A_570 : i32 to index
          %parallel_loop3A_575 = tpu.vector_load %arg9[%parallel_loop3A_572, %parallel_loop3A_573, %parallel_loop3A_574] {strides = array<i32>} : memref<4x8x224xf32, #tpu.memory_space<vmem>>, vector<16xf32>,
          tpu.vector_store %arg9[%parallel_loop3A_572, %parallel_loop3A_573, %parallel_loop3A_574], %parallel_loop3A_568 {strides = array<i32>} : memref<4x8x224xf32, #tpu.memory_space<vmem>>, vector<16xf32>,
          %parallel_loop3A_576 = arith.constant 8 : i32
          %parallel_loop3A_577 = vector.broadcast %parallel_loop3A_576 : i32 to vector<16xi32>
          %parallel_loop3A_578 = arith.shrui %parallel_loop3A_561, %parallel_loop3A_577 : vector<16xi32>
          %parallel_loop3A_579 = arith.constant 255 : i32
          %parallel_loop3A_580 = vector.broadcast %parallel_loop3A_579 : i32 to vector<16xi32>
          %parallel_loop3A_581 = arith.andi %parallel_loop3A_561, %parallel_loop3A_580 : vector<16xi32>
          %parallel_loop3A_582 = tpu.vector_load_idx %arg7[%parallel_loop3A_578, %parallel_loop3A_581] : memref<224x224xf32, #tpu.memory_space<vmem>>[vector<16xi32>, vector<16xi32>], vector<16xf32>,
          %parallel_loop3A_583 = arith.constant 2 : i32
          %parallel_loop3A_584 = arith.muli %parallel_loop3A_583, %parallel_loop3A_548 : i32
          %parallel_loop3A_585 = arith.constant 16 : i32
          %parallel_loop3A_586 = arith.addi %parallel_loop3A_584, %parallel_loop3A_585 : i32
          %parallel_loop3A_587 = arith.constant 0 : i32
          %parallel_loop3A_588 = arith.index_cast %parallel_loop3A_587 : i32 to index
          %parallel_loop3A_589 = arith.index_cast %add3A_545 : i32 to index
          %parallel_loop3A_590 = arith.index_cast %parallel_loop3A_586 : i32 to index
          %parallel_loop3A_591 = tpu.vector_load %arg9[%parallel_loop3A_588, %parallel_loop3A_589, %parallel_loop3A_590] {strides = array<i32>} : memref<4x8x224xf32, #tpu.memory_space<vmem>>, vector<16xf32>,
          tpu.vector_store %arg9[%parallel_loop3A_588, %parallel_loop3A_589, %parallel_loop3A_590], %parallel_loop3A_582 {strides = array<i32>} : memref<4x8x224xf32, #tpu.memory_space<vmem>>, vector<16xf32>,
        } {sc.loop_unroll_factor = 7 : i64, sc.parallel_access}
      }
      %scan3A_105 = arith.constant 8 : i32
      %dma_start3A_106 = arith.constant 0 : i32
      %dma_start3A_107 = arith.constant 0 : i32
      %dma_start3A_108 = arith.constant 0 : i32
      %dma_start3A_109 = arith.constant 0 : i32
      %dma_start3A_110 = tpu.memref_slice %arg9[%dma_start3A_106, %dma_start3A_108, %dma_start3A_109] : memref<4x8x224xf32, #tpu.memory_space<vmem>> -> memref<1x8x224xf32, #tpu.memory_space<vmem>>
      %dma_start3A_111 = tpu.memref_squeeze %dma_start3A_110 : memref<1x8x224xf32, #tpu.memory_space<vmem>> -> memref<8x224xf32, #tpu.memory_space<vmem>>
      %dma_start3A_112 = arith.constant 0 : i32
      %dma_start3A_113 = arith.constant 0 : i32
      %dma_start3A_114 = tpu.memref_slice %arg4[%add3A_25, %dma_start3A_112, %dma_start3A_113] : memref<1536x224x224xf32, #tpu.memory_space<hbm>> -> memref<1x8x224xf32, #tpu.memory_space<hbm>>
      %dma_start3A_115 = tpu.memref_squeeze %dma_start3A_114 : memref<1x8x224xf32, #tpu.memory_space<hbm>> -> memref<8x224xf32, #tpu.memory_space<hbm>>
      %dma_start3A_116 = tpu.memref_slice %arg10[%dma_start3A_107] : memref<4x!tpu.dma_semaphore, #tpu.memory_space<semaphore_mem>> -> memref<1x!tpu.dma_semaphore, #tpu.memory_space<semaphore_mem>>
      %dma_start3A_117 = tpu.memref_squeeze %dma_start3A_116 : memref<1x!tpu.dma_semaphore, #tpu.memory_space<semaphore_mem>> -> memref<!tpu.dma_semaphore, #tpu.memory_space<semaphore_mem>>
      %dma_start3A_118 = arith.constant 0 : i32
      %dma_start3A_119 = arith.constant 0 : i32
      %dma_start3A_120 = tpu.memref_slice %arg4[%add3A_25, %dma_start3A_118, %dma_start3A_119] : memref<1536x224x224xf32, #tpu.memory_space<hbm>> -> memref<1x8x224xf32, #tpu.memory_space<hbm>>
      %dma_start3A_121 = tpu.memref_squeeze %dma_start3A_120 : memref<1x8x224xf32, #tpu.memory_space<hbm>> -> memref<8x224xf32, #tpu.memory_space<hbm>>
      %dma_start3A_122 = arith.constant 0 : i32
      %dma_start3A_123 = arith.constant 0 : i32
      %dma_start3A_124 = tpu.memref_slice %arg9[%dma_start3A_106, %dma_start3A_122, %dma_start3A_123] : memref<4x8x224xf32, #tpu.memory_space<vmem>> -> memref<1x8x224xf32, #tpu.memory_space<vmem>>
      %dma_start3A_125 = tpu.memref_squeeze %dma_start3A_124 : memref<1x8x224xf32, #tpu.memory_space<vmem>> -> memref<8x224xf32, #tpu.memory_space<vmem>>
      tpu.enqueue_dma source(%dma_start3A_125 : memref<8x224xf32, #tpu.memory_space<vmem>>) target(%dma_start3A_121 : memref<8x224xf32, #tpu.memory_space<hbm>>) target_semaphore(%dma_start3A_117 : memref<!tpu.dma_semaphore, #tpu.memory_space<semaphore_mem>>)
      %scan3A_126 = arith.constant 0 : i32
      %scan3A_127 = arith.constant 8 : i32
      %scan3A_128 = arith.addi %scan3A_126, %scan3A_127 : i32
      %scan3A_129 = arith.constant 1 : i32
      scf.for %scan3A_541 = %scan3A_126 to %scan3A_128 step %scan3A_129  : i32 {
        %mul3A_542 = arith.constant 1 : i32
        %mul3A_543 = arith.muli %scan3A_541, %mul3A_542 : i32
        %add3A_544 = arith.constant 0 : i32
        %add3A_545 = arith.addi %add3A_544, %mul3A_543 : i32
        %parallel_loop3A = arith.constant 0 : i32
        %parallel_loop3A_546 = arith.constant 112 : i32
        %parallel_loop3A_547 = arith.constant 16 : i32
        scf.for %parallel_loop3A_548 = %parallel_loop3A to %parallel_loop3A_546 step %parallel_loop3A_547  : i32 {
          %parallel_loop3A_549 = arith.constant 112 : i32
          %parallel_loop3A_550 = arith.muli %add3A_545, %parallel_loop3A_549 : i32
          %parallel_loop3A_551 = arith.constant 896 : i32
          %parallel_loop3A_552 = arith.addi %parallel_loop3A_551, %parallel_loop3A_550 : i32
          %parallel_loop3A_553 = arith.addi %parallel_loop3A_552, %parallel_loop3A_548 : i32
          %parallel_loop3A_554 = arith.index_cast %parallel_loop3A_553 : i32 to index
          %parallel_loop3A_555 = tpu.vector_load %arg5[%parallel_loop3A_554] {strides = array<i32>} : memref<3584xi32, #tpu.memory_space<vmem>>, vector<16xi32>,
          %parallel_loop3A_556 = arith.constant 65535 : i32
          %parallel_loop3A_557 = vector.broadcast %parallel_loop3A_556 : i32 to vector<16xi32>
          %parallel_loop3A_558 = arith.andi %parallel_loop3A_555, %parallel_loop3A_557 : vector<16xi32>
          %parallel_loop3A_559 = arith.constant 16 : i32
          %parallel_loop3A_560 = vector.broadcast %parallel_loop3A_559 : i32 to vector<16xi32>
          %parallel_loop3A_561 = arith.shrui %parallel_loop3A_555, %parallel_loop3A_560 : vector<16xi32>
          %parallel_loop3A_562 = arith.constant 8 : i32
          %parallel_loop3A_563 = vector.broadcast %parallel_loop3A_562 : i32 to vector<16xi32>
          %parallel_loop3A_564 = arith.shrui %parallel_loop3A_558, %parallel_loop3A_563 : vector<16xi32>
          %parallel_loop3A_565 = arith.constant 255 : i32
          %parallel_loop3A_566 = vector.broadcast %parallel_loop3A_565 : i32 to vector<16xi32>
          %parallel_loop3A_567 = arith.andi %parallel_loop3A_558, %parallel_loop3A_566 : vector<16xi32>
          %parallel_loop3A_568 = tpu.vector_load_idx %arg7[%parallel_loop3A_564, %parallel_loop3A_567] : memref<224x224xf32, #tpu.memory_space<vmem>>[vector<16xi32>, vector<16xi32>], vector<16xf32>,
          %parallel_loop3A_569 = arith.constant 2 : i32
          %parallel_loop3A_570 = arith.muli %parallel_loop3A_569, %parallel_loop3A_548 : i32
          %parallel_loop3A_571 = arith.constant 1 : i32
          %parallel_loop3A_572 = arith.index_cast %parallel_loop3A_571 : i32 to index
          %parallel_loop3A_573 = arith.index_cast %add3A_545 : i32 to index
          %parallel_loop3A_574 = arith.index_cast %parallel_loop3A_570 : i32 to index
          %parallel_loop3A_575 = tpu.vector_load %arg9[%parallel_loop3A_572, %parallel_loop3A_573, %parallel_loop3A_574] {strides = array<i32>} : memref<4x8x224xf32, #tpu.memory_space<vmem>>, vector<16xf32>,
          tpu.vector_store %arg9[%parallel_loop3A_572, %parallel_loop3A_573, %parallel_loop3A_574], %parallel_loop3A_568 {strides = array<i32>} : memref<4x8x224xf32, #tpu.memory_space<vmem>>, vector<16xf32>,
          %parallel_loop3A_576 = arith.constant 8 : i32
          %parallel_loop3A_577 = vector.broadcast %parallel_loop3A_576 : i32 to vector<16xi32>
          %parallel_loop3A_578 = arith.shrui %parallel_loop3A_561, %parallel_loop3A_577 : vector<16xi32>
          %parallel_loop3A_579 = arith.constant 255 : i32
          %parallel_loop3A_580 = vector.broadcast %parallel_loop3A_579 : i32 to vector<16xi32>
          %parallel_loop3A_581 = arith.andi %parallel_loop3A_561, %parallel_loop3A_580 : vector<16xi32>
          %parallel_loop3A_582 = tpu.vector_load_idx %arg7[%parallel_loop3A_578, %parallel_loop3A_581] : memref<224x224xf32, #tpu.memory_space<vmem>>[vector<16xi32>, vector<16xi32>], vector<16xf32>,
          %parallel_loop3A_583 = arith.constant 2 : i32
          %parallel_loop3A_584 = arith.muli %parallel_loop3A_583, %parallel_loop3A_548 : i32
          %parallel_loop3A_585 = arith.constant 16 : i32
          %parallel_loop3A_586 = arith.addi %parallel_loop3A_584, %parallel_loop3A_585 : i32
          %parallel_loop3A_587 = arith.constant 1 : i32
          %parallel_loop3A_588 = arith.index_cast %parallel_loop3A_587 : i32 to index
          %parallel_loop3A_589 = arith.index_cast %add3A_545 : i32 to index
          %parallel_loop3A_590 = arith.index_cast %parallel_loop3A_586 : i32 to index
          %parallel_loop3A_591 = tpu.vector_load %arg9[%parallel_loop3A_588, %parallel_loop3A_589, %parallel_loop3A_590] {strides = array<i32>} : memref<4x8x224xf32, #tpu.memory_space<vmem>>, vector<16xf32>,
          tpu.vector_store %arg9[%parallel_loop3A_588, %parallel_loop3A_589, %parallel_loop3A_590], %parallel_loop3A_582 {strides = array<i32>} : memref<4x8x224xf32, #tpu.memory_space<vmem>>, vector<16xf32>,
        } {sc.loop_unroll_factor = 7 : i64, sc.parallel_access}
      }
      %scan3A_130 = arith.constant 8 : i32
      %dma_start3A_131 = arith.constant 1 : i32
      %dma_start3A_132 = arith.constant 1 : i32
      %dma_start3A_133 = arith.constant 0 : i32
      %dma_start3A_134 = arith.constant 0 : i32
      %dma_start3A_135 = tpu.memref_slice %arg9[%dma_start3A_131, %dma_start3A_133, %dma_start3A_134] : memref<4x8x224xf32, #tpu.memory_space<vmem>> -> memref<1x8x224xf32, #tpu.memory_space<vmem>>
      %dma_start3A_136 = tpu.memref_squeeze %dma_start3A_135 : memref<1x8x224xf32, #tpu.memory_space<vmem>> -> memref<8x224xf32, #tpu.memory_space<vmem>>
      %dma_start3A_137 = arith.constant 8 : i32
      %dma_start3A_138 = arith.constant 0 : i32
      %dma_start3A_139 = tpu.memref_slice %arg4[%add3A_25, %dma_start3A_137, %dma_start3A_138] : memref<1536x224x224xf32, #tpu.memory_space<hbm>> -> memref<1x8x224xf32, #tpu.memory_space<hbm>>
      %dma_start3A_140 = tpu.memref_squeeze %dma_start3A_139 : memref<1x8x224xf32, #tpu.memory_space<hbm>> -> memref<8x224xf32, #tpu.memory_space<hbm>>
      %dma_start3A_141 = tpu.memref_slice %arg10[%dma_start3A_132] : memref<4x!tpu.dma_semaphore, #tpu.memory_space<semaphore_mem>> -> memref<1x!tpu.dma_semaphore, #tpu.memory_space<semaphore_mem>>
      %dma_start3A_142 = tpu.memref_squeeze %dma_start3A_141 : memref<1x!tpu.dma_semaphore, #tpu.memory_space<semaphore_mem>> -> memref<!tpu.dma_semaphore, #tpu.memory_space<semaphore_mem>>
      %dma_start3A_143 = arith.constant 8 : i32
      %dma_start3A_144 = arith.constant 0 : i32
      %dma_start3A_145 = tpu.memref_slice %arg4[%add3A_25, %dma_start3A_143, %dma_start3A_144] : memref<1536x224x224xf32, #tpu.memory_space<hbm>> -> memref<1x8x224xf32, #tpu.memory_space<hbm>>
      %dma_start3A_146 = tpu.memref_squeeze %dma_start3A_145 : memref<1x8x224xf32, #tpu.memory_space<hbm>> -> memref<8x224xf32, #tpu.memory_space<hbm>>
      %dma_start3A_147 = arith.constant 0 : i32
      %dma_start3A_148 = arith.constant 0 : i32
      %dma_start3A_149 = tpu.memref_slice %arg9[%dma_start3A_131, %dma_start3A_147, %dma_start3A_148] : memref<4x8x224xf32, #tpu.memory_space<vmem>> -> memref<1x8x224xf32, #tpu.memory_space<vmem>>
      %dma_start3A_150 = tpu.memref_squeeze %dma_start3A_149 : memref<1x8x224xf32, #tpu.memory_space<vmem>> -> memref<8x224xf32, #tpu.memory_space<vmem>>
      tpu.enqueue_dma source(%dma_start3A_150 : memref<8x224xf32, #tpu.memory_space<vmem>>) target(%dma_start3A_146 : memref<8x224xf32, #tpu.memory_space<hbm>>) target_semaphore(%dma_start3A_142 : memref<!tpu.dma_semaphore, #tpu.memory_space<semaphore_mem>>)
      %scan3A_151 = arith.constant 0 : i32
      %scan3A_152 = arith.constant 8 : i32
      %scan3A_153 = arith.addi %scan3A_151, %scan3A_152 : i32
      %scan3A_154 = arith.constant 1 : i32
      scf.for %scan3A_541 = %scan3A_151 to %scan3A_153 step %scan3A_154  : i32 {
        %mul3A_542 = arith.constant 1 : i32
        %mul3A_543 = arith.muli %scan3A_541, %mul3A_542 : i32
        %add3A_544 = arith.constant 0 : i32
        %add3A_545 = arith.addi %add3A_544, %mul3A_543 : i32
        %parallel_loop3A = arith.constant 0 : i32
        %parallel_loop3A_546 = arith.constant 112 : i32
        %parallel_loop3A_547 = arith.constant 16 : i32
        scf.for %parallel_loop3A_548 = %parallel_loop3A to %parallel_loop3A_546 step %parallel_loop3A_547  : i32 {
          %parallel_loop3A_549 = arith.constant 112 : i32
          %parallel_loop3A_550 = arith.muli %add3A_545, %parallel_loop3A_549 : i32
          %parallel_loop3A_551 = arith.constant 1792 : i32
          %parallel_loop3A_552 = arith.addi %parallel_loop3A_551, %parallel_loop3A_550 : i32
          %parallel_loop3A_553 = arith.addi %parallel_loop3A_552, %parallel_loop3A_548 : i32
          %parallel_loop3A_554 = arith.index_cast %parallel_loop3A_553 : i32 to index
          %parallel_loop3A_555 = tpu.vector_load %arg5[%parallel_loop3A_554] {strides = array<i32>} : memref<3584xi32, #tpu.memory_space<vmem>>, vector<16xi32>,
          %parallel_loop3A_556 = arith.constant 65535 : i32
          %parallel_loop3A_557 = vector.broadcast %parallel_loop3A_556 : i32 to vector<16xi32>
          %parallel_loop3A_558 = arith.andi %parallel_loop3A_555, %parallel_loop3A_557 : vector<16xi32>
          %parallel_loop3A_559 = arith.constant 16 : i32
          %parallel_loop3A_560 = vector.broadcast %parallel_loop3A_559 : i32 to vector<16xi32>
          %parallel_loop3A_561 = arith.shrui %parallel_loop3A_555, %parallel_loop3A_560 : vector<16xi32>
          %parallel_loop3A_562 = arith.constant 8 : i32
          %parallel_loop3A_563 = vector.broadcast %parallel_loop3A_562 : i32 to vector<16xi32>
          %parallel_loop3A_564 = arith.shrui %parallel_loop3A_558, %parallel_loop3A_563 : vector<16xi32>
          %parallel_loop3A_565 = arith.constant 255 : i32
          %parallel_loop3A_566 = vector.broadcast %parallel_loop3A_565 : i32 to vector<16xi32>
          %parallel_loop3A_567 = arith.andi %parallel_loop3A_558, %parallel_loop3A_566 : vector<16xi32>
          %parallel_loop3A_568 = tpu.vector_load_idx %arg7[%parallel_loop3A_564, %parallel_loop3A_567] : memref<224x224xf32, #tpu.memory_space<vmem>>[vector<16xi32>, vector<16xi32>], vector<16xf32>,
          %parallel_loop3A_569 = arith.constant 2 : i32
          %parallel_loop3A_570 = arith.muli %parallel_loop3A_569, %parallel_loop3A_548 : i32
          %parallel_loop3A_571 = arith.constant 2 : i32
          %parallel_loop3A_572 = arith.index_cast %parallel_loop3A_571 : i32 to index
          %parallel_loop3A_573 = arith.index_cast %add3A_545 : i32 to index
          %parallel_loop3A_574 = arith.index_cast %parallel_loop3A_570 : i32 to index
          %parallel_loop3A_575 = tpu.vector_load %arg9[%parallel_loop3A_572, %parallel_loop3A_573, %parallel_loop3A_574] {strides = array<i32>} : memref<4x8x224xf32, #tpu.memory_space<vmem>>, vector<16xf32>,
          tpu.vector_store %arg9[%parallel_loop3A_572, %parallel_loop3A_573, %parallel_loop3A_574], %parallel_loop3A_568 {strides = array<i32>} : memref<4x8x224xf32, #tpu.memory_space<vmem>>, vector<16xf32>,
          %parallel_loop3A_576 = arith.constant 8 : i32
          %parallel_loop3A_577 = vector.broadcast %parallel_loop3A_576 : i32 to vector<16xi32>
          %parallel_loop3A_578 = arith.shrui %parallel_loop3A_561, %parallel_loop3A_577 : vector<16xi32>
          %parallel_loop3A_579 = arith.constant 255 : i32
          %parallel_loop3A_580 = vector.broadcast %parallel_loop3A_579 : i32 to vector<16xi32>
          %parallel_loop3A_581 = arith.andi %parallel_loop3A_561, %parallel_loop3A_580 : vector<16xi32>
          %parallel_loop3A_582 = tpu.vector_load_idx %arg7[%parallel_loop3A_578, %parallel_loop3A_581] : memref<224x224xf32, #tpu.memory_space<vmem>>[vector<16xi32>, vector<16xi32>], vector<16xf32>,
          %parallel_loop3A_583 = arith.constant 2 : i32
          %parallel_loop3A_584 = arith.muli %parallel_loop3A_583, %parallel_loop3A_548 : i32
          %parallel_loop3A_585 = arith.constant 16 : i32
          %parallel_loop3A_586 = arith.addi %parallel_loop3A_584, %parallel_loop3A_585 : i32
          %parallel_loop3A_587 = arith.constant 2 : i32
          %parallel_loop3A_588 = arith.index_cast %parallel_loop3A_587 : i32 to index
          %parallel_loop3A_589 = arith.index_cast %add3A_545 : i32 to index
          %parallel_loop3A_590 = arith.index_cast %parallel_loop3A_586 : i32 to index
          %parallel_loop3A_591 = tpu.vector_load %arg9[%parallel_loop3A_588, %parallel_loop3A_589, %parallel_loop3A_590] {strides = array<i32>} : memref<4x8x224xf32, #tpu.memory_space<vmem>>, vector<16xf32>,
          tpu.vector_store %arg9[%parallel_loop3A_588, %parallel_loop3A_589, %parallel_loop3A_590], %parallel_loop3A_582 {strides = array<i32>} : memref<4x8x224xf32, #tpu.memory_space<vmem>>, vector<16xf32>,
        } {sc.loop_unroll_factor = 7 : i64, sc.parallel_access}
      }
      %scan3A_155 = arith.constant 8 : i32
      %dma_start3A_156 = arith.constant 2 : i32
      %dma_start3A_157 = arith.constant 2 : i32
      %dma_start3A_158 = arith.constant 0 : i32
      %dma_start3A_159 = arith.constant 0 : i32
      %dma_start3A_160 = tpu.memref_slice %arg9[%dma_start3A_156, %dma_start3A_158, %dma_start3A_159] : memref<4x8x224xf32, #tpu.memory_space<vmem>> -> memref<1x8x224xf32, #tpu.memory_space<vmem>>
      %dma_start3A_161 = tpu.memref_squeeze %dma_start3A_160 : memref<1x8x224xf32, #tpu.memory_space<vmem>> -> memref<8x224xf32, #tpu.memory_space<vmem>>
      %dma_start3A_162 = arith.constant 16 : i32
      %dma_start3A_163 = arith.constant 0 : i32
      %dma_start3A_164 = tpu.memref_slice %arg4[%add3A_25, %dma_start3A_162, %dma_start3A_163] : memref<1536x224x224xf32, #tpu.memory_space<hbm>> -> memref<1x8x224xf32, #tpu.memory_space<hbm>>
      %dma_start3A_165 = tpu.memref_squeeze %dma_start3A_164 : memref<1x8x224xf32, #tpu.memory_space<hbm>> -> memref<8x224xf32, #tpu.memory_space<hbm>>
      %dma_start3A_166 = tpu.memref_slice %arg10[%dma_start3A_157] : memref<4x!tpu.dma_semaphore, #tpu.memory_space<semaphore_mem>> -> memref<1x!tpu.dma_semaphore, #tpu.memory_space<semaphore_mem>>
      %dma_start3A_167 = tpu.memref_squeeze %dma_start3A_166 : memref<1x!tpu.dma_semaphore, #tpu.memory_space<semaphore_mem>> -> memref<!tpu.dma_semaphore, #tpu.memory_space<semaphore_mem>>
      %dma_start3A_168 = arith.constant 16 : i32
      %dma_start3A_169 = arith.constant 0 : i32
      %dma_start3A_170 = tpu.memref_slice %arg4[%add3A_25, %dma_start3A_168, %dma_start3A_169] : memref<1536x224x224xf32, #tpu.memory_space<hbm>> -> memref<1x8x224xf32, #tpu.memory_space<hbm>>
      %dma_start3A_171 = tpu.memref_squeeze %dma_start3A_170 : memref<1x8x224xf32, #tpu.memory_space<hbm>> -> memref<8x224xf32, #tpu.memory_space<hbm>>
      %dma_start3A_172 = arith.constant 0 : i32
      %dma_start3A_173 = arith.constant 0 : i32
      %dma_start3A_174 = tpu.memref_slice %arg9[%dma_start3A_156, %dma_start3A_172, %dma_start3A_173] : memref<4x8x224xf32, #tpu.memory_space<vmem>> -> memref<1x8x224xf32, #tpu.memory_space<vmem>>
      %dma_start3A_175 = tpu.memref_squeeze %dma_start3A_174 : memref<1x8x224xf32, #tpu.memory_space<vmem>> -> memref<8x224xf32, #tpu.memory_space<vmem>>
      tpu.enqueue_dma source(%dma_start3A_175 : memref<8x224xf32, #tpu.memory_space<vmem>>) target(%dma_start3A_171 : memref<8x224xf32, #tpu.memory_space<hbm>>) target_semaphore(%dma_start3A_167 : memref<!tpu.dma_semaphore, #tpu.memory_space<semaphore_mem>>)
      %scan3A_176 = arith.constant 0 : i32
      %scan3A_177 = arith.constant 8 : i32
      %scan3A_178 = arith.addi %scan3A_176, %scan3A_177 : i32
      %scan3A_179 = arith.constant 1 : i32
      scf.for %scan3A_541 = %scan3A_176 to %scan3A_178 step %scan3A_179  : i32 {
        %mul3A_542 = arith.constant 1 : i32
        %mul3A_543 = arith.muli %scan3A_541, %mul3A_542 : i32
        %add3A_544 = arith.constant 0 : i32
        %add3A_545 = arith.addi %add3A_544, %mul3A_543 : i32
        %parallel_loop3A = arith.constant 0 : i32
        %parallel_loop3A_546 = arith.constant 112 : i32
        %parallel_loop3A_547 = arith.constant 16 : i32
        scf.for %parallel_loop3A_548 = %parallel_loop3A to %parallel_loop3A_546 step %parallel_loop3A_547  : i32 {
          %parallel_loop3A_549 = arith.constant 112 : i32
          %parallel_loop3A_550 = arith.muli %add3A_545, %parallel_loop3A_549 : i32
          %parallel_loop3A_551 = arith.constant 2688 : i32
          %parallel_loop3A_552 = arith.addi %parallel_loop3A_551, %parallel_loop3A_550 : i32
          %parallel_loop3A_553 = arith.addi %parallel_loop3A_552, %parallel_loop3A_548 : i32
          %parallel_loop3A_554 = arith.index_cast %parallel_loop3A_553 : i32 to index
          %parallel_loop3A_555 = tpu.vector_load %arg5[%parallel_loop3A_554] {strides = array<i32>} : memref<3584xi32, #tpu.memory_space<vmem>>, vector<16xi32>,
          %parallel_loop3A_556 = arith.constant 65535 : i32
          %parallel_loop3A_557 = vector.broadcast %parallel_loop3A_556 : i32 to vector<16xi32>
          %parallel_loop3A_558 = arith.andi %parallel_loop3A_555, %parallel_loop3A_557 : vector<16xi32>
          %parallel_loop3A_559 = arith.constant 16 : i32
          %parallel_loop3A_560 = vector.broadcast %parallel_loop3A_559 : i32 to vector<16xi32>
          %parallel_loop3A_561 = arith.shrui %parallel_loop3A_555, %parallel_loop3A_560 : vector<16xi32>
          %parallel_loop3A_562 = arith.constant 8 : i32
          %parallel_loop3A_563 = vector.broadcast %parallel_loop3A_562 : i32 to vector<16xi32>
          %parallel_loop3A_564 = arith.shrui %parallel_loop3A_558, %parallel_loop3A_563 : vector<16xi32>
          %parallel_loop3A_565 = arith.constant 255 : i32
          %parallel_loop3A_566 = vector.broadcast %parallel_loop3A_565 : i32 to vector<16xi32>
          %parallel_loop3A_567 = arith.andi %parallel_loop3A_558, %parallel_loop3A_566 : vector<16xi32>
          %parallel_loop3A_568 = tpu.vector_load_idx %arg7[%parallel_loop3A_564, %parallel_loop3A_567] : memref<224x224xf32, #tpu.memory_space<vmem>>[vector<16xi32>, vector<16xi32>], vector<16xf32>,
          %parallel_loop3A_569 = arith.constant 2 : i32
          %parallel_loop3A_570 = arith.muli %parallel_loop3A_569, %parallel_loop3A_548 : i32
          %parallel_loop3A_571 = arith.constant 3 : i32
          %parallel_loop3A_572 = arith.index_cast %parallel_loop3A_571 : i32 to index
          %parallel_loop3A_573 = arith.index_cast %add3A_545 : i32 to index
          %parallel_loop3A_574 = arith.index_cast %parallel_loop3A_570 : i32 to index
          %parallel_loop3A_575 = tpu.vector_load %arg9[%parallel_loop3A_572, %parallel_loop3A_573, %parallel_loop3A_574] {strides = array<i32>} : memref<4x8x224xf32, #tpu.memory_space<vmem>>, vector<16xf32>,
          tpu.vector_store %arg9[%parallel_loop3A_572, %parallel_loop3A_573, %parallel_loop3A_574], %parallel_loop3A_568 {strides = array<i32>} : memref<4x8x224xf32, #tpu.memory_space<vmem>>, vector<16xf32>,
          %parallel_loop3A_576 = arith.constant 8 : i32
          %parallel_loop3A_577 = vector.broadcast %parallel_loop3A_576 : i32 to vector<16xi32>
          %parallel_loop3A_578 = arith.shrui %parallel_loop3A_561, %parallel_loop3A_577 : vector<16xi32>
          %parallel_loop3A_579 = arith.constant 255 : i32
          %parallel_loop3A_580 = vector.broadcast %parallel_loop3A_579 : i32 to vector<16xi32>
          %parallel_loop3A_581 = arith.andi %parallel_loop3A_561, %parallel_loop3A_580 : vector<16xi32>
          %parallel_loop3A_582 = tpu.vector_load_idx %arg7[%parallel_loop3A_578, %parallel_loop3A_581] : memref<224x224xf32, #tpu.memory_space<vmem>>[vector<16xi32>, vector<16xi32>], vector<16xf32>,
          %parallel_loop3A_583 = arith.constant 2 : i32
          %parallel_loop3A_584 = arith.muli %parallel_loop3A_583, %parallel_loop3A_548 : i32
          %parallel_loop3A_585 = arith.constant 16 : i32
          %parallel_loop3A_586 = arith.addi %parallel_loop3A_584, %parallel_loop3A_585 : i32
          %parallel_loop3A_587 = arith.constant 3 : i32
          %parallel_loop3A_588 = arith.index_cast %parallel_loop3A_587 : i32 to index
          %parallel_loop3A_589 = arith.index_cast %add3A_545 : i32 to index
          %parallel_loop3A_590 = arith.index_cast %parallel_loop3A_586 : i32 to index
          %parallel_loop3A_591 = tpu.vector_load %arg9[%parallel_loop3A_588, %parallel_loop3A_589, %parallel_loop3A_590] {strides = array<i32>} : memref<4x8x224xf32, #tpu.memory_space<vmem>>, vector<16xf32>,
          tpu.vector_store %arg9[%parallel_loop3A_588, %parallel_loop3A_589, %parallel_loop3A_590], %parallel_loop3A_582 {strides = array<i32>} : memref<4x8x224xf32, #tpu.memory_space<vmem>>, vector<16xf32>,
        } {sc.loop_unroll_factor = 7 : i64, sc.parallel_access}
      }
      %scan3A_180 = arith.constant 8 : i32
      %dma_start3A_181 = arith.constant 3 : i32
      %dma_start3A_182 = arith.constant 3 : i32
      %dma_start3A_183 = arith.constant 0 : i32
      %dma_start3A_184 = arith.constant 0 : i32
      %dma_start3A_185 = tpu.memref_slice %arg9[%dma_start3A_181, %dma_start3A_183, %dma_start3A_184] : memref<4x8x224xf32, #tpu.memory_space<vmem>> -> memref<1x8x224xf32, #tpu.memory_space<vmem>>
      %dma_start3A_186 = tpu.memref_squeeze %dma_start3A_185 : memref<1x8x224xf32, #tpu.memory_space<vmem>> -> memref<8x224xf32, #tpu.memory_space<vmem>>
      %dma_start3A_187 = arith.constant 24 : i32
      %dma_start3A_188 = arith.constant 0 : i32
      %dma_start3A_189 = tpu.memref_slice %arg4[%add3A_25, %dma_start3A_187, %dma_start3A_188] : memref<1536x224x224xf32, #tpu.memory_space<hbm>> -> memref<1x8x224xf32, #tpu.memory_space<hbm>>
      %dma_start3A_190 = tpu.memref_squeeze %dma_start3A_189 : memref<1x8x224xf32, #tpu.memory_space<hbm>> -> memref<8x224xf32, #tpu.memory_space<hbm>>
      %dma_start3A_191 = tpu.memref_slice %arg10[%dma_start3A_182] : memref<4x!tpu.dma_semaphore, #tpu.memory_space<semaphore_mem>> -> memref<1x!tpu.dma_semaphore, #tpu.memory_space<semaphore_mem>>
      %dma_start3A_192 = tpu.memref_squeeze %dma_start3A_191 : memref<1x!tpu.dma_semaphore, #tpu.memory_space<semaphore_mem>> -> memref<!tpu.dma_semaphore, #tpu.memory_space<semaphore_mem>>
      %dma_start3A_193 = arith.constant 24 : i32
      %dma_start3A_194 = arith.constant 0 : i32
      %dma_start3A_195 = tpu.memref_slice %arg4[%add3A_25, %dma_start3A_193, %dma_start3A_194] : memref<1536x224x224xf32, #tpu.memory_space<hbm>> -> memref<1x8x224xf32, #tpu.memory_space<hbm>>
      %dma_start3A_196 = tpu.memref_squeeze %dma_start3A_195 : memref<1x8x224xf32, #tpu.memory_space<hbm>> -> memref<8x224xf32, #tpu.memory_space<hbm>>
      %dma_start3A_197 = arith.constant 0 : i32
      %dma_start3A_198 = arith.constant 0 : i32
      %dma_start3A_199 = tpu.memref_slice %arg9[%dma_start3A_181, %dma_start3A_197, %dma_start3A_198] : memref<4x8x224xf32, #tpu.memory_space<vmem>> -> memref<1x8x224xf32, #tpu.memory_space<vmem>>
      %dma_start3A_200 = tpu.memref_squeeze %dma_start3A_199 : memref<1x8x224xf32, #tpu.memory_space<vmem>> -> memref<8x224xf32, #tpu.memory_space<vmem>>
      tpu.enqueue_dma source(%dma_start3A_200 : memref<8x224xf32, #tpu.memory_space<vmem>>) target(%dma_start3A_196 : memref<8x224xf32, #tpu.memory_space<hbm>>) target_semaphore(%dma_start3A_192 : memref<!tpu.dma_semaphore, #tpu.memory_space<semaphore_mem>>)
      %scan3A_201 = arith.constant 0 : i32
      %scan3A_202 = arith.constant 6 : i32
      %scan3A_203 = arith.addi %scan3A_201, %scan3A_202 : i32
      %scan3A_204 = arith.constant 1 : i32
      scf.for %scan3A_541 = %scan3A_201 to %scan3A_203 step %scan3A_204  : i32 {
        %mul3A_542 = arith.constant 1 : i32
        %mul3A_543 = arith.muli %scan3A_541, %mul3A_542 : i32
        %add3A_544 = arith.constant 0 : i32
        %add3A_545 = arith.addi %add3A_544, %mul3A_543 : i32
        %mul3A_546 = arith.constant 4 : i32
        %mul3A_547 = arith.muli %add3A_545, %mul3A_546 : i32
        %add3A_548 = arith.constant 4 : i32
        %add3A_549 = arith.addi %add3A_548, %mul3A_547 : i32
        %add3A_550 = arith.constant 0 : i32
        %add3A_551 = arith.addi %add3A_549, %add3A_550 : i32
        %mul3A_552 = arith.constant 896 : i32
        %mul3A_553 = arith.muli %add3A_551, %mul3A_552 : i32
        %dma_wait3A_554 = arith.constant 0 : i32
        %dma_wait3A_555 = arith.constant 0 : i32
        %dma_wait3A_556 = tpu.memref_slice %arg6[%dma_wait3A_555] : memref<3584xi32, #tpu.memory_space<vmem>> -> memref<896xi32, #tpu.memory_space<vmem>>
        %dma_wait3A_557 = tpu.memref_slice %arg3[%mul3A_553] : memref<25088xi32, #tpu.memory_space<hbm>> -> memref<896xi32, #tpu.memory_space<hbm>>
        %dma_wait3A_558 = tpu.memref_slice %arg12[%dma_wait3A_554] : memref<4x!tpu.dma_semaphore, #tpu.memory_space<semaphore_mem>> -> memref<1x!tpu.dma_semaphore, #tpu.memory_space<semaphore_mem>>
        %dma_wait3A_559 = tpu.memref_squeeze %dma_wait3A_558 : memref<1x!tpu.dma_semaphore, #tpu.memory_space<semaphore_mem>> -> memref<!tpu.dma_semaphore, #tpu.memory_space<semaphore_mem>>
        %dma_wait3A_560 = arith.constant 0 : i32
        %dma_wait3A_561 = tpu.memref_slice %arg6[%dma_wait3A_560] : memref<3584xi32, #tpu.memory_space<vmem>> -> memref<896xi32, #tpu.memory_space<vmem>>
        %dma_wait3A_562 = tpu.memref_slice %arg3[%mul3A_553] : memref<25088xi32, #tpu.memory_space<hbm>> -> memref<896xi32, #tpu.memory_space<hbm>>
        tpu.wait_dma2 semaphore(%dma_wait3A_559 : memref<!tpu.dma_semaphore, #tpu.memory_space<semaphore_mem>>) src(%dma_wait3A_562 : memref<896xi32, #tpu.memory_space<hbm>>) dst(%dma_wait3A_561 : memref<896xi32, #tpu.memory_space<vmem>>)
        %sub3A = arith.constant 4 : i32
        %sub3A_563 = arith.subi %add3A_551, %sub3A : i32
        %mul3A_564 = arith.constant 8 : i32
        %mul3A_565 = arith.muli %sub3A_563, %mul3A_564 : i32
        %dma_wait3A_566 = arith.constant 0 : i32
        %dma_wait3A_567 = arith.constant 0 : i32
        %dma_wait3A_568 = arith.constant 0 : i32
        %dma_wait3A_569 = arith.constant 0 : i32
        %dma_wait3A_570 = tpu.memref_slice %arg9[%dma_wait3A_566, %dma_wait3A_568, %dma_wait3A_569] : memref<4x8x224xf32, #tpu.memory_space<vmem>> -> memref<1x8x224xf32, #tpu.memory_space<vmem>>
        %dma_wait3A_571 = tpu.memref_squeeze %dma_wait3A_570 : memref<1x8x224xf32, #tpu.memory_space<vmem>> -> memref<8x224xf32, #tpu.memory_space<vmem>>
        %dma_wait3A_572 = arith.constant 0 : i32
        %dma_wait3A_573 = tpu.memref_slice %arg4[%add3A_25, %mul3A_565, %dma_wait3A_572] : memref<1536x224x224xf32, #tpu.memory_space<hbm>> -> memref<1x8x224xf32, #tpu.memory_space<hbm>>
        %dma_wait3A_574 = tpu.memref_squeeze %dma_wait3A_573 : memref<1x8x224xf32, #tpu.memory_space<hbm>> -> memref<8x224xf32, #tpu.memory_space<hbm>>
        %dma_wait3A_575 = tpu.memref_slice %arg10[%dma_wait3A_567] : memref<4x!tpu.dma_semaphore, #tpu.memory_space<semaphore_mem>> -> memref<1x!tpu.dma_semaphore, #tpu.memory_space<semaphore_mem>>
        %dma_wait3A_576 = tpu.memref_squeeze %dma_wait3A_575 : memref<1x!tpu.dma_semaphore, #tpu.memory_space<semaphore_mem>> -> memref<!tpu.dma_semaphore, #tpu.memory_space<semaphore_mem>>
        %dma_wait3A_577 = arith.constant 0 : i32
        %dma_wait3A_578 = tpu.memref_slice %arg4[%add3A_25, %mul3A_565, %dma_wait3A_577] : memref<1536x224x224xf32, #tpu.memory_space<hbm>> -> memref<1x8x224xf32, #tpu.memory_space<hbm>>
        %dma_wait3A_579 = tpu.memref_squeeze %dma_wait3A_578 : memref<1x8x224xf32, #tpu.memory_space<hbm>> -> memref<8x224xf32, #tpu.memory_space<hbm>>
        %dma_wait3A_580 = arith.constant 0 : i32
        %dma_wait3A_581 = arith.constant 0 : i32
        %dma_wait3A_582 = tpu.memref_slice %arg9[%dma_wait3A_566, %dma_wait3A_580, %dma_wait3A_581] : memref<4x8x224xf32, #tpu.memory_space<vmem>> -> memref<1x8x224xf32, #tpu.memory_space<vmem>>
        %dma_wait3A_583 = tpu.memref_squeeze %dma_wait3A_582 : memref<1x8x224xf32, #tpu.memory_space<vmem>> -> memref<8x224xf32, #tpu.memory_space<vmem>>
        tpu.wait_dma2 semaphore(%dma_wait3A_576 : memref<!tpu.dma_semaphore, #tpu.memory_space<semaphore_mem>>) src(%dma_wait3A_583 : memref<8x224xf32, #tpu.memory_space<vmem>>) dst(%dma_wait3A_579 : memref<8x224xf32, #tpu.memory_space<hbm>>)
        %scan3A_584 = arith.constant 0 : i32
        %scan3A_585 = arith.constant 8 : i32
        %scan3A_586 = arith.addi %scan3A_584, %scan3A_585 : i32
        %scan3A_587 = arith.constant 1 : i32
        scf.for %scan3A_826 = %scan3A_584 to %scan3A_586 step %scan3A_587  : i32 {
          %mul3A_827 = arith.constant 1 : i32
          %mul3A_828 = arith.muli %scan3A_826, %mul3A_827 : i32
          %add3A_829 = arith.constant 0 : i32
          %add3A_830 = arith.addi %add3A_829, %mul3A_828 : i32
          %parallel_loop3A = arith.constant 0 : i32
          %parallel_loop3A_831 = arith.constant 112 : i32
          %parallel_loop3A_832 = arith.constant 16 : i32
          scf.for %parallel_loop3A_833 = %parallel_loop3A to %parallel_loop3A_831 step %parallel_loop3A_832  : i32 {
            %parallel_loop3A_834 = arith.constant 112 : i32
            %parallel_loop3A_835 = arith.muli %add3A_830, %parallel_loop3A_834 : i32
            %parallel_loop3A_836 = arith.constant 0 : i32
            %parallel_loop3A_837 = arith.addi %parallel_loop3A_836, %parallel_loop3A_835 : i32
            %parallel_loop3A_838 = arith.addi %parallel_loop3A_837, %parallel_loop3A_833 : i32
            %parallel_loop3A_839 = arith.index_cast %parallel_loop3A_838 : i32 to index
            %parallel_loop3A_840 = tpu.vector_load %arg6[%parallel_loop3A_839] {strides = array<i32>} : memref<3584xi32, #tpu.memory_space<vmem>>, vector<16xi32>,
            %parallel_loop3A_841 = arith.constant 65535 : i32
            %parallel_loop3A_842 = vector.broadcast %parallel_loop3A_841 : i32 to vector<16xi32>
            %parallel_loop3A_843 = arith.andi %parallel_loop3A_840, %parallel_loop3A_842 : vector<16xi32>
            %parallel_loop3A_844 = arith.constant 16 : i32
            %parallel_loop3A_845 = vector.broadcast %parallel_loop3A_844 : i32 to vector<16xi32>
            %parallel_loop3A_846 = arith.shrui %parallel_loop3A_840, %parallel_loop3A_845 : vector<16xi32>
            %parallel_loop3A_847 = arith.constant 8 : i32
            %parallel_loop3A_848 = vector.broadcast %parallel_loop3A_847 : i32 to vector<16xi32>
            %parallel_loop3A_849 = arith.shrui %parallel_loop3A_843, %parallel_loop3A_848 : vector<16xi32>
            %parallel_loop3A_850 = arith.constant 255 : i32
            %parallel_loop3A_851 = vector.broadcast %parallel_loop3A_850 : i32 to vector<16xi32>
            %parallel_loop3A_852 = arith.andi %parallel_loop3A_843, %parallel_loop3A_851 : vector<16xi32>
            %parallel_loop3A_853 = tpu.vector_load_idx %arg7[%parallel_loop3A_849, %parallel_loop3A_852] : memref<224x224xf32, #tpu.memory_space<vmem>>[vector<16xi32>, vector<16xi32>], vector<16xf32>,
            %parallel_loop3A_854 = arith.constant 2 : i32
            %parallel_loop3A_855 = arith.muli %parallel_loop3A_854, %parallel_loop3A_833 : i32
            %parallel_loop3A_856 = arith.constant 0 : i32
            %parallel_loop3A_857 = arith.index_cast %parallel_loop3A_856 : i32 to index
            %parallel_loop3A_858 = arith.index_cast %add3A_830 : i32 to index
            %parallel_loop3A_859 = arith.index_cast %parallel_loop3A_855 : i32 to index
            %parallel_loop3A_860 = tpu.vector_load %arg9[%parallel_loop3A_857, %parallel_loop3A_858, %parallel_loop3A_859] {strides = array<i32>} : memref<4x8x224xf32, #tpu.memory_space<vmem>>, vector<16xf32>,
            tpu.vector_store %arg9[%parallel_loop3A_857, %parallel_loop3A_858, %parallel_loop3A_859], %parallel_loop3A_853 {strides = array<i32>} : memref<4x8x224xf32, #tpu.memory_space<vmem>>, vector<16xf32>,
            %parallel_loop3A_861 = arith.constant 8 : i32
            %parallel_loop3A_862 = vector.broadcast %parallel_loop3A_861 : i32 to vector<16xi32>
            %parallel_loop3A_863 = arith.shrui %parallel_loop3A_846, %parallel_loop3A_862 : vector<16xi32>
            %parallel_loop3A_864 = arith.constant 255 : i32
            %parallel_loop3A_865 = vector.broadcast %parallel_loop3A_864 : i32 to vector<16xi32>
            %parallel_loop3A_866 = arith.andi %parallel_loop3A_846, %parallel_loop3A_865 : vector<16xi32>
            %parallel_loop3A_867 = tpu.vector_load_idx %arg7[%parallel_loop3A_863, %parallel_loop3A_866] : memref<224x224xf32, #tpu.memory_space<vmem>>[vector<16xi32>, vector<16xi32>], vector<16xf32>,
            %parallel_loop3A_868 = arith.constant 2 : i32
            %parallel_loop3A_869 = arith.muli %parallel_loop3A_868, %parallel_loop3A_833 : i32
            %parallel_loop3A_870 = arith.constant 16 : i32
            %parallel_loop3A_871 = arith.addi %parallel_loop3A_869, %parallel_loop3A_870 : i32
            %parallel_loop3A_872 = arith.constant 0 : i32
            %parallel_loop3A_873 = arith.index_cast %parallel_loop3A_872 : i32 to index
            %parallel_loop3A_874 = arith.index_cast %add3A_830 : i32 to index
            %parallel_loop3A_875 = arith.index_cast %parallel_loop3A_871 : i32 to index
            %parallel_loop3A_876 = tpu.vector_load %arg9[%parallel_loop3A_873, %parallel_loop3A_874, %parallel_loop3A_875] {strides = array<i32>} : memref<4x8x224xf32, #tpu.memory_space<vmem>>, vector<16xf32>,
            tpu.vector_store %arg9[%parallel_loop3A_873, %parallel_loop3A_874, %parallel_loop3A_875], %parallel_loop3A_867 {strides = array<i32>} : memref<4x8x224xf32, #tpu.memory_space<vmem>>, vector<16xf32>,
          } {sc.loop_unroll_factor = 7 : i64, sc.parallel_access}
        }
        %scan3A_588 = arith.constant 8 : i32
        %mul3A_589 = arith.constant 8 : i32
        %mul3A_590 = arith.muli %add3A_551, %mul3A_589 : i32
        %dma_start3A_591 = arith.constant 0 : i32
        %dma_start3A_592 = arith.constant 0 : i32
        %dma_start3A_593 = arith.constant 0 : i32
        %dma_start3A_594 = arith.constant 0 : i32
        %dma_start3A_595 = tpu.memref_slice %arg9[%dma_start3A_591, %dma_start3A_593, %dma_start3A_594] : memref<4x8x224xf32, #tpu.memory_space<vmem>> -> memref<1x8x224xf32, #tpu.memory_space<vmem>>
        %dma_start3A_596 = tpu.memref_squeeze %dma_start3A_595 : memref<1x8x224xf32, #tpu.memory_space<vmem>> -> memref<8x224xf32, #tpu.memory_space<vmem>>
        %dma_start3A_597 = arith.constant 0 : i32
        %dma_start3A_598 = tpu.memref_slice %arg4[%add3A_25, %mul3A_590, %dma_start3A_597] : memref<1536x224x224xf32, #tpu.memory_space<hbm>> -> memref<1x8x224xf32, #tpu.memory_space<hbm>>
        %dma_start3A_599 = tpu.memref_squeeze %dma_start3A_598 : memref<1x8x224xf32, #tpu.memory_space<hbm>> -> memref<8x224xf32, #tpu.memory_space<hbm>>
        %dma_start3A_600 = tpu.memref_slice %arg10[%dma_start3A_592] : memref<4x!tpu.dma_semaphore, #tpu.memory_space<semaphore_mem>> -> memref<1x!tpu.dma_semaphore, #tpu.memory_space<semaphore_mem>>
        %dma_start3A_601 = tpu.memref_squeeze %dma_start3A_600 : memref<1x!tpu.dma_semaphore, #tpu.memory_space<semaphore_mem>> -> memref<!tpu.dma_semaphore, #tpu.memory_space<semaphore_mem>>
        %dma_start3A_602 = arith.constant 0 : i32
        %dma_start3A_603 = tpu.memref_slice %arg4[%add3A_25, %mul3A_590, %dma_start3A_602] : memref<1536x224x224xf32, #tpu.memory_space<hbm>> -> memref<1x8x224xf32, #tpu.memory_space<hbm>>
        %dma_start3A_604 = tpu.memref_squeeze %dma_start3A_603 : memref<1x8x224xf32, #tpu.memory_space<hbm>> -> memref<8x224xf32, #tpu.memory_space<hbm>>
        %dma_start3A_605 = arith.constant 0 : i32
        %dma_start3A_606 = arith.constant 0 : i32
        %dma_start3A_607 = tpu.memref_slice %arg9[%dma_start3A_591, %dma_start3A_605, %dma_start3A_606] : memref<4x8x224xf32, #tpu.memory_space<vmem>> -> memref<1x8x224xf32, #tpu.memory_space<vmem>>
        %dma_start3A_608 = tpu.memref_squeeze %dma_start3A_607 : memref<1x8x224xf32, #tpu.memory_space<vmem>> -> memref<8x224xf32, #tpu.memory_space<vmem>>
        tpu.enqueue_dma source(%dma_start3A_608 : memref<8x224xf32, #tpu.memory_space<vmem>>) target(%dma_start3A_604 : memref<8x224xf32, #tpu.memory_space<hbm>>) target_semaphore(%dma_start3A_601 : memref<!tpu.dma_semaphore, #tpu.memory_space<semaphore_mem>>)
        %add3A_609 = arith.constant 4 : i32
        %add3A_610 = arith.addi %add3A_551, %add3A_609 : i32
        %lt3A = arith.constant 28 : i32
        %lt3A_611 = arith.cmpi slt, %add3A_610, %lt3A : i32
        %convert_element_type3A = arith.extui %lt3A_611 : i1 to i32
        %cond3A = arith.constant 0 : i32
        %cond3A_612 = arith.cmpi ne, %convert_element_type3A, %cond3A : i32
        scf.if %cond3A_612 {
          %add3A_826 = arith.constant 4 : i32
          %add3A_827 = arith.addi %add3A_551, %add3A_826 : i32
          %mul3A_828 = arith.constant 896 : i32
          %mul3A_829 = arith.muli %add3A_827, %mul3A_828 : i32
          %dma_start3A_830 = arith.constant 0 : i32
          %dma_start3A_831 = arith.constant 0 : i32
          %dma_start3A_832 = tpu.memref_slice %arg6[%dma_start3A_831] : memref<3584xi32, #tpu.memory_space<vmem>> -> memref<896xi32, #tpu.memory_space<vmem>>
          %dma_start3A_833 = tpu.memref_slice %arg3[%mul3A_829] : memref<25088xi32, #tpu.memory_space<hbm>> -> memref<896xi32, #tpu.memory_space<hbm>>
          %dma_start3A_834 = tpu.memref_slice %arg12[%dma_start3A_830] : memref<4x!tpu.dma_semaphore, #tpu.memory_space<semaphore_mem>> -> memref<1x!tpu.dma_semaphore, #tpu.memory_space<semaphore_mem>>
          %dma_start3A_835 = tpu.memref_squeeze %dma_start3A_834 : memref<1x!tpu.dma_semaphore, #tpu.memory_space<semaphore_mem>> -> memref<!tpu.dma_semaphore, #tpu.memory_space<semaphore_mem>>
          %dma_start3A_836 = arith.constant 0 : i32
          %dma_start3A_837 = tpu.memref_slice %arg6[%dma_start3A_836] : memref<3584xi32, #tpu.memory_space<vmem>> -> memref<896xi32, #tpu.memory_space<vmem>>
          %dma_start3A_838 = tpu.memref_slice %arg3[%mul3A_829] : memref<25088xi32, #tpu.memory_space<hbm>> -> memref<896xi32, #tpu.memory_space<hbm>>
          tpu.enqueue_dma source(%dma_start3A_838 : memref<896xi32, #tpu.memory_space<hbm>>) target(%dma_start3A_837 : memref<896xi32, #tpu.memory_space<vmem>>) target_semaphore(%dma_start3A_835 : memref<!tpu.dma_semaphore, #tpu.memory_space<semaphore_mem>>)
        } else {
        }
        %mul3A_613 = arith.constant 4 : i32
        %mul3A_614 = arith.muli %add3A_545, %mul3A_613 : i32
        %add3A_615 = arith.constant 4 : i32
        %add3A_616 = arith.addi %add3A_615, %mul3A_614 : i32
        %add3A_617 = arith.constant 1 : i32
        %add3A_618 = arith.addi %add3A_616, %add3A_617 : i32
        %mul3A_619 = arith.constant 896 : i32
        %mul3A_620 = arith.muli %add3A_618, %mul3A_619 : i32
        %dma_wait3A_621 = arith.constant 1 : i32
        %dma_wait3A_622 = arith.constant 896 : i32
        %dma_wait3A_623 = tpu.memref_slice %arg6[%dma_wait3A_622] : memref<3584xi32, #tpu.memory_space<vmem>> -> memref<896xi32, #tpu.memory_space<vmem>>
        %dma_wait3A_624 = tpu.memref_slice %arg3[%mul3A_620] : memref<25088xi32, #tpu.memory_space<hbm>> -> memref<896xi32, #tpu.memory_space<hbm>>
        %dma_wait3A_625 = tpu.memref_slice %arg12[%dma_wait3A_621] : memref<4x!tpu.dma_semaphore, #tpu.memory_space<semaphore_mem>> -> memref<1x!tpu.dma_semaphore, #tpu.memory_space<semaphore_mem>>
        %dma_wait3A_626 = tpu.memref_squeeze %dma_wait3A_625 : memref<1x!tpu.dma_semaphore, #tpu.memory_space<semaphore_mem>> -> memref<!tpu.dma_semaphore, #tpu.memory_space<semaphore_mem>>
        %dma_wait3A_627 = arith.constant 896 : i32
        %dma_wait3A_628 = tpu.memref_slice %arg6[%dma_wait3A_627] : memref<3584xi32, #tpu.memory_space<vmem>> -> memref<896xi32, #tpu.memory_space<vmem>>
        %dma_wait3A_629 = tpu.memref_slice %arg3[%mul3A_620] : memref<25088xi32, #tpu.memory_space<hbm>> -> memref<896xi32, #tpu.memory_space<hbm>>
        tpu.wait_dma2 semaphore(%dma_wait3A_626 : memref<!tpu.dma_semaphore, #tpu.memory_space<semaphore_mem>>) src(%dma_wait3A_629 : memref<896xi32, #tpu.memory_space<hbm>>) dst(%dma_wait3A_628 : memref<896xi32, #tpu.memory_space<vmem>>)
        %sub3A_630 = arith.constant 4 : i32
        %sub3A_631 = arith.subi %add3A_618, %sub3A_630 : i32
        %mul3A_632 = arith.constant 8 : i32
        %mul3A_633 = arith.muli %sub3A_631, %mul3A_632 : i32
        %dma_wait3A_634 = arith.constant 1 : i32
        %dma_wait3A_635 = arith.constant 1 : i32
        %dma_wait3A_636 = arith.constant 0 : i32
        %dma_wait3A_637 = arith.constant 0 : i32
        %dma_wait3A_638 = tpu.memref_slice %arg9[%dma_wait3A_634, %dma_wait3A_636, %dma_wait3A_637] : memref<4x8x224xf32, #tpu.memory_space<vmem>> -> memref<1x8x224xf32, #tpu.memory_space<vmem>>
        %dma_wait3A_639 = tpu.memref_squeeze %dma_wait3A_638 : memref<1x8x224xf32, #tpu.memory_space<vmem>> -> memref<8x224xf32, #tpu.memory_space<vmem>>
        %dma_wait3A_640 = arith.constant 0 : i32
        %dma_wait3A_641 = tpu.memref_slice %arg4[%add3A_25, %mul3A_633, %dma_wait3A_640] : memref<1536x224x224xf32, #tpu.memory_space<hbm>> -> memref<1x8x224xf32, #tpu.memory_space<hbm>>
        %dma_wait3A_642 = tpu.memref_squeeze %dma_wait3A_641 : memref<1x8x224xf32, #tpu.memory_space<hbm>> -> memref<8x224xf32, #tpu.memory_space<hbm>>
        %dma_wait3A_643 = tpu.memref_slice %arg10[%dma_wait3A_635] : memref<4x!tpu.dma_semaphore, #tpu.memory_space<semaphore_mem>> -> memref<1x!tpu.dma_semaphore, #tpu.memory_space<semaphore_mem>>
        %dma_wait3A_644 = tpu.memref_squeeze %dma_wait3A_643 : memref<1x!tpu.dma_semaphore, #tpu.memory_space<semaphore_mem>> -> memref<!tpu.dma_semaphore, #tpu.memory_space<semaphore_mem>>
        %dma_wait3A_645 = arith.constant 0 : i32
        %dma_wait3A_646 = tpu.memref_slice %arg4[%add3A_25, %mul3A_633, %dma_wait3A_645] : memref<1536x224x224xf32, #tpu.memory_space<hbm>> -> memref<1x8x224xf32, #tpu.memory_space<hbm>>
        %dma_wait3A_647 = tpu.memref_squeeze %dma_wait3A_646 : memref<1x8x224xf32, #tpu.memory_space<hbm>> -> memref<8x224xf32, #tpu.memory_space<hbm>>
        %dma_wait3A_648 = arith.constant 0 : i32
        %dma_wait3A_649 = arith.constant 0 : i32
        %dma_wait3A_650 = tpu.memref_slice %arg9[%dma_wait3A_634, %dma_wait3A_648, %dma_wait3A_649] : memref<4x8x224xf32, #tpu.memory_space<vmem>> -> memref<1x8x224xf32, #tpu.memory_space<vmem>>
        %dma_wait3A_651 = tpu.memref_squeeze %dma_wait3A_650 : memref<1x8x224xf32, #tpu.memory_space<vmem>> -> memref<8x224xf32, #tpu.memory_space<vmem>>
        tpu.wait_dma2 semaphore(%dma_wait3A_644 : memref<!tpu.dma_semaphore, #tpu.memory_space<semaphore_mem>>) src(%dma_wait3A_651 : memref<8x224xf32, #tpu.memory_space<vmem>>) dst(%dma_wait3A_647 : memref<8x224xf32, #tpu.memory_space<hbm>>)
        %scan3A_652 = arith.constant 0 : i32
        %scan3A_653 = arith.constant 8 : i32
        %scan3A_654 = arith.addi %scan3A_652, %scan3A_653 : i32
        %scan3A_655 = arith.constant 1 : i32
        scf.for %scan3A_826 = %scan3A_652 to %scan3A_654 step %scan3A_655  : i32 {
          %mul3A_827 = arith.constant 1 : i32
          %mul3A_828 = arith.muli %scan3A_826, %mul3A_827 : i32
          %add3A_829 = arith.constant 0 : i32
          %add3A_830 = arith.addi %add3A_829, %mul3A_828 : i32
          %parallel_loop3A = arith.constant 0 : i32
          %parallel_loop3A_831 = arith.constant 112 : i32
          %parallel_loop3A_832 = arith.constant 16 : i32
          scf.for %parallel_loop3A_833 = %parallel_loop3A to %parallel_loop3A_831 step %parallel_loop3A_832  : i32 {
            %parallel_loop3A_834 = arith.constant 112 : i32
            %parallel_loop3A_835 = arith.muli %add3A_830, %parallel_loop3A_834 : i32
            %parallel_loop3A_836 = arith.constant 896 : i32
            %parallel_loop3A_837 = arith.addi %parallel_loop3A_836, %parallel_loop3A_835 : i32
            %parallel_loop3A_838 = arith.addi %parallel_loop3A_837, %parallel_loop3A_833 : i32
            %parallel_loop3A_839 = arith.index_cast %parallel_loop3A_838 : i32 to index
            %parallel_loop3A_840 = tpu.vector_load %arg6[%parallel_loop3A_839] {strides = array<i32>} : memref<3584xi32, #tpu.memory_space<vmem>>, vector<16xi32>,
            %parallel_loop3A_841 = arith.constant 65535 : i32
            %parallel_loop3A_842 = vector.broadcast %parallel_loop3A_841 : i32 to vector<16xi32>
            %parallel_loop3A_843 = arith.andi %parallel_loop3A_840, %parallel_loop3A_842 : vector<16xi32>
            %parallel_loop3A_844 = arith.constant 16 : i32
            %parallel_loop3A_845 = vector.broadcast %parallel_loop3A_844 : i32 to vector<16xi32>
            %parallel_loop3A_846 = arith.shrui %parallel_loop3A_840, %parallel_loop3A_845 : vector<16xi32>
            %parallel_loop3A_847 = arith.constant 8 : i32
            %parallel_loop3A_848 = vector.broadcast %parallel_loop3A_847 : i32 to vector<16xi32>
            %parallel_loop3A_849 = arith.shrui %parallel_loop3A_843, %parallel_loop3A_848 : vector<16xi32>
            %parallel_loop3A_850 = arith.constant 255 : i32
            %parallel_loop3A_851 = vector.broadcast %parallel_loop3A_850 : i32 to vector<16xi32>
            %parallel_loop3A_852 = arith.andi %parallel_loop3A_843, %parallel_loop3A_851 : vector<16xi32>
            %parallel_loop3A_853 = tpu.vector_load_idx %arg7[%parallel_loop3A_849, %parallel_loop3A_852] : memref<224x224xf32, #tpu.memory_space<vmem>>[vector<16xi32>, vector<16xi32>], vector<16xf32>,
            %parallel_loop3A_854 = arith.constant 2 : i32
            %parallel_loop3A_855 = arith.muli %parallel_loop3A_854, %parallel_loop3A_833 : i32
            %parallel_loop3A_856 = arith.constant 1 : i32
            %parallel_loop3A_857 = arith.index_cast %parallel_loop3A_856 : i32 to index
            %parallel_loop3A_858 = arith.index_cast %add3A_830 : i32 to index
            %parallel_loop3A_859 = arith.index_cast %parallel_loop3A_855 : i32 to index
            %parallel_loop3A_860 = tpu.vector_load %arg9[%parallel_loop3A_857, %parallel_loop3A_858, %parallel_loop3A_859] {strides = array<i32>} : memref<4x8x224xf32, #tpu.memory_space<vmem>>, vector<16xf32>,
            tpu.vector_store %arg9[%parallel_loop3A_857, %parallel_loop3A_858, %parallel_loop3A_859], %parallel_loop3A_853 {strides = array<i32>} : memref<4x8x224xf32, #tpu.memory_space<vmem>>, vector<16xf32>,
            %parallel_loop3A_861 = arith.constant 8 : i32
            %parallel_loop3A_862 = vector.broadcast %parallel_loop3A_861 : i32 to vector<16xi32>
            %parallel_loop3A_863 = arith.shrui %parallel_loop3A_846, %parallel_loop3A_862 : vector<16xi32>
            %parallel_loop3A_864 = arith.constant 255 : i32
            %parallel_loop3A_865 = vector.broadcast %parallel_loop3A_864 : i32 to vector<16xi32>
            %parallel_loop3A_866 = arith.andi %parallel_loop3A_846, %parallel_loop3A_865 : vector<16xi32>
            %parallel_loop3A_867 = tpu.vector_load_idx %arg7[%parallel_loop3A_863, %parallel_loop3A_866] : memref<224x224xf32, #tpu.memory_space<vmem>>[vector<16xi32>, vector<16xi32>], vector<16xf32>,
            %parallel_loop3A_868 = arith.constant 2 : i32
            %parallel_loop3A_869 = arith.muli %parallel_loop3A_868, %parallel_loop3A_833 : i32
            %parallel_loop3A_870 = arith.constant 16 : i32
            %parallel_loop3A_871 = arith.addi %parallel_loop3A_869, %parallel_loop3A_870 : i32
            %parallel_loop3A_872 = arith.constant 1 : i32
            %parallel_loop3A_873 = arith.index_cast %parallel_loop3A_872 : i32 to index
            %parallel_loop3A_874 = arith.index_cast %add3A_830 : i32 to index
            %parallel_loop3A_875 = arith.index_cast %parallel_loop3A_871 : i32 to index
            %parallel_loop3A_876 = tpu.vector_load %arg9[%parallel_loop3A_873, %parallel_loop3A_874, %parallel_loop3A_875] {strides = array<i32>} : memref<4x8x224xf32, #tpu.memory_space<vmem>>, vector<16xf32>,
            tpu.vector_store %arg9[%parallel_loop3A_873, %parallel_loop3A_874, %parallel_loop3A_875], %parallel_loop3A_867 {strides = array<i32>} : memref<4x8x224xf32, #tpu.memory_space<vmem>>, vector<16xf32>,
          } {sc.loop_unroll_factor = 7 : i64, sc.parallel_access}
        }
        %scan3A_656 = arith.constant 8 : i32
        %mul3A_657 = arith.constant 8 : i32
        %mul3A_658 = arith.muli %add3A_618, %mul3A_657 : i32
        %dma_start3A_659 = arith.constant 1 : i32
        %dma_start3A_660 = arith.constant 1 : i32
        %dma_start3A_661 = arith.constant 0 : i32
        %dma_start3A_662 = arith.constant 0 : i32
        %dma_start3A_663 = tpu.memref_slice %arg9[%dma_start3A_659, %dma_start3A_661, %dma_start3A_662] : memref<4x8x224xf32, #tpu.memory_space<vmem>> -> memref<1x8x224xf32, #tpu.memory_space<vmem>>
        %dma_start3A_664 = tpu.memref_squeeze %dma_start3A_663 : memref<1x8x224xf32, #tpu.memory_space<vmem>> -> memref<8x224xf32, #tpu.memory_space<vmem>>
        %dma_start3A_665 = arith.constant 0 : i32
        %dma_start3A_666 = tpu.memref_slice %arg4[%add3A_25, %mul3A_658, %dma_start3A_665] : memref<1536x224x224xf32, #tpu.memory_space<hbm>> -> memref<1x8x224xf32, #tpu.memory_space<hbm>>
        %dma_start3A_667 = tpu.memref_squeeze %dma_start3A_666 : memref<1x8x224xf32, #tpu.memory_space<hbm>> -> memref<8x224xf32, #tpu.memory_space<hbm>>
        %dma_start3A_668 = tpu.memref_slice %arg10[%dma_start3A_660] : memref<4x!tpu.dma_semaphore, #tpu.memory_space<semaphore_mem>> -> memref<1x!tpu.dma_semaphore, #tpu.memory_space<semaphore_mem>>
        %dma_start3A_669 = tpu.memref_squeeze %dma_start3A_668 : memref<1x!tpu.dma_semaphore, #tpu.memory_space<semaphore_mem>> -> memref<!tpu.dma_semaphore, #tpu.memory_space<semaphore_mem>>
        %dma_start3A_670 = arith.constant 0 : i32
        %dma_start3A_671 = tpu.memref_slice %arg4[%add3A_25, %mul3A_658, %dma_start3A_670] : memref<1536x224x224xf32, #tpu.memory_space<hbm>> -> memref<1x8x224xf32, #tpu.memory_space<hbm>>
        %dma_start3A_672 = tpu.memref_squeeze %dma_start3A_671 : memref<1x8x224xf32, #tpu.memory_space<hbm>> -> memref<8x224xf32, #tpu.memory_space<hbm>>
        %dma_start3A_673 = arith.constant 0 : i32
        %dma_start3A_674 = arith.constant 0 : i32
        %dma_start3A_675 = tpu.memref_slice %arg9[%dma_start3A_659, %dma_start3A_673, %dma_start3A_674] : memref<4x8x224xf32, #tpu.memory_space<vmem>> -> memref<1x8x224xf32, #tpu.memory_space<vmem>>
        %dma_start3A_676 = tpu.memref_squeeze %dma_start3A_675 : memref<1x8x224xf32, #tpu.memory_space<vmem>> -> memref<8x224xf32, #tpu.memory_space<vmem>>
        tpu.enqueue_dma source(%dma_start3A_676 : memref<8x224xf32, #tpu.memory_space<vmem>>) target(%dma_start3A_672 : memref<8x224xf32, #tpu.memory_space<hbm>>) target_semaphore(%dma_start3A_669 : memref<!tpu.dma_semaphore, #tpu.memory_space<semaphore_mem>>)
        %add3A_677 = arith.constant 4 : i32
        %add3A_678 = arith.addi %add3A_618, %add3A_677 : i32
        %lt3A_679 = arith.constant 28 : i32
        %lt3A_680 = arith.cmpi slt, %add3A_678, %lt3A_679 : i32
        %convert_element_type3A_681 = arith.extui %lt3A_680 : i1 to i32
        %cond3A_682 = arith.constant 0 : i32
        %cond3A_683 = arith.cmpi ne, %convert_element_type3A_681, %cond3A_682 : i32
        scf.if %cond3A_683 {
          %add3A_826 = arith.constant 4 : i32
          %add3A_827 = arith.addi %add3A_618, %add3A_826 : i32
          %mul3A_828 = arith.constant 896 : i32
          %mul3A_829 = arith.muli %add3A_827, %mul3A_828 : i32
          %dma_start3A_830 = arith.constant 1 : i32
          %dma_start3A_831 = arith.constant 896 : i32
          %dma_start3A_832 = tpu.memref_slice %arg6[%dma_start3A_831] : memref<3584xi32, #tpu.memory_space<vmem>> -> memref<896xi32, #tpu.memory_space<vmem>>
          %dma_start3A_833 = tpu.memref_slice %arg3[%mul3A_829] : memref<25088xi32, #tpu.memory_space<hbm>> -> memref<896xi32, #tpu.memory_space<hbm>>
          %dma_start3A_834 = tpu.memref_slice %arg12[%dma_start3A_830] : memref<4x!tpu.dma_semaphore, #tpu.memory_space<semaphore_mem>> -> memref<1x!tpu.dma_semaphore, #tpu.memory_space<semaphore_mem>>
          %dma_start3A_835 = tpu.memref_squeeze %dma_start3A_834 : memref<1x!tpu.dma_semaphore, #tpu.memory_space<semaphore_mem>> -> memref<!tpu.dma_semaphore, #tpu.memory_space<semaphore_mem>>
          %dma_start3A_836 = arith.constant 896 : i32
          %dma_start3A_837 = tpu.memref_slice %arg6[%dma_start3A_836] : memref<3584xi32, #tpu.memory_space<vmem>> -> memref<896xi32, #tpu.memory_space<vmem>>
          %dma_start3A_838 = tpu.memref_slice %arg3[%mul3A_829] : memref<25088xi32, #tpu.memory_space<hbm>> -> memref<896xi32, #tpu.memory_space<hbm>>
          tpu.enqueue_dma source(%dma_start3A_838 : memref<896xi32, #tpu.memory_space<hbm>>) target(%dma_start3A_837 : memref<896xi32, #tpu.memory_space<vmem>>) target_semaphore(%dma_start3A_835 : memref<!tpu.dma_semaphore, #tpu.memory_space<semaphore_mem>>)
        } else {
        }
        %mul3A_684 = arith.constant 4 : i32
        %mul3A_685 = arith.muli %add3A_545, %mul3A_684 : i32
        %add3A_686 = arith.constant 4 : i32
        %add3A_687 = arith.addi %add3A_686, %mul3A_685 : i32
        %add3A_688 = arith.constant 2 : i32
        %add3A_689 = arith.addi %add3A_687, %add3A_688 : i32
        %mul3A_690 = arith.constant 896 : i32
        %mul3A_691 = arith.muli %add3A_689, %mul3A_690 : i32
        %dma_wait3A_692 = arith.constant 2 : i32
        %dma_wait3A_693 = arith.constant 1792 : i32
        %dma_wait3A_694 = tpu.memref_slice %arg6[%dma_wait3A_693] : memref<3584xi32, #tpu.memory_space<vmem>> -> memref<896xi32, #tpu.memory_space<vmem>>
        %dma_wait3A_695 = tpu.memref_slice %arg3[%mul3A_691] : memref<25088xi32, #tpu.memory_space<hbm>> -> memref<896xi32, #tpu.memory_space<hbm>>
        %dma_wait3A_696 = tpu.memref_slice %arg12[%dma_wait3A_692] : memref<4x!tpu.dma_semaphore, #tpu.memory_space<semaphore_mem>> -> memref<1x!tpu.dma_semaphore, #tpu.memory_space<semaphore_mem>>
        %dma_wait3A_697 = tpu.memref_squeeze %dma_wait3A_696 : memref<1x!tpu.dma_semaphore, #tpu.memory_space<semaphore_mem>> -> memref<!tpu.dma_semaphore, #tpu.memory_space<semaphore_mem>>
        %dma_wait3A_698 = arith.constant 1792 : i32
        %dma_wait3A_699 = tpu.memref_slice %arg6[%dma_wait3A_698] : memref<3584xi32, #tpu.memory_space<vmem>> -> memref<896xi32, #tpu.memory_space<vmem>>
        %dma_wait3A_700 = tpu.memref_slice %arg3[%mul3A_691] : memref<25088xi32, #tpu.memory_space<hbm>> -> memref<896xi32, #tpu.memory_space<hbm>>
        tpu.wait_dma2 semaphore(%dma_wait3A_697 : memref<!tpu.dma_semaphore, #tpu.memory_space<semaphore_mem>>) src(%dma_wait3A_700 : memref<896xi32, #tpu.memory_space<hbm>>) dst(%dma_wait3A_699 : memref<896xi32, #tpu.memory_space<vmem>>)
        %sub3A_701 = arith.constant 4 : i32
        %sub3A_702 = arith.subi %add3A_689, %sub3A_701 : i32
        %mul3A_703 = arith.constant 8 : i32
        %mul3A_704 = arith.muli %sub3A_702, %mul3A_703 : i32
        %dma_wait3A_705 = arith.constant 2 : i32
        %dma_wait3A_706 = arith.constant 2 : i32
        %dma_wait3A_707 = arith.constant 0 : i32
        %dma_wait3A_708 = arith.constant 0 : i32
        %dma_wait3A_709 = tpu.memref_slice %arg9[%dma_wait3A_705, %dma_wait3A_707, %dma_wait3A_708] : memref<4x8x224xf32, #tpu.memory_space<vmem>> -> memref<1x8x224xf32, #tpu.memory_space<vmem>>
        %dma_wait3A_710 = tpu.memref_squeeze %dma_wait3A_709 : memref<1x8x224xf32, #tpu.memory_space<vmem>> -> memref<8x224xf32, #tpu.memory_space<vmem>>
        %dma_wait3A_711 = arith.constant 0 : i32
        %dma_wait3A_712 = tpu.memref_slice %arg4[%add3A_25, %mul3A_704, %dma_wait3A_711] : memref<1536x224x224xf32, #tpu.memory_space<hbm>> -> memref<1x8x224xf32, #tpu.memory_space<hbm>>
        %dma_wait3A_713 = tpu.memref_squeeze %dma_wait3A_712 : memref<1x8x224xf32, #tpu.memory_space<hbm>> -> memref<8x224xf32, #tpu.memory_space<hbm>>
        %dma_wait3A_714 = tpu.memref_slice %arg10[%dma_wait3A_706] : memref<4x!tpu.dma_semaphore, #tpu.memory_space<semaphore_mem>> -> memref<1x!tpu.dma_semaphore, #tpu.memory_space<semaphore_mem>>
        %dma_wait3A_715 = tpu.memref_squeeze %dma_wait3A_714 : memref<1x!tpu.dma_semaphore, #tpu.memory_space<semaphore_mem>> -> memref<!tpu.dma_semaphore, #tpu.memory_space<semaphore_mem>>
        %dma_wait3A_716 = arith.constant 0 : i32
        %dma_wait3A_717 = tpu.memref_slice %arg4[%add3A_25, %mul3A_704, %dma_wait3A_716] : memref<1536x224x224xf32, #tpu.memory_space<hbm>> -> memref<1x8x224xf32, #tpu.memory_space<hbm>>
        %dma_wait3A_718 = tpu.memref_squeeze %dma_wait3A_717 : memref<1x8x224xf32, #tpu.memory_space<hbm>> -> memref<8x224xf32, #tpu.memory_space<hbm>>
        %dma_wait3A_719 = arith.constant 0 : i32
        %dma_wait3A_720 = arith.constant 0 : i32
        %dma_wait3A_721 = tpu.memref_slice %arg9[%dma_wait3A_705, %dma_wait3A_719, %dma_wait3A_720] : memref<4x8x224xf32, #tpu.memory_space<vmem>> -> memref<1x8x224xf32, #tpu.memory_space<vmem>>
        %dma_wait3A_722 = tpu.memref_squeeze %dma_wait3A_721 : memref<1x8x224xf32, #tpu.memory_space<vmem>> -> memref<8x224xf32, #tpu.memory_space<vmem>>
        tpu.wait_dma2 semaphore(%dma_wait3A_715 : memref<!tpu.dma_semaphore, #tpu.memory_space<semaphore_mem>>) src(%dma_wait3A_722 : memref<8x224xf32, #tpu.memory_space<vmem>>) dst(%dma_wait3A_718 : memref<8x224xf32, #tpu.memory_space<hbm>>)
        %scan3A_723 = arith.constant 0 : i32
        %scan3A_724 = arith.constant 8 : i32
        %scan3A_725 = arith.addi %scan3A_723, %scan3A_724 : i32
        %scan3A_726 = arith.constant 1 : i32
        scf.for %scan3A_826 = %scan3A_723 to %scan3A_725 step %scan3A_726  : i32 {
          %mul3A_827 = arith.constant 1 : i32
          %mul3A_828 = arith.muli %scan3A_826, %mul3A_827 : i32
          %add3A_829 = arith.constant 0 : i32
          %add3A_830 = arith.addi %add3A_829, %mul3A_828 : i32
          %parallel_loop3A = arith.constant 0 : i32
          %parallel_loop3A_831 = arith.constant 112 : i32
          %parallel_loop3A_832 = arith.constant 16 : i32
          scf.for %parallel_loop3A_833 = %parallel_loop3A to %parallel_loop3A_831 step %parallel_loop3A_832  : i32 {
            %parallel_loop3A_834 = arith.constant 112 : i32
            %parallel_loop3A_835 = arith.muli %add3A_830, %parallel_loop3A_834 : i32
            %parallel_loop3A_836 = arith.constant 1792 : i32
            %parallel_loop3A_837 = arith.addi %parallel_loop3A_836, %parallel_loop3A_835 : i32
            %parallel_loop3A_838 = arith.addi %parallel_loop3A_837, %parallel_loop3A_833 : i32
            %parallel_loop3A_839 = arith.index_cast %parallel_loop3A_838 : i32 to index
            %parallel_loop3A_840 = tpu.vector_load %arg6[%parallel_loop3A_839] {strides = array<i32>} : memref<3584xi32, #tpu.memory_space<vmem>>, vector<16xi32>,
            %parallel_loop3A_841 = arith.constant 65535 : i32
            %parallel_loop3A_842 = vector.broadcast %parallel_loop3A_841 : i32 to vector<16xi32>
            %parallel_loop3A_843 = arith.andi %parallel_loop3A_840, %parallel_loop3A_842 : vector<16xi32>
            %parallel_loop3A_844 = arith.constant 16 : i32
            %parallel_loop3A_845 = vector.broadcast %parallel_loop3A_844 : i32 to vector<16xi32>
            %parallel_loop3A_846 = arith.shrui %parallel_loop3A_840, %parallel_loop3A_845 : vector<16xi32>
            %parallel_loop3A_847 = arith.constant 8 : i32
            %parallel_loop3A_848 = vector.broadcast %parallel_loop3A_847 : i32 to vector<16xi32>
            %parallel_loop3A_849 = arith.shrui %parallel_loop3A_843, %parallel_loop3A_848 : vector<16xi32>
            %parallel_loop3A_850 = arith.constant 255 : i32
            %parallel_loop3A_851 = vector.broadcast %parallel_loop3A_850 : i32 to vector<16xi32>
            %parallel_loop3A_852 = arith.andi %parallel_loop3A_843, %parallel_loop3A_851 : vector<16xi32>
            %parallel_loop3A_853 = tpu.vector_load_idx %arg7[%parallel_loop3A_849, %parallel_loop3A_852] : memref<224x224xf32, #tpu.memory_space<vmem>>[vector<16xi32>, vector<16xi32>], vector<16xf32>,
            %parallel_loop3A_854 = arith.constant 2 : i32
            %parallel_loop3A_855 = arith.muli %parallel_loop3A_854, %parallel_loop3A_833 : i32
            %parallel_loop3A_856 = arith.constant 2 : i32
            %parallel_loop3A_857 = arith.index_cast %parallel_loop3A_856 : i32 to index
            %parallel_loop3A_858 = arith.index_cast %add3A_830 : i32 to index
            %parallel_loop3A_859 = arith.index_cast %parallel_loop3A_855 : i32 to index
            %parallel_loop3A_860 = tpu.vector_load %arg9[%parallel_loop3A_857, %parallel_loop3A_858, %parallel_loop3A_859] {strides = array<i32>} : memref<4x8x224xf32, #tpu.memory_space<vmem>>, vector<16xf32>,
            tpu.vector_store %arg9[%parallel_loop3A_857, %parallel_loop3A_858, %parallel_loop3A_859], %parallel_loop3A_853 {strides = array<i32>} : memref<4x8x224xf32, #tpu.memory_space<vmem>>, vector<16xf32>,
            %parallel_loop3A_861 = arith.constant 8 : i32
            %parallel_loop3A_862 = vector.broadcast %parallel_loop3A_861 : i32 to vector<16xi32>
            %parallel_loop3A_863 = arith.shrui %parallel_loop3A_846, %parallel_loop3A_862 : vector<16xi32>
            %parallel_loop3A_864 = arith.constant 255 : i32
            %parallel_loop3A_865 = vector.broadcast %parallel_loop3A_864 : i32 to vector<16xi32>
            %parallel_loop3A_866 = arith.andi %parallel_loop3A_846, %parallel_loop3A_865 : vector<16xi32>
            %parallel_loop3A_867 = tpu.vector_load_idx %arg7[%parallel_loop3A_863, %parallel_loop3A_866] : memref<224x224xf32, #tpu.memory_space<vmem>>[vector<16xi32>, vector<16xi32>], vector<16xf32>,
            %parallel_loop3A_868 = arith.constant 2 : i32
            %parallel_loop3A_869 = arith.muli %parallel_loop3A_868, %parallel_loop3A_833 : i32
            %parallel_loop3A_870 = arith.constant 16 : i32
            %parallel_loop3A_871 = arith.addi %parallel_loop3A_869, %parallel_loop3A_870 : i32
            %parallel_loop3A_872 = arith.constant 2 : i32
            %parallel_loop3A_873 = arith.index_cast %parallel_loop3A_872 : i32 to index
            %parallel_loop3A_874 = arith.index_cast %add3A_830 : i32 to index
            %parallel_loop3A_875 = arith.index_cast %parallel_loop3A_871 : i32 to index
            %parallel_loop3A_876 = tpu.vector_load %arg9[%parallel_loop3A_873, %parallel_loop3A_874, %parallel_loop3A_875] {strides = array<i32>} : memref<4x8x224xf32, #tpu.memory_space<vmem>>, vector<16xf32>,
            tpu.vector_store %arg9[%parallel_loop3A_873, %parallel_loop3A_874, %parallel_loop3A_875], %parallel_loop3A_867 {strides = array<i32>} : memref<4x8x224xf32, #tpu.memory_space<vmem>>, vector<16xf32>,
          } {sc.loop_unroll_factor = 7 : i64, sc.parallel_access}
        }
        %scan3A_727 = arith.constant 8 : i32
        %mul3A_728 = arith.constant 8 : i32
        %mul3A_729 = arith.muli %add3A_689, %mul3A_728 : i32
        %dma_start3A_730 = arith.constant 2 : i32
        %dma_start3A_731 = arith.constant 2 : i32
        %dma_start3A_732 = arith.constant 0 : i32
        %dma_start3A_733 = arith.constant 0 : i32
        %dma_start3A_734 = tpu.memref_slice %arg9[%dma_start3A_730, %dma_start3A_732, %dma_start3A_733] : memref<4x8x224xf32, #tpu.memory_space<vmem>> -> memref<1x8x224xf32, #tpu.memory_space<vmem>>
        %dma_start3A_735 = tpu.memref_squeeze %dma_start3A_734 : memref<1x8x224xf32, #tpu.memory_space<vmem>> -> memref<8x224xf32, #tpu.memory_space<vmem>>
        %dma_start3A_736 = arith.constant 0 : i32
        %dma_start3A_737 = tpu.memref_slice %arg4[%add3A_25, %mul3A_729, %dma_start3A_736] : memref<1536x224x224xf32, #tpu.memory_space<hbm>> -> memref<1x8x224xf32, #tpu.memory_space<hbm>>
        %dma_start3A_738 = tpu.memref_squeeze %dma_start3A_737 : memref<1x8x224xf32, #tpu.memory_space<hbm>> -> memref<8x224xf32, #tpu.memory_space<hbm>>
        %dma_start3A_739 = tpu.memref_slice %arg10[%dma_start3A_731] : memref<4x!tpu.dma_semaphore, #tpu.memory_space<semaphore_mem>> -> memref<1x!tpu.dma_semaphore, #tpu.memory_space<semaphore_mem>>
        %dma_start3A_740 = tpu.memref_squeeze %dma_start3A_739 : memref<1x!tpu.dma_semaphore, #tpu.memory_space<semaphore_mem>> -> memref<!tpu.dma_semaphore, #tpu.memory_space<semaphore_mem>>
        %dma_start3A_741 = arith.constant 0 : i32
        %dma_start3A_742 = tpu.memref_slice %arg4[%add3A_25, %mul3A_729, %dma_start3A_741] : memref<1536x224x224xf32, #tpu.memory_space<hbm>> -> memref<1x8x224xf32, #tpu.memory_space<hbm>>
        %dma_start3A_743 = tpu.memref_squeeze %dma_start3A_742 : memref<1x8x224xf32, #tpu.memory_space<hbm>> -> memref<8x224xf32, #tpu.memory_space<hbm>>
        %dma_start3A_744 = arith.constant 0 : i32
        %dma_start3A_745 = arith.constant 0 : i32
        %dma_start3A_746 = tpu.memref_slice %arg9[%dma_start3A_730, %dma_start3A_744, %dma_start3A_745] : memref<4x8x224xf32, #tpu.memory_space<vmem>> -> memref<1x8x224xf32, #tpu.memory_space<vmem>>
        %dma_start3A_747 = tpu.memref_squeeze %dma_start3A_746 : memref<1x8x224xf32, #tpu.memory_space<vmem>> -> memref<8x224xf32, #tpu.memory_space<vmem>>
        tpu.enqueue_dma source(%dma_start3A_747 : memref<8x224xf32, #tpu.memory_space<vmem>>) target(%dma_start3A_743 : memref<8x224xf32, #tpu.memory_space<hbm>>) target_semaphore(%dma_start3A_740 : memref<!tpu.dma_semaphore, #tpu.memory_space<semaphore_mem>>)
        %add3A_748 = arith.constant 4 : i32
        %add3A_749 = arith.addi %add3A_689, %add3A_748 : i32
        %lt3A_750 = arith.constant 28 : i32
        %lt3A_751 = arith.cmpi slt, %add3A_749, %lt3A_750 : i32
        %convert_element_type3A_752 = arith.extui %lt3A_751 : i1 to i32
        %cond3A_753 = arith.constant 0 : i32
        %cond3A_754 = arith.cmpi ne, %convert_element_type3A_752, %cond3A_753 : i32
        scf.if %cond3A_754 {
          %add3A_826 = arith.constant 4 : i32
          %add3A_827 = arith.addi %add3A_689, %add3A_826 : i32
          %mul3A_828 = arith.constant 896 : i32
          %mul3A_829 = arith.muli %add3A_827, %mul3A_828 : i32
          %dma_start3A_830 = arith.constant 2 : i32
          %dma_start3A_831 = arith.constant 1792 : i32
          %dma_start3A_832 = tpu.memref_slice %arg6[%dma_start3A_831] : memref<3584xi32, #tpu.memory_space<vmem>> -> memref<896xi32, #tpu.memory_space<vmem>>
          %dma_start3A_833 = tpu.memref_slice %arg3[%mul3A_829] : memref<25088xi32, #tpu.memory_space<hbm>> -> memref<896xi32, #tpu.memory_space<hbm>>
          %dma_start3A_834 = tpu.memref_slice %arg12[%dma_start3A_830] : memref<4x!tpu.dma_semaphore, #tpu.memory_space<semaphore_mem>> -> memref<1x!tpu.dma_semaphore, #tpu.memory_space<semaphore_mem>>
          %dma_start3A_835 = tpu.memref_squeeze %dma_start3A_834 : memref<1x!tpu.dma_semaphore, #tpu.memory_space<semaphore_mem>> -> memref<!tpu.dma_semaphore, #tpu.memory_space<semaphore_mem>>
          %dma_start3A_836 = arith.constant 1792 : i32
          %dma_start3A_837 = tpu.memref_slice %arg6[%dma_start3A_836] : memref<3584xi32, #tpu.memory_space<vmem>> -> memref<896xi32, #tpu.memory_space<vmem>>
          %dma_start3A_838 = tpu.memref_slice %arg3[%mul3A_829] : memref<25088xi32, #tpu.memory_space<hbm>> -> memref<896xi32, #tpu.memory_space<hbm>>
          tpu.enqueue_dma source(%dma_start3A_838 : memref<896xi32, #tpu.memory_space<hbm>>) target(%dma_start3A_837 : memref<896xi32, #tpu.memory_space<vmem>>) target_semaphore(%dma_start3A_835 : memref<!tpu.dma_semaphore, #tpu.memory_space<semaphore_mem>>)
        } else {
        }
        %mul3A_755 = arith.constant 4 : i32
        %mul3A_756 = arith.muli %add3A_545, %mul3A_755 : i32
        %add3A_757 = arith.constant 4 : i32
        %add3A_758 = arith.addi %add3A_757, %mul3A_756 : i32
        %add3A_759 = arith.constant 3 : i32
        %add3A_760 = arith.addi %add3A_758, %add3A_759 : i32
        %mul3A_761 = arith.constant 896 : i32
        %mul3A_762 = arith.muli %add3A_760, %mul3A_761 : i32
        %dma_wait3A_763 = arith.constant 3 : i32
        %dma_wait3A_764 = arith.constant 2688 : i32
        %dma_wait3A_765 = tpu.memref_slice %arg6[%dma_wait3A_764] : memref<3584xi32, #tpu.memory_space<vmem>> -> memref<896xi32, #tpu.memory_space<vmem>>
        %dma_wait3A_766 = tpu.memref_slice %arg3[%mul3A_762] : memref<25088xi32, #tpu.memory_space<hbm>> -> memref<896xi32, #tpu.memory_space<hbm>>
        %dma_wait3A_767 = tpu.memref_slice %arg12[%dma_wait3A_763] : memref<4x!tpu.dma_semaphore, #tpu.memory_space<semaphore_mem>> -> memref<1x!tpu.dma_semaphore, #tpu.memory_space<semaphore_mem>>
        %dma_wait3A_768 = tpu.memref_squeeze %dma_wait3A_767 : memref<1x!tpu.dma_semaphore, #tpu.memory_space<semaphore_mem>> -> memref<!tpu.dma_semaphore, #tpu.memory_space<semaphore_mem>>
        %dma_wait3A_769 = arith.constant 2688 : i32
        %dma_wait3A_770 = tpu.memref_slice %arg6[%dma_wait3A_769] : memref<3584xi32, #tpu.memory_space<vmem>> -> memref<896xi32, #tpu.memory_space<vmem>>
        %dma_wait3A_771 = tpu.memref_slice %arg3[%mul3A_762] : memref<25088xi32, #tpu.memory_space<hbm>> -> memref<896xi32, #tpu.memory_space<hbm>>
        tpu.wait_dma2 semaphore(%dma_wait3A_768 : memref<!tpu.dma_semaphore, #tpu.memory_space<semaphore_mem>>) src(%dma_wait3A_771 : memref<896xi32, #tpu.memory_space<hbm>>) dst(%dma_wait3A_770 : memref<896xi32, #tpu.memory_space<vmem>>)
        %sub3A_772 = arith.constant 4 : i32
        %sub3A_773 = arith.subi %add3A_760, %sub3A_772 : i32
        %mul3A_774 = arith.constant 8 : i32
        %mul3A_775 = arith.muli %sub3A_773, %mul3A_774 : i32
        %dma_wait3A_776 = arith.constant 3 : i32
        %dma_wait3A_777 = arith.constant 3 : i32
        %dma_wait3A_778 = arith.constant 0 : i32
        %dma_wait3A_779 = arith.constant 0 : i32
        %dma_wait3A_780 = tpu.memref_slice %arg9[%dma_wait3A_776, %dma_wait3A_778, %dma_wait3A_779] : memref<4x8x224xf32, #tpu.memory_space<vmem>> -> memref<1x8x224xf32, #tpu.memory_space<vmem>>
        %dma_wait3A_781 = tpu.memref_squeeze %dma_wait3A_780 : memref<1x8x224xf32, #tpu.memory_space<vmem>> -> memref<8x224xf32, #tpu.memory_space<vmem>>
        %dma_wait3A_782 = arith.constant 0 : i32
        %dma_wait3A_783 = tpu.memref_slice %arg4[%add3A_25, %mul3A_775, %dma_wait3A_782] : memref<1536x224x224xf32, #tpu.memory_space<hbm>> -> memref<1x8x224xf32, #tpu.memory_space<hbm>>
        %dma_wait3A_784 = tpu.memref_squeeze %dma_wait3A_783 : memref<1x8x224xf32, #tpu.memory_space<hbm>> -> memref<8x224xf32, #tpu.memory_space<hbm>>
        %dma_wait3A_785 = tpu.memref_slice %arg10[%dma_wait3A_777] : memref<4x!tpu.dma_semaphore, #tpu.memory_space<semaphore_mem>> -> memref<1x!tpu.dma_semaphore, #tpu.memory_space<semaphore_mem>>
        %dma_wait3A_786 = tpu.memref_squeeze %dma_wait3A_785 : memref<1x!tpu.dma_semaphore, #tpu.memory_space<semaphore_mem>> -> memref<!tpu.dma_semaphore, #tpu.memory_space<semaphore_mem>>
        %dma_wait3A_787 = arith.constant 0 : i32
        %dma_wait3A_788 = tpu.memref_slice %arg4[%add3A_25, %mul3A_775, %dma_wait3A_787] : memref<1536x224x224xf32, #tpu.memory_space<hbm>> -> memref<1x8x224xf32, #tpu.memory_space<hbm>>
        %dma_wait3A_789 = tpu.memref_squeeze %dma_wait3A_788 : memref<1x8x224xf32, #tpu.memory_space<hbm>> -> memref<8x224xf32, #tpu.memory_space<hbm>>
        %dma_wait3A_790 = arith.constant 0 : i32
        %dma_wait3A_791 = arith.constant 0 : i32
        %dma_wait3A_792 = tpu.memref_slice %arg9[%dma_wait3A_776, %dma_wait3A_790, %dma_wait3A_791] : memref<4x8x224xf32, #tpu.memory_space<vmem>> -> memref<1x8x224xf32, #tpu.memory_space<vmem>>
        %dma_wait3A_793 = tpu.memref_squeeze %dma_wait3A_792 : memref<1x8x224xf32, #tpu.memory_space<vmem>> -> memref<8x224xf32, #tpu.memory_space<vmem>>
        tpu.wait_dma2 semaphore(%dma_wait3A_786 : memref<!tpu.dma_semaphore, #tpu.memory_space<semaphore_mem>>) src(%dma_wait3A_793 : memref<8x224xf32, #tpu.memory_space<vmem>>) dst(%dma_wait3A_789 : memref<8x224xf32, #tpu.memory_space<hbm>>)
        %scan3A_794 = arith.constant 0 : i32
        %scan3A_795 = arith.constant 8 : i32
        %scan3A_796 = arith.addi %scan3A_794, %scan3A_795 : i32
        %scan3A_797 = arith.constant 1 : i32
        scf.for %scan3A_826 = %scan3A_794 to %scan3A_796 step %scan3A_797  : i32 {
          %mul3A_827 = arith.constant 1 : i32
          %mul3A_828 = arith.muli %scan3A_826, %mul3A_827 : i32
          %add3A_829 = arith.constant 0 : i32
          %add3A_830 = arith.addi %add3A_829, %mul3A_828 : i32
          %parallel_loop3A = arith.constant 0 : i32
          %parallel_loop3A_831 = arith.constant 112 : i32
          %parallel_loop3A_832 = arith.constant 16 : i32
          scf.for %parallel_loop3A_833 = %parallel_loop3A to %parallel_loop3A_831 step %parallel_loop3A_832  : i32 {
            %parallel_loop3A_834 = arith.constant 112 : i32
            %parallel_loop3A_835 = arith.muli %add3A_830, %parallel_loop3A_834 : i32
            %parallel_loop3A_836 = arith.constant 2688 : i32
            %parallel_loop3A_837 = arith.addi %parallel_loop3A_836, %parallel_loop3A_835 : i32
            %parallel_loop3A_838 = arith.addi %parallel_loop3A_837, %parallel_loop3A_833 : i32
            %parallel_loop3A_839 = arith.index_cast %parallel_loop3A_838 : i32 to index
            %parallel_loop3A_840 = tpu.vector_load %arg6[%parallel_loop3A_839] {strides = array<i32>} : memref<3584xi32, #tpu.memory_space<vmem>>, vector<16xi32>,
            %parallel_loop3A_841 = arith.constant 65535 : i32
            %parallel_loop3A_842 = vector.broadcast %parallel_loop3A_841 : i32 to vector<16xi32>
            %parallel_loop3A_843 = arith.andi %parallel_loop3A_840, %parallel_loop3A_842 : vector<16xi32>
            %parallel_loop3A_844 = arith.constant 16 : i32
            %parallel_loop3A_845 = vector.broadcast %parallel_loop3A_844 : i32 to vector<16xi32>
            %parallel_loop3A_846 = arith.shrui %parallel_loop3A_840, %parallel_loop3A_845 : vector<16xi32>
            %parallel_loop3A_847 = arith.constant 8 : i32
            %parallel_loop3A_848 = vector.broadcast %parallel_loop3A_847 : i32 to vector<16xi32>
            %parallel_loop3A_849 = arith.shrui %parallel_loop3A_843, %parallel_loop3A_848 : vector<16xi32>
            %parallel_loop3A_850 = arith.constant 255 : i32
            %parallel_loop3A_851 = vector.broadcast %parallel_loop3A_850 : i32 to vector<16xi32>
            %parallel_loop3A_852 = arith.andi %parallel_loop3A_843, %parallel_loop3A_851 : vector<16xi32>
            %parallel_loop3A_853 = tpu.vector_load_idx %arg7[%parallel_loop3A_849, %parallel_loop3A_852] : memref<224x224xf32, #tpu.memory_space<vmem>>[vector<16xi32>, vector<16xi32>], vector<16xf32>,
            %parallel_loop3A_854 = arith.constant 2 : i32
            %parallel_loop3A_855 = arith.muli %parallel_loop3A_854, %parallel_loop3A_833 : i32
            %parallel_loop3A_856 = arith.constant 3 : i32
            %parallel_loop3A_857 = arith.index_cast %parallel_loop3A_856 : i32 to index
            %parallel_loop3A_858 = arith.index_cast %add3A_830 : i32 to index
            %parallel_loop3A_859 = arith.index_cast %parallel_loop3A_855 : i32 to index
            %parallel_loop3A_860 = tpu.vector_load %arg9[%parallel_loop3A_857, %parallel_loop3A_858, %parallel_loop3A_859] {strides = array<i32>} : memref<4x8x224xf32, #tpu.memory_space<vmem>>, vector<16xf32>,
            tpu.vector_store %arg9[%parallel_loop3A_857, %parallel_loop3A_858, %parallel_loop3A_859], %parallel_loop3A_853 {strides = array<i32>} : memref<4x8x224xf32, #tpu.memory_space<vmem>>, vector<16xf32>,
            %parallel_loop3A_861 = arith.constant 8 : i32
            %parallel_loop3A_862 = vector.broadcast %parallel_loop3A_861 : i32 to vector<16xi32>
            %parallel_loop3A_863 = arith.shrui %parallel_loop3A_846, %parallel_loop3A_862 : vector<16xi32>
            %parallel_loop3A_864 = arith.constant 255 : i32
            %parallel_loop3A_865 = vector.broadcast %parallel_loop3A_864 : i32 to vector<16xi32>
            %parallel_loop3A_866 = arith.andi %parallel_loop3A_846, %parallel_loop3A_865 : vector<16xi32>
            %parallel_loop3A_867 = tpu.vector_load_idx %arg7[%parallel_loop3A_863, %parallel_loop3A_866] : memref<224x224xf32, #tpu.memory_space<vmem>>[vector<16xi32>, vector<16xi32>], vector<16xf32>,
            %parallel_loop3A_868 = arith.constant 2 : i32
            %parallel_loop3A_869 = arith.muli %parallel_loop3A_868, %parallel_loop3A_833 : i32
            %parallel_loop3A_870 = arith.constant 16 : i32
            %parallel_loop3A_871 = arith.addi %parallel_loop3A_869, %parallel_loop3A_870 : i32
            %parallel_loop3A_872 = arith.constant 3 : i32
            %parallel_loop3A_873 = arith.index_cast %parallel_loop3A_872 : i32 to index
            %parallel_loop3A_874 = arith.index_cast %add3A_830 : i32 to index
            %parallel_loop3A_875 = arith.index_cast %parallel_loop3A_871 : i32 to index
            %parallel_loop3A_876 = tpu.vector_load %arg9[%parallel_loop3A_873, %parallel_loop3A_874, %parallel_loop3A_875] {strides = array<i32>} : memref<4x8x224xf32, #tpu.memory_space<vmem>>, vector<16xf32>,
            tpu.vector_store %arg9[%parallel_loop3A_873, %parallel_loop3A_874, %parallel_loop3A_875], %parallel_loop3A_867 {strides = array<i32>} : memref<4x8x224xf32, #tpu.memory_space<vmem>>, vector<16xf32>,
          } {sc.loop_unroll_factor = 7 : i64, sc.parallel_access}
        }
        %scan3A_798 = arith.constant 8 : i32
        %mul3A_799 = arith.constant 8 : i32
        %mul3A_800 = arith.muli %add3A_760, %mul3A_799 : i32
        %dma_start3A_801 = arith.constant 3 : i32
        %dma_start3A_802 = arith.constant 3 : i32
        %dma_start3A_803 = arith.constant 0 : i32
        %dma_start3A_804 = arith.constant 0 : i32
        %dma_start3A_805 = tpu.memref_slice %arg9[%dma_start3A_801, %dma_start3A_803, %dma_start3A_804] : memref<4x8x224xf32, #tpu.memory_space<vmem>> -> memref<1x8x224xf32, #tpu.memory_space<vmem>>
        %dma_start3A_806 = tpu.memref_squeeze %dma_start3A_805 : memref<1x8x224xf32, #tpu.memory_space<vmem>> -> memref<8x224xf32, #tpu.memory_space<vmem>>
        %dma_start3A_807 = arith.constant 0 : i32
        %dma_start3A_808 = tpu.memref_slice %arg4[%add3A_25, %mul3A_800, %dma_start3A_807] : memref<1536x224x224xf32, #tpu.memory_space<hbm>> -> memref<1x8x224xf32, #tpu.memory_space<hbm>>
        %dma_start3A_809 = tpu.memref_squeeze %dma_start3A_808 : memref<1x8x224xf32, #tpu.memory_space<hbm>> -> memref<8x224xf32, #tpu.memory_space<hbm>>
        %dma_start3A_810 = tpu.memref_slice %arg10[%dma_start3A_802] : memref<4x!tpu.dma_semaphore, #tpu.memory_space<semaphore_mem>> -> memref<1x!tpu.dma_semaphore, #tpu.memory_space<semaphore_mem>>
        %dma_start3A_811 = tpu.memref_squeeze %dma_start3A_810 : memref<1x!tpu.dma_semaphore, #tpu.memory_space<semaphore_mem>> -> memref<!tpu.dma_semaphore, #tpu.memory_space<semaphore_mem>>
        %dma_start3A_812 = arith.constant 0 : i32
        %dma_start3A_813 = tpu.memref_slice %arg4[%add3A_25, %mul3A_800, %dma_start3A_812] : memref<1536x224x224xf32, #tpu.memory_space<hbm>> -> memref<1x8x224xf32, #tpu.memory_space<hbm>>
        %dma_start3A_814 = tpu.memref_squeeze %dma_start3A_813 : memref<1x8x224xf32, #tpu.memory_space<hbm>> -> memref<8x224xf32, #tpu.memory_space<hbm>>
        %dma_start3A_815 = arith.constant 0 : i32
        %dma_start3A_816 = arith.constant 0 : i32
        %dma_start3A_817 = tpu.memref_slice %arg9[%dma_start3A_801, %dma_start3A_815, %dma_start3A_816] : memref<4x8x224xf32, #tpu.memory_space<vmem>> -> memref<1x8x224xf32, #tpu.memory_space<vmem>>
        %dma_start3A_818 = tpu.memref_squeeze %dma_start3A_817 : memref<1x8x224xf32, #tpu.memory_space<vmem>> -> memref<8x224xf32, #tpu.memory_space<vmem>>
        tpu.enqueue_dma source(%dma_start3A_818 : memref<8x224xf32, #tpu.memory_space<vmem>>) target(%dma_start3A_814 : memref<8x224xf32, #tpu.memory_space<hbm>>) target_semaphore(%dma_start3A_811 : memref<!tpu.dma_semaphore, #tpu.memory_space<semaphore_mem>>)
        %add3A_819 = arith.constant 4 : i32
        %add3A_820 = arith.addi %add3A_760, %add3A_819 : i32
        %lt3A_821 = arith.constant 28 : i32
        %lt3A_822 = arith.cmpi slt, %add3A_820, %lt3A_821 : i32
        %convert_element_type3A_823 = arith.extui %lt3A_822 : i1 to i32
        %cond3A_824 = arith.constant 0 : i32
        %cond3A_825 = arith.cmpi ne, %convert_element_type3A_823, %cond3A_824 : i32
        scf.if %cond3A_825 {
          %add3A_826 = arith.constant 4 : i32
          %add3A_827 = arith.addi %add3A_760, %add3A_826 : i32
          %mul3A_828 = arith.constant 896 : i32
          %mul3A_829 = arith.muli %add3A_827, %mul3A_828 : i32
          %dma_start3A_830 = arith.constant 3 : i32
          %dma_start3A_831 = arith.constant 2688 : i32
          %dma_start3A_832 = tpu.memref_slice %arg6[%dma_start3A_831] : memref<3584xi32, #tpu.memory_space<vmem>> -> memref<896xi32, #tpu.memory_space<vmem>>
          %dma_start3A_833 = tpu.memref_slice %arg3[%mul3A_829] : memref<25088xi32, #tpu.memory_space<hbm>> -> memref<896xi32, #tpu.memory_space<hbm>>
          %dma_start3A_834 = tpu.memref_slice %arg12[%dma_start3A_830] : memref<4x!tpu.dma_semaphore, #tpu.memory_space<semaphore_mem>> -> memref<1x!tpu.dma_semaphore, #tpu.memory_space<semaphore_mem>>
          %dma_start3A_835 = tpu.memref_squeeze %dma_start3A_834 : memref<1x!tpu.dma_semaphore, #tpu.memory_space<semaphore_mem>> -> memref<!tpu.dma_semaphore, #tpu.memory_space<semaphore_mem>>
          %dma_start3A_836 = arith.constant 2688 : i32
          %dma_start3A_837 = tpu.memref_slice %arg6[%dma_start3A_836] : memref<3584xi32, #tpu.memory_space<vmem>> -> memref<896xi32, #tpu.memory_space<vmem>>
          %dma_start3A_838 = tpu.memref_slice %arg3[%mul3A_829] : memref<25088xi32, #tpu.memory_space<hbm>> -> memref<896xi32, #tpu.memory_space<hbm>>
          tpu.enqueue_dma source(%dma_start3A_838 : memref<896xi32, #tpu.memory_space<hbm>>) target(%dma_start3A_837 : memref<896xi32, #tpu.memory_space<vmem>>) target_semaphore(%dma_start3A_835 : memref<!tpu.dma_semaphore, #tpu.memory_space<semaphore_mem>>)
        } else {
        }
      }
      %scan3A_205 = arith.constant 6 : i32
      %dma_wait3A_206 = arith.constant 0 : i32
      %dma_wait3A_207 = arith.constant 0 : i32
      %dma_wait3A_208 = arith.constant 0 : i32
      %dma_wait3A_209 = arith.constant 0 : i32
      %dma_wait3A_210 = tpu.memref_slice %arg9[%dma_wait3A_206, %dma_wait3A_208, %dma_wait3A_209] : memref<4x8x224xf32, #tpu.memory_space<vmem>> -> memref<1x8x224xf32, #tpu.memory_space<vmem>>
      %dma_wait3A_211 = tpu.memref_squeeze %dma_wait3A_210 : memref<1x8x224xf32, #tpu.memory_space<vmem>> -> memref<8x224xf32, #tpu.memory_space<vmem>>
      %dma_wait3A_212 = arith.constant 192 : i32
      %dma_wait3A_213 = arith.constant 0 : i32
      %dma_wait3A_214 = tpu.memref_slice %arg4[%add3A_25, %dma_wait3A_212, %dma_wait3A_213] : memref<1536x224x224xf32, #tpu.memory_space<hbm>> -> memref<1x8x224xf32, #tpu.memory_space<hbm>>
      %dma_wait3A_215 = tpu.memref_squeeze %dma_wait3A_214 : memref<1x8x224xf32, #tpu.memory_space<hbm>> -> memref<8x224xf32, #tpu.memory_space<hbm>>
      %dma_wait3A_216 = tpu.memref_slice %arg10[%dma_wait3A_207] : memref<4x!tpu.dma_semaphore, #tpu.memory_space<semaphore_mem>> -> memref<1x!tpu.dma_semaphore, #tpu.memory_space<semaphore_mem>>
      %dma_wait3A_217 = tpu.memref_squeeze %dma_wait3A_216 : memref<1x!tpu.dma_semaphore, #tpu.memory_space<semaphore_mem>> -> memref<!tpu.dma_semaphore, #tpu.memory_space<semaphore_mem>>
      %dma_wait3A_218 = arith.constant 192 : i32
      %dma_wait3A_219 = arith.constant 0 : i32
      %dma_wait3A_220 = tpu.memref_slice %arg4[%add3A_25, %dma_wait3A_218, %dma_wait3A_219] : memref<1536x224x224xf32, #tpu.memory_space<hbm>> -> memref<1x8x224xf32, #tpu.memory_space<hbm>>
      %dma_wait3A_221 = tpu.memref_squeeze %dma_wait3A_220 : memref<1x8x224xf32, #tpu.memory_space<hbm>> -> memref<8x224xf32, #tpu.memory_space<hbm>>
      %dma_wait3A_222 = arith.constant 0 : i32
      %dma_wait3A_223 = arith.constant 0 : i32
      %dma_wait3A_224 = tpu.memref_slice %arg9[%dma_wait3A_206, %dma_wait3A_222, %dma_wait3A_223] : memref<4x8x224xf32, #tpu.memory_space<vmem>> -> memref<1x8x224xf32, #tpu.memory_space<vmem>>
      %dma_wait3A_225 = tpu.memref_squeeze %dma_wait3A_224 : memref<1x8x224xf32, #tpu.memory_space<vmem>> -> memref<8x224xf32, #tpu.memory_space<vmem>>
      tpu.wait_dma2 semaphore(%dma_wait3A_217 : memref<!tpu.dma_semaphore, #tpu.memory_space<semaphore_mem>>) src(%dma_wait3A_225 : memref<8x224xf32, #tpu.memory_space<vmem>>) dst(%dma_wait3A_221 : memref<8x224xf32, #tpu.memory_space<hbm>>)
      %dma_wait3A_226 = arith.constant 1 : i32
      %dma_wait3A_227 = arith.constant 1 : i32
      %dma_wait3A_228 = arith.constant 0 : i32
      %dma_wait3A_229 = arith.constant 0 : i32
      %dma_wait3A_230 = tpu.memref_slice %arg9[%dma_wait3A_226, %dma_wait3A_228, %dma_wait3A_229] : memref<4x8x224xf32, #tpu.memory_space<vmem>> -> memref<1x8x224xf32, #tpu.memory_space<vmem>>
      %dma_wait3A_231 = tpu.memref_squeeze %dma_wait3A_230 : memref<1x8x224xf32, #tpu.memory_space<vmem>> -> memref<8x224xf32, #tpu.memory_space<vmem>>
      %dma_wait3A_232 = arith.constant 200 : i32
      %dma_wait3A_233 = arith.constant 0 : i32
      %dma_wait3A_234 = tpu.memref_slice %arg4[%add3A_25, %dma_wait3A_232, %dma_wait3A_233] : memref<1536x224x224xf32, #tpu.memory_space<hbm>> -> memref<1x8x224xf32, #tpu.memory_space<hbm>>
      %dma_wait3A_235 = tpu.memref_squeeze %dma_wait3A_234 : memref<1x8x224xf32, #tpu.memory_space<hbm>> -> memref<8x224xf32, #tpu.memory_space<hbm>>
      %dma_wait3A_236 = tpu.memref_slice %arg10[%dma_wait3A_227] : memref<4x!tpu.dma_semaphore, #tpu.memory_space<semaphore_mem>> -> memref<1x!tpu.dma_semaphore, #tpu.memory_space<semaphore_mem>>
      %dma_wait3A_237 = tpu.memref_squeeze %dma_wait3A_236 : memref<1x!tpu.dma_semaphore, #tpu.memory_space<semaphore_mem>> -> memref<!tpu.dma_semaphore, #tpu.memory_space<semaphore_mem>>
      %dma_wait3A_238 = arith.constant 200 : i32
      %dma_wait3A_239 = arith.constant 0 : i32
      %dma_wait3A_240 = tpu.memref_slice %arg4[%add3A_25, %dma_wait3A_238, %dma_wait3A_239] : memref<1536x224x224xf32, #tpu.memory_space<hbm>> -> memref<1x8x224xf32, #tpu.memory_space<hbm>>
      %dma_wait3A_241 = tpu.memref_squeeze %dma_wait3A_240 : memref<1x8x224xf32, #tpu.memory_space<hbm>> -> memref<8x224xf32, #tpu.memory_space<hbm>>
      %dma_wait3A_242 = arith.constant 0 : i32
      %dma_wait3A_243 = arith.constant 0 : i32
      %dma_wait3A_244 = tpu.memref_slice %arg9[%dma_wait3A_226, %dma_wait3A_242, %dma_wait3A_243] : memref<4x8x224xf32, #tpu.memory_space<vmem>> -> memref<1x8x224xf32, #tpu.memory_space<vmem>>
      %dma_wait3A_245 = tpu.memref_squeeze %dma_wait3A_244 : memref<1x8x224xf32, #tpu.memory_space<vmem>> -> memref<8x224xf32, #tpu.memory_space<vmem>>
      tpu.wait_dma2 semaphore(%dma_wait3A_237 : memref<!tpu.dma_semaphore, #tpu.memory_space<semaphore_mem>>) src(%dma_wait3A_245 : memref<8x224xf32, #tpu.memory_space<vmem>>) dst(%dma_wait3A_241 : memref<8x224xf32, #tpu.memory_space<hbm>>)
      %dma_wait3A_246 = arith.constant 2 : i32
      %dma_wait3A_247 = arith.constant 2 : i32
      %dma_wait3A_248 = arith.constant 0 : i32
      %dma_wait3A_249 = arith.constant 0 : i32
      %dma_wait3A_250 = tpu.memref_slice %arg9[%dma_wait3A_246, %dma_wait3A_248, %dma_wait3A_249] : memref<4x8x224xf32, #tpu.memory_space<vmem>> -> memref<1x8x224xf32, #tpu.memory_space<vmem>>
      %dma_wait3A_251 = tpu.memref_squeeze %dma_wait3A_250 : memref<1x8x224xf32, #tpu.memory_space<vmem>> -> memref<8x224xf32, #tpu.memory_space<vmem>>
      %dma_wait3A_252 = arith.constant 208 : i32
      %dma_wait3A_253 = arith.constant 0 : i32
      %dma_wait3A_254 = tpu.memref_slice %arg4[%add3A_25, %dma_wait3A_252, %dma_wait3A_253] : memref<1536x224x224xf32, #tpu.memory_space<hbm>> -> memref<1x8x224xf32, #tpu.memory_space<hbm>>
      %dma_wait3A_255 = tpu.memref_squeeze %dma_wait3A_254 : memref<1x8x224xf32, #tpu.memory_space<hbm>> -> memref<8x224xf32, #tpu.memory_space<hbm>>
      %dma_wait3A_256 = tpu.memref_slice %arg10[%dma_wait3A_247] : memref<4x!tpu.dma_semaphore, #tpu.memory_space<semaphore_mem>> -> memref<1x!tpu.dma_semaphore, #tpu.memory_space<semaphore_mem>>
      %dma_wait3A_257 = tpu.memref_squeeze %dma_wait3A_256 : memref<1x!tpu.dma_semaphore, #tpu.memory_space<semaphore_mem>> -> memref<!tpu.dma_semaphore, #tpu.memory_space<semaphore_mem>>
      %dma_wait3A_258 = arith.constant 208 : i32
      %dma_wait3A_259 = arith.constant 0 : i32
      %dma_wait3A_260 = tpu.memref_slice %arg4[%add3A_25, %dma_wait3A_258, %dma_wait3A_259] : memref<1536x224x224xf32, #tpu.memory_space<hbm>> -> memref<1x8x224xf32, #tpu.memory_space<hbm>>
      %dma_wait3A_261 = tpu.memref_squeeze %dma_wait3A_260 : memref<1x8x224xf32, #tpu.memory_space<hbm>> -> memref<8x224xf32, #tpu.memory_space<hbm>>
      %dma_wait3A_262 = arith.constant 0 : i32
      %dma_wait3A_263 = arith.constant 0 : i32
      %dma_wait3A_264 = tpu.memref_slice %arg9[%dma_wait3A_246, %dma_wait3A_262, %dma_wait3A_263] : memref<4x8x224xf32, #tpu.memory_space<vmem>> -> memref<1x8x224xf32, #tpu.memory_space<vmem>>
      %dma_wait3A_265 = tpu.memref_squeeze %dma_wait3A_264 : memref<1x8x224xf32, #tpu.memory_space<vmem>> -> memref<8x224xf32, #tpu.memory_space<vmem>>
      tpu.wait_dma2 semaphore(%dma_wait3A_257 : memref<!tpu.dma_semaphore, #tpu.memory_space<semaphore_mem>>) src(%dma_wait3A_265 : memref<8x224xf32, #tpu.memory_space<vmem>>) dst(%dma_wait3A_261 : memref<8x224xf32, #tpu.memory_space<hbm>>)
      %dma_wait3A_266 = arith.constant 3 : i32
      %dma_wait3A_267 = arith.constant 3 : i32
      %dma_wait3A_268 = arith.constant 0 : i32
      %dma_wait3A_269 = arith.constant 0 : i32
      %dma_wait3A_270 = tpu.memref_slice %arg9[%dma_wait3A_266, %dma_wait3A_268, %dma_wait3A_269] : memref<4x8x224xf32, #tpu.memory_space<vmem>> -> memref<1x8x224xf32, #tpu.memory_space<vmem>>
      %dma_wait3A_271 = tpu.memref_squeeze %dma_wait3A_270 : memref<1x8x224xf32, #tpu.memory_space<vmem>> -> memref<8x224xf32, #tpu.memory_space<vmem>>
      %dma_wait3A_272 = arith.constant 216 : i32
      %dma_wait3A_273 = arith.constant 0 : i32
      %dma_wait3A_274 = tpu.memref_slice %arg4[%add3A_25, %dma_wait3A_272, %dma_wait3A_273] : memref<1536x224x224xf32, #tpu.memory_space<hbm>> -> memref<1x8x224xf32, #tpu.memory_space<hbm>>
      %dma_wait3A_275 = tpu.memref_squeeze %dma_wait3A_274 : memref<1x8x224xf32, #tpu.memory_space<hbm>> -> memref<8x224xf32, #tpu.memory_space<hbm>>
      %dma_wait3A_276 = tpu.memref_slice %arg10[%dma_wait3A_267] : memref<4x!tpu.dma_semaphore, #tpu.memory_space<semaphore_mem>> -> memref<1x!tpu.dma_semaphore, #tpu.memory_space<semaphore_mem>>
      %dma_wait3A_277 = tpu.memref_squeeze %dma_wait3A_276 : memref<1x!tpu.dma_semaphore, #tpu.memory_space<semaphore_mem>> -> memref<!tpu.dma_semaphore, #tpu.memory_space<semaphore_mem>>
      %dma_wait3A_278 = arith.constant 216 : i32
      %dma_wait3A_279 = arith.constant 0 : i32
      %dma_wait3A_280 = tpu.memref_slice %arg4[%add3A_25, %dma_wait3A_278, %dma_wait3A_279] : memref<1536x224x224xf32, #tpu.memory_space<hbm>> -> memref<1x8x224xf32, #tpu.memory_space<hbm>>
      %dma_wait3A_281 = tpu.memref_squeeze %dma_wait3A_280 : memref<1x8x224xf32, #tpu.memory_space<hbm>> -> memref<8x224xf32, #tpu.memory_space<hbm>>
      %dma_wait3A_282 = arith.constant 0 : i32
      %dma_wait3A_283 = arith.constant 0 : i32
      %dma_wait3A_284 = tpu.memref_slice %arg9[%dma_wait3A_266, %dma_wait3A_282, %dma_wait3A_283] : memref<4x8x224xf32, #tpu.memory_space<vmem>> -> memref<1x8x224xf32, #tpu.memory_space<vmem>>
      %dma_wait3A_285 = tpu.memref_squeeze %dma_wait3A_284 : memref<1x8x224xf32, #tpu.memory_space<vmem>> -> memref<8x224xf32, #tpu.memory_space<vmem>>
      tpu.wait_dma2 semaphore(%dma_wait3A_277 : memref<!tpu.dma_semaphore, #tpu.memory_space<semaphore_mem>>) src(%dma_wait3A_285 : memref<8x224xf32, #tpu.memory_space<vmem>>) dst(%dma_wait3A_281 : memref<8x224xf32, #tpu.memory_space<hbm>>)
      %dma_start3A_286 = arith.constant 0 : i32
      %dma_start3A_287 = arith.constant 0 : i32
      %dma_start3A_288 = tpu.memref_slice %arg6[%dma_start3A_287] : memref<3584xi32, #tpu.memory_space<vmem>> -> memref<896xi32, #tpu.memory_space<vmem>>
      %dma_start3A_289 = arith.constant 3584 : i32
      %dma_start3A_290 = tpu.memref_slice %arg3[%dma_start3A_289] : memref<25088xi32, #tpu.memory_space<hbm>> -> memref<896xi32, #tpu.memory_space<hbm>>
      %dma_start3A_291 = tpu.memref_slice %arg12[%dma_start3A_286] : memref<4x!tpu.dma_semaphore, #tpu.memory_space<semaphore_mem>> -> memref<1x!tpu.dma_semaphore, #tpu.memory_space<semaphore_mem>>
      %dma_start3A_292 = tpu.memref_squeeze %dma_start3A_291 : memref<1x!tpu.dma_semaphore, #tpu.memory_space<semaphore_mem>> -> memref<!tpu.dma_semaphore, #tpu.memory_space<semaphore_mem>>
      %dma_start3A_293 = arith.constant 0 : i32
      %dma_start3A_294 = tpu.memref_slice %arg6[%dma_start3A_293] : memref<3584xi32, #tpu.memory_space<vmem>> -> memref<896xi32, #tpu.memory_space<vmem>>
      %dma_start3A_295 = arith.constant 3584 : i32
      %dma_start3A_296 = tpu.memref_slice %arg3[%dma_start3A_295] : memref<25088xi32, #tpu.memory_space<hbm>> -> memref<896xi32, #tpu.memory_space<hbm>>
      tpu.enqueue_dma source(%dma_start3A_296 : memref<896xi32, #tpu.memory_space<hbm>>) target(%dma_start3A_294 : memref<896xi32, #tpu.memory_space<vmem>>) target_semaphore(%dma_start3A_292 : memref<!tpu.dma_semaphore, #tpu.memory_space<semaphore_mem>>)
      %dma_start3A_297 = arith.constant 1 : i32
      %dma_start3A_298 = arith.constant 896 : i32
      %dma_start3A_299 = tpu.memref_slice %arg6[%dma_start3A_298] : memref<3584xi32, #tpu.memory_space<vmem>> -> memref<896xi32, #tpu.memory_space<vmem>>
      %dma_start3A_300 = arith.constant 4480 : i32
      %dma_start3A_301 = tpu.memref_slice %arg3[%dma_start3A_300] : memref<25088xi32, #tpu.memory_space<hbm>> -> memref<896xi32, #tpu.memory_space<hbm>>
      %dma_start3A_302 = tpu.memref_slice %arg12[%dma_start3A_297] : memref<4x!tpu.dma_semaphore, #tpu.memory_space<semaphore_mem>> -> memref<1x!tpu.dma_semaphore, #tpu.memory_space<semaphore_mem>>
      %dma_start3A_303 = tpu.memref_squeeze %dma_start3A_302 : memref<1x!tpu.dma_semaphore, #tpu.memory_space<semaphore_mem>> -> memref<!tpu.dma_semaphore, #tpu.memory_space<semaphore_mem>>
      %dma_start3A_304 = arith.constant 896 : i32
      %dma_start3A_305 = tpu.memref_slice %arg6[%dma_start3A_304] : memref<3584xi32, #tpu.memory_space<vmem>> -> memref<896xi32, #tpu.memory_space<vmem>>
      %dma_start3A_306 = arith.constant 4480 : i32
      %dma_start3A_307 = tpu.memref_slice %arg3[%dma_start3A_306] : memref<25088xi32, #tpu.memory_space<hbm>> -> memref<896xi32, #tpu.memory_space<hbm>>
      tpu.enqueue_dma source(%dma_start3A_307 : memref<896xi32, #tpu.memory_space<hbm>>) target(%dma_start3A_305 : memref<896xi32, #tpu.memory_space<vmem>>) target_semaphore(%dma_start3A_303 : memref<!tpu.dma_semaphore, #tpu.memory_space<semaphore_mem>>)
      %dma_start3A_308 = arith.constant 2 : i32
      %dma_start3A_309 = arith.constant 1792 : i32
      %dma_start3A_310 = tpu.memref_slice %arg6[%dma_start3A_309] : memref<3584xi32, #tpu.memory_space<vmem>> -> memref<896xi32, #tpu.memory_space<vmem>>
      %dma_start3A_311 = arith.constant 5376 : i32
      %dma_start3A_312 = tpu.memref_slice %arg3[%dma_start3A_311] : memref<25088xi32, #tpu.memory_space<hbm>> -> memref<896xi32, #tpu.memory_space<hbm>>
      %dma_start3A_313 = tpu.memref_slice %arg12[%dma_start3A_308] : memref<4x!tpu.dma_semaphore, #tpu.memory_space<semaphore_mem>> -> memref<1x!tpu.dma_semaphore, #tpu.memory_space<semaphore_mem>>
      %dma_start3A_314 = tpu.memref_squeeze %dma_start3A_313 : memref<1x!tpu.dma_semaphore, #tpu.memory_space<semaphore_mem>> -> memref<!tpu.dma_semaphore, #tpu.memory_space<semaphore_mem>>
      %dma_start3A_315 = arith.constant 1792 : i32
      %dma_start3A_316 = tpu.memref_slice %arg6[%dma_start3A_315] : memref<3584xi32, #tpu.memory_space<vmem>> -> memref<896xi32, #tpu.memory_space<vmem>>
      %dma_start3A_317 = arith.constant 5376 : i32
      %dma_start3A_318 = tpu.memref_slice %arg3[%dma_start3A_317] : memref<25088xi32, #tpu.memory_space<hbm>> -> memref<896xi32, #tpu.memory_space<hbm>>
      tpu.enqueue_dma source(%dma_start3A_318 : memref<896xi32, #tpu.memory_space<hbm>>) target(%dma_start3A_316 : memref<896xi32, #tpu.memory_space<vmem>>) target_semaphore(%dma_start3A_314 : memref<!tpu.dma_semaphore, #tpu.memory_space<semaphore_mem>>)
      %dma_start3A_319 = arith.constant 3 : i32
      %dma_start3A_320 = arith.constant 2688 : i32
      %dma_start3A_321 = tpu.memref_slice %arg6[%dma_start3A_320] : memref<3584xi32, #tpu.memory_space<vmem>> -> memref<896xi32, #tpu.memory_space<vmem>>
      %dma_start3A_322 = arith.constant 6272 : i32
      %dma_start3A_323 = tpu.memref_slice %arg3[%dma_start3A_322] : memref<25088xi32, #tpu.memory_space<hbm>> -> memref<896xi32, #tpu.memory_space<hbm>>
      %dma_start3A_324 = tpu.memref_slice %arg12[%dma_start3A_319] : memref<4x!tpu.dma_semaphore, #tpu.memory_space<semaphore_mem>> -> memref<1x!tpu.dma_semaphore, #tpu.memory_space<semaphore_mem>>
      %dma_start3A_325 = tpu.memref_squeeze %dma_start3A_324 : memref<1x!tpu.dma_semaphore, #tpu.memory_space<semaphore_mem>> -> memref<!tpu.dma_semaphore, #tpu.memory_space<semaphore_mem>>
      %dma_start3A_326 = arith.constant 2688 : i32
      %dma_start3A_327 = tpu.memref_slice %arg6[%dma_start3A_326] : memref<3584xi32, #tpu.memory_space<vmem>> -> memref<896xi32, #tpu.memory_space<vmem>>
      %dma_start3A_328 = arith.constant 6272 : i32
      %dma_start3A_329 = tpu.memref_slice %arg3[%dma_start3A_328] : memref<25088xi32, #tpu.memory_space<hbm>> -> memref<896xi32, #tpu.memory_space<hbm>>
      tpu.enqueue_dma source(%dma_start3A_329 : memref<896xi32, #tpu.memory_space<hbm>>) target(%dma_start3A_327 : memref<896xi32, #tpu.memory_space<vmem>>) target_semaphore(%dma_start3A_325 : memref<!tpu.dma_semaphore, #tpu.memory_space<semaphore_mem>>)
      %min3A_330 = arith.constant 1535 : i32
      %min3A_331 = arith.minsi %add3A_29, %min3A_330 : i32
      %dma_wait3A_332 = arith.constant 1 : i32
      %dma_wait3A_333 = arith.constant 0 : i32
      %dma_wait3A_334 = arith.constant 0 : i32
      %dma_wait3A_335 = tpu.memref_slice %arg2[%min3A_331, %dma_wait3A_333, %dma_wait3A_334] : memref<1536x224x224xf32, #tpu.memory_space<hbm>> -> memref<1x224x224xf32, #tpu.memory_space<hbm>>
      %dma_wait3A_336 = tpu.memref_squeeze %dma_wait3A_335 : memref<1x224x224xf32, #tpu.memory_space<hbm>> -> memref<224x224xf32, #tpu.memory_space<hbm>>
      %dma_wait3A_337 = tpu.memref_slice %arg11[%dma_wait3A_332] : memref<2x!tpu.dma_semaphore, #tpu.memory_space<semaphore_mem>> -> memref<1x!tpu.dma_semaphore, #tpu.memory_space<semaphore_mem>>
      %dma_wait3A_338 = tpu.memref_squeeze %dma_wait3A_337 : memref<1x!tpu.dma_semaphore, #tpu.memory_space<semaphore_mem>> -> memref<!tpu.dma_semaphore, #tpu.memory_space<semaphore_mem>>
      %dma_wait3A_339 = arith.constant 0 : i32
      %dma_wait3A_340 = arith.constant 0 : i32
      %dma_wait3A_341 = tpu.memref_slice %arg2[%min3A_331, %dma_wait3A_339, %dma_wait3A_340] : memref<1536x224x224xf32, #tpu.memory_space<hbm>> -> memref<1x224x224xf32, #tpu.memory_space<hbm>>
      %dma_wait3A_342 = tpu.memref_squeeze %dma_wait3A_341 : memref<1x224x224xf32, #tpu.memory_space<hbm>> -> memref<224x224xf32, #tpu.memory_space<hbm>>
      tpu.wait_dma2 semaphore(%dma_wait3A_338 : memref<!tpu.dma_semaphore, #tpu.memory_space<semaphore_mem>>) src(%dma_wait3A_342 : memref<224x224xf32, #tpu.memory_space<hbm>>) dst(%arg8 : memref<224x224xf32, #tpu.memory_space<vmem>>)
      %min3A_343 = arith.constant 1535 : i32
      %min3A_344 = arith.minsi %add3A_31, %min3A_343 : i32
      %dma_start3A_345 = arith.constant 0 : i32
      %dma_start3A_346 = arith.constant 0 : i32
      %dma_start3A_347 = arith.constant 0 : i32
      %dma_start3A_348 = tpu.memref_slice %arg2[%min3A_344, %dma_start3A_346, %dma_start3A_347] : memref<1536x224x224xf32, #tpu.memory_space<hbm>> -> memref<1x224x224xf32, #tpu.memory_space<hbm>>
      %dma_start3A_349 = tpu.memref_squeeze %dma_start3A_348 : memref<1x224x224xf32, #tpu.memory_space<hbm>> -> memref<224x224xf32, #tpu.memory_space<hbm>>
      %dma_start3A_350 = tpu.memref_slice %arg11[%dma_start3A_345] : memref<2x!tpu.dma_semaphore, #tpu.memory_space<semaphore_mem>> -> memref<1x!tpu.dma_semaphore, #tpu.memory_space<semaphore_mem>>
      %dma_start3A_351 = tpu.memref_squeeze %dma_start3A_350 : memref<1x!tpu.dma_semaphore, #tpu.memory_space<semaphore_mem>> -> memref<!tpu.dma_semaphore, #tpu.memory_space<semaphore_mem>>
      %dma_start3A_352 = arith.constant 0 : i32
      %dma_start3A_353 = arith.constant 0 : i32
      %dma_start3A_354 = tpu.memref_slice %arg2[%min3A_344, %dma_start3A_352, %dma_start3A_353] : memref<1536x224x224xf32, #tpu.memory_space<hbm>> -> memref<1x224x224xf32, #tpu.memory_space<hbm>>
      %dma_start3A_355 = tpu.memref_squeeze %dma_start3A_354 : memref<1x224x224xf32, #tpu.memory_space<hbm>> -> memref<224x224xf32, #tpu.memory_space<hbm>>
      tpu.enqueue_dma source(%dma_start3A_355 : memref<224x224xf32, #tpu.memory_space<hbm>>) target(%arg7 : memref<224x224xf32, #tpu.memory_space<vmem>>) target_semaphore(%dma_start3A_351 : memref<!tpu.dma_semaphore, #tpu.memory_space<semaphore_mem>>)
      %scan3A_356 = arith.constant 0 : i32
      %scan3A_357 = arith.constant 8 : i32
      %scan3A_358 = arith.addi %scan3A_356, %scan3A_357 : i32
      %scan3A_359 = arith.constant 1 : i32
      scf.for %scan3A_541 = %scan3A_356 to %scan3A_358 step %scan3A_359  : i32 {
        %mul3A_542 = arith.constant 1 : i32
        %mul3A_543 = arith.muli %scan3A_541, %mul3A_542 : i32
        %add3A_544 = arith.constant 0 : i32
        %add3A_545 = arith.addi %add3A_544, %mul3A_543 : i32
        %parallel_loop3A = arith.constant 0 : i32
        %parallel_loop3A_546 = arith.constant 112 : i32
        %parallel_loop3A_547 = arith.constant 16 : i32
        scf.for %parallel_loop3A_548 = %parallel_loop3A to %parallel_loop3A_546 step %parallel_loop3A_547  : i32 {
          %parallel_loop3A_549 = arith.constant 112 : i32
          %parallel_loop3A_550 = arith.muli %add3A_545, %parallel_loop3A_549 : i32
          %parallel_loop3A_551 = arith.constant 0 : i32
          %parallel_loop3A_552 = arith.addi %parallel_loop3A_551, %parallel_loop3A_550 : i32
          %parallel_loop3A_553 = arith.addi %parallel_loop3A_552, %parallel_loop3A_548 : i32
          %parallel_loop3A_554 = arith.index_cast %parallel_loop3A_553 : i32 to index
          %parallel_loop3A_555 = tpu.vector_load %arg5[%parallel_loop3A_554] {strides = array<i32>} : memref<3584xi32, #tpu.memory_space<vmem>>, vector<16xi32>,
          %parallel_loop3A_556 = arith.constant 65535 : i32
          %parallel_loop3A_557 = vector.broadcast %parallel_loop3A_556 : i32 to vector<16xi32>
          %parallel_loop3A_558 = arith.andi %parallel_loop3A_555, %parallel_loop3A_557 : vector<16xi32>
          %parallel_loop3A_559 = arith.constant 16 : i32
          %parallel_loop3A_560 = vector.broadcast %parallel_loop3A_559 : i32 to vector<16xi32>
          %parallel_loop3A_561 = arith.shrui %parallel_loop3A_555, %parallel_loop3A_560 : vector<16xi32>
          %parallel_loop3A_562 = arith.constant 8 : i32
          %parallel_loop3A_563 = vector.broadcast %parallel_loop3A_562 : i32 to vector<16xi32>
          %parallel_loop3A_564 = arith.shrui %parallel_loop3A_558, %parallel_loop3A_563 : vector<16xi32>
          %parallel_loop3A_565 = arith.constant 255 : i32
          %parallel_loop3A_566 = vector.broadcast %parallel_loop3A_565 : i32 to vector<16xi32>
          %parallel_loop3A_567 = arith.andi %parallel_loop3A_558, %parallel_loop3A_566 : vector<16xi32>
          %parallel_loop3A_568 = tpu.vector_load_idx %arg8[%parallel_loop3A_564, %parallel_loop3A_567] : memref<224x224xf32, #tpu.memory_space<vmem>>[vector<16xi32>, vector<16xi32>], vector<16xf32>,
          %parallel_loop3A_569 = arith.constant 2 : i32
          %parallel_loop3A_570 = arith.muli %parallel_loop3A_569, %parallel_loop3A_548 : i32
          %parallel_loop3A_571 = arith.constant 0 : i32
          %parallel_loop3A_572 = arith.index_cast %parallel_loop3A_571 : i32 to index
          %parallel_loop3A_573 = arith.index_cast %add3A_545 : i32 to index
          %parallel_loop3A_574 = arith.index_cast %parallel_loop3A_570 : i32 to index
          %parallel_loop3A_575 = tpu.vector_load %arg9[%parallel_loop3A_572, %parallel_loop3A_573, %parallel_loop3A_574] {strides = array<i32>} : memref<4x8x224xf32, #tpu.memory_space<vmem>>, vector<16xf32>,
          tpu.vector_store %arg9[%parallel_loop3A_572, %parallel_loop3A_573, %parallel_loop3A_574], %parallel_loop3A_568 {strides = array<i32>} : memref<4x8x224xf32, #tpu.memory_space<vmem>>, vector<16xf32>,
          %parallel_loop3A_576 = arith.constant 8 : i32
          %parallel_loop3A_577 = vector.broadcast %parallel_loop3A_576 : i32 to vector<16xi32>
          %parallel_loop3A_578 = arith.shrui %parallel_loop3A_561, %parallel_loop3A_577 : vector<16xi32>
          %parallel_loop3A_579 = arith.constant 255 : i32
          %parallel_loop3A_580 = vector.broadcast %parallel_loop3A_579 : i32 to vector<16xi32>
          %parallel_loop3A_581 = arith.andi %parallel_loop3A_561, %parallel_loop3A_580 : vector<16xi32>
          %parallel_loop3A_582 = tpu.vector_load_idx %arg8[%parallel_loop3A_578, %parallel_loop3A_581] : memref<224x224xf32, #tpu.memory_space<vmem>>[vector<16xi32>, vector<16xi32>], vector<16xf32>,
          %parallel_loop3A_583 = arith.constant 2 : i32
          %parallel_loop3A_584 = arith.muli %parallel_loop3A_583, %parallel_loop3A_548 : i32
          %parallel_loop3A_585 = arith.constant 16 : i32
          %parallel_loop3A_586 = arith.addi %parallel_loop3A_584, %parallel_loop3A_585 : i32
          %parallel_loop3A_587 = arith.constant 0 : i32
          %parallel_loop3A_588 = arith.index_cast %parallel_loop3A_587 : i32 to index
          %parallel_loop3A_589 = arith.index_cast %add3A_545 : i32 to index
          %parallel_loop3A_590 = arith.index_cast %parallel_loop3A_586 : i32 to index
          %parallel_loop3A_591 = tpu.vector_load %arg9[%parallel_loop3A_588, %parallel_loop3A_589, %parallel_loop3A_590] {strides = array<i32>} : memref<4x8x224xf32, #tpu.memory_space<vmem>>, vector<16xf32>,
          tpu.vector_store %arg9[%parallel_loop3A_588, %parallel_loop3A_589, %parallel_loop3A_590], %parallel_loop3A_582 {strides = array<i32>} : memref<4x8x224xf32, #tpu.memory_space<vmem>>, vector<16xf32>,
        } {sc.loop_unroll_factor = 7 : i64, sc.parallel_access}
      }
      %scan3A_360 = arith.constant 8 : i32
      %dma_start3A_361 = arith.constant 0 : i32
      %dma_start3A_362 = arith.constant 0 : i32
      %dma_start3A_363 = arith.constant 0 : i32
      %dma_start3A_364 = arith.constant 0 : i32
      %dma_start3A_365 = tpu.memref_slice %arg9[%dma_start3A_361, %dma_start3A_363, %dma_start3A_364] : memref<4x8x224xf32, #tpu.memory_space<vmem>> -> memref<1x8x224xf32, #tpu.memory_space<vmem>>
      %dma_start3A_366 = tpu.memref_squeeze %dma_start3A_365 : memref<1x8x224xf32, #tpu.memory_space<vmem>> -> memref<8x224xf32, #tpu.memory_space<vmem>>
      %dma_start3A_367 = arith.constant 0 : i32
      %dma_start3A_368 = arith.constant 0 : i32
      %dma_start3A_369 = tpu.memref_slice %arg4[%add3A_29, %dma_start3A_367, %dma_start3A_368] : memref<1536x224x224xf32, #tpu.memory_space<hbm>> -> memref<1x8x224xf32, #tpu.memory_space<hbm>>
      %dma_start3A_370 = tpu.memref_squeeze %dma_start3A_369 : memref<1x8x224xf32, #tpu.memory_space<hbm>> -> memref<8x224xf32, #tpu.memory_space<hbm>>
      %dma_start3A_371 = tpu.memref_slice %arg10[%dma_start3A_362] : memref<4x!tpu.dma_semaphore, #tpu.memory_space<semaphore_mem>> -> memref<1x!tpu.dma_semaphore, #tpu.memory_space<semaphore_mem>>
      %dma_start3A_372 = tpu.memref_squeeze %dma_start3A_371 : memref<1x!tpu.dma_semaphore, #tpu.memory_space<semaphore_mem>> -> memref<!tpu.dma_semaphore, #tpu.memory_space<semaphore_mem>>
      %dma_start3A_373 = arith.constant 0 : i32
      %dma_start3A_374 = arith.constant 0 : i32
      %dma_start3A_375 = tpu.memref_slice %arg4[%add3A_29, %dma_start3A_373, %dma_start3A_374] : memref<1536x224x224xf32, #tpu.memory_space<hbm>> -> memref<1x8x224xf32, #tpu.memory_space<hbm>>
      %dma_start3A_376 = tpu.memref_squeeze %dma_start3A_375 : memref<1x8x224xf32, #tpu.memory_space<hbm>> -> memref<8x224xf32, #tpu.memory_space<hbm>>
      %dma_start3A_377 = arith.constant 0 : i32
      %dma_start3A_378 = arith.constant 0 : i32
      %dma_start3A_379 = tpu.memref_slice %arg9[%dma_start3A_361, %dma_start3A_377, %dma_start3A_378] : memref<4x8x224xf32, #tpu.memory_space<vmem>> -> memref<1x8x224xf32, #tpu.memory_space<vmem>>
      %dma_start3A_380 = tpu.memref_squeeze %dma_start3A_379 : memref<1x8x224xf32, #tpu.memory_space<vmem>> -> memref<8x224xf32, #tpu.memory_space<vmem>>
      tpu.enqueue_dma source(%dma_start3A_380 : memref<8x224xf32, #tpu.memory_space<vmem>>) target(%dma_start3A_376 : memref<8x224xf32, #tpu.memory_space<hbm>>) target_semaphore(%dma_start3A_372 : memref<!tpu.dma_semaphore, #tpu.memory_space<semaphore_mem>>)
      %scan3A_381 = arith.constant 0 : i32
      %scan3A_382 = arith.constant 8 : i32
      %scan3A_383 = arith.addi %scan3A_381, %scan3A_382 : i32
      %scan3A_384 = arith.constant 1 : i32
      scf.for %scan3A_541 = %scan3A_381 to %scan3A_383 step %scan3A_384  : i32 {
        %mul3A_542 = arith.constant 1 : i32
        %mul3A_543 = arith.muli %scan3A_541, %mul3A_542 : i32
        %add3A_544 = arith.constant 0 : i32
        %add3A_545 = arith.addi %add3A_544, %mul3A_543 : i32
        %parallel_loop3A = arith.constant 0 : i32
        %parallel_loop3A_546 = arith.constant 112 : i32
        %parallel_loop3A_547 = arith.constant 16 : i32
        scf.for %parallel_loop3A_548 = %parallel_loop3A to %parallel_loop3A_546 step %parallel_loop3A_547  : i32 {
          %parallel_loop3A_549 = arith.constant 112 : i32
          %parallel_loop3A_550 = arith.muli %add3A_545, %parallel_loop3A_549 : i32
          %parallel_loop3A_551 = arith.constant 896 : i32
          %parallel_loop3A_552 = arith.addi %parallel_loop3A_551, %parallel_loop3A_550 : i32
          %parallel_loop3A_553 = arith.addi %parallel_loop3A_552, %parallel_loop3A_548 : i32
          %parallel_loop3A_554 = arith.index_cast %parallel_loop3A_553 : i32 to index
          %parallel_loop3A_555 = tpu.vector_load %arg5[%parallel_loop3A_554] {strides = array<i32>} : memref<3584xi32, #tpu.memory_space<vmem>>, vector<16xi32>,
          %parallel_loop3A_556 = arith.constant 65535 : i32
          %parallel_loop3A_557 = vector.broadcast %parallel_loop3A_556 : i32 to vector<16xi32>
          %parallel_loop3A_558 = arith.andi %parallel_loop3A_555, %parallel_loop3A_557 : vector<16xi32>
          %parallel_loop3A_559 = arith.constant 16 : i32
          %parallel_loop3A_560 = vector.broadcast %parallel_loop3A_559 : i32 to vector<16xi32>
          %parallel_loop3A_561 = arith.shrui %parallel_loop3A_555, %parallel_loop3A_560 : vector<16xi32>
          %parallel_loop3A_562 = arith.constant 8 : i32
          %parallel_loop3A_563 = vector.broadcast %parallel_loop3A_562 : i32 to vector<16xi32>
          %parallel_loop3A_564 = arith.shrui %parallel_loop3A_558, %parallel_loop3A_563 : vector<16xi32>
          %parallel_loop3A_565 = arith.constant 255 : i32
          %parallel_loop3A_566 = vector.broadcast %parallel_loop3A_565 : i32 to vector<16xi32>
          %parallel_loop3A_567 = arith.andi %parallel_loop3A_558, %parallel_loop3A_566 : vector<16xi32>
          %parallel_loop3A_568 = tpu.vector_load_idx %arg8[%parallel_loop3A_564, %parallel_loop3A_567] : memref<224x224xf32, #tpu.memory_space<vmem>>[vector<16xi32>, vector<16xi32>], vector<16xf32>,
          %parallel_loop3A_569 = arith.constant 2 : i32
          %parallel_loop3A_570 = arith.muli %parallel_loop3A_569, %parallel_loop3A_548 : i32
          %parallel_loop3A_571 = arith.constant 1 : i32
          %parallel_loop3A_572 = arith.index_cast %parallel_loop3A_571 : i32 to index
          %parallel_loop3A_573 = arith.index_cast %add3A_545 : i32 to index
          %parallel_loop3A_574 = arith.index_cast %parallel_loop3A_570 : i32 to index
          %parallel_loop3A_575 = tpu.vector_load %arg9[%parallel_loop3A_572, %parallel_loop3A_573, %parallel_loop3A_574] {strides = array<i32>} : memref<4x8x224xf32, #tpu.memory_space<vmem>>, vector<16xf32>,
          tpu.vector_store %arg9[%parallel_loop3A_572, %parallel_loop3A_573, %parallel_loop3A_574], %parallel_loop3A_568 {strides = array<i32>} : memref<4x8x224xf32, #tpu.memory_space<vmem>>, vector<16xf32>,
          %parallel_loop3A_576 = arith.constant 8 : i32
          %parallel_loop3A_577 = vector.broadcast %parallel_loop3A_576 : i32 to vector<16xi32>
          %parallel_loop3A_578 = arith.shrui %parallel_loop3A_561, %parallel_loop3A_577 : vector<16xi32>
          %parallel_loop3A_579 = arith.constant 255 : i32
          %parallel_loop3A_580 = vector.broadcast %parallel_loop3A_579 : i32 to vector<16xi32>
          %parallel_loop3A_581 = arith.andi %parallel_loop3A_561, %parallel_loop3A_580 : vector<16xi32>
          %parallel_loop3A_582 = tpu.vector_load_idx %arg8[%parallel_loop3A_578, %parallel_loop3A_581] : memref<224x224xf32, #tpu.memory_space<vmem>>[vector<16xi32>, vector<16xi32>], vector<16xf32>,
          %parallel_loop3A_583 = arith.constant 2 : i32
          %parallel_loop3A_584 = arith.muli %parallel_loop3A_583, %parallel_loop3A_548 : i32
          %parallel_loop3A_585 = arith.constant 16 : i32
          %parallel_loop3A_586 = arith.addi %parallel_loop3A_584, %parallel_loop3A_585 : i32
          %parallel_loop3A_587 = arith.constant 1 : i32
          %parallel_loop3A_588 = arith.index_cast %parallel_loop3A_587 : i32 to index
          %parallel_loop3A_589 = arith.index_cast %add3A_545 : i32 to index
          %parallel_loop3A_590 = arith.index_cast %parallel_loop3A_586 : i32 to index
          %parallel_loop3A_591 = tpu.vector_load %arg9[%parallel_loop3A_588, %parallel_loop3A_589, %parallel_loop3A_590] {strides = array<i32>} : memref<4x8x224xf32, #tpu.memory_space<vmem>>, vector<16xf32>,
          tpu.vector_store %arg9[%parallel_loop3A_588, %parallel_loop3A_589, %parallel_loop3A_590], %parallel_loop3A_582 {strides = array<i32>} : memref<4x8x224xf32, #tpu.memory_space<vmem>>, vector<16xf32>,
        } {sc.loop_unroll_factor = 7 : i64, sc.parallel_access}
      }
      %scan3A_385 = arith.constant 8 : i32
      %dma_start3A_386 = arith.constant 1 : i32
      %dma_start3A_387 = arith.constant 1 : i32
      %dma_start3A_388 = arith.constant 0 : i32
      %dma_start3A_389 = arith.constant 0 : i32
      %dma_start3A_390 = tpu.memref_slice %arg9[%dma_start3A_386, %dma_start3A_388, %dma_start3A_389] : memref<4x8x224xf32, #tpu.memory_space<vmem>> -> memref<1x8x224xf32, #tpu.memory_space<vmem>>
      %dma_start3A_391 = tpu.memref_squeeze %dma_start3A_390 : memref<1x8x224xf32, #tpu.memory_space<vmem>> -> memref<8x224xf32, #tpu.memory_space<vmem>>
      %dma_start3A_392 = arith.constant 8 : i32
      %dma_start3A_393 = arith.constant 0 : i32
      %dma_start3A_394 = tpu.memref_slice %arg4[%add3A_29, %dma_start3A_392, %dma_start3A_393] : memref<1536x224x224xf32, #tpu.memory_space<hbm>> -> memref<1x8x224xf32, #tpu.memory_space<hbm>>
      %dma_start3A_395 = tpu.memref_squeeze %dma_start3A_394 : memref<1x8x224xf32, #tpu.memory_space<hbm>> -> memref<8x224xf32, #tpu.memory_space<hbm>>
      %dma_start3A_396 = tpu.memref_slice %arg10[%dma_start3A_387] : memref<4x!tpu.dma_semaphore, #tpu.memory_space<semaphore_mem>> -> memref<1x!tpu.dma_semaphore, #tpu.memory_space<semaphore_mem>>
      %dma_start3A_397 = tpu.memref_squeeze %dma_start3A_396 : memref<1x!tpu.dma_semaphore, #tpu.memory_space<semaphore_mem>> -> memref<!tpu.dma_semaphore, #tpu.memory_space<semaphore_mem>>
      %dma_start3A_398 = arith.constant 8 : i32
      %dma_start3A_399 = arith.constant 0 : i32
      %dma_start3A_400 = tpu.memref_slice %arg4[%add3A_29, %dma_start3A_398, %dma_start3A_399] : memref<1536x224x224xf32, #tpu.memory_space<hbm>> -> memref<1x8x224xf32, #tpu.memory_space<hbm>>
      %dma_start3A_401 = tpu.memref_squeeze %dma_start3A_400 : memref<1x8x224xf32, #tpu.memory_space<hbm>> -> memref<8x224xf32, #tpu.memory_space<hbm>>
      %dma_start3A_402 = arith.constant 0 : i32
      %dma_start3A_403 = arith.constant 0 : i32
      %dma_start3A_404 = tpu.memref_slice %arg9[%dma_start3A_386, %dma_start3A_402, %dma_start3A_403] : memref<4x8x224xf32, #tpu.memory_space<vmem>> -> memref<1x8x224xf32, #tpu.memory_space<vmem>>
      %dma_start3A_405 = tpu.memref_squeeze %dma_start3A_404 : memref<1x8x224xf32, #tpu.memory_space<vmem>> -> memref<8x224xf32, #tpu.memory_space<vmem>>
      tpu.enqueue_dma source(%dma_start3A_405 : memref<8x224xf32, #tpu.memory_space<vmem>>) target(%dma_start3A_401 : memref<8x224xf32, #tpu.memory_space<hbm>>) target_semaphore(%dma_start3A_397 : memref<!tpu.dma_semaphore, #tpu.memory_space<semaphore_mem>>)
      %scan3A_406 = arith.constant 0 : i32
      %scan3A_407 = arith.constant 8 : i32
      %scan3A_408 = arith.addi %scan3A_406, %scan3A_407 : i32
      %scan3A_409 = arith.constant 1 : i32
      scf.for %scan3A_541 = %scan3A_406 to %scan3A_408 step %scan3A_409  : i32 {
        %mul3A_542 = arith.constant 1 : i32
        %mul3A_543 = arith.muli %scan3A_541, %mul3A_542 : i32
        %add3A_544 = arith.constant 0 : i32
        %add3A_545 = arith.addi %add3A_544, %mul3A_543 : i32
        %parallel_loop3A = arith.constant 0 : i32
        %parallel_loop3A_546 = arith.constant 112 : i32
        %parallel_loop3A_547 = arith.constant 16 : i32
        scf.for %parallel_loop3A_548 = %parallel_loop3A to %parallel_loop3A_546 step %parallel_loop3A_547  : i32 {
          %parallel_loop3A_549 = arith.constant 112 : i32
          %parallel_loop3A_550 = arith.muli %add3A_545, %parallel_loop3A_549 : i32
          %parallel_loop3A_551 = arith.constant 1792 : i32
          %parallel_loop3A_552 = arith.addi %parallel_loop3A_551, %parallel_loop3A_550 : i32
          %parallel_loop3A_553 = arith.addi %parallel_loop3A_552, %parallel_loop3A_548 : i32
          %parallel_loop3A_554 = arith.index_cast %parallel_loop3A_553 : i32 to index
          %parallel_loop3A_555 = tpu.vector_load %arg5[%parallel_loop3A_554] {strides = array<i32>} : memref<3584xi32, #tpu.memory_space<vmem>>, vector<16xi32>,
          %parallel_loop3A_556 = arith.constant 65535 : i32
          %parallel_loop3A_557 = vector.broadcast %parallel_loop3A_556 : i32 to vector<16xi32>
          %parallel_loop3A_558 = arith.andi %parallel_loop3A_555, %parallel_loop3A_557 : vector<16xi32>
          %parallel_loop3A_559 = arith.constant 16 : i32
          %parallel_loop3A_560 = vector.broadcast %parallel_loop3A_559 : i32 to vector<16xi32>
          %parallel_loop3A_561 = arith.shrui %parallel_loop3A_555, %parallel_loop3A_560 : vector<16xi32>
          %parallel_loop3A_562 = arith.constant 8 : i32
          %parallel_loop3A_563 = vector.broadcast %parallel_loop3A_562 : i32 to vector<16xi32>
          %parallel_loop3A_564 = arith.shrui %parallel_loop3A_558, %parallel_loop3A_563 : vector<16xi32>
          %parallel_loop3A_565 = arith.constant 255 : i32
          %parallel_loop3A_566 = vector.broadcast %parallel_loop3A_565 : i32 to vector<16xi32>
          %parallel_loop3A_567 = arith.andi %parallel_loop3A_558, %parallel_loop3A_566 : vector<16xi32>
          %parallel_loop3A_568 = tpu.vector_load_idx %arg8[%parallel_loop3A_564, %parallel_loop3A_567] : memref<224x224xf32, #tpu.memory_space<vmem>>[vector<16xi32>, vector<16xi32>], vector<16xf32>,
          %parallel_loop3A_569 = arith.constant 2 : i32
          %parallel_loop3A_570 = arith.muli %parallel_loop3A_569, %parallel_loop3A_548 : i32
          %parallel_loop3A_571 = arith.constant 2 : i32
          %parallel_loop3A_572 = arith.index_cast %parallel_loop3A_571 : i32 to index
          %parallel_loop3A_573 = arith.index_cast %add3A_545 : i32 to index
          %parallel_loop3A_574 = arith.index_cast %parallel_loop3A_570 : i32 to index
          %parallel_loop3A_575 = tpu.vector_load %arg9[%parallel_loop3A_572, %parallel_loop3A_573, %parallel_loop3A_574] {strides = array<i32>} : memref<4x8x224xf32, #tpu.memory_space<vmem>>, vector<16xf32>,
          tpu.vector_store %arg9[%parallel_loop3A_572, %parallel_loop3A_573, %parallel_loop3A_574], %parallel_loop3A_568 {strides = array<i32>} : memref<4x8x224xf32, #tpu.memory_space<vmem>>, vector<16xf32>,
          %parallel_loop3A_576 = arith.constant 8 : i32
          %parallel_loop3A_577 = vector.broadcast %parallel_loop3A_576 : i32 to vector<16xi32>
          %parallel_loop3A_578 = arith.shrui %parallel_loop3A_561, %parallel_loop3A_577 : vector<16xi32>
          %parallel_loop3A_579 = arith.constant 255 : i32
          %parallel_loop3A_580 = vector.broadcast %parallel_loop3A_579 : i32 to vector<16xi32>
          %parallel_loop3A_581 = arith.andi %parallel_loop3A_561, %parallel_loop3A_580 : vector<16xi32>
          %parallel_loop3A_582 = tpu.vector_load_idx %arg8[%parallel_loop3A_578, %parallel_loop3A_581] : memref<224x224xf32, #tpu.memory_space<vmem>>[vector<16xi32>, vector<16xi32>], vector<16xf32>,
          %parallel_loop3A_583 = arith.constant 2 : i32
          %parallel_loop3A_584 = arith.muli %parallel_loop3A_583, %parallel_loop3A_548 : i32
          %parallel_loop3A_585 = arith.constant 16 : i32
          %parallel_loop3A_586 = arith.addi %parallel_loop3A_584, %parallel_loop3A_585 : i32
          %parallel_loop3A_587 = arith.constant 2 : i32
          %parallel_loop3A_588 = arith.index_cast %parallel_loop3A_587 : i32 to index
          %parallel_loop3A_589 = arith.index_cast %add3A_545 : i32 to index
          %parallel_loop3A_590 = arith.index_cast %parallel_loop3A_586 : i32 to index
          %parallel_loop3A_591 = tpu.vector_load %arg9[%parallel_loop3A_588, %parallel_loop3A_589, %parallel_loop3A_590] {strides = array<i32>} : memref<4x8x224xf32, #tpu.memory_space<vmem>>, vector<16xf32>,
          tpu.vector_store %arg9[%parallel_loop3A_588, %parallel_loop3A_589, %parallel_loop3A_590], %parallel_loop3A_582 {strides = array<i32>} : memref<4x8x224xf32, #tpu.memory_space<vmem>>, vector<16xf32>,
        } {sc.loop_unroll_factor = 7 : i64, sc.parallel_access}
      }
      %scan3A_410 = arith.constant 8 : i32
      %dma_start3A_411 = arith.constant 2 : i32
      %dma_start3A_412 = arith.constant 2 : i32
      %dma_start3A_413 = arith.constant 0 : i32
      %dma_start3A_414 = arith.constant 0 : i32
      %dma_start3A_415 = tpu.memref_slice %arg9[%dma_start3A_411, %dma_start3A_413, %dma_start3A_414] : memref<4x8x224xf32, #tpu.memory_space<vmem>> -> memref<1x8x224xf32, #tpu.memory_space<vmem>>
      %dma_start3A_416 = tpu.memref_squeeze %dma_start3A_415 : memref<1x8x224xf32, #tpu.memory_space<vmem>> -> memref<8x224xf32, #tpu.memory_space<vmem>>
      %dma_start3A_417 = arith.constant 16 : i32
      %dma_start3A_418 = arith.constant 0 : i32
      %dma_start3A_419 = tpu.memref_slice %arg4[%add3A_29, %dma_start3A_417, %dma_start3A_418] : memref<1536x224x224xf32, #tpu.memory_space<hbm>> -> memref<1x8x224xf32, #tpu.memory_space<hbm>>
      %dma_start3A_420 = tpu.memref_squeeze %dma_start3A_419 : memref<1x8x224xf32, #tpu.memory_space<hbm>> -> memref<8x224xf32, #tpu.memory_space<hbm>>
      %dma_start3A_421 = tpu.memref_slice %arg10[%dma_start3A_412] : memref<4x!tpu.dma_semaphore, #tpu.memory_space<semaphore_mem>> -> memref<1x!tpu.dma_semaphore, #tpu.memory_space<semaphore_mem>>
      %dma_start3A_422 = tpu.memref_squeeze %dma_start3A_421 : memref<1x!tpu.dma_semaphore, #tpu.memory_space<semaphore_mem>> -> memref<!tpu.dma_semaphore, #tpu.memory_space<semaphore_mem>>
      %dma_start3A_423 = arith.constant 16 : i32
      %dma_start3A_424 = arith.constant 0 : i32
      %dma_start3A_425 = tpu.memref_slice %arg4[%add3A_29, %dma_start3A_423, %dma_start3A_424] : memref<1536x224x224xf32, #tpu.memory_space<hbm>> -> memref<1x8x224xf32, #tpu.memory_space<hbm>>
      %dma_start3A_426 = tpu.memref_squeeze %dma_start3A_425 : memref<1x8x224xf32, #tpu.memory_space<hbm>> -> memref<8x224xf32, #tpu.memory_space<hbm>>
      %dma_start3A_427 = arith.constant 0 : i32
      %dma_start3A_428 = arith.constant 0 : i32
      %dma_start3A_429 = tpu.memref_slice %arg9[%dma_start3A_411, %dma_start3A_427, %dma_start3A_428] : memref<4x8x224xf32, #tpu.memory_space<vmem>> -> memref<1x8x224xf32, #tpu.memory_space<vmem>>
      %dma_start3A_430 = tpu.memref_squeeze %dma_start3A_429 : memref<1x8x224xf32, #tpu.memory_space<vmem>> -> memref<8x224xf32, #tpu.memory_space<vmem>>
      tpu.enqueue_dma source(%dma_start3A_430 : memref<8x224xf32, #tpu.memory_space<vmem>>) target(%dma_start3A_426 : memref<8x224xf32, #tpu.memory_space<hbm>>) target_semaphore(%dma_start3A_422 : memref<!tpu.dma_semaphore, #tpu.memory_space<semaphore_mem>>)
      %scan3A_431 = arith.constant 0 : i32
      %scan3A_432 = arith.constant 8 : i32
      %scan3A_433 = arith.addi %scan3A_431, %scan3A_432 : i32
      %scan3A_434 = arith.constant 1 : i32
      scf.for %scan3A_541 = %scan3A_431 to %scan3A_433 step %scan3A_434  : i32 {
        %mul3A_542 = arith.constant 1 : i32
        %mul3A_543 = arith.muli %scan3A_541, %mul3A_542 : i32
        %add3A_544 = arith.constant 0 : i32
        %add3A_545 = arith.addi %add3A_544, %mul3A_543 : i32
        %parallel_loop3A = arith.constant 0 : i32
        %parallel_loop3A_546 = arith.constant 112 : i32
        %parallel_loop3A_547 = arith.constant 16 : i32
        scf.for %parallel_loop3A_548 = %parallel_loop3A to %parallel_loop3A_546 step %parallel_loop3A_547  : i32 {
          %parallel_loop3A_549 = arith.constant 112 : i32
          %parallel_loop3A_550 = arith.muli %add3A_545, %parallel_loop3A_549 : i32
          %parallel_loop3A_551 = arith.constant 2688 : i32
          %parallel_loop3A_552 = arith.addi %parallel_loop3A_551, %parallel_loop3A_550 : i32
          %parallel_loop3A_553 = arith.addi %parallel_loop3A_552, %parallel_loop3A_548 : i32
          %parallel_loop3A_554 = arith.index_cast %parallel_loop3A_553 : i32 to index
          %parallel_loop3A_555 = tpu.vector_load %arg5[%parallel_loop3A_554] {strides = array<i32>} : memref<3584xi32, #tpu.memory_space<vmem>>, vector<16xi32>,
          %parallel_loop3A_556 = arith.constant 65535 : i32
          %parallel_loop3A_557 = vector.broadcast %parallel_loop3A_556 : i32 to vector<16xi32>
          %parallel_loop3A_558 = arith.andi %parallel_loop3A_555, %parallel_loop3A_557 : vector<16xi32>
          %parallel_loop3A_559 = arith.constant 16 : i32
          %parallel_loop3A_560 = vector.broadcast %parallel_loop3A_559 : i32 to vector<16xi32>
          %parallel_loop3A_561 = arith.shrui %parallel_loop3A_555, %parallel_loop3A_560 : vector<16xi32>
          %parallel_loop3A_562 = arith.constant 8 : i32
          %parallel_loop3A_563 = vector.broadcast %parallel_loop3A_562 : i32 to vector<16xi32>
          %parallel_loop3A_564 = arith.shrui %parallel_loop3A_558, %parallel_loop3A_563 : vector<16xi32>
          %parallel_loop3A_565 = arith.constant 255 : i32
          %parallel_loop3A_566 = vector.broadcast %parallel_loop3A_565 : i32 to vector<16xi32>
          %parallel_loop3A_567 = arith.andi %parallel_loop3A_558, %parallel_loop3A_566 : vector<16xi32>
          %parallel_loop3A_568 = tpu.vector_load_idx %arg8[%parallel_loop3A_564, %parallel_loop3A_567] : memref<224x224xf32, #tpu.memory_space<vmem>>[vector<16xi32>, vector<16xi32>], vector<16xf32>,
          %parallel_loop3A_569 = arith.constant 2 : i32
          %parallel_loop3A_570 = arith.muli %parallel_loop3A_569, %parallel_loop3A_548 : i32
          %parallel_loop3A_571 = arith.constant 3 : i32
          %parallel_loop3A_572 = arith.index_cast %parallel_loop3A_571 : i32 to index
          %parallel_loop3A_573 = arith.index_cast %add3A_545 : i32 to index
          %parallel_loop3A_574 = arith.index_cast %parallel_loop3A_570 : i32 to index
          %parallel_loop3A_575 = tpu.vector_load %arg9[%parallel_loop3A_572, %parallel_loop3A_573, %parallel_loop3A_574] {strides = array<i32>} : memref<4x8x224xf32, #tpu.memory_space<vmem>>, vector<16xf32>,
          tpu.vector_store %arg9[%parallel_loop3A_572, %parallel_loop3A_573, %parallel_loop3A_574], %parallel_loop3A_568 {strides = array<i32>} : memref<4x8x224xf32, #tpu.memory_space<vmem>>, vector<16xf32>,
          %parallel_loop3A_576 = arith.constant 8 : i32
          %parallel_loop3A_577 = vector.broadcast %parallel_loop3A_576 : i32 to vector<16xi32>
          %parallel_loop3A_578 = arith.shrui %parallel_loop3A_561, %parallel_loop3A_577 : vector<16xi32>
          %parallel_loop3A_579 = arith.constant 255 : i32
          %parallel_loop3A_580 = vector.broadcast %parallel_loop3A_579 : i32 to vector<16xi32>
          %parallel_loop3A_581 = arith.andi %parallel_loop3A_561, %parallel_loop3A_580 : vector<16xi32>
          %parallel_loop3A_582 = tpu.vector_load_idx %arg8[%parallel_loop3A_578, %parallel_loop3A_581] : memref<224x224xf32, #tpu.memory_space<vmem>>[vector<16xi32>, vector<16xi32>], vector<16xf32>,
          %parallel_loop3A_583 = arith.constant 2 : i32
          %parallel_loop3A_584 = arith.muli %parallel_loop3A_583, %parallel_loop3A_548 : i32
          %parallel_loop3A_585 = arith.constant 16 : i32
          %parallel_loop3A_586 = arith.addi %parallel_loop3A_584, %parallel_loop3A_585 : i32
          %parallel_loop3A_587 = arith.constant 3 : i32
          %parallel_loop3A_588 = arith.index_cast %parallel_loop3A_587 : i32 to index
          %parallel_loop3A_589 = arith.index_cast %add3A_545 : i32 to index
          %parallel_loop3A_590 = arith.index_cast %parallel_loop3A_586 : i32 to index
          %parallel_loop3A_591 = tpu.vector_load %arg9[%parallel_loop3A_588, %parallel_loop3A_589, %parallel_loop3A_590] {strides = array<i32>} : memref<4x8x224xf32, #tpu.memory_space<vmem>>, vector<16xf32>,
          tpu.vector_store %arg9[%parallel_loop3A_588, %parallel_loop3A_589, %parallel_loop3A_590], %parallel_loop3A_582 {strides = array<i32>} : memref<4x8x224xf32, #tpu.memory_space<vmem>>, vector<16xf32>,
        } {sc.loop_unroll_factor = 7 : i64, sc.parallel_access}
      }
      %scan3A_435 = arith.constant 8 : i32
      %dma_start3A_436 = arith.constant 3 : i32
      %dma_start3A_437 = arith.constant 3 : i32
      %dma_start3A_438 = arith.constant 0 : i32
      %dma_start3A_439 = arith.constant 0 : i32
      %dma_start3A_440 = tpu.memref_slice %arg9[%dma_start3A_436, %dma_start3A_438, %dma_start3A_439] : memref<4x8x224xf32, #tpu.memory_space<vmem>> -> memref<1x8x224xf32, #tpu.memory_space<vmem>>
      %dma_start3A_441 = tpu.memref_squeeze %dma_start3A_440 : memref<1x8x224xf32, #tpu.memory_space<vmem>> -> memref<8x224xf32, #tpu.memory_space<vmem>>
      %dma_start3A_442 = arith.constant 24 : i32
      %dma_start3A_443 = arith.constant 0 : i32
      %dma_start3A_444 = tpu.memref_slice %arg4[%add3A_29, %dma_start3A_442, %dma_start3A_443] : memref<1536x224x224xf32, #tpu.memory_space<hbm>> -> memref<1x8x224xf32, #tpu.memory_space<hbm>>
      %dma_start3A_445 = tpu.memref_squeeze %dma_start3A_444 : memref<1x8x224xf32, #tpu.memory_space<hbm>> -> memref<8x224xf32, #tpu.memory_space<hbm>>
      %dma_start3A_446 = tpu.memref_slice %arg10[%dma_start3A_437] : memref<4x!tpu.dma_semaphore, #tpu.memory_space<semaphore_mem>> -> memref<1x!tpu.dma_semaphore, #tpu.memory_space<semaphore_mem>>
      %dma_start3A_447 = tpu.memref_squeeze %dma_start3A_446 : memref<1x!tpu.dma_semaphore, #tpu.memory_space<semaphore_mem>> -> memref<!tpu.dma_semaphore, #tpu.memory_space<semaphore_mem>>
      %dma_start3A_448 = arith.constant 24 : i32
      %dma_start3A_449 = arith.constant 0 : i32
      %dma_start3A_450 = tpu.memref_slice %arg4[%add3A_29, %dma_start3A_448, %dma_start3A_449] : memref<1536x224x224xf32, #tpu.memory_space<hbm>> -> memref<1x8x224xf32, #tpu.memory_space<hbm>>
      %dma_start3A_451 = tpu.memref_squeeze %dma_start3A_450 : memref<1x8x224xf32, #tpu.memory_space<hbm>> -> memref<8x224xf32, #tpu.memory_space<hbm>>
      %dma_start3A_452 = arith.constant 0 : i32
      %dma_start3A_453 = arith.constant 0 : i32
      %dma_start3A_454 = tpu.memref_slice %arg9[%dma_start3A_436, %dma_start3A_452, %dma_start3A_453] : memref<4x8x224xf32, #tpu.memory_space<vmem>> -> memref<1x8x224xf32, #tpu.memory_space<vmem>>
      %dma_start3A_455 = tpu.memref_squeeze %dma_start3A_454 : memref<1x8x224xf32, #tpu.memory_space<vmem>> -> memref<8x224xf32, #tpu.memory_space<vmem>>
      tpu.enqueue_dma source(%dma_start3A_455 : memref<8x224xf32, #tpu.memory_space<vmem>>) target(%dma_start3A_451 : memref<8x224xf32, #tpu.memory_space<hbm>>) target_semaphore(%dma_start3A_447 : memref<!tpu.dma_semaphore, #tpu.memory_space<semaphore_mem>>)
      %scan3A_456 = arith.constant 0 : i32
      %scan3A_457 = arith.constant 6 : i32
      %scan3A_458 = arith.addi %scan3A_456, %scan3A_457 : i32
      %scan3A_459 = arith.constant 1 : i32
      scf.for %scan3A_541 = %scan3A_456 to %scan3A_458 step %scan3A_459  : i32 {
        %mul3A_542 = arith.constant 1 : i32
        %mul3A_543 = arith.muli %scan3A_541, %mul3A_542 : i32
        %add3A_544 = arith.constant 0 : i32
        %add3A_545 = arith.addi %add3A_544, %mul3A_543 : i32
        %mul3A_546 = arith.constant 4 : i32
        %mul3A_547 = arith.muli %add3A_545, %mul3A_546 : i32
        %add3A_548 = arith.constant 4 : i32
        %add3A_549 = arith.addi %add3A_548, %mul3A_547 : i32
        %add3A_550 = arith.constant 0 : i32
        %add3A_551 = arith.addi %add3A_549, %add3A_550 : i32
        %mul3A_552 = arith.constant 896 : i32
        %mul3A_553 = arith.muli %add3A_551, %mul3A_552 : i32
        %dma_wait3A_554 = arith.constant 0 : i32
        %dma_wait3A_555 = arith.constant 0 : i32
        %dma_wait3A_556 = tpu.memref_slice %arg6[%dma_wait3A_555] : memref<3584xi32, #tpu.memory_space<vmem>> -> memref<896xi32, #tpu.memory_space<vmem>>
        %dma_wait3A_557 = tpu.memref_slice %arg3[%mul3A_553] : memref<25088xi32, #tpu.memory_space<hbm>> -> memref<896xi32, #tpu.memory_space<hbm>>
        %dma_wait3A_558 = tpu.memref_slice %arg12[%dma_wait3A_554] : memref<4x!tpu.dma_semaphore, #tpu.memory_space<semaphore_mem>> -> memref<1x!tpu.dma_semaphore, #tpu.memory_space<semaphore_mem>>
        %dma_wait3A_559 = tpu.memref_squeeze %dma_wait3A_558 : memref<1x!tpu.dma_semaphore, #tpu.memory_space<semaphore_mem>> -> memref<!tpu.dma_semaphore, #tpu.memory_space<semaphore_mem>>
        %dma_wait3A_560 = arith.constant 0 : i32
        %dma_wait3A_561 = tpu.memref_slice %arg6[%dma_wait3A_560] : memref<3584xi32, #tpu.memory_space<vmem>> -> memref<896xi32, #tpu.memory_space<vmem>>
        %dma_wait3A_562 = tpu.memref_slice %arg3[%mul3A_553] : memref<25088xi32, #tpu.memory_space<hbm>> -> memref<896xi32, #tpu.memory_space<hbm>>
        tpu.wait_dma2 semaphore(%dma_wait3A_559 : memref<!tpu.dma_semaphore, #tpu.memory_space<semaphore_mem>>) src(%dma_wait3A_562 : memref<896xi32, #tpu.memory_space<hbm>>) dst(%dma_wait3A_561 : memref<896xi32, #tpu.memory_space<vmem>>)
        %sub3A = arith.constant 4 : i32
        %sub3A_563 = arith.subi %add3A_551, %sub3A : i32
        %mul3A_564 = arith.constant 8 : i32
        %mul3A_565 = arith.muli %sub3A_563, %mul3A_564 : i32
        %dma_wait3A_566 = arith.constant 0 : i32
        %dma_wait3A_567 = arith.constant 0 : i32
        %dma_wait3A_568 = arith.constant 0 : i32
        %dma_wait3A_569 = arith.constant 0 : i32
        %dma_wait3A_570 = tpu.memref_slice %arg9[%dma_wait3A_566, %dma_wait3A_568, %dma_wait3A_569] : memref<4x8x224xf32, #tpu.memory_space<vmem>> -> memref<1x8x224xf32, #tpu.memory_space<vmem>>
        %dma_wait3A_571 = tpu.memref_squeeze %dma_wait3A_570 : memref<1x8x224xf32, #tpu.memory_space<vmem>> -> memref<8x224xf32, #tpu.memory_space<vmem>>
        %dma_wait3A_572 = arith.constant 0 : i32
        %dma_wait3A_573 = tpu.memref_slice %arg4[%add3A_29, %mul3A_565, %dma_wait3A_572] : memref<1536x224x224xf32, #tpu.memory_space<hbm>> -> memref<1x8x224xf32, #tpu.memory_space<hbm>>
        %dma_wait3A_574 = tpu.memref_squeeze %dma_wait3A_573 : memref<1x8x224xf32, #tpu.memory_space<hbm>> -> memref<8x224xf32, #tpu.memory_space<hbm>>
        %dma_wait3A_575 = tpu.memref_slice %arg10[%dma_wait3A_567] : memref<4x!tpu.dma_semaphore, #tpu.memory_space<semaphore_mem>> -> memref<1x!tpu.dma_semaphore, #tpu.memory_space<semaphore_mem>>
        %dma_wait3A_576 = tpu.memref_squeeze %dma_wait3A_575 : memref<1x!tpu.dma_semaphore, #tpu.memory_space<semaphore_mem>> -> memref<!tpu.dma_semaphore, #tpu.memory_space<semaphore_mem>>
        %dma_wait3A_577 = arith.constant 0 : i32
        %dma_wait3A_578 = tpu.memref_slice %arg4[%add3A_29, %mul3A_565, %dma_wait3A_577] : memref<1536x224x224xf32, #tpu.memory_space<hbm>> -> memref<1x8x224xf32, #tpu.memory_space<hbm>>
        %dma_wait3A_579 = tpu.memref_squeeze %dma_wait3A_578 : memref<1x8x224xf32, #tpu.memory_space<hbm>> -> memref<8x224xf32, #tpu.memory_space<hbm>>
        %dma_wait3A_580 = arith.constant 0 : i32
        %dma_wait3A_581 = arith.constant 0 : i32
        %dma_wait3A_582 = tpu.memref_slice %arg9[%dma_wait3A_566, %dma_wait3A_580, %dma_wait3A_581] : memref<4x8x224xf32, #tpu.memory_space<vmem>> -> memref<1x8x224xf32, #tpu.memory_space<vmem>>
        %dma_wait3A_583 = tpu.memref_squeeze %dma_wait3A_582 : memref<1x8x224xf32, #tpu.memory_space<vmem>> -> memref<8x224xf32, #tpu.memory_space<vmem>>
        tpu.wait_dma2 semaphore(%dma_wait3A_576 : memref<!tpu.dma_semaphore, #tpu.memory_space<semaphore_mem>>) src(%dma_wait3A_583 : memref<8x224xf32, #tpu.memory_space<vmem>>) dst(%dma_wait3A_579 : memref<8x224xf32, #tpu.memory_space<hbm>>)
        %scan3A_584 = arith.constant 0 : i32
        %scan3A_585 = arith.constant 8 : i32
        %scan3A_586 = arith.addi %scan3A_584, %scan3A_585 : i32
        %scan3A_587 = arith.constant 1 : i32
        scf.for %scan3A_826 = %scan3A_584 to %scan3A_586 step %scan3A_587  : i32 {
          %mul3A_827 = arith.constant 1 : i32
          %mul3A_828 = arith.muli %scan3A_826, %mul3A_827 : i32
          %add3A_829 = arith.constant 0 : i32
          %add3A_830 = arith.addi %add3A_829, %mul3A_828 : i32
          %parallel_loop3A = arith.constant 0 : i32
          %parallel_loop3A_831 = arith.constant 112 : i32
          %parallel_loop3A_832 = arith.constant 16 : i32
          scf.for %parallel_loop3A_833 = %parallel_loop3A to %parallel_loop3A_831 step %parallel_loop3A_832  : i32 {
            %parallel_loop3A_834 = arith.constant 112 : i32
            %parallel_loop3A_835 = arith.muli %add3A_830, %parallel_loop3A_834 : i32
            %parallel_loop3A_836 = arith.constant 0 : i32
            %parallel_loop3A_837 = arith.addi %parallel_loop3A_836, %parallel_loop3A_835 : i32
            %parallel_loop3A_838 = arith.addi %parallel_loop3A_837, %parallel_loop3A_833 : i32
            %parallel_loop3A_839 = arith.index_cast %parallel_loop3A_838 : i32 to index
            %parallel_loop3A_840 = tpu.vector_load %arg6[%parallel_loop3A_839] {strides = array<i32>} : memref<3584xi32, #tpu.memory_space<vmem>>, vector<16xi32>,
            %parallel_loop3A_841 = arith.constant 65535 : i32
            %parallel_loop3A_842 = vector.broadcast %parallel_loop3A_841 : i32 to vector<16xi32>
            %parallel_loop3A_843 = arith.andi %parallel_loop3A_840, %parallel_loop3A_842 : vector<16xi32>
            %parallel_loop3A_844 = arith.constant 16 : i32
            %parallel_loop3A_845 = vector.broadcast %parallel_loop3A_844 : i32 to vector<16xi32>
            %parallel_loop3A_846 = arith.shrui %parallel_loop3A_840, %parallel_loop3A_845 : vector<16xi32>
            %parallel_loop3A_847 = arith.constant 8 : i32
            %parallel_loop3A_848 = vector.broadcast %parallel_loop3A_847 : i32 to vector<16xi32>
            %parallel_loop3A_849 = arith.shrui %parallel_loop3A_843, %parallel_loop3A_848 : vector<16xi32>
            %parallel_loop3A_850 = arith.constant 255 : i32
            %parallel_loop3A_851 = vector.broadcast %parallel_loop3A_850 : i32 to vector<16xi32>
            %parallel_loop3A_852 = arith.andi %parallel_loop3A_843, %parallel_loop3A_851 : vector<16xi32>
            %parallel_loop3A_853 = tpu.vector_load_idx %arg8[%parallel_loop3A_849, %parallel_loop3A_852] : memref<224x224xf32, #tpu.memory_space<vmem>>[vector<16xi32>, vector<16xi32>], vector<16xf32>,
            %parallel_loop3A_854 = arith.constant 2 : i32
            %parallel_loop3A_855 = arith.muli %parallel_loop3A_854, %parallel_loop3A_833 : i32
            %parallel_loop3A_856 = arith.constant 0 : i32
            %parallel_loop3A_857 = arith.index_cast %parallel_loop3A_856 : i32 to index
            %parallel_loop3A_858 = arith.index_cast %add3A_830 : i32 to index
            %parallel_loop3A_859 = arith.index_cast %parallel_loop3A_855 : i32 to index
            %parallel_loop3A_860 = tpu.vector_load %arg9[%parallel_loop3A_857, %parallel_loop3A_858, %parallel_loop3A_859] {strides = array<i32>} : memref<4x8x224xf32, #tpu.memory_space<vmem>>, vector<16xf32>,
            tpu.vector_store %arg9[%parallel_loop3A_857, %parallel_loop3A_858, %parallel_loop3A_859], %parallel_loop3A_853 {strides = array<i32>} : memref<4x8x224xf32, #tpu.memory_space<vmem>>, vector<16xf32>,
            %parallel_loop3A_861 = arith.constant 8 : i32
            %parallel_loop3A_862 = vector.broadcast %parallel_loop3A_861 : i32 to vector<16xi32>
            %parallel_loop3A_863 = arith.shrui %parallel_loop3A_846, %parallel_loop3A_862 : vector<16xi32>
            %parallel_loop3A_864 = arith.constant 255 : i32
            %parallel_loop3A_865 = vector.broadcast %parallel_loop3A_864 : i32 to vector<16xi32>
            %parallel_loop3A_866 = arith.andi %parallel_loop3A_846, %parallel_loop3A_865 : vector<16xi32>
            %parallel_loop3A_867 = tpu.vector_load_idx %arg8[%parallel_loop3A_863, %parallel_loop3A_866] : memref<224x224xf32, #tpu.memory_space<vmem>>[vector<16xi32>, vector<16xi32>], vector<16xf32>,
            %parallel_loop3A_868 = arith.constant 2 : i32
            %parallel_loop3A_869 = arith.muli %parallel_loop3A_868, %parallel_loop3A_833 : i32
            %parallel_loop3A_870 = arith.constant 16 : i32
            %parallel_loop3A_871 = arith.addi %parallel_loop3A_869, %parallel_loop3A_870 : i32
            %parallel_loop3A_872 = arith.constant 0 : i32
            %parallel_loop3A_873 = arith.index_cast %parallel_loop3A_872 : i32 to index
            %parallel_loop3A_874 = arith.index_cast %add3A_830 : i32 to index
            %parallel_loop3A_875 = arith.index_cast %parallel_loop3A_871 : i32 to index
            %parallel_loop3A_876 = tpu.vector_load %arg9[%parallel_loop3A_873, %parallel_loop3A_874, %parallel_loop3A_875] {strides = array<i32>} : memref<4x8x224xf32, #tpu.memory_space<vmem>>, vector<16xf32>,
            tpu.vector_store %arg9[%parallel_loop3A_873, %parallel_loop3A_874, %parallel_loop3A_875], %parallel_loop3A_867 {strides = array<i32>} : memref<4x8x224xf32, #tpu.memory_space<vmem>>, vector<16xf32>,
          } {sc.loop_unroll_factor = 7 : i64, sc.parallel_access}
        }
        %scan3A_588 = arith.constant 8 : i32
        %mul3A_589 = arith.constant 8 : i32
        %mul3A_590 = arith.muli %add3A_551, %mul3A_589 : i32
        %dma_start3A_591 = arith.constant 0 : i32
        %dma_start3A_592 = arith.constant 0 : i32
        %dma_start3A_593 = arith.constant 0 : i32
        %dma_start3A_594 = arith.constant 0 : i32
        %dma_start3A_595 = tpu.memref_slice %arg9[%dma_start3A_591, %dma_start3A_593, %dma_start3A_594] : memref<4x8x224xf32, #tpu.memory_space<vmem>> -> memref<1x8x224xf32, #tpu.memory_space<vmem>>
        %dma_start3A_596 = tpu.memref_squeeze %dma_start3A_595 : memref<1x8x224xf32, #tpu.memory_space<vmem>> -> memref<8x224xf32, #tpu.memory_space<vmem>>
        %dma_start3A_597 = arith.constant 0 : i32
        %dma_start3A_598 = tpu.memref_slice %arg4[%add3A_29, %mul3A_590, %dma_start3A_597] : memref<1536x224x224xf32, #tpu.memory_space<hbm>> -> memref<1x8x224xf32, #tpu.memory_space<hbm>>
        %dma_start3A_599 = tpu.memref_squeeze %dma_start3A_598 : memref<1x8x224xf32, #tpu.memory_space<hbm>> -> memref<8x224xf32, #tpu.memory_space<hbm>>
        %dma_start3A_600 = tpu.memref_slice %arg10[%dma_start3A_592] : memref<4x!tpu.dma_semaphore, #tpu.memory_space<semaphore_mem>> -> memref<1x!tpu.dma_semaphore, #tpu.memory_space<semaphore_mem>>
        %dma_start3A_601 = tpu.memref_squeeze %dma_start3A_600 : memref<1x!tpu.dma_semaphore, #tpu.memory_space<semaphore_mem>> -> memref<!tpu.dma_semaphore, #tpu.memory_space<semaphore_mem>>
        %dma_start3A_602 = arith.constant 0 : i32
        %dma_start3A_603 = tpu.memref_slice %arg4[%add3A_29, %mul3A_590, %dma_start3A_602] : memref<1536x224x224xf32, #tpu.memory_space<hbm>> -> memref<1x8x224xf32, #tpu.memory_space<hbm>>
        %dma_start3A_604 = tpu.memref_squeeze %dma_start3A_603 : memref<1x8x224xf32, #tpu.memory_space<hbm>> -> memref<8x224xf32, #tpu.memory_space<hbm>>
        %dma_start3A_605 = arith.constant 0 : i32
        %dma_start3A_606 = arith.constant 0 : i32
        %dma_start3A_607 = tpu.memref_slice %arg9[%dma_start3A_591, %dma_start3A_605, %dma_start3A_606] : memref<4x8x224xf32, #tpu.memory_space<vmem>> -> memref<1x8x224xf32, #tpu.memory_space<vmem>>
        %dma_start3A_608 = tpu.memref_squeeze %dma_start3A_607 : memref<1x8x224xf32, #tpu.memory_space<vmem>> -> memref<8x224xf32, #tpu.memory_space<vmem>>
        tpu.enqueue_dma source(%dma_start3A_608 : memref<8x224xf32, #tpu.memory_space<vmem>>) target(%dma_start3A_604 : memref<8x224xf32, #tpu.memory_space<hbm>>) target_semaphore(%dma_start3A_601 : memref<!tpu.dma_semaphore, #tpu.memory_space<semaphore_mem>>)
        %add3A_609 = arith.constant 4 : i32
        %add3A_610 = arith.addi %add3A_551, %add3A_609 : i32
        %lt3A = arith.constant 28 : i32
        %lt3A_611 = arith.cmpi slt, %add3A_610, %lt3A : i32
        %convert_element_type3A = arith.extui %lt3A_611 : i1 to i32
        %cond3A = arith.constant 0 : i32
        %cond3A_612 = arith.cmpi ne, %convert_element_type3A, %cond3A : i32
        scf.if %cond3A_612 {
          %add3A_826 = arith.constant 4 : i32
          %add3A_827 = arith.addi %add3A_551, %add3A_826 : i32
          %mul3A_828 = arith.constant 896 : i32
          %mul3A_829 = arith.muli %add3A_827, %mul3A_828 : i32
          %dma_start3A_830 = arith.constant 0 : i32
          %dma_start3A_831 = arith.constant 0 : i32
          %dma_start3A_832 = tpu.memref_slice %arg6[%dma_start3A_831] : memref<3584xi32, #tpu.memory_space<vmem>> -> memref<896xi32, #tpu.memory_space<vmem>>
          %dma_start3A_833 = tpu.memref_slice %arg3[%mul3A_829] : memref<25088xi32, #tpu.memory_space<hbm>> -> memref<896xi32, #tpu.memory_space<hbm>>
          %dma_start3A_834 = tpu.memref_slice %arg12[%dma_start3A_830] : memref<4x!tpu.dma_semaphore, #tpu.memory_space<semaphore_mem>> -> memref<1x!tpu.dma_semaphore, #tpu.memory_space<semaphore_mem>>
          %dma_start3A_835 = tpu.memref_squeeze %dma_start3A_834 : memref<1x!tpu.dma_semaphore, #tpu.memory_space<semaphore_mem>> -> memref<!tpu.dma_semaphore, #tpu.memory_space<semaphore_mem>>
          %dma_start3A_836 = arith.constant 0 : i32
          %dma_start3A_837 = tpu.memref_slice %arg6[%dma_start3A_836] : memref<3584xi32, #tpu.memory_space<vmem>> -> memref<896xi32, #tpu.memory_space<vmem>>
          %dma_start3A_838 = tpu.memref_slice %arg3[%mul3A_829] : memref<25088xi32, #tpu.memory_space<hbm>> -> memref<896xi32, #tpu.memory_space<hbm>>
          tpu.enqueue_dma source(%dma_start3A_838 : memref<896xi32, #tpu.memory_space<hbm>>) target(%dma_start3A_837 : memref<896xi32, #tpu.memory_space<vmem>>) target_semaphore(%dma_start3A_835 : memref<!tpu.dma_semaphore, #tpu.memory_space<semaphore_mem>>)
        } else {
        }
        %mul3A_613 = arith.constant 4 : i32
        %mul3A_614 = arith.muli %add3A_545, %mul3A_613 : i32
        %add3A_615 = arith.constant 4 : i32
        %add3A_616 = arith.addi %add3A_615, %mul3A_614 : i32
        %add3A_617 = arith.constant 1 : i32
        %add3A_618 = arith.addi %add3A_616, %add3A_617 : i32
        %mul3A_619 = arith.constant 896 : i32
        %mul3A_620 = arith.muli %add3A_618, %mul3A_619 : i32
        %dma_wait3A_621 = arith.constant 1 : i32
        %dma_wait3A_622 = arith.constant 896 : i32
        %dma_wait3A_623 = tpu.memref_slice %arg6[%dma_wait3A_622] : memref<3584xi32, #tpu.memory_space<vmem>> -> memref<896xi32, #tpu.memory_space<vmem>>
        %dma_wait3A_624 = tpu.memref_slice %arg3[%mul3A_620] : memref<25088xi32, #tpu.memory_space<hbm>> -> memref<896xi32, #tpu.memory_space<hbm>>
        %dma_wait3A_625 = tpu.memref_slice %arg12[%dma_wait3A_621] : memref<4x!tpu.dma_semaphore, #tpu.memory_space<semaphore_mem>> -> memref<1x!tpu.dma_semaphore, #tpu.memory_space<semaphore_mem>>
        %dma_wait3A_626 = tpu.memref_squeeze %dma_wait3A_625 : memref<1x!tpu.dma_semaphore, #tpu.memory_space<semaphore_mem>> -> memref<!tpu.dma_semaphore, #tpu.memory_space<semaphore_mem>>
        %dma_wait3A_627 = arith.constant 896 : i32
        %dma_wait3A_628 = tpu.memref_slice %arg6[%dma_wait3A_627] : memref<3584xi32, #tpu.memory_space<vmem>> -> memref<896xi32, #tpu.memory_space<vmem>>
        %dma_wait3A_629 = tpu.memref_slice %arg3[%mul3A_620] : memref<25088xi32, #tpu.memory_space<hbm>> -> memref<896xi32, #tpu.memory_space<hbm>>
        tpu.wait_dma2 semaphore(%dma_wait3A_626 : memref<!tpu.dma_semaphore, #tpu.memory_space<semaphore_mem>>) src(%dma_wait3A_629 : memref<896xi32, #tpu.memory_space<hbm>>) dst(%dma_wait3A_628 : memref<896xi32, #tpu.memory_space<vmem>>)
        %sub3A_630 = arith.constant 4 : i32
        %sub3A_631 = arith.subi %add3A_618, %sub3A_630 : i32
        %mul3A_632 = arith.constant 8 : i32
        %mul3A_633 = arith.muli %sub3A_631, %mul3A_632 : i32
        %dma_wait3A_634 = arith.constant 1 : i32
        %dma_wait3A_635 = arith.constant 1 : i32
        %dma_wait3A_636 = arith.constant 0 : i32
        %dma_wait3A_637 = arith.constant 0 : i32
        %dma_wait3A_638 = tpu.memref_slice %arg9[%dma_wait3A_634, %dma_wait3A_636, %dma_wait3A_637] : memref<4x8x224xf32, #tpu.memory_space<vmem>> -> memref<1x8x224xf32, #tpu.memory_space<vmem>>
        %dma_wait3A_639 = tpu.memref_squeeze %dma_wait3A_638 : memref<1x8x224xf32, #tpu.memory_space<vmem>> -> memref<8x224xf32, #tpu.memory_space<vmem>>
        %dma_wait3A_640 = arith.constant 0 : i32
        %dma_wait3A_641 = tpu.memref_slice %arg4[%add3A_29, %mul3A_633, %dma_wait3A_640] : memref<1536x224x224xf32, #tpu.memory_space<hbm>> -> memref<1x8x224xf32, #tpu.memory_space<hbm>>
        %dma_wait3A_642 = tpu.memref_squeeze %dma_wait3A_641 : memref<1x8x224xf32, #tpu.memory_space<hbm>> -> memref<8x224xf32, #tpu.memory_space<hbm>>
        %dma_wait3A_643 = tpu.memref_slice %arg10[%dma_wait3A_635] : memref<4x!tpu.dma_semaphore, #tpu.memory_space<semaphore_mem>> -> memref<1x!tpu.dma_semaphore, #tpu.memory_space<semaphore_mem>>
        %dma_wait3A_644 = tpu.memref_squeeze %dma_wait3A_643 : memref<1x!tpu.dma_semaphore, #tpu.memory_space<semaphore_mem>> -> memref<!tpu.dma_semaphore, #tpu.memory_space<semaphore_mem>>
        %dma_wait3A_645 = arith.constant 0 : i32
        %dma_wait3A_646 = tpu.memref_slice %arg4[%add3A_29, %mul3A_633, %dma_wait3A_645] : memref<1536x224x224xf32, #tpu.memory_space<hbm>> -> memref<1x8x224xf32, #tpu.memory_space<hbm>>
        %dma_wait3A_647 = tpu.memref_squeeze %dma_wait3A_646 : memref<1x8x224xf32, #tpu.memory_space<hbm>> -> memref<8x224xf32, #tpu.memory_space<hbm>>
        %dma_wait3A_648 = arith.constant 0 : i32
        %dma_wait3A_649 = arith.constant 0 : i32
        %dma_wait3A_650 = tpu.memref_slice %arg9[%dma_wait3A_634, %dma_wait3A_648, %dma_wait3A_649] : memref<4x8x224xf32, #tpu.memory_space<vmem>> -> memref<1x8x224xf32, #tpu.memory_space<vmem>>
        %dma_wait3A_651 = tpu.memref_squeeze %dma_wait3A_650 : memref<1x8x224xf32, #tpu.memory_space<vmem>> -> memref<8x224xf32, #tpu.memory_space<vmem>>
        tpu.wait_dma2 semaphore(%dma_wait3A_644 : memref<!tpu.dma_semaphore, #tpu.memory_space<semaphore_mem>>) src(%dma_wait3A_651 : memref<8x224xf32, #tpu.memory_space<vmem>>) dst(%dma_wait3A_647 : memref<8x224xf32, #tpu.memory_space<hbm>>)
        %scan3A_652 = arith.constant 0 : i32
        %scan3A_653 = arith.constant 8 : i32
        %scan3A_654 = arith.addi %scan3A_652, %scan3A_653 : i32
        %scan3A_655 = arith.constant 1 : i32
        scf.for %scan3A_826 = %scan3A_652 to %scan3A_654 step %scan3A_655  : i32 {
          %mul3A_827 = arith.constant 1 : i32
          %mul3A_828 = arith.muli %scan3A_826, %mul3A_827 : i32
          %add3A_829 = arith.constant 0 : i32
          %add3A_830 = arith.addi %add3A_829, %mul3A_828 : i32
          %parallel_loop3A = arith.constant 0 : i32
          %parallel_loop3A_831 = arith.constant 112 : i32
          %parallel_loop3A_832 = arith.constant 16 : i32
          scf.for %parallel_loop3A_833 = %parallel_loop3A to %parallel_loop3A_831 step %parallel_loop3A_832  : i32 {
            %parallel_loop3A_834 = arith.constant 112 : i32
            %parallel_loop3A_835 = arith.muli %add3A_830, %parallel_loop3A_834 : i32
            %parallel_loop3A_836 = arith.constant 896 : i32
            %parallel_loop3A_837 = arith.addi %parallel_loop3A_836, %parallel_loop3A_835 : i32
            %parallel_loop3A_838 = arith.addi %parallel_loop3A_837, %parallel_loop3A_833 : i32
            %parallel_loop3A_839 = arith.index_cast %parallel_loop3A_838 : i32 to index
            %parallel_loop3A_840 = tpu.vector_load %arg6[%parallel_loop3A_839] {strides = array<i32>} : memref<3584xi32, #tpu.memory_space<vmem>>, vector<16xi32>,
            %parallel_loop3A_841 = arith.constant 65535 : i32
            %parallel_loop3A_842 = vector.broadcast %parallel_loop3A_841 : i32 to vector<16xi32>
            %parallel_loop3A_843 = arith.andi %parallel_loop3A_840, %parallel_loop3A_842 : vector<16xi32>
            %parallel_loop3A_844 = arith.constant 16 : i32
            %parallel_loop3A_845 = vector.broadcast %parallel_loop3A_844 : i32 to vector<16xi32>
            %parallel_loop3A_846 = arith.shrui %parallel_loop3A_840, %parallel_loop3A_845 : vector<16xi32>
            %parallel_loop3A_847 = arith.constant 8 : i32
            %parallel_loop3A_848 = vector.broadcast %parallel_loop3A_847 : i32 to vector<16xi32>
            %parallel_loop3A_849 = arith.shrui %parallel_loop3A_843, %parallel_loop3A_848 : vector<16xi32>
            %parallel_loop3A_850 = arith.constant 255 : i32
            %parallel_loop3A_851 = vector.broadcast %parallel_loop3A_850 : i32 to vector<16xi32>
            %parallel_loop3A_852 = arith.andi %parallel_loop3A_843, %parallel_loop3A_851 : vector<16xi32>
            %parallel_loop3A_853 = tpu.vector_load_idx %arg8[%parallel_loop3A_849, %parallel_loop3A_852] : memref<224x224xf32, #tpu.memory_space<vmem>>[vector<16xi32>, vector<16xi32>], vector<16xf32>,
            %parallel_loop3A_854 = arith.constant 2 : i32
            %parallel_loop3A_855 = arith.muli %parallel_loop3A_854, %parallel_loop3A_833 : i32
            %parallel_loop3A_856 = arith.constant 1 : i32
            %parallel_loop3A_857 = arith.index_cast %parallel_loop3A_856 : i32 to index
            %parallel_loop3A_858 = arith.index_cast %add3A_830 : i32 to index
            %parallel_loop3A_859 = arith.index_cast %parallel_loop3A_855 : i32 to index
            %parallel_loop3A_860 = tpu.vector_load %arg9[%parallel_loop3A_857, %parallel_loop3A_858, %parallel_loop3A_859] {strides = array<i32>} : memref<4x8x224xf32, #tpu.memory_space<vmem>>, vector<16xf32>,
            tpu.vector_store %arg9[%parallel_loop3A_857, %parallel_loop3A_858, %parallel_loop3A_859], %parallel_loop3A_853 {strides = array<i32>} : memref<4x8x224xf32, #tpu.memory_space<vmem>>, vector<16xf32>,
            %parallel_loop3A_861 = arith.constant 8 : i32
            %parallel_loop3A_862 = vector.broadcast %parallel_loop3A_861 : i32 to vector<16xi32>
            %parallel_loop3A_863 = arith.shrui %parallel_loop3A_846, %parallel_loop3A_862 : vector<16xi32>
            %parallel_loop3A_864 = arith.constant 255 : i32
            %parallel_loop3A_865 = vector.broadcast %parallel_loop3A_864 : i32 to vector<16xi32>
            %parallel_loop3A_866 = arith.andi %parallel_loop3A_846, %parallel_loop3A_865 : vector<16xi32>
            %parallel_loop3A_867 = tpu.vector_load_idx %arg8[%parallel_loop3A_863, %parallel_loop3A_866] : memref<224x224xf32, #tpu.memory_space<vmem>>[vector<16xi32>, vector<16xi32>], vector<16xf32>,
            %parallel_loop3A_868 = arith.constant 2 : i32
            %parallel_loop3A_869 = arith.muli %parallel_loop3A_868, %parallel_loop3A_833 : i32
            %parallel_loop3A_870 = arith.constant 16 : i32
            %parallel_loop3A_871 = arith.addi %parallel_loop3A_869, %parallel_loop3A_870 : i32
            %parallel_loop3A_872 = arith.constant 1 : i32
            %parallel_loop3A_873 = arith.index_cast %parallel_loop3A_872 : i32 to index
            %parallel_loop3A_874 = arith.index_cast %add3A_830 : i32 to index
            %parallel_loop3A_875 = arith.index_cast %parallel_loop3A_871 : i32 to index
            %parallel_loop3A_876 = tpu.vector_load %arg9[%parallel_loop3A_873, %parallel_loop3A_874, %parallel_loop3A_875] {strides = array<i32>} : memref<4x8x224xf32, #tpu.memory_space<vmem>>, vector<16xf32>,
            tpu.vector_store %arg9[%parallel_loop3A_873, %parallel_loop3A_874, %parallel_loop3A_875], %parallel_loop3A_867 {strides = array<i32>} : memref<4x8x224xf32, #tpu.memory_space<vmem>>, vector<16xf32>,
          } {sc.loop_unroll_factor = 7 : i64, sc.parallel_access}
        }
        %scan3A_656 = arith.constant 8 : i32
        %mul3A_657 = arith.constant 8 : i32
        %mul3A_658 = arith.muli %add3A_618, %mul3A_657 : i32
        %dma_start3A_659 = arith.constant 1 : i32
        %dma_start3A_660 = arith.constant 1 : i32
        %dma_start3A_661 = arith.constant 0 : i32
        %dma_start3A_662 = arith.constant 0 : i32
        %dma_start3A_663 = tpu.memref_slice %arg9[%dma_start3A_659, %dma_start3A_661, %dma_start3A_662] : memref<4x8x224xf32, #tpu.memory_space<vmem>> -> memref<1x8x224xf32, #tpu.memory_space<vmem>>
        %dma_start3A_664 = tpu.memref_squeeze %dma_start3A_663 : memref<1x8x224xf32, #tpu.memory_space<vmem>> -> memref<8x224xf32, #tpu.memory_space<vmem>>
        %dma_start3A_665 = arith.constant 0 : i32
        %dma_start3A_666 = tpu.memref_slice %arg4[%add3A_29, %mul3A_658, %dma_start3A_665] : memref<1536x224x224xf32, #tpu.memory_space<hbm>> -> memref<1x8x224xf32, #tpu.memory_space<hbm>>
        %dma_start3A_667 = tpu.memref_squeeze %dma_start3A_666 : memref<1x8x224xf32, #tpu.memory_space<hbm>> -> memref<8x224xf32, #tpu.memory_space<hbm>>
        %dma_start3A_668 = tpu.memref_slice %arg10[%dma_start3A_660] : memref<4x!tpu.dma_semaphore, #tpu.memory_space<semaphore_mem>> -> memref<1x!tpu.dma_semaphore, #tpu.memory_space<semaphore_mem>>
        %dma_start3A_669 = tpu.memref_squeeze %dma_start3A_668 : memref<1x!tpu.dma_semaphore, #tpu.memory_space<semaphore_mem>> -> memref<!tpu.dma_semaphore, #tpu.memory_space<semaphore_mem>>
        %dma_start3A_670 = arith.constant 0 : i32
        %dma_start3A_671 = tpu.memref_slice %arg4[%add3A_29, %mul3A_658, %dma_start3A_670] : memref<1536x224x224xf32, #tpu.memory_space<hbm>> -> memref<1x8x224xf32, #tpu.memory_space<hbm>>
        %dma_start3A_672 = tpu.memref_squeeze %dma_start3A_671 : memref<1x8x224xf32, #tpu.memory_space<hbm>> -> memref<8x224xf32, #tpu.memory_space<hbm>>
        %dma_start3A_673 = arith.constant 0 : i32
        %dma_start3A_674 = arith.constant 0 : i32
        %dma_start3A_675 = tpu.memref_slice %arg9[%dma_start3A_659, %dma_start3A_673, %dma_start3A_674] : memref<4x8x224xf32, #tpu.memory_space<vmem>> -> memref<1x8x224xf32, #tpu.memory_space<vmem>>
        %dma_start3A_676 = tpu.memref_squeeze %dma_start3A_675 : memref<1x8x224xf32, #tpu.memory_space<vmem>> -> memref<8x224xf32, #tpu.memory_space<vmem>>
        tpu.enqueue_dma source(%dma_start3A_676 : memref<8x224xf32, #tpu.memory_space<vmem>>) target(%dma_start3A_672 : memref<8x224xf32, #tpu.memory_space<hbm>>) target_semaphore(%dma_start3A_669 : memref<!tpu.dma_semaphore, #tpu.memory_space<semaphore_mem>>)
        %add3A_677 = arith.constant 4 : i32
        %add3A_678 = arith.addi %add3A_618, %add3A_677 : i32
        %lt3A_679 = arith.constant 28 : i32
        %lt3A_680 = arith.cmpi slt, %add3A_678, %lt3A_679 : i32
        %convert_element_type3A_681 = arith.extui %lt3A_680 : i1 to i32
        %cond3A_682 = arith.constant 0 : i32
        %cond3A_683 = arith.cmpi ne, %convert_element_type3A_681, %cond3A_682 : i32
        scf.if %cond3A_683 {
          %add3A_826 = arith.constant 4 : i32
          %add3A_827 = arith.addi %add3A_618, %add3A_826 : i32
          %mul3A_828 = arith.constant 896 : i32
          %mul3A_829 = arith.muli %add3A_827, %mul3A_828 : i32
          %dma_start3A_830 = arith.constant 1 : i32
          %dma_start3A_831 = arith.constant 896 : i32
          %dma_start3A_832 = tpu.memref_slice %arg6[%dma_start3A_831] : memref<3584xi32, #tpu.memory_space<vmem>> -> memref<896xi32, #tpu.memory_space<vmem>>
          %dma_start3A_833 = tpu.memref_slice %arg3[%mul3A_829] : memref<25088xi32, #tpu.memory_space<hbm>> -> memref<896xi32, #tpu.memory_space<hbm>>
          %dma_start3A_834 = tpu.memref_slice %arg12[%dma_start3A_830] : memref<4x!tpu.dma_semaphore, #tpu.memory_space<semaphore_mem>> -> memref<1x!tpu.dma_semaphore, #tpu.memory_space<semaphore_mem>>
          %dma_start3A_835 = tpu.memref_squeeze %dma_start3A_834 : memref<1x!tpu.dma_semaphore, #tpu.memory_space<semaphore_mem>> -> memref<!tpu.dma_semaphore, #tpu.memory_space<semaphore_mem>>
          %dma_start3A_836 = arith.constant 896 : i32
          %dma_start3A_837 = tpu.memref_slice %arg6[%dma_start3A_836] : memref<3584xi32, #tpu.memory_space<vmem>> -> memref<896xi32, #tpu.memory_space<vmem>>
          %dma_start3A_838 = tpu.memref_slice %arg3[%mul3A_829] : memref<25088xi32, #tpu.memory_space<hbm>> -> memref<896xi32, #tpu.memory_space<hbm>>
          tpu.enqueue_dma source(%dma_start3A_838 : memref<896xi32, #tpu.memory_space<hbm>>) target(%dma_start3A_837 : memref<896xi32, #tpu.memory_space<vmem>>) target_semaphore(%dma_start3A_835 : memref<!tpu.dma_semaphore, #tpu.memory_space<semaphore_mem>>)
        } else {
        }
        %mul3A_684 = arith.constant 4 : i32
        %mul3A_685 = arith.muli %add3A_545, %mul3A_684 : i32
        %add3A_686 = arith.constant 4 : i32
        %add3A_687 = arith.addi %add3A_686, %mul3A_685 : i32
        %add3A_688 = arith.constant 2 : i32
        %add3A_689 = arith.addi %add3A_687, %add3A_688 : i32
        %mul3A_690 = arith.constant 896 : i32
        %mul3A_691 = arith.muli %add3A_689, %mul3A_690 : i32
        %dma_wait3A_692 = arith.constant 2 : i32
        %dma_wait3A_693 = arith.constant 1792 : i32
        %dma_wait3A_694 = tpu.memref_slice %arg6[%dma_wait3A_693] : memref<3584xi32, #tpu.memory_space<vmem>> -> memref<896xi32, #tpu.memory_space<vmem>>
        %dma_wait3A_695 = tpu.memref_slice %arg3[%mul3A_691] : memref<25088xi32, #tpu.memory_space<hbm>> -> memref<896xi32, #tpu.memory_space<hbm>>
        %dma_wait3A_696 = tpu.memref_slice %arg12[%dma_wait3A_692] : memref<4x!tpu.dma_semaphore, #tpu.memory_space<semaphore_mem>> -> memref<1x!tpu.dma_semaphore, #tpu.memory_space<semaphore_mem>>
        %dma_wait3A_697 = tpu.memref_squeeze %dma_wait3A_696 : memref<1x!tpu.dma_semaphore, #tpu.memory_space<semaphore_mem>> -> memref<!tpu.dma_semaphore, #tpu.memory_space<semaphore_mem>>
        %dma_wait3A_698 = arith.constant 1792 : i32
        %dma_wait3A_699 = tpu.memref_slice %arg6[%dma_wait3A_698] : memref<3584xi32, #tpu.memory_space<vmem>> -> memref<896xi32, #tpu.memory_space<vmem>>
        %dma_wait3A_700 = tpu.memref_slice %arg3[%mul3A_691] : memref<25088xi32, #tpu.memory_space<hbm>> -> memref<896xi32, #tpu.memory_space<hbm>>
        tpu.wait_dma2 semaphore(%dma_wait3A_697 : memref<!tpu.dma_semaphore, #tpu.memory_space<semaphore_mem>>) src(%dma_wait3A_700 : memref<896xi32, #tpu.memory_space<hbm>>) dst(%dma_wait3A_699 : memref<896xi32, #tpu.memory_space<vmem>>)
        %sub3A_701 = arith.constant 4 : i32
        %sub3A_702 = arith.subi %add3A_689, %sub3A_701 : i32
        %mul3A_703 = arith.constant 8 : i32
        %mul3A_704 = arith.muli %sub3A_702, %mul3A_703 : i32
        %dma_wait3A_705 = arith.constant 2 : i32
        %dma_wait3A_706 = arith.constant 2 : i32
        %dma_wait3A_707 = arith.constant 0 : i32
        %dma_wait3A_708 = arith.constant 0 : i32
        %dma_wait3A_709 = tpu.memref_slice %arg9[%dma_wait3A_705, %dma_wait3A_707, %dma_wait3A_708] : memref<4x8x224xf32, #tpu.memory_space<vmem>> -> memref<1x8x224xf32, #tpu.memory_space<vmem>>
        %dma_wait3A_710 = tpu.memref_squeeze %dma_wait3A_709 : memref<1x8x224xf32, #tpu.memory_space<vmem>> -> memref<8x224xf32, #tpu.memory_space<vmem>>
        %dma_wait3A_711 = arith.constant 0 : i32
        %dma_wait3A_712 = tpu.memref_slice %arg4[%add3A_29, %mul3A_704, %dma_wait3A_711] : memref<1536x224x224xf32, #tpu.memory_space<hbm>> -> memref<1x8x224xf32, #tpu.memory_space<hbm>>
        %dma_wait3A_713 = tpu.memref_squeeze %dma_wait3A_712 : memref<1x8x224xf32, #tpu.memory_space<hbm>> -> memref<8x224xf32, #tpu.memory_space<hbm>>
        %dma_wait3A_714 = tpu.memref_slice %arg10[%dma_wait3A_706] : memref<4x!tpu.dma_semaphore, #tpu.memory_space<semaphore_mem>> -> memref<1x!tpu.dma_semaphore, #tpu.memory_space<semaphore_mem>>
        %dma_wait3A_715 = tpu.memref_squeeze %dma_wait3A_714 : memref<1x!tpu.dma_semaphore, #tpu.memory_space<semaphore_mem>> -> memref<!tpu.dma_semaphore, #tpu.memory_space<semaphore_mem>>
        %dma_wait3A_716 = arith.constant 0 : i32
        %dma_wait3A_717 = tpu.memref_slice %arg4[%add3A_29, %mul3A_704, %dma_wait3A_716] : memref<1536x224x224xf32, #tpu.memory_space<hbm>> -> memref<1x8x224xf32, #tpu.memory_space<hbm>>
        %dma_wait3A_718 = tpu.memref_squeeze %dma_wait3A_717 : memref<1x8x224xf32, #tpu.memory_space<hbm>> -> memref<8x224xf32, #tpu.memory_space<hbm>>
        %dma_wait3A_719 = arith.constant 0 : i32
        %dma_wait3A_720 = arith.constant 0 : i32
        %dma_wait3A_721 = tpu.memref_slice %arg9[%dma_wait3A_705, %dma_wait3A_719, %dma_wait3A_720] : memref<4x8x224xf32, #tpu.memory_space<vmem>> -> memref<1x8x224xf32, #tpu.memory_space<vmem>>
        %dma_wait3A_722 = tpu.memref_squeeze %dma_wait3A_721 : memref<1x8x224xf32, #tpu.memory_space<vmem>> -> memref<8x224xf32, #tpu.memory_space<vmem>>
        tpu.wait_dma2 semaphore(%dma_wait3A_715 : memref<!tpu.dma_semaphore, #tpu.memory_space<semaphore_mem>>) src(%dma_wait3A_722 : memref<8x224xf32, #tpu.memory_space<vmem>>) dst(%dma_wait3A_718 : memref<8x224xf32, #tpu.memory_space<hbm>>)
        %scan3A_723 = arith.constant 0 : i32
        %scan3A_724 = arith.constant 8 : i32
        %scan3A_725 = arith.addi %scan3A_723, %scan3A_724 : i32
        %scan3A_726 = arith.constant 1 : i32
        scf.for %scan3A_826 = %scan3A_723 to %scan3A_725 step %scan3A_726  : i32 {
          %mul3A_827 = arith.constant 1 : i32
          %mul3A_828 = arith.muli %scan3A_826, %mul3A_827 : i32
          %add3A_829 = arith.constant 0 : i32
          %add3A_830 = arith.addi %add3A_829, %mul3A_828 : i32
          %parallel_loop3A = arith.constant 0 : i32
          %parallel_loop3A_831 = arith.constant 112 : i32
          %parallel_loop3A_832 = arith.constant 16 : i32
          scf.for %parallel_loop3A_833 = %parallel_loop3A to %parallel_loop3A_831 step %parallel_loop3A_832  : i32 {
            %parallel_loop3A_834 = arith.constant 112 : i32
            %parallel_loop3A_835 = arith.muli %add3A_830, %parallel_loop3A_834 : i32
            %parallel_loop3A_836 = arith.constant 1792 : i32
            %parallel_loop3A_837 = arith.addi %parallel_loop3A_836, %parallel_loop3A_835 : i32
            %parallel_loop3A_838 = arith.addi %parallel_loop3A_837, %parallel_loop3A_833 : i32
            %parallel_loop3A_839 = arith.index_cast %parallel_loop3A_838 : i32 to index
            %parallel_loop3A_840 = tpu.vector_load %arg6[%parallel_loop3A_839] {strides = array<i32>} : memref<3584xi32, #tpu.memory_space<vmem>>, vector<16xi32>,
            %parallel_loop3A_841 = arith.constant 65535 : i32
            %parallel_loop3A_842 = vector.broadcast %parallel_loop3A_841 : i32 to vector<16xi32>
            %parallel_loop3A_843 = arith.andi %parallel_loop3A_840, %parallel_loop3A_842 : vector<16xi32>
            %parallel_loop3A_844 = arith.constant 16 : i32
            %parallel_loop3A_845 = vector.broadcast %parallel_loop3A_844 : i32 to vector<16xi32>
            %parallel_loop3A_846 = arith.shrui %parallel_loop3A_840, %parallel_loop3A_845 : vector<16xi32>
            %parallel_loop3A_847 = arith.constant 8 : i32
            %parallel_loop3A_848 = vector.broadcast %parallel_loop3A_847 : i32 to vector<16xi32>
            %parallel_loop3A_849 = arith.shrui %parallel_loop3A_843, %parallel_loop3A_848 : vector<16xi32>
            %parallel_loop3A_850 = arith.constant 255 : i32
            %parallel_loop3A_851 = vector.broadcast %parallel_loop3A_850 : i32 to vector<16xi32>
            %parallel_loop3A_852 = arith.andi %parallel_loop3A_843, %parallel_loop3A_851 : vector<16xi32>
            %parallel_loop3A_853 = tpu.vector_load_idx %arg8[%parallel_loop3A_849, %parallel_loop3A_852] : memref<224x224xf32, #tpu.memory_space<vmem>>[vector<16xi32>, vector<16xi32>], vector<16xf32>,
            %parallel_loop3A_854 = arith.constant 2 : i32
            %parallel_loop3A_855 = arith.muli %parallel_loop3A_854, %parallel_loop3A_833 : i32
            %parallel_loop3A_856 = arith.constant 2 : i32
            %parallel_loop3A_857 = arith.index_cast %parallel_loop3A_856 : i32 to index
            %parallel_loop3A_858 = arith.index_cast %add3A_830 : i32 to index
            %parallel_loop3A_859 = arith.index_cast %parallel_loop3A_855 : i32 to index
            %parallel_loop3A_860 = tpu.vector_load %arg9[%parallel_loop3A_857, %parallel_loop3A_858, %parallel_loop3A_859] {strides = array<i32>} : memref<4x8x224xf32, #tpu.memory_space<vmem>>, vector<16xf32>,
            tpu.vector_store %arg9[%parallel_loop3A_857, %parallel_loop3A_858, %parallel_loop3A_859], %parallel_loop3A_853 {strides = array<i32>} : memref<4x8x224xf32, #tpu.memory_space<vmem>>, vector<16xf32>,
            %parallel_loop3A_861 = arith.constant 8 : i32
            %parallel_loop3A_862 = vector.broadcast %parallel_loop3A_861 : i32 to vector<16xi32>
            %parallel_loop3A_863 = arith.shrui %parallel_loop3A_846, %parallel_loop3A_862 : vector<16xi32>
            %parallel_loop3A_864 = arith.constant 255 : i32
            %parallel_loop3A_865 = vector.broadcast %parallel_loop3A_864 : i32 to vector<16xi32>
            %parallel_loop3A_866 = arith.andi %parallel_loop3A_846, %parallel_loop3A_865 : vector<16xi32>
            %parallel_loop3A_867 = tpu.vector_load_idx %arg8[%parallel_loop3A_863, %parallel_loop3A_866] : memref<224x224xf32, #tpu.memory_space<vmem>>[vector<16xi32>, vector<16xi32>], vector<16xf32>,
            %parallel_loop3A_868 = arith.constant 2 : i32
            %parallel_loop3A_869 = arith.muli %parallel_loop3A_868, %parallel_loop3A_833 : i32
            %parallel_loop3A_870 = arith.constant 16 : i32
            %parallel_loop3A_871 = arith.addi %parallel_loop3A_869, %parallel_loop3A_870 : i32
            %parallel_loop3A_872 = arith.constant 2 : i32
            %parallel_loop3A_873 = arith.index_cast %parallel_loop3A_872 : i32 to index
            %parallel_loop3A_874 = arith.index_cast %add3A_830 : i32 to index
            %parallel_loop3A_875 = arith.index_cast %parallel_loop3A_871 : i32 to index
            %parallel_loop3A_876 = tpu.vector_load %arg9[%parallel_loop3A_873, %parallel_loop3A_874, %parallel_loop3A_875] {strides = array<i32>} : memref<4x8x224xf32, #tpu.memory_space<vmem>>, vector<16xf32>,
            tpu.vector_store %arg9[%parallel_loop3A_873, %parallel_loop3A_874, %parallel_loop3A_875], %parallel_loop3A_867 {strides = array<i32>} : memref<4x8x224xf32, #tpu.memory_space<vmem>>, vector<16xf32>,
          } {sc.loop_unroll_factor = 7 : i64, sc.parallel_access}
        }
        %scan3A_727 = arith.constant 8 : i32
        %mul3A_728 = arith.constant 8 : i32
        %mul3A_729 = arith.muli %add3A_689, %mul3A_728 : i32
        %dma_start3A_730 = arith.constant 2 : i32
        %dma_start3A_731 = arith.constant 2 : i32
        %dma_start3A_732 = arith.constant 0 : i32
        %dma_start3A_733 = arith.constant 0 : i32
        %dma_start3A_734 = tpu.memref_slice %arg9[%dma_start3A_730, %dma_start3A_732, %dma_start3A_733] : memref<4x8x224xf32, #tpu.memory_space<vmem>> -> memref<1x8x224xf32, #tpu.memory_space<vmem>>
        %dma_start3A_735 = tpu.memref_squeeze %dma_start3A_734 : memref<1x8x224xf32, #tpu.memory_space<vmem>> -> memref<8x224xf32, #tpu.memory_space<vmem>>
        %dma_start3A_736 = arith.constant 0 : i32
        %dma_start3A_737 = tpu.memref_slice %arg4[%add3A_29, %mul3A_729, %dma_start3A_736] : memref<1536x224x224xf32, #tpu.memory_space<hbm>> -> memref<1x8x224xf32, #tpu.memory_space<hbm>>
        %dma_start3A_738 = tpu.memref_squeeze %dma_start3A_737 : memref<1x8x224xf32, #tpu.memory_space<hbm>> -> memref<8x224xf32, #tpu.memory_space<hbm>>
        %dma_start3A_739 = tpu.memref_slice %arg10[%dma_start3A_731] : memref<4x!tpu.dma_semaphore, #tpu.memory_space<semaphore_mem>> -> memref<1x!tpu.dma_semaphore, #tpu.memory_space<semaphore_mem>>
        %dma_start3A_740 = tpu.memref_squeeze %dma_start3A_739 : memref<1x!tpu.dma_semaphore, #tpu.memory_space<semaphore_mem>> -> memref<!tpu.dma_semaphore, #tpu.memory_space<semaphore_mem>>
        %dma_start3A_741 = arith.constant 0 : i32
        %dma_start3A_742 = tpu.memref_slice %arg4[%add3A_29, %mul3A_729, %dma_start3A_741] : memref<1536x224x224xf32, #tpu.memory_space<hbm>> -> memref<1x8x224xf32, #tpu.memory_space<hbm>>
        %dma_start3A_743 = tpu.memref_squeeze %dma_start3A_742 : memref<1x8x224xf32, #tpu.memory_space<hbm>> -> memref<8x224xf32, #tpu.memory_space<hbm>>
        %dma_start3A_744 = arith.constant 0 : i32
        %dma_start3A_745 = arith.constant 0 : i32
        %dma_start3A_746 = tpu.memref_slice %arg9[%dma_start3A_730, %dma_start3A_744, %dma_start3A_745] : memref<4x8x224xf32, #tpu.memory_space<vmem>> -> memref<1x8x224xf32, #tpu.memory_space<vmem>>
        %dma_start3A_747 = tpu.memref_squeeze %dma_start3A_746 : memref<1x8x224xf32, #tpu.memory_space<vmem>> -> memref<8x224xf32, #tpu.memory_space<vmem>>
        tpu.enqueue_dma source(%dma_start3A_747 : memref<8x224xf32, #tpu.memory_space<vmem>>) target(%dma_start3A_743 : memref<8x224xf32, #tpu.memory_space<hbm>>) target_semaphore(%dma_start3A_740 : memref<!tpu.dma_semaphore, #tpu.memory_space<semaphore_mem>>)
        %add3A_748 = arith.constant 4 : i32
        %add3A_749 = arith.addi %add3A_689, %add3A_748 : i32
        %lt3A_750 = arith.constant 28 : i32
        %lt3A_751 = arith.cmpi slt, %add3A_749, %lt3A_750 : i32
        %convert_element_type3A_752 = arith.extui %lt3A_751 : i1 to i32
        %cond3A_753 = arith.constant 0 : i32
        %cond3A_754 = arith.cmpi ne, %convert_element_type3A_752, %cond3A_753 : i32
        scf.if %cond3A_754 {
          %add3A_826 = arith.constant 4 : i32
          %add3A_827 = arith.addi %add3A_689, %add3A_826 : i32
          %mul3A_828 = arith.constant 896 : i32
          %mul3A_829 = arith.muli %add3A_827, %mul3A_828 : i32
          %dma_start3A_830 = arith.constant 2 : i32
          %dma_start3A_831 = arith.constant 1792 : i32
          %dma_start3A_832 = tpu.memref_slice %arg6[%dma_start3A_831] : memref<3584xi32, #tpu.memory_space<vmem>> -> memref<896xi32, #tpu.memory_space<vmem>>
          %dma_start3A_833 = tpu.memref_slice %arg3[%mul3A_829] : memref<25088xi32, #tpu.memory_space<hbm>> -> memref<896xi32, #tpu.memory_space<hbm>>
          %dma_start3A_834 = tpu.memref_slice %arg12[%dma_start3A_830] : memref<4x!tpu.dma_semaphore, #tpu.memory_space<semaphore_mem>> -> memref<1x!tpu.dma_semaphore, #tpu.memory_space<semaphore_mem>>
          %dma_start3A_835 = tpu.memref_squeeze %dma_start3A_834 : memref<1x!tpu.dma_semaphore, #tpu.memory_space<semaphore_mem>> -> memref<!tpu.dma_semaphore, #tpu.memory_space<semaphore_mem>>
          %dma_start3A_836 = arith.constant 1792 : i32
          %dma_start3A_837 = tpu.memref_slice %arg6[%dma_start3A_836] : memref<3584xi32, #tpu.memory_space<vmem>> -> memref<896xi32, #tpu.memory_space<vmem>>
          %dma_start3A_838 = tpu.memref_slice %arg3[%mul3A_829] : memref<25088xi32, #tpu.memory_space<hbm>> -> memref<896xi32, #tpu.memory_space<hbm>>
          tpu.enqueue_dma source(%dma_start3A_838 : memref<896xi32, #tpu.memory_space<hbm>>) target(%dma_start3A_837 : memref<896xi32, #tpu.memory_space<vmem>>) target_semaphore(%dma_start3A_835 : memref<!tpu.dma_semaphore, #tpu.memory_space<semaphore_mem>>)
        } else {
        }
        %mul3A_755 = arith.constant 4 : i32
        %mul3A_756 = arith.muli %add3A_545, %mul3A_755 : i32
        %add3A_757 = arith.constant 4 : i32
        %add3A_758 = arith.addi %add3A_757, %mul3A_756 : i32
        %add3A_759 = arith.constant 3 : i32
        %add3A_760 = arith.addi %add3A_758, %add3A_759 : i32
        %mul3A_761 = arith.constant 896 : i32
        %mul3A_762 = arith.muli %add3A_760, %mul3A_761 : i32
        %dma_wait3A_763 = arith.constant 3 : i32
        %dma_wait3A_764 = arith.constant 2688 : i32
        %dma_wait3A_765 = tpu.memref_slice %arg6[%dma_wait3A_764] : memref<3584xi32, #tpu.memory_space<vmem>> -> memref<896xi32, #tpu.memory_space<vmem>>
        %dma_wait3A_766 = tpu.memref_slice %arg3[%mul3A_762] : memref<25088xi32, #tpu.memory_space<hbm>> -> memref<896xi32, #tpu.memory_space<hbm>>
        %dma_wait3A_767 = tpu.memref_slice %arg12[%dma_wait3A_763] : memref<4x!tpu.dma_semaphore, #tpu.memory_space<semaphore_mem>> -> memref<1x!tpu.dma_semaphore, #tpu.memory_space<semaphore_mem>>
        %dma_wait3A_768 = tpu.memref_squeeze %dma_wait3A_767 : memref<1x!tpu.dma_semaphore, #tpu.memory_space<semaphore_mem>> -> memref<!tpu.dma_semaphore, #tpu.memory_space<semaphore_mem>>
        %dma_wait3A_769 = arith.constant 2688 : i32
        %dma_wait3A_770 = tpu.memref_slice %arg6[%dma_wait3A_769] : memref<3584xi32, #tpu.memory_space<vmem>> -> memref<896xi32, #tpu.memory_space<vmem>>
        %dma_wait3A_771 = tpu.memref_slice %arg3[%mul3A_762] : memref<25088xi32, #tpu.memory_space<hbm>> -> memref<896xi32, #tpu.memory_space<hbm>>
        tpu.wait_dma2 semaphore(%dma_wait3A_768 : memref<!tpu.dma_semaphore, #tpu.memory_space<semaphore_mem>>) src(%dma_wait3A_771 : memref<896xi32, #tpu.memory_space<hbm>>) dst(%dma_wait3A_770 : memref<896xi32, #tpu.memory_space<vmem>>)
        %sub3A_772 = arith.constant 4 : i32
        %sub3A_773 = arith.subi %add3A_760, %sub3A_772 : i32
        %mul3A_774 = arith.constant 8 : i32
        %mul3A_775 = arith.muli %sub3A_773, %mul3A_774 : i32
        %dma_wait3A_776 = arith.constant 3 : i32
        %dma_wait3A_777 = arith.constant 3 : i32
        %dma_wait3A_778 = arith.constant 0 : i32
        %dma_wait3A_779 = arith.constant 0 : i32
        %dma_wait3A_780 = tpu.memref_slice %arg9[%dma_wait3A_776, %dma_wait3A_778, %dma_wait3A_779] : memref<4x8x224xf32, #tpu.memory_space<vmem>> -> memref<1x8x224xf32, #tpu.memory_space<vmem>>
        %dma_wait3A_781 = tpu.memref_squeeze %dma_wait3A_780 : memref<1x8x224xf32, #tpu.memory_space<vmem>> -> memref<8x224xf32, #tpu.memory_space<vmem>>
        %dma_wait3A_782 = arith.constant 0 : i32
        %dma_wait3A_783 = tpu.memref_slice %arg4[%add3A_29, %mul3A_775, %dma_wait3A_782] : memref<1536x224x224xf32, #tpu.memory_space<hbm>> -> memref<1x8x224xf32, #tpu.memory_space<hbm>>
        %dma_wait3A_784 = tpu.memref_squeeze %dma_wait3A_783 : memref<1x8x224xf32, #tpu.memory_space<hbm>> -> memref<8x224xf32, #tpu.memory_space<hbm>>
        %dma_wait3A_785 = tpu.memref_slice %arg10[%dma_wait3A_777] : memref<4x!tpu.dma_semaphore, #tpu.memory_space<semaphore_mem>> -> memref<1x!tpu.dma_semaphore, #tpu.memory_space<semaphore_mem>>
        %dma_wait3A_786 = tpu.memref_squeeze %dma_wait3A_785 : memref<1x!tpu.dma_semaphore, #tpu.memory_space<semaphore_mem>> -> memref<!tpu.dma_semaphore, #tpu.memory_space<semaphore_mem>>
        %dma_wait3A_787 = arith.constant 0 : i32
        %dma_wait3A_788 = tpu.memref_slice %arg4[%add3A_29, %mul3A_775, %dma_wait3A_787] : memref<1536x224x224xf32, #tpu.memory_space<hbm>> -> memref<1x8x224xf32, #tpu.memory_space<hbm>>
        %dma_wait3A_789 = tpu.memref_squeeze %dma_wait3A_788 : memref<1x8x224xf32, #tpu.memory_space<hbm>> -> memref<8x224xf32, #tpu.memory_space<hbm>>
        %dma_wait3A_790 = arith.constant 0 : i32
        %dma_wait3A_791 = arith.constant 0 : i32
        %dma_wait3A_792 = tpu.memref_slice %arg9[%dma_wait3A_776, %dma_wait3A_790, %dma_wait3A_791] : memref<4x8x224xf32, #tpu.memory_space<vmem>> -> memref<1x8x224xf32, #tpu.memory_space<vmem>>
        %dma_wait3A_793 = tpu.memref_squeeze %dma_wait3A_792 : memref<1x8x224xf32, #tpu.memory_space<vmem>> -> memref<8x224xf32, #tpu.memory_space<vmem>>
        tpu.wait_dma2 semaphore(%dma_wait3A_786 : memref<!tpu.dma_semaphore, #tpu.memory_space<semaphore_mem>>) src(%dma_wait3A_793 : memref<8x224xf32, #tpu.memory_space<vmem>>) dst(%dma_wait3A_789 : memref<8x224xf32, #tpu.memory_space<hbm>>)
        %scan3A_794 = arith.constant 0 : i32
        %scan3A_795 = arith.constant 8 : i32
        %scan3A_796 = arith.addi %scan3A_794, %scan3A_795 : i32
        %scan3A_797 = arith.constant 1 : i32
        scf.for %scan3A_826 = %scan3A_794 to %scan3A_796 step %scan3A_797  : i32 {
          %mul3A_827 = arith.constant 1 : i32
          %mul3A_828 = arith.muli %scan3A_826, %mul3A_827 : i32
          %add3A_829 = arith.constant 0 : i32
          %add3A_830 = arith.addi %add3A_829, %mul3A_828 : i32
          %parallel_loop3A = arith.constant 0 : i32
          %parallel_loop3A_831 = arith.constant 112 : i32
          %parallel_loop3A_832 = arith.constant 16 : i32
          scf.for %parallel_loop3A_833 = %parallel_loop3A to %parallel_loop3A_831 step %parallel_loop3A_832  : i32 {
            %parallel_loop3A_834 = arith.constant 112 : i32
            %parallel_loop3A_835 = arith.muli %add3A_830, %parallel_loop3A_834 : i32
            %parallel_loop3A_836 = arith.constant 2688 : i32
            %parallel_loop3A_837 = arith.addi %parallel_loop3A_836, %parallel_loop3A_835 : i32
            %parallel_loop3A_838 = arith.addi %parallel_loop3A_837, %parallel_loop3A_833 : i32
            %parallel_loop3A_839 = arith.index_cast %parallel_loop3A_838 : i32 to index
            %parallel_loop3A_840 = tpu.vector_load %arg6[%parallel_loop3A_839] {strides = array<i32>} : memref<3584xi32, #tpu.memory_space<vmem>>, vector<16xi32>,
            %parallel_loop3A_841 = arith.constant 65535 : i32
            %parallel_loop3A_842 = vector.broadcast %parallel_loop3A_841 : i32 to vector<16xi32>
            %parallel_loop3A_843 = arith.andi %parallel_loop3A_840, %parallel_loop3A_842 : vector<16xi32>
            %parallel_loop3A_844 = arith.constant 16 : i32
            %parallel_loop3A_845 = vector.broadcast %parallel_loop3A_844 : i32 to vector<16xi32>
            %parallel_loop3A_846 = arith.shrui %parallel_loop3A_840, %parallel_loop3A_845 : vector<16xi32>
            %parallel_loop3A_847 = arith.constant 8 : i32
            %parallel_loop3A_848 = vector.broadcast %parallel_loop3A_847 : i32 to vector<16xi32>
            %parallel_loop3A_849 = arith.shrui %parallel_loop3A_843, %parallel_loop3A_848 : vector<16xi32>
            %parallel_loop3A_850 = arith.constant 255 : i32
            %parallel_loop3A_851 = vector.broadcast %parallel_loop3A_850 : i32 to vector<16xi32>
            %parallel_loop3A_852 = arith.andi %parallel_loop3A_843, %parallel_loop3A_851 : vector<16xi32>
            %parallel_loop3A_853 = tpu.vector_load_idx %arg8[%parallel_loop3A_849, %parallel_loop3A_852] : memref<224x224xf32, #tpu.memory_space<vmem>>[vector<16xi32>, vector<16xi32>], vector<16xf32>,
            %parallel_loop3A_854 = arith.constant 2 : i32
            %parallel_loop3A_855 = arith.muli %parallel_loop3A_854, %parallel_loop3A_833 : i32
            %parallel_loop3A_856 = arith.constant 3 : i32
            %parallel_loop3A_857 = arith.index_cast %parallel_loop3A_856 : i32 to index
            %parallel_loop3A_858 = arith.index_cast %add3A_830 : i32 to index
            %parallel_loop3A_859 = arith.index_cast %parallel_loop3A_855 : i32 to index
            %parallel_loop3A_860 = tpu.vector_load %arg9[%parallel_loop3A_857, %parallel_loop3A_858, %parallel_loop3A_859] {strides = array<i32>} : memref<4x8x224xf32, #tpu.memory_space<vmem>>, vector<16xf32>,
            tpu.vector_store %arg9[%parallel_loop3A_857, %parallel_loop3A_858, %parallel_loop3A_859], %parallel_loop3A_853 {strides = array<i32>} : memref<4x8x224xf32, #tpu.memory_space<vmem>>, vector<16xf32>,
            %parallel_loop3A_861 = arith.constant 8 : i32
            %parallel_loop3A_862 = vector.broadcast %parallel_loop3A_861 : i32 to vector<16xi32>
            %parallel_loop3A_863 = arith.shrui %parallel_loop3A_846, %parallel_loop3A_862 : vector<16xi32>
            %parallel_loop3A_864 = arith.constant 255 : i32
            %parallel_loop3A_865 = vector.broadcast %parallel_loop3A_864 : i32 to vector<16xi32>
            %parallel_loop3A_866 = arith.andi %parallel_loop3A_846, %parallel_loop3A_865 : vector<16xi32>
            %parallel_loop3A_867 = tpu.vector_load_idx %arg8[%parallel_loop3A_863, %parallel_loop3A_866] : memref<224x224xf32, #tpu.memory_space<vmem>>[vector<16xi32>, vector<16xi32>], vector<16xf32>,
            %parallel_loop3A_868 = arith.constant 2 : i32
            %parallel_loop3A_869 = arith.muli %parallel_loop3A_868, %parallel_loop3A_833 : i32
            %parallel_loop3A_870 = arith.constant 16 : i32
            %parallel_loop3A_871 = arith.addi %parallel_loop3A_869, %parallel_loop3A_870 : i32
            %parallel_loop3A_872 = arith.constant 3 : i32
            %parallel_loop3A_873 = arith.index_cast %parallel_loop3A_872 : i32 to index
            %parallel_loop3A_874 = arith.index_cast %add3A_830 : i32 to index
            %parallel_loop3A_875 = arith.index_cast %parallel_loop3A_871 : i32 to index
            %parallel_loop3A_876 = tpu.vector_load %arg9[%parallel_loop3A_873, %parallel_loop3A_874, %parallel_loop3A_875] {strides = array<i32>} : memref<4x8x224xf32, #tpu.memory_space<vmem>>, vector<16xf32>,
            tpu.vector_store %arg9[%parallel_loop3A_873, %parallel_loop3A_874, %parallel_loop3A_875], %parallel_loop3A_867 {strides = array<i32>} : memref<4x8x224xf32, #tpu.memory_space<vmem>>, vector<16xf32>,
          } {sc.loop_unroll_factor = 7 : i64, sc.parallel_access}
        }
        %scan3A_798 = arith.constant 8 : i32
        %mul3A_799 = arith.constant 8 : i32
        %mul3A_800 = arith.muli %add3A_760, %mul3A_799 : i32
        %dma_start3A_801 = arith.constant 3 : i32
        %dma_start3A_802 = arith.constant 3 : i32
        %dma_start3A_803 = arith.constant 0 : i32
        %dma_start3A_804 = arith.constant 0 : i32
        %dma_start3A_805 = tpu.memref_slice %arg9[%dma_start3A_801, %dma_start3A_803, %dma_start3A_804] : memref<4x8x224xf32, #tpu.memory_space<vmem>> -> memref<1x8x224xf32, #tpu.memory_space<vmem>>
        %dma_start3A_806 = tpu.memref_squeeze %dma_start3A_805 : memref<1x8x224xf32, #tpu.memory_space<vmem>> -> memref<8x224xf32, #tpu.memory_space<vmem>>
        %dma_start3A_807 = arith.constant 0 : i32
        %dma_start3A_808 = tpu.memref_slice %arg4[%add3A_29, %mul3A_800, %dma_start3A_807] : memref<1536x224x224xf32, #tpu.memory_space<hbm>> -> memref<1x8x224xf32, #tpu.memory_space<hbm>>
        %dma_start3A_809 = tpu.memref_squeeze %dma_start3A_808 : memref<1x8x224xf32, #tpu.memory_space<hbm>> -> memref<8x224xf32, #tpu.memory_space<hbm>>
        %dma_start3A_810 = tpu.memref_slice %arg10[%dma_start3A_802] : memref<4x!tpu.dma_semaphore, #tpu.memory_space<semaphore_mem>> -> memref<1x!tpu.dma_semaphore, #tpu.memory_space<semaphore_mem>>
        %dma_start3A_811 = tpu.memref_squeeze %dma_start3A_810 : memref<1x!tpu.dma_semaphore, #tpu.memory_space<semaphore_mem>> -> memref<!tpu.dma_semaphore, #tpu.memory_space<semaphore_mem>>
        %dma_start3A_812 = arith.constant 0 : i32
        %dma_start3A_813 = tpu.memref_slice %arg4[%add3A_29, %mul3A_800, %dma_start3A_812] : memref<1536x224x224xf32, #tpu.memory_space<hbm>> -> memref<1x8x224xf32, #tpu.memory_space<hbm>>
        %dma_start3A_814 = tpu.memref_squeeze %dma_start3A_813 : memref<1x8x224xf32, #tpu.memory_space<hbm>> -> memref<8x224xf32, #tpu.memory_space<hbm>>
        %dma_start3A_815 = arith.constant 0 : i32
        %dma_start3A_816 = arith.constant 0 : i32
        %dma_start3A_817 = tpu.memref_slice %arg9[%dma_start3A_801, %dma_start3A_815, %dma_start3A_816] : memref<4x8x224xf32, #tpu.memory_space<vmem>> -> memref<1x8x224xf32, #tpu.memory_space<vmem>>
        %dma_start3A_818 = tpu.memref_squeeze %dma_start3A_817 : memref<1x8x224xf32, #tpu.memory_space<vmem>> -> memref<8x224xf32, #tpu.memory_space<vmem>>
        tpu.enqueue_dma source(%dma_start3A_818 : memref<8x224xf32, #tpu.memory_space<vmem>>) target(%dma_start3A_814 : memref<8x224xf32, #tpu.memory_space<hbm>>) target_semaphore(%dma_start3A_811 : memref<!tpu.dma_semaphore, #tpu.memory_space<semaphore_mem>>)
        %add3A_819 = arith.constant 4 : i32
        %add3A_820 = arith.addi %add3A_760, %add3A_819 : i32
        %lt3A_821 = arith.constant 28 : i32
        %lt3A_822 = arith.cmpi slt, %add3A_820, %lt3A_821 : i32
        %convert_element_type3A_823 = arith.extui %lt3A_822 : i1 to i32
        %cond3A_824 = arith.constant 0 : i32
        %cond3A_825 = arith.cmpi ne, %convert_element_type3A_823, %cond3A_824 : i32
        scf.if %cond3A_825 {
          %add3A_826 = arith.constant 4 : i32
          %add3A_827 = arith.addi %add3A_760, %add3A_826 : i32
          %mul3A_828 = arith.constant 896 : i32
          %mul3A_829 = arith.muli %add3A_827, %mul3A_828 : i32
          %dma_start3A_830 = arith.constant 3 : i32
          %dma_start3A_831 = arith.constant 2688 : i32
          %dma_start3A_832 = tpu.memref_slice %arg6[%dma_start3A_831] : memref<3584xi32, #tpu.memory_space<vmem>> -> memref<896xi32, #tpu.memory_space<vmem>>
          %dma_start3A_833 = tpu.memref_slice %arg3[%mul3A_829] : memref<25088xi32, #tpu.memory_space<hbm>> -> memref<896xi32, #tpu.memory_space<hbm>>
          %dma_start3A_834 = tpu.memref_slice %arg12[%dma_start3A_830] : memref<4x!tpu.dma_semaphore, #tpu.memory_space<semaphore_mem>> -> memref<1x!tpu.dma_semaphore, #tpu.memory_space<semaphore_mem>>
          %dma_start3A_835 = tpu.memref_squeeze %dma_start3A_834 : memref<1x!tpu.dma_semaphore, #tpu.memory_space<semaphore_mem>> -> memref<!tpu.dma_semaphore, #tpu.memory_space<semaphore_mem>>
          %dma_start3A_836 = arith.constant 2688 : i32
          %dma_start3A_837 = tpu.memref_slice %arg6[%dma_start3A_836] : memref<3584xi32, #tpu.memory_space<vmem>> -> memref<896xi32, #tpu.memory_space<vmem>>
          %dma_start3A_838 = tpu.memref_slice %arg3[%mul3A_829] : memref<25088xi32, #tpu.memory_space<hbm>> -> memref<896xi32, #tpu.memory_space<hbm>>
          tpu.enqueue_dma source(%dma_start3A_838 : memref<896xi32, #tpu.memory_space<hbm>>) target(%dma_start3A_837 : memref<896xi32, #tpu.memory_space<vmem>>) target_semaphore(%dma_start3A_835 : memref<!tpu.dma_semaphore, #tpu.memory_space<semaphore_mem>>)
        } else {
        }
      }
      %scan3A_460 = arith.constant 6 : i32
      %dma_wait3A_461 = arith.constant 0 : i32
      %dma_wait3A_462 = arith.constant 0 : i32
      %dma_wait3A_463 = arith.constant 0 : i32
      %dma_wait3A_464 = arith.constant 0 : i32
      %dma_wait3A_465 = tpu.memref_slice %arg9[%dma_wait3A_461, %dma_wait3A_463, %dma_wait3A_464] : memref<4x8x224xf32, #tpu.memory_space<vmem>> -> memref<1x8x224xf32, #tpu.memory_space<vmem>>
      %dma_wait3A_466 = tpu.memref_squeeze %dma_wait3A_465 : memref<1x8x224xf32, #tpu.memory_space<vmem>> -> memref<8x224xf32, #tpu.memory_space<vmem>>
      %dma_wait3A_467 = arith.constant 192 : i32
      %dma_wait3A_468 = arith.constant 0 : i32
      %dma_wait3A_469 = tpu.memref_slice %arg4[%add3A_29, %dma_wait3A_467, %dma_wait3A_468] : memref<1536x224x224xf32, #tpu.memory_space<hbm>> -> memref<1x8x224xf32, #tpu.memory_space<hbm>>
      %dma_wait3A_470 = tpu.memref_squeeze %dma_wait3A_469 : memref<1x8x224xf32, #tpu.memory_space<hbm>> -> memref<8x224xf32, #tpu.memory_space<hbm>>
      %dma_wait3A_471 = tpu.memref_slice %arg10[%dma_wait3A_462] : memref<4x!tpu.dma_semaphore, #tpu.memory_space<semaphore_mem>> -> memref<1x!tpu.dma_semaphore, #tpu.memory_space<semaphore_mem>>
      %dma_wait3A_472 = tpu.memref_squeeze %dma_wait3A_471 : memref<1x!tpu.dma_semaphore, #tpu.memory_space<semaphore_mem>> -> memref<!tpu.dma_semaphore, #tpu.memory_space<semaphore_mem>>
      %dma_wait3A_473 = arith.constant 192 : i32
      %dma_wait3A_474 = arith.constant 0 : i32
      %dma_wait3A_475 = tpu.memref_slice %arg4[%add3A_29, %dma_wait3A_473, %dma_wait3A_474] : memref<1536x224x224xf32, #tpu.memory_space<hbm>> -> memref<1x8x224xf32, #tpu.memory_space<hbm>>
      %dma_wait3A_476 = tpu.memref_squeeze %dma_wait3A_475 : memref<1x8x224xf32, #tpu.memory_space<hbm>> -> memref<8x224xf32, #tpu.memory_space<hbm>>
      %dma_wait3A_477 = arith.constant 0 : i32
      %dma_wait3A_478 = arith.constant 0 : i32
      %dma_wait3A_479 = tpu.memref_slice %arg9[%dma_wait3A_461, %dma_wait3A_477, %dma_wait3A_478] : memref<4x8x224xf32, #tpu.memory_space<vmem>> -> memref<1x8x224xf32, #tpu.memory_space<vmem>>
      %dma_wait3A_480 = tpu.memref_squeeze %dma_wait3A_479 : memref<1x8x224xf32, #tpu.memory_space<vmem>> -> memref<8x224xf32, #tpu.memory_space<vmem>>
      tpu.wait_dma2 semaphore(%dma_wait3A_472 : memref<!tpu.dma_semaphore, #tpu.memory_space<semaphore_mem>>) src(%dma_wait3A_480 : memref<8x224xf32, #tpu.memory_space<vmem>>) dst(%dma_wait3A_476 : memref<8x224xf32, #tpu.memory_space<hbm>>)
      %dma_wait3A_481 = arith.constant 1 : i32
      %dma_wait3A_482 = arith.constant 1 : i32
      %dma_wait3A_483 = arith.constant 0 : i32
      %dma_wait3A_484 = arith.constant 0 : i32
      %dma_wait3A_485 = tpu.memref_slice %arg9[%dma_wait3A_481, %dma_wait3A_483, %dma_wait3A_484] : memref<4x8x224xf32, #tpu.memory_space<vmem>> -> memref<1x8x224xf32, #tpu.memory_space<vmem>>
      %dma_wait3A_486 = tpu.memref_squeeze %dma_wait3A_485 : memref<1x8x224xf32, #tpu.memory_space<vmem>> -> memref<8x224xf32, #tpu.memory_space<vmem>>
      %dma_wait3A_487 = arith.constant 200 : i32
      %dma_wait3A_488 = arith.constant 0 : i32
      %dma_wait3A_489 = tpu.memref_slice %arg4[%add3A_29, %dma_wait3A_487, %dma_wait3A_488] : memref<1536x224x224xf32, #tpu.memory_space<hbm>> -> memref<1x8x224xf32, #tpu.memory_space<hbm>>
      %dma_wait3A_490 = tpu.memref_squeeze %dma_wait3A_489 : memref<1x8x224xf32, #tpu.memory_space<hbm>> -> memref<8x224xf32, #tpu.memory_space<hbm>>
      %dma_wait3A_491 = tpu.memref_slice %arg10[%dma_wait3A_482] : memref<4x!tpu.dma_semaphore, #tpu.memory_space<semaphore_mem>> -> memref<1x!tpu.dma_semaphore, #tpu.memory_space<semaphore_mem>>
      %dma_wait3A_492 = tpu.memref_squeeze %dma_wait3A_491 : memref<1x!tpu.dma_semaphore, #tpu.memory_space<semaphore_mem>> -> memref<!tpu.dma_semaphore, #tpu.memory_space<semaphore_mem>>
      %dma_wait3A_493 = arith.constant 200 : i32
      %dma_wait3A_494 = arith.constant 0 : i32
      %dma_wait3A_495 = tpu.memref_slice %arg4[%add3A_29, %dma_wait3A_493, %dma_wait3A_494] : memref<1536x224x224xf32, #tpu.memory_space<hbm>> -> memref<1x8x224xf32, #tpu.memory_space<hbm>>
      %dma_wait3A_496 = tpu.memref_squeeze %dma_wait3A_495 : memref<1x8x224xf32, #tpu.memory_space<hbm>> -> memref<8x224xf32, #tpu.memory_space<hbm>>
      %dma_wait3A_497 = arith.constant 0 : i32
      %dma_wait3A_498 = arith.constant 0 : i32
      %dma_wait3A_499 = tpu.memref_slice %arg9[%dma_wait3A_481, %dma_wait3A_497, %dma_wait3A_498] : memref<4x8x224xf32, #tpu.memory_space<vmem>> -> memref<1x8x224xf32, #tpu.memory_space<vmem>>
      %dma_wait3A_500 = tpu.memref_squeeze %dma_wait3A_499 : memref<1x8x224xf32, #tpu.memory_space<vmem>> -> memref<8x224xf32, #tpu.memory_space<vmem>>
      tpu.wait_dma2 semaphore(%dma_wait3A_492 : memref<!tpu.dma_semaphore, #tpu.memory_space<semaphore_mem>>) src(%dma_wait3A_500 : memref<8x224xf32, #tpu.memory_space<vmem>>) dst(%dma_wait3A_496 : memref<8x224xf32, #tpu.memory_space<hbm>>)
      %dma_wait3A_501 = arith.constant 2 : i32
      %dma_wait3A_502 = arith.constant 2 : i32
      %dma_wait3A_503 = arith.constant 0 : i32
      %dma_wait3A_504 = arith.constant 0 : i32
      %dma_wait3A_505 = tpu.memref_slice %arg9[%dma_wait3A_501, %dma_wait3A_503, %dma_wait3A_504] : memref<4x8x224xf32, #tpu.memory_space<vmem>> -> memref<1x8x224xf32, #tpu.memory_space<vmem>>
      %dma_wait3A_506 = tpu.memref_squeeze %dma_wait3A_505 : memref<1x8x224xf32, #tpu.memory_space<vmem>> -> memref<8x224xf32, #tpu.memory_space<vmem>>
      %dma_wait3A_507 = arith.constant 208 : i32
      %dma_wait3A_508 = arith.constant 0 : i32
      %dma_wait3A_509 = tpu.memref_slice %arg4[%add3A_29, %dma_wait3A_507, %dma_wait3A_508] : memref<1536x224x224xf32, #tpu.memory_space<hbm>> -> memref<1x8x224xf32, #tpu.memory_space<hbm>>
      %dma_wait3A_510 = tpu.memref_squeeze %dma_wait3A_509 : memref<1x8x224xf32, #tpu.memory_space<hbm>> -> memref<8x224xf32, #tpu.memory_space<hbm>>
      %dma_wait3A_511 = tpu.memref_slice %arg10[%dma_wait3A_502] : memref<4x!tpu.dma_semaphore, #tpu.memory_space<semaphore_mem>> -> memref<1x!tpu.dma_semaphore, #tpu.memory_space<semaphore_mem>>
      %dma_wait3A_512 = tpu.memref_squeeze %dma_wait3A_511 : memref<1x!tpu.dma_semaphore, #tpu.memory_space<semaphore_mem>> -> memref<!tpu.dma_semaphore, #tpu.memory_space<semaphore_mem>>
      %dma_wait3A_513 = arith.constant 208 : i32
      %dma_wait3A_514 = arith.constant 0 : i32
      %dma_wait3A_515 = tpu.memref_slice %arg4[%add3A_29, %dma_wait3A_513, %dma_wait3A_514] : memref<1536x224x224xf32, #tpu.memory_space<hbm>> -> memref<1x8x224xf32, #tpu.memory_space<hbm>>
      %dma_wait3A_516 = tpu.memref_squeeze %dma_wait3A_515 : memref<1x8x224xf32, #tpu.memory_space<hbm>> -> memref<8x224xf32, #tpu.memory_space<hbm>>
      %dma_wait3A_517 = arith.constant 0 : i32
      %dma_wait3A_518 = arith.constant 0 : i32
      %dma_wait3A_519 = tpu.memref_slice %arg9[%dma_wait3A_501, %dma_wait3A_517, %dma_wait3A_518] : memref<4x8x224xf32, #tpu.memory_space<vmem>> -> memref<1x8x224xf32, #tpu.memory_space<vmem>>
      %dma_wait3A_520 = tpu.memref_squeeze %dma_wait3A_519 : memref<1x8x224xf32, #tpu.memory_space<vmem>> -> memref<8x224xf32, #tpu.memory_space<vmem>>
      tpu.wait_dma2 semaphore(%dma_wait3A_512 : memref<!tpu.dma_semaphore, #tpu.memory_space<semaphore_mem>>) src(%dma_wait3A_520 : memref<8x224xf32, #tpu.memory_space<vmem>>) dst(%dma_wait3A_516 : memref<8x224xf32, #tpu.memory_space<hbm>>)
      %dma_wait3A_521 = arith.constant 3 : i32
      %dma_wait3A_522 = arith.constant 3 : i32
      %dma_wait3A_523 = arith.constant 0 : i32
      %dma_wait3A_524 = arith.constant 0 : i32
      %dma_wait3A_525 = tpu.memref_slice %arg9[%dma_wait3A_521, %dma_wait3A_523, %dma_wait3A_524] : memref<4x8x224xf32, #tpu.memory_space<vmem>> -> memref<1x8x224xf32, #tpu.memory_space<vmem>>
      %dma_wait3A_526 = tpu.memref_squeeze %dma_wait3A_525 : memref<1x8x224xf32, #tpu.memory_space<vmem>> -> memref<8x224xf32, #tpu.memory_space<vmem>>
      %dma_wait3A_527 = arith.constant 216 : i32
      %dma_wait3A_528 = arith.constant 0 : i32
      %dma_wait3A_529 = tpu.memref_slice %arg4[%add3A_29, %dma_wait3A_527, %dma_wait3A_528] : memref<1536x224x224xf32, #tpu.memory_space<hbm>> -> memref<1x8x224xf32, #tpu.memory_space<hbm>>
      %dma_wait3A_530 = tpu.memref_squeeze %dma_wait3A_529 : memref<1x8x224xf32, #tpu.memory_space<hbm>> -> memref<8x224xf32, #tpu.memory_space<hbm>>
      %dma_wait3A_531 = tpu.memref_slice %arg10[%dma_wait3A_522] : memref<4x!tpu.dma_semaphore, #tpu.memory_space<semaphore_mem>> -> memref<1x!tpu.dma_semaphore, #tpu.memory_space<semaphore_mem>>
      %dma_wait3A_532 = tpu.memref_squeeze %dma_wait3A_531 : memref<1x!tpu.dma_semaphore, #tpu.memory_space<semaphore_mem>> -> memref<!tpu.dma_semaphore, #tpu.memory_space<semaphore_mem>>
      %dma_wait3A_533 = arith.constant 216 : i32
      %dma_wait3A_534 = arith.constant 0 : i32
      %dma_wait3A_535 = tpu.memref_slice %arg4[%add3A_29, %dma_wait3A_533, %dma_wait3A_534] : memref<1536x224x224xf32, #tpu.memory_space<hbm>> -> memref<1x8x224xf32, #tpu.memory_space<hbm>>
      %dma_wait3A_536 = tpu.memref_squeeze %dma_wait3A_535 : memref<1x8x224xf32, #tpu.memory_space<hbm>> -> memref<8x224xf32, #tpu.memory_space<hbm>>
      %dma_wait3A_537 = arith.constant 0 : i32
      %dma_wait3A_538 = arith.constant 0 : i32
      %dma_wait3A_539 = tpu.memref_slice %arg9[%dma_wait3A_521, %dma_wait3A_537, %dma_wait3A_538] : memref<4x8x224xf32, #tpu.memory_space<vmem>> -> memref<1x8x224xf32, #tpu.memory_space<vmem>>
      %dma_wait3A_540 = tpu.memref_squeeze %dma_wait3A_539 : memref<1x8x224xf32, #tpu.memory_space<vmem>> -> memref<8x224xf32, #tpu.memory_space<vmem>>
      tpu.wait_dma2 semaphore(%dma_wait3A_532 : memref<!tpu.dma_semaphore, #tpu.memory_space<semaphore_mem>>) src(%dma_wait3A_540 : memref<8x224xf32, #tpu.memory_space<vmem>>) dst(%dma_wait3A_536 : memref<8x224xf32, #tpu.memory_space<hbm>>)
    }
    %scan3A_17 = arith.constant 24 : i32
    return
  }
}

</mosaic_0001>

<sc_bundles>
// kernel: kernel.3.cloned.1.call-start
scs
__scs_entry_jumppad:
0x0: {  	(pc) =	sbr.rel $0x88, $3  }
0x1: {  	(tag) =	ssettag $0x0;
	lr =	simm.s32 $0x1  }
0x2: {  	[smem:$0x3F9F] =	sst lr;
	_ =	strace $0xD0000000  }
0x3: {  	_ = 	snop  }
0x4: {  	_ = 	snop  }
0x5: {  	_ = 	snop  }
0x6: {  	_ = 	snop  }
0x7: {  	_ = 	snop  }
__scs_overlays_trampoline_lowered:
0x8: {  	[smem:$0x3FAE] =	sst s0  }
0x9: {  	[smem:$0x3FAF] =	sst s1  }
0xa: {  	[smem:$0x3FB0] =	sst s2  }
0xb: {  	[smem:$0x3FB1] =	sst s3  }
0xc: {  	[smem:$0x3FB2] =	sst s4  }
0xd: {  	[smem:$0x3FB3] =	sst s5  }
0xe: {  	[smem:$0x3FB4] =	sst s6  }
0xf: {  	[smem:$0x3FB5] =	sst s7  }
0x10: {  	[smem:$0x3FB6] =	sst s8  }
0x11: {  	[smem:$0x3FB7] =	sst s9;
	s0 =	simm.s32 @!p0 $0x0  }
0x12: {  	s1 =	sld [smem:$0x3F9D];
	s0 =	simm.s32 @p0 $0x1  }
0x13: {  	[smem:$0x3FB8] =	sst s0;
	s0 =	simm.s32 @!p1 $0x0  }
0x14: {  	s2 =	sld [smem:$0x3F9C];
	s0 =	simm.s32 @p1 $0x1  }
0x15: {  	[smem:$0x3FB9] =	sst s0;
	s0 =	simm.s32 @!p2 $0x0  }
0x16: {  	s3 =	sld [smem:$0x3FDB];
	s0 =	simm.s32 @p2 $0x1  }
0x17: {  	s4 =	simm.s32 $0x1BF5;
	[smem:$0x3FBB] =	sst s0  }
0x18: {  	s0 =	sld [smem:$0x3F9E];
	_ =	swait.ge [sflag:s4], $0x0  }
0x19: {  	s7 =	sld [smem:$0x3F9F]  }
0x1a: {  	s8 =	sadd.s32 $0xFFFFE003, lr  }
0x1b: {  	s9 =	sadd.s32 $0xFFFFFEF7, lr;
	s5 =	simm.s32 $0xFFFFFFFF;
	p2 =	slt.u32 s8, $0xFFFFF086  }
0x1c: {  	p1 =	slt.u32 s9, $0xF7A;
	s5 =	simm.s32 @!p2 $0x0  }
0x1d: {  	s5 =	simm.s32 @p1 $0x1;
	p0 =	seq.s32 s7, s2  }
0x1e: {  	s7 =	smul.u32 @!p0 $0xF7A, s2;
	p2 =	seq.s32 @!p0 s5, $0x0  }
0x1f: {  	s9 =	smul.u32 $0xF7A, s1;
	s8 =	simm.s32 @!p0 $0x1BF5;
	p2 =	por !p2, p0  }
0x20: {  	[sflag:s8] =	ssyncset.s32 @!p0 $0xFFFFF086;
	s6 =	sadd.s32 @!p0 s3, s7;
	s7 =	simm.s32 @!p0 $0x108  }
0x21: {  	s3 =	sadd.s32 s3, s9;
	s6 =	sadd.s32 @!p0 $0x88, s6;
	s7 =	simm.s32 @p2 $0x1082  }
0x22: {  	[simem:s7], [sflag:s8] =	dma.local @!p0 [hbm:s6], $0xF7A  }
0x23: {  	s9 =	sor.u32 $0xD0000000, s2;
	s6 =	simm.s32 $0x108;
	_ =	swait.ge @!p0 [sflag:s8], $0x0  }
0x24: {  	s3 =	sadd.s32 $0x88, s3;
	s6 =	simm.s32 @!p1 $0x1082;
	[sflag:s4] =	ssyncset.s32 $0xFFFFF086  }
0x25: {  	[simem:s6], [sflag:s4] =	dma.local [hbm:s3], $0xF7A  }
0x26: {  	[smem:$0x3F9F] =	sst s1;
	(tag) =	ssettag s2;
	_ =	strace s9  }
0x27: {  	s1 =	sld [smem:$0x3FAF]  }
0x28: {  	s2 =	sld [smem:$0x3FB0]  }
0x29: {  	s4 =	sld [smem:$0x3FB2]  }
0x2a: {  	p0 =	seq.s32 s5, $0x0;
	s5 =	sld [smem:$0x3FB3]  }
0x2b: {  	s6 =	sld [smem:$0x3FB4]  }
0x2c: {  	s7 =	sld [smem:$0x3FB5]  }
0x2d: {  	s3 =	simm.s32 $0x108;
	s8 =	sld [smem:$0x3FB6]  }
0x2e: {  	s3 =	simm.s32 @!p0 $0x1082;
	s9 =	sld [smem:$0x3FB7]  }
0x2f: {  	lr =	sadd.s32 s0, s3;
	s0 =	sld [smem:$0x3FAE]  }
0x30: {  	s3 =	sld [smem:$0x3FB1]  }
0x31: {  	[smem:$0x3FBA] =	sst s10  }
0x32: {  	s10 =	sld [smem:$0x3FB8];
	_ =	sdelay $0x3  }
0x33: {  	p0 =	seq.s32 s10, $0x1;
	s10 =	sld [smem:$0x3FBA];
	_ =	sdelay $0x3  }
0x34: {  	[smem:$0x3FBA] =	sst s10  }
0x35: {  	s10 =	sld [smem:$0x3FB9];
	_ =	sdelay $0x3  }
0x36: {  	p1 =	seq.s32 s10, $0x1;
	s10 =	sld [smem:$0x3FBA];
	_ =	sdelay $0x3  }
0x37: {  	[smem:$0x3FBA] =	sst s10  }
0x38: {  	s10 =	sld [smem:$0x3FBB]  }
0x39: {  	_ = 	snop;
	(pc) =	sbr.ind lr, $3  }
0x3a: {  	_ = 	snop  }
0x3b: {  	_ = 	snop  }
0x3c: {  	p2 =	seq.s32 s10, $0x1;
	s10 =	sld [smem:$0x3FBA]  }
0x3d: {  	_ =	shalt  }
0x3e: {  	_ =	shalt  }
0x3f: {  	_ =	shalt  }
0x40: {  	_ =	shalt  }
0x41: {  	_ =	shalt  }
0x42: {  	_ =	shalt  }
0x43: {  	_ =	shalt  }
0x44: {  	_ =	shalt  }
0x45: {  	_ =	shalt  }
0x46: {  	_ =	shalt  }
0x47: {  	_ =	shalt  }
0x48: {  	_ =	shalt  }
0x49: {  	_ =	shalt  }
0x4a: {  	_ =	shalt  }
0x4b: {  	_ =	shalt  }
0x4c: {  	_ =	shalt  }
0x4d: {  	_ =	shalt  }
0x4e: {  	_ =	shalt  }
0x4f: {  	_ =	shalt  }
0x50: {  	_ =	shalt  }
0x51: {  	_ =	shalt  }
0x52: {  	_ =	shalt  }
0x53: {  	_ =	shalt  }
0x54: {  	_ =	shalt  }
0x55: {  	_ =	shalt  }
0x56: {  	_ =	shalt  }
0x57: {  	_ =	shalt  }
0x58: {  	_ =	shalt  }
0x59: {  	_ =	shalt  }
0x5a: {  	_ =	shalt  }
0x5b: {  	_ =	shalt  }
0x5c: {  	_ =	shalt  }
0x5d: {  	_ =	shalt  }
0x5e: {  	_ =	shalt  }
0x5f: {  	_ =	shalt  }
0x60: {  	_ =	shalt  }
0x61: {  	_ =	shalt  }
0x62: {  	_ =	shalt  }
0x63: {  	_ =	shalt  }
0x64: {  	_ =	shalt  }
0x65: {  	_ =	shalt  }
0x66: {  	_ =	shalt  }
0x67: {  	_ =	shalt  }
0x68: {  	_ =	shalt  }
0x69: {  	_ =	shalt  }
0x6a: {  	_ =	shalt  }
0x6b: {  	_ =	shalt  }
0x6c: {  	_ =	shalt  }
0x6d: {  	_ =	shalt  }
0x6e: {  	_ =	shalt  }
0x6f: {  	_ =	shalt  }
0x70: {  	_ =	shalt  }
0x71: {  	_ =	shalt  }
0x72: {  	_ =	shalt  }
0x73: {  	_ =	shalt  }
0x74: {  	_ =	shalt  }
0x75: {  	_ =	shalt  }
0x76: {  	_ =	shalt  }
0x77: {  	_ =	shalt  }
0x78: {  	_ =	shalt  }
0x79: {  	_ =	shalt  }
0x7a: {  	_ =	shalt  }
0x7b: {  	_ =	shalt  }
0x7c: {  	_ =	shalt  }
0x7d: {  	_ =	shalt  }
0x7e: {  	_ =	shalt  }
0x7f: {  	_ =	shalt  }
0x80: {  	_ =	shalt  }
0x81: {  	_ =	shalt  }
0x82: {  	_ =	shalt  }
0x83: {  	_ =	shalt  }
0x84: {  	_ =	shalt  }
0x85: {  	_ =	shalt  }
0x86: {  	_ =	shalt  }
0x87: {  	_ =	shalt  }
.Lfunc_end0:
.L_simem_size_0:
called_computation_lowered:
.L_overlay_start_0:
0x88: {  	s2 =	sld [smem:$0x3FD9]  }
0x89: {  	s3 =	sld [smem:$0x3FFE];
	_ =	sdelay $0x1  }
0x8a: {  	s1 =	srdreg.scid  }
0x8b: {  	s0 =	sand.u32 $0x1, s1  }
0x8c: {  	s17 =	sshll.u32 s0, $0xA;
	s2 =	sadd.s32 s3, s2  }
0x8d: {  	s2 =	sadd.s32 s2, s17  }
0x8e: {  	[smem:$0x3FC6] =	sst s2  }
0x8f: {  	_ = 	snop  }
0x90: {  	s2 =	sld [smem:$0x3FC9]  }
0x91: {  	s18 =	sld [smem:$0x3FD0];
	(tm) =	ssettm $0x1  }
0x92: {  	s4 =	sld [smem:$0x3FFB];
	_ =	sdelay $0x3  }
0x93: {  	_ =	strace s4  }
0x94: {  	s4 =	sld [smem:$0x3FFC];
	_ =	sdelay $0x3  }
0x95: {  	_ =	strace s4  }
0x96: {  	s4 =	sld [smem:$0x3FFD];
	_ =	sdelay $0x3  }
0x97: {  	_ =	strace s4  }
0x98: {  	_ =	strace $0x8FFFFFFF  }
0x99: {  	s19 =	sld [smem:$0x3FDB];
	_ =	sdelay $0x1  }
0x9a: {  	s5 =	simm.s32 $_scs_section_size  }
0x9b: {  	s6 =	simm.s32 $_size__tile_overlayer_lowered;
	s7 =	simm.s32 $_tile_overlayer_lowered  }
0x9c: {  	s22 =	simm.s32 $0x1BFF;
	s21 =	sshll.u32 s7, $0x1;
	s4 =	sadd.s32 s5, s19  }
0x9d: {  	s8 =	simm.s32 $0x0;
	s20 =	sshll.u32 s6, $0x1;
	s6 =	sadd.s32 s21, s4  }
0x9e: {  	[timem:s8], [sflag:s22] =	dma.local [hbm:s6], s20  }
0x9f: {  	_ =	swait.ge [sflag:s22], s20  }
0xa0: {  	s5 =	ssub.s32 $0x0, s20;
	[sflag:s22] =	ssyncset.done $0x0  }
0xa1: {  	[sflag:s22] =	ssyncadd.s32 s5;
	_ =	sdelay $0x1  }
0xa2: {  	s23 =	simm.s32 $0x1B8B  }
0xa3: {  	_ =	swait.ge [sflag:s23], $0x1  }
0xa4: {  	[sflag:s23] =	ssyncset.done $0x0  }
0xa5: {  	s25 =	simm.s32 $0x1B8E;
	s24 =	sld [smem:$0x3FFE];
	[sflag:s23] =	ssyncadd.s32 $0xFFFFFFFF  }
0xa6: {  	s26 =	simm.s32 $execute0_lowered;
	[smem:$0x3FD2] =	sst s25  }
0xa7: {  	s6 =	sshll.u32 s26, $0x1;
	_ =	strace $0x80000046;
	[dreg:$0x1] =	wrdreg $0xFFFFFFFF  }
0xa8: {  	s28 =	simm.s32 $_size_execute0_lowered;
	s4 =	sadd.s32 s4, s6;
	[dreg:$0x0] =	wrdreg $0x0  }
0xa9: {  	s6 =	sshll.u32 s28, $0x1;
	[dreg:$0x2] =	wrdreg s4  }
0xaa: {  	[dreg:$0x3] =	wrdreg s6  }
0xab: {  	[dreg:$0x4] =	wrdreg $0xC0  }
0xac: {  	_ =	task [dreg:s8], $0x5FFFF  }
0xad: {  	[dreg:$0x1] =	wrdreg $0xFFFFFFFF  }
0xae: {  	[dreg:$0x0] =	wrdreg $0x60  }
0xaf: {  	[dreg:$0x2] =	wrdreg s2  }
0xb0: {  	[dreg:$0x3] =	wrdreg s24  }
0xb1: {  	[dreg:$0x4] =	wrdreg s18  }
0xb2: {  	[dreg:$0x5] =	wrdreg $0x9  }
0xb3: {  	_ =	task.clear_ibuf [dreg:s8], $0x6FFFF;
	_ =	strace $0x90000046  }
0xb4: {  	s29 =	simm.s32 $0x9;
	_ =	strace $0x80000048  }
0xb5: {  	_ =	swait.ge [sflag:s29], $0x1  }
0xb6: {  	[sflag:s29] =	ssyncadd.s32 $0xFFFFFFFF  }
0xb7: {  	_ =	strace $0x90000048  }
0xb8: {  	_ =	sfence  }
0xb9: {  	s30 =	sld [smem:$0x0];
	_ =	sdelay $0x2  }
0xba: {  	s31 =	sshll.u32 s1, $0xD;
	s1 =	sshrl.u32 s1, $0x2  }
0xbb: {  	s3 =	sand.u32 $0x4000, s31;
	s1 =	sadd.s32 s1, s30  }
0xbc: {  	s0 =	sor.u32 s3, s0;
	s1 =	sshll.u32 s1, $0x11  }
0xbd: {  	s0 =	sor.u32 s1, s0  }
0xbe: {  	s0 =	sadd.s32 $0x8F2B, s0  }
0xbf: {  	[sflag:s0] =	ssyncadd.remote.s32 $0x1  }
0xc0: {  	_ =	sfence.sel $0xFFFF  }
0xc1: {  	[dreg:$0x0] =	wrdreg $0xFFFFFFFF;
	(pc) =	sbr.abs _section_cstart, $3  }
0xc2: {  	[dreg:$0x1] =	wrdreg $0xFFFFFFFF  }
0xc3: {  	_ =	task.clear_ibuf [dreg:s8], $0x2FFFF;
	_ =	strace $0x9FFFFFFF  }
0xc4: {  	(tm) =	ssettm $0x7FFFFFFF  }
0xc5: {  	_ =	shalt  }
tec
execute0_lowered:
.L_overlay_start_1:
0x0: {  	(tag) =	ssettag $0x1  }
0x1: {  	s7 =	rddreg [dreg:$0x0]  }
0x2: {  	s3 =	rddreg [dreg:$0x1]  }
0x3: {  	s0 =	srdreg.scid;
	s1 =	stileid.u32  }
0x4: {  	s4 =	rddreg [dreg:$0x2];
	s5 =	simm.s32 $0x0;
	s17 =	simm.s32 $0x1C00  }
0x5: {  	s28 =	simm.s32 $0x1F400;
	s29 =	simm.s32 $0x7;
	s30 =	simm.s32 $0x1  }
0x6: {  	s31 =	simm.s32 $0x8;
	[smem:$0x7FF] =	sst s5;
	s20 =	sadd.s32 $0x1C0, s3  }
0x7: {  	s21 =	sadd.s32 $0x230, s3;
	_ =	strace $0x80000047;
	[dreg:$0x6] =	wrdreg s20  }
0x8: {  	s15 =	simm.s32 $0xA;
	s22 =	sadd.s32 $0x2A0, s3;
	[dreg:$0x7] =	wrdreg s21  }
0x9: {  	s16 =	simm.s32 $0x4;
	s23 =	sadd.s32 $0x310, s3;
	[dreg:$0x8] =	wrdreg s22  }
0xa: {  	s0 =	sand.u32 $0x1, s0;
	s24 =	sadd.s32 $0x100, s4;
	[dreg:$0x9] =	wrdreg s23  }
0xb: {  	s1 =	sshll.u32 s1, $0x1;
	s25 =	sadd.s32 $0x200, s4;
	[dreg:$0xa] =	wrdreg s24  }
0xc: {  	s26 =	sadd.s32 $0x300, s4;
	s1 =	sor.u32 s0, s1;
	[dreg:$0xb] =	wrdreg s25  }
0xd: {  	s0 =	ssub.s32 $0x2, s0;
	[dreg:$0xc] =	wrdreg s26;
	s2 =	smul.u32 $0x54000, s1  }
0xe: {  	s21 =	simm.s32 $0x1880;
	s23 =	simm.s32 $0xFC00;
	s1 =	smul.u32 $0x30, s1  }
.Ltmp0:
0xf: {  	s24 =	simm.s32 $0x1DC00;
	s6 =	sshrl.u32 s0, $0x1;
	(pc) =	sbr.rel .LBB2_1-.Ltmp0, $4  }
0x10: {  	s25 =	simm.s32 $0x1E400;
	s26 =	simm.s32 $0x1EC00;
	s0 =	ssub.s32 s0, s6  }
0x11: {  	s6 =	simm.s32 $0x0;
	[dreg:$0x4] =	wrdreg s1;
	s19 =	sadd.s32 s7, s2  }
0x12: {  	s0 =	smax.u32 s0, $0x1;
	s2 =	simm.s32 $0x2;
	[dreg:$0x5] =	wrdreg s19  }
0x13: {  	s7 =	simm.s32 $0x3;
	[dreg:$0xd] =	wrdreg s0;
	s0 =	simm.s32 $0x9  }
.LBB2_41:
0x14: {  	s6 =	rddreg [dreg:$0xe]  }
0x15: {  	s1 =	rddreg [dreg:$0xd];
	s6 =	sadd.s32 $0x1, s6  }
0x16: {  	p0 =	sne.s32 s6, s1  }
.Ltmp1:
0x17: {  	_ = 	snop;
	(pc) =	sbr.rel @!p0 .LBB2_42-.Ltmp1, $1  }
0x18: {  	_ =	sdelay $0x3  }
.LBB2_1:
0x19: {  	[tilespmem:s5], [sflag:$0xB] =	stream.linear.gather [hbm4b:s3+s5], $0xE00, $0x38;
	[tilespmem:$0x1FC00] =	vst v63  }
.Ltmp2:
0x1a: {  	[dreg:$0xe] =	wrdreg s6;
	s1 =	simm.s32 $0xB;
	(pc) =	sbr.rel .LBB2_2-.Ltmp2, $4  }
0x1b: {  	_ =	swait.ge [sflag:s1], $0xE00  }
0x1c: {  	[sflag:s1] =	ssyncset.done $0x0  }
0x1d: {  	s9 =	simm.s32 $0x0;
	s22 =	rddreg [dreg:$0x5];
	[sflag:s1] =	ssyncadd.s32 $0xFFFFF200  }
0x1e: {  	[tilespmem:s17], [sflag:$0x5] =	stream.linear.gather [hbm4b:s22+s5], $0xE000, $0x38;
	[tilespmem:$0x1FC00] =	vst v63  }
.LBB2_40:
0x1f: {  	_ =	swait.ge [sflag:s30], $0x800  }
0x20: {  	[sflag:s30] =	ssyncset.done $0x0  }
0x21: {  	[sflag:s30] =	ssyncadd.s32 $0xFFFFF800  }
0x22: {  	_ =	swait.ge [sflag:s2], $0x800  }
0x23: {  	[sflag:s2] =	ssyncset.done $0x0  }
0x24: {  	[sflag:s2] =	ssyncadd.s32 $0xFFFFF800  }
0x25: {  	_ =	swait.ge [sflag:s7], $0x800  }
0x26: {  	[sflag:s7] =	ssyncset.done $0x0  }
0x27: {  	[sflag:s7] =	ssyncadd.s32 $0xFFFFF800  }
0x28: {  	_ =	swait.ge [sflag:s16], $0x800  }
0x29: {  	s9 =	rddreg [dreg:$0xf]  }
0x2a: {  	s9 =	sadd.s32 $0x1, s9  }
0x2b: {  	p0 =	sne.s32 s9, $0x18  }
.Ltmp3:
0x2c: {  	_ = 	snop;
	(pc) =	sbr.rel @!p0 .LBB2_41-.Ltmp3, $3  }
0x2d: {  	_ =	sdelay $0x1  }
0x2e: {  	[sflag:s16] =	ssyncset.done $0x0  }
0x2f: {  	[sflag:s16] =	ssyncadd.s32 $0xFFFFF800  }
.LBB2_2:
0x30: {  	s6 =	rddreg [dreg:$0x6]  }
0x31: {  	[dreg:$0xf] =	wrdreg s9  }
0x32: {  	s1 =	simm.s32 $0x0;
	s8 =	simm.s32 $0xE00;
	s10 =	rddreg [dreg:$0x7]  }
0x33: {  	[tilespmem:s8], [sflag:$0x7] =	stream.linear.gather [hbm4b:s6+s1], $0x380, $0x38;
	[tilespmem:$0x1FC00] =	vst v63  }
0x34: {  	s11 =	simm.s32 $0x1180;
	s12 =	rddreg [dreg:$0x4]  }
0x35: {  	[tilespmem:s11], [sflag:$0x8] =	stream.linear.gather [hbm4b:s10+s1], $0x380, $0x38;
	[tilespmem:$0x1FC00] =	vst v63  }
0x36: {  	s13 =	rddreg [dreg:$0x8];
	s14 =	simm.s32 $0x1500  }
0x37: {  	[tilespmem:s14], [sflag:$0x9] =	stream.linear.gather [hbm4b:s13+s1], $0x380, $0x38;
	[tilespmem:$0x1FC00] =	vst v63  }
0x38: {  	s22 =	sshll.u32 s9, $0x1;
	s19 =	rddreg [dreg:$0x9];
	s20 =	simm.s32 $0x5  }
0x39: {  	[tilespmem:s21], [sflag:$0xA] =	stream.linear.gather [hbm4b:s19+s1], $0x380, $0x38;
	[tilespmem:$0x1FC00] =	vst v63  }
0x3a: {  	s11 =	sadd.s32 s12, s22;
	_ =	swait.ge [sflag:s20], $0xE000  }
0x3b: {  	s18 =	sor.u32 $0x1, s11;
	[sflag:s20] =	ssyncset.done $0x0  }
0x3c: {  	s8 =	smul.u32 $0x1C00, s18;
	[sflag:s20] =	ssyncadd.s32 $0xFFFF2000  }
0x3d: {  	s6 =	rddreg [dreg:$0x0]  }
0x3e: {  	s22 =	simm.s32 $0x0;
	s8 =	sadd.s32 s6, s8  }
0x3f: {  	[tilespmem:s23], [sflag:$0x6] =	stream.linear.gather [hbm4b:s8+s1], $0xE000, $0x38;
	[tilespmem:$0x1FC00] =	vst v63  }
0x40: {  	v17 =	vld [tilespmem:s22+$0x60]  }
0x41: {  	v11 =	vld [tilespmem:s22+$0x20]  }
0x42: {  	v3 =	vld [tilespmem:s22+$0x50]  }
0x43: {  	v5 =	vld [tilespmem:s22+$0x30]  }
0x44: {  	v10 =	vld [tilespmem:s22+$0x0]  }
0x45: {  	v2 =	vld [tilespmem:s22+$0x40];
	v0 =	vshll.u32 v17, $0x3;
	v1 =	vshrl.u32 v17, $0x11  }
0x46: {  	v4 =	vand.u32 $0xF87F, v17;
	v12 =	vshrl.u32 v11, $0x10;
	v13 =	vshrl.u32 v11, $0x11  }
0x47: {  	v18 =	vshrl.u32 v17, $0xD;
	v7 =	vshrl.u32 v3, $0x1;
	v9 =	vshrl.u32 v3, $0x11  }
0x48: {  	v8 =	vld [tilespmem:s22+$0x10];
	v14 =	vand.u32 $0xF87F, v3;
	v24 =	vshll.u32 v3, $0x3;
	v23 =	vshrl.u32 v17, $0x1  }
0x49: {  	v19 =	vshrl.u32 v11, $0x1;
	v20 =	vshll.u32 v5, $0x3;
	v22 =	vand.u32 $0xF87F, v10  }
0x4a: {  	v32 =	vand.u32 $0xF87F, v2;
	v25 =	vshll.u32 v11, $0x3;
	v29 =	vand.u32 $0xF87F, v5  }
0x4b: {  	v33 =	vshrl.u32 v5, $0x1;
	v34 =	vshrl.u32 v17, $0x10;
	v0 =	vand.u32 $0x400, v0  }
0x4c: {  	v1 =	vand.u32 $0x380, v1;
	v15 =	vand.u32 $0x380, v7;
	v7 =	vshrl.u32 v3, $0xD  }
0x4d: {  	v21 =	vand.u32 $0x380, v19;
	v19 =	vand.u32 $0xF87F, v8;
	v27 =	vand.u32 $0x400, v20  }
0x4e: {  	v20 =	vshll.u32 v10, $0x3;
	v3 =	vshrl.u32 v3, $0x10;
	v28 =	vand.u32 $0x400, v25  }
0x4f: {  	v18 =	vand.u32 $0x400, v18;
	v35 =	vand.u32 $0xF800, v34;
	v6 =	vor.u32 v0, v4  }
0x50: {  	v4 =	vshrl.u32 v2, $0x1;
	v0 =	vand.u32 $0x380, v9;
	v9 =	vshrl.u32 v5, $0x11  }
0x51: {  	v7 =	vand.u32 $0x400, v7;
	v20 =	vand.u32 $0x400, v20;
	v30 =	vand.u32 $0xF800, v3  }
0x52: {  	v3 =	vand.u32 $0x7F, v3;
	v27 =	vor.u32 v27, v29;
	v29 =	vand.u32 $0x380, v33  }
0x53: {  	v16 =	vand.u32 $0x380, v4;
	v4 =	vshll.u32 v2, $0x3;
	v26 =	vor.u32 v20, v22  }
0x54: {  	v20 =	vshll.u32 v8, $0x3;
	v7 =	vor.u32 v7, v30;
	v30 =	vand.u32 $0xF87F, v11  }
0x55: {  	v22 =	vshrl.u32 v10, $0x11;
	v31 =	vand.u32 $0x400, v4;
	v20 =	vand.u32 $0x400, v20  }
0x56: {  	v25 =	vor.u32 v20, v19;
	v19 =	vshrl.u32 v10, $0x10;
	v20 =	vshrl.u32 v10, $0xD  }
0x57: {  	v4 =	vshrl.u32 v8, $0x11;
	v17 =	vand.u32 $0xF800, v19;
	v20 =	vand.u32 $0x400, v20  }
0x58: {  	s9 =	simm.s32 $0x1C0;
	v31 =	vor.u32 v31, v32;
	v32 =	vshrl.u32 v2, $0xD;
	v17 =	vor.u32 v20, v17  }
0x59: {  	[dreg:$0x10] =	wrdreg s18;
	s1 =	simm.s32 $0x1DC00;
	s8 =	simm.s32 $0x1DC00;
	v20 =	vor.u32 v18, v35;
	v18 =	vand.u32 $0x7F, v19;
	v19 =	vand.u32 $0x7F, v34  }
.LBB2_3:
0x5a: {  	p0 =	sne.s32 s9, $0xC40  }
0x5b: {  	v28 =	vor.u32 v28, v30;
	v11 =	vshrl.u32 v11, $0xD;
	v24 =	vand.u32 $0x400, v24;
	s1 =	sadd.s32 $0x80, s1;
	s10 =	smov.u32 s9;
	s9 =	sadd.s32 $0x1C0, s9  }
0x5c: {  	v30 =	vand.u32 $0xF800, v12;
	v32 =	vand.u32 $0x400, v32;
	v23 =	vand.u32 $0x380, v23  }
0x5d: {  	v33 =	vshrl.u32 v8, $0x10;
	v13 =	vand.u32 $0x380, v13;
	v11 =	vand.u32 $0x400, v11  }
0x5e: {  	v35 =	vshrl.u32 v8, $0xD;
	v12 =	vand.u32 $0x7F, v12;
	v34 =	vand.u32 $0xF800, v33  }
0x5f: {  	v10 =	vshrl.u32 v10, $0x1;
	v16 =	vor.u32 v16, v31;
	v14 =	vor.u32 v24, v14  }
0x60: {  	v10 =	vand.u32 $0x380, v10;
	v24 =	vor.u32 v29, v27;
	v14 =	vor.u32 v15, v14  }
0x61: {  	v8 =	vshrl.u32 v8, $0x1;
	v27 =	vand.u32 $0x400, v35;
	v15 =	vand.u32 $0x7F, v33  }
0x62: {  	v21 =	vor.u32 v21, v28;
	v10 =	vor.u32 v10, v26;
	v26 =	vshrl.u32 v2, $0x10  }
0x63: {  	v8 =	vand.u32 $0x380, v8;
	v28 =	vshrl.u32 v5, $0x10;
	v5 =	vshrl.u32 v5, $0xD  }
0x64: {  	v6 =	vor.u32 v23, v6;
	v29 =	vand.u32 $0xF800, v28;
	v5 =	vand.u32 $0x400, v5  }
0x65: {  	v9 =	vand.u32 $0x380, v9;
	v8 =	vor.u32 v8, v25;
	v5 =	vor.u32 v5, v29  }
0x66: {  	v23 =	vand.u32 $0x7F, v28;
	v5 =	vor.u32 v9, v5;
	v9 =	vld.idx.msk [tilespmem:v16+s17+$0x0], $0xffff;
	v16 =	vand.u32 $0xF800, v26  }
0x67: {  	v25 =	vor.u32 v27, v34;
	v11 =	vor.u32 v11, v30;
	v5 =	vor.u32 v23, v5;
	v21 =	vld.idx.msk [tilespmem:v21+s17+$0x0], $0xffff  }
0x68: {  	v4 =	vand.u32 $0x380, v4;
	v2 =	vshrl.u32 v2, $0x11;
	v11 =	vor.u32 v13, v11;
	v13 =	vld.idx.msk [tilespmem:v24+s17+$0x0], $0xffff  }
0x69: {  	v22 =	vand.u32 $0x380, v22;
	v2 =	vand.u32 $0x380, v2;
	v11 =	vor.u32 v12, v11;
	v6 =	vld.idx.msk [tilespmem:v6+s17+$0x0], $0xffff  }
0x6a: {  	v1 =	vor.u32 v1, v20;
	v4 =	vor.u32 v4, v25;
	v12 =	vor.u32 v22, v17;
	v10 =	vld.idx.msk [tilespmem:v10+s17+$0x0], $0xffff  }
0x6b: {  	v1 =	vor.u32 v19, v1;
	v12 =	vor.u32 v18, v12;
	v16 =	vor.u32 v32, v16;
	v14 =	vld.idx.msk [tilespmem:v14+s17+$0x0], $0xffff  }
0x6c: {  	v4 =	vor.u32 v15, v4;
	v2 =	vor.u32 v2, v16;
	v8 =	vld.idx.msk [tilespmem:v8+s17+$0x0], $0xffff;
	[tilespmem:s8+$0x400] =	vst v9;
	v9 =	vand.u32 $0x7F, v26  }
0x6d: {  	v0 =	vor.u32 v0, v7;
	[tilespmem:s8+$0x40] =	vst v21;
	v2 =	vor.u32 v9, v2  }
0x6e: {  	v0 =	vor.u32 v3, v0;
	v7 =	vld.idx.msk [tilespmem:v11+s17+$0x0], $0xffff;
	[tilespmem:s8+$0x60] =	vst v13  }
0x6f: {  	v3 =	vld.idx.msk [tilespmem:v5+s17+$0x0], $0xffff;
	[tilespmem:s8+$0x440] =	vst v6  }
0x70: {  	[tilespmem:s8+$0x0] =	vst v10;
	v1 =	vld.idx.msk [tilespmem:v1+s17+$0x0], $0xffff  }
0x71: {  	v5 =	vld.idx.msk [tilespmem:v12+s17+$0x0], $0xffff;
	[tilespmem:s8+$0x420] =	vst v14  }
0x72: {  	[tilespmem:s8+$0x20] =	vst v8;
	v2 =	vld.idx.msk [tilespmem:v2+s17+$0x0], $0xffff  }
0x73: {  	v0 =	vld.idx.msk [tilespmem:v0+s17+$0x0], $0xffff  }
0x74: {  	v4 =	vld.idx.msk [tilespmem:v4+s17+$0x0], $0xffff;
	[tilespmem:s8+$0x50] =	vst v7  }
0x75: {  	[tilespmem:s8+$0x70] =	vst v3  }
0x76: {  	s10 =	sshra.s32 s10, $0x2;
	[tilespmem:s8+$0x450] =	vst v1  }
0x77: {  	v17 =	vld [tilespmem:s10+$0x60];
	[tilespmem:s8+$0x10] =	vst v5  }
0x78: {  	[tilespmem:s8+$0x410] =	vst v2  }
0x79: {  	v11 =	vld [tilespmem:s10+$0x20];
	[tilespmem:s8+$0x430] =	vst v0  }
0x7a: {  	v3 =	vld [tilespmem:s10+$0x50];
	[tilespmem:s8+$0x30] =	vst v4;
	s8 =	smov.u32 s1  }
0x7b: {  	v2 =	vld [tilespmem:s10+$0x40]  }
0x7c: {  	v8 =	vld [tilespmem:s10+$0x10];
	v0 =	vshll.u32 v17, $0x3;
	v4 =	vand.u32 $0xF87F, v17;
	v1 =	vshrl.u32 v17, $0x11  }
0x7d: {  	v10 =	vld [tilespmem:s10+$0x0];
	v0 =	vand.u32 $0x400, v0;
	v1 =	vand.u32 $0x380, v1  }
0x7e: {  	v18 =	vshrl.u32 v17, $0xD;
	v12 =	vshrl.u32 v11, $0x10;
	v13 =	vshrl.u32 v11, $0x11;
	v5 =	vld [tilespmem:s10+$0x30]  }
0x7f: {  	v6 =	vor.u32 v0, v4;
	v7 =	vshrl.u32 v3, $0x1;
	v9 =	vshrl.u32 v3, $0x11  }
0x80: {  	v14 =	vand.u32 $0xF87F, v3;
	v4 =	vshrl.u32 v2, $0x1;
	v0 =	vand.u32 $0x380, v9  }
0x81: {  	v24 =	vshll.u32 v3, $0x3;
	v15 =	vand.u32 $0x380, v7;
	v16 =	vand.u32 $0x380, v4  }
0x82: {  	v23 =	vshrl.u32 v17, $0x1;
	v7 =	vshrl.u32 v3, $0xD;
	v4 =	vshll.u32 v2, $0x3  }
0x83: {  	v19 =	vshrl.u32 v11, $0x1;
	v20 =	vshll.u32 v5, $0x3;
	v9 =	vshrl.u32 v5, $0x11  }
0x84: {  	v32 =	vand.u32 $0xF87F, v2;
	v22 =	vand.u32 $0xF87F, v10;
	v31 =	vand.u32 $0x400, v4  }
0x85: {  	v25 =	vshll.u32 v11, $0x3;
	v21 =	vand.u32 $0x380, v19;
	v4 =	vshrl.u32 v8, $0x11  }
0x86: {  	v19 =	vand.u32 $0xF87F, v8;
	v7 =	vand.u32 $0x400, v7;
	v27 =	vand.u32 $0x400, v20  }
0x87: {  	v3 =	vshrl.u32 v3, $0x10;
	v29 =	vand.u32 $0xF87F, v5;
	v20 =	vshll.u32 v10, $0x3  }
0x88: {  	v30 =	vand.u32 $0xF800, v3;
	v33 =	vshrl.u32 v5, $0x1;
	v20 =	vand.u32 $0x400, v20  }
0x89: {  	v3 =	vand.u32 $0x7F, v3;
	v26 =	vor.u32 v20, v22;
	v20 =	vshll.u32 v8, $0x3  }
0x8a: {  	v28 =	vand.u32 $0x400, v25;
	v7 =	vor.u32 v7, v30;
	v20 =	vand.u32 $0x400, v20  }
0x8b: {  	v18 =	vand.u32 $0x400, v18;
	v30 =	vand.u32 $0xF87F, v11;
	v25 =	vor.u32 v20, v19  }
.Ltmp4:
0x8c: {  	v34 =	vshrl.u32 v17, $0x10;
	v19 =	vshrl.u32 v10, $0x10;
	v20 =	vshrl.u32 v10, $0xD;
	(pc) =	sbr.rel @p0 .LBB2_3-.Ltmp4, $4  }
0x8d: {  	v35 =	vand.u32 $0xF800, v34;
	v17 =	vand.u32 $0xF800, v19;
	v20 =	vand.u32 $0x400, v20  }
0x8e: {  	v22 =	vshrl.u32 v10, $0x11;
	v17 =	vor.u32 v20, v17;
	v20 =	vor.u32 v18, v35  }
0x8f: {  	v27 =	vor.u32 v27, v29;
	v18 =	vand.u32 $0x7F, v19;
	v19 =	vand.u32 $0x7F, v34  }
0x90: {  	v31 =	vor.u32 v31, v32;
	v32 =	vshrl.u32 v2, $0xD;
	v29 =	vand.u32 $0x380, v33  }
0x91: {  	v28 =	vor.u32 v28, v30;
	v11 =	vshrl.u32 v11, $0xD  }
0x92: {  	v24 =	vand.u32 $0x400, v24;
	v37 =	vand.u32 $0xF800, v12;
	v32 =	vand.u32 $0x400, v32  }
0x93: {  	v23 =	vand.u32 $0x380, v23;
	v33 =	vshrl.u32 v8, $0x10;
	v13 =	vand.u32 $0x380, v13  }
0x94: {  	v35 =	vshrl.u32 v8, $0xD;
	v12 =	vand.u32 $0x7F, v12;
	v10 =	vshrl.u32 v10, $0x1  }
0x95: {  	v16 =	vor.u32 v16, v31;
	v38 =	vor.u32 v29, v27;
	v8 =	vshrl.u32 v8, $0x1  }
0x96: {  	v39 =	vshrl.u32 v2, $0x10;
	v40 =	vshrl.u32 v5, $0x10;
	v5 =	vshrl.u32 v5, $0xD  }
0x97: {  	v9 =	vand.u32 $0x380, v9;
	v2 =	vshrl.u32 v2, $0x11;
	v1 =	vor.u32 v1, v20  }
0x98: {  	v4 =	vand.u32 $0x380, v4;
	v0 =	vor.u32 v0, v7;
	v11 =	vand.u32 $0x400, v11  }
0x99: {  	v14 =	vor.u32 v24, v14;
	v10 =	vand.u32 $0x380, v10;
	v21 =	vor.u32 v21, v28  }
0x9a: {  	v41 =	vand.u32 $0xF800, v40;
	v5 =	vand.u32 $0x400, v5;
	v6 =	vor.u32 v23, v6  }
0x9b: {  	v8 =	vand.u32 $0x380, v8;
	v10 =	vor.u32 v10, v26;
	v5 =	vor.u32 v5, v41  }
0x9c: {  	v14 =	vor.u32 v15, v14;
	v11 =	vor.u32 v11, v37;
	v5 =	vor.u32 v9, v5;
	v9 =	vld.idx.msk [tilespmem:v16+s17+$0x0], $0xffff  }
0x9d: {  	v42 =	vand.u32 $0x7F, v40;
	v8 =	vor.u32 v8, v25;
	v11 =	vor.u32 v13, v11;
	v13 =	vld.idx.msk [tilespmem:v38+s17+$0x0], $0xffff  }
0x9e: {  	v34 =	vand.u32 $0xF800, v33;
	v43 =	vand.u32 $0xF800, v39;
	v5 =	vor.u32 v42, v5;
	v21 =	vld.idx.msk [tilespmem:v21+s17+$0x0], $0xffff  }
0x9f: {  	v1 =	vor.u32 v19, v1;
	v11 =	vor.u32 v12, v11;
	v12 =	vand.u32 $0x380, v22;
	v6 =	vld.idx.msk [tilespmem:v6+s17+$0x0], $0xffff  }
0xa0: {  	v0 =	vor.u32 v3, v0;
	v15 =	vand.u32 $0x400, v35;
	v12 =	vor.u32 v12, v17;
	v10 =	vld.idx.msk [tilespmem:v10+s17+$0x0], $0xffff  }
0xa1: {  	v2 =	vand.u32 $0x380, v2;
	v15 =	vor.u32 v15, v34;
	v12 =	vor.u32 v18, v12;
	v14 =	vld.idx.msk [tilespmem:v14+s17+$0x0], $0xffff;
	[tilespmem:s8+$0x400] =	vst v9  }
0xa2: {  	v7 =	vand.u32 $0x7F, v33;
	v4 =	vor.u32 v4, v15;
	v16 =	vor.u32 v32, v43;
	v8 =	vld.idx.msk [tilespmem:v8+s17+$0x0], $0xffff;
	[tilespmem:s8+$0x60] =	vst v13  }
0xa3: {  	v3 =	vor.u32 v7, v4;
	v2 =	vor.u32 v2, v16;
	v9 =	vand.u32 $0x7F, v39;
	[tilespmem:s8+$0x40] =	vst v21;
	v4 =	vld.idx.msk [tilespmem:v5+s17+$0x0], $0xffff  }
0xa4: {  	v2 =	vor.u32 v9, v2;
	[tilespmem:s8+$0x440] =	vst v6;
	v9 =	vld.idx.msk [tilespmem:v11+s17+$0x0], $0xffff  }
0xa5: {  	[tilespmem:s8+$0x0] =	vst v10;
	v1 =	vld.idx.msk [tilespmem:v1+s17+$0x0], $0xffff  }
0xa6: {  	[tilespmem:s8+$0x420] =	vst v14;
	v5 =	vld.idx.msk [tilespmem:v12+s17+$0x0], $0xffff  }
0xa7: {  	[tilespmem:s8+$0x20] =	vst v8;
	v0 =	vld.idx.msk [tilespmem:v0+s17+$0x0], $0xffff  }
0xa8: {  	v3 =	vld.idx.msk [tilespmem:v3+s17+$0x0], $0xffff;
	[tilespmem:s8+$0x70] =	vst v4  }
0xa9: {  	v2 =	vld.idx.msk [tilespmem:v2+s17+$0x0], $0xffff;
	[tilespmem:s8+$0x50] =	vst v9  }
0xaa: {  	[tilespmem:s8+$0x450] =	vst v1  }
0xab: {  	s9 =	smul.u32 $0xE000, s11;
	[tilespmem:s8+$0x10] =	vst v5  }
0xac: {  	[tilespmem:s8+$0x430] =	vst v0  }
0xad: {  	s1 =	sshrl.u32 s9, $0x3;
	[tilespmem:s8+$0x30] =	vst v3  }
0xae: {  	s10 =	simm.s32 $0x0;
	s22 =	simm.s32 $0x3E0;
	s20 =	sadd.s32 s4, s1;
	[tilespmem:s8+$0x410] =	vst v2  }
0xaf: {  	[hbm4b:s20+s10] =	stream.linear.scatter [tilespmem:s24], [sflag:$0x1], $0x800, $0x38;
	[tilespmem:$0x1FC00] =	vst v63  }
0xb0: {  	v0 =	vld [tilespmem:s22+$0xFFFFFFD0]  }
0xb1: {  	v1 =	vld [tilespmem:s22+$0xFFFFFFB0];
	_ =	sdelay $0x1  }
0xb2: {  	s10 =	sand.u32 $0x3F0, s10;
	v5 =	vld [tilespmem:s22+$0xFFFFFFF0]  }
0xb3: {  	v15 =	vld [tilespmem:s10+$0x380]  }
0xb4: {  	v45 =	vld [tilespmem:s22+$0xFFFFFFC0];
	v2 =	vshrl.u32 v0, $0x10;
	v3 =	vshrl.u32 v0, $0xD;
	v4 =	vshrl.u32 v0, $0x11  }
0xb5: {  	v50 =	vld [tilespmem:s22+$0xFFFFFFE0];
	v7 =	vshrl.u32 v1, $0x10;
	v8 =	vshll.u32 v1, $0x3;
	v9 =	vshll.u32 v0, $0x3  }
0xb6: {  	v10 =	vshrl.u32 v1, $0x11;
	v11 =	vand.u32 $0xF87F, v0;
	v12 =	vand.u32 $0xF87F, v1  }
0xb7: {  	v0 =	vshrl.u32 v0, $0x1;
	v14 =	vshrl.u32 v5, $0xD;
	v44 =	vshrl.u32 v5, $0x1  }
0xb8: {  	v46 =	vshll.u32 v15, $0x3;
	v47 =	vshrl.u32 v15, $0x1;
	v48 =	vand.u32 $0xF87F, v15  }
0xb9: {  	v49 =	vand.u32 $0xF87F, v45;
	v51 =	vshrl.u32 v45, $0x11;
	v54 =	vshll.u32 v45, $0x3  }
0xba: {  	v56 =	vshrl.u32 v50, $0x10;
	v17 =	vshrl.u32 v45, $0x1;
	v59 =	vshrl.u32 v50, $0x11  }
0xbb: {  	v62 =	vshrl.u32 v50, $0xD;
	v6 =	vand.u32 $0xF800, v2;
	v3 =	vand.u32 $0x400, v3  }
0xbc: {  	v4 =	vand.u32 $0x380, v4;
	v9 =	vand.u32 $0x400, v9;
	v13 =	vand.u32 $0x7F, v7  }
0xbd: {  	v8 =	vand.u32 $0x400, v8;
	v0 =	vand.u32 $0x380, v0;
	v10 =	vand.u32 $0x380, v10  }
0xbe: {  	v7 =	vand.u32 $0xF800, v7;
	v2 =	vand.u32 $0x7F, v2;
	v60 =	vand.u32 $0x400, v54  }
0xbf: {  	v9 =	vor.u32 v9, v11;
	v11 =	vshrl.u32 v1, $0x1;
	v1 =	vshrl.u32 v1, $0xD  }
0xc0: {  	v8 =	vor.u32 v8, v12;
	v12 =	vand.u32 $0xF87F, v5;
	v3 =	vor.u32 v3, v6  }
0xc1: {  	v6 =	vshrl.u32 v15, $0x11;
	v16 =	vor.u32 v60, v49;
	v9 =	vor.u32 v0, v9  }
0xc2: {  	v0 =	vshll.u32 v5, $0x3;
	v1 =	vand.u32 $0x400, v1;
	v11 =	vand.u32 $0x380, v11  }
0xc3: {  	v3 =	vor.u32 v4, v3;
	v4 =	vand.u32 $0x380, v6;
	v0 =	vand.u32 $0x400, v0  }
0xc4: {  	v1 =	vor.u32 v1, v7;
	v7 =	vand.u32 $0x400, v46;
	v8 =	vor.u32 v11, v8  }
0xc5: {  	v3 =	vor.u32 v2, v3;
	v2 =	vand.u32 $0x380, v44;
	v0 =	vor.u32 v0, v12  }
0xc6: {  	v1 =	vor.u32 v10, v1;
	v10 =	vand.u32 $0x380, v47;
	v7 =	vor.u32 v7, v48  }
0xc7: {  	v12 =	vand.u32 $0x400, v14;
	v14 =	vshrl.u32 v5, $0x11;
	v7 =	vor.u32 v10, v7  }
0xc8: {  	v11 =	vld [tilespmem:s22+$0x0];
	v10 =	vshrl.u32 v15, $0xD;
	v13 =	vor.u32 v13, v1;
	v1 =	vshrl.u32 v15, $0x10  }
0xc9: {  	v15 =	vshrl.u32 v45, $0xD;
	v55 =	vor.u32 v2, v0;
	v2 =	vshrl.u32 v5, $0x10  }
0xca: {  	v14 =	vand.u32 $0x380, v14;
	v10 =	vand.u32 $0x400, v10;
	v6 =	vand.u32 $0x400, v15  }
0xcb: {  	v15 =	vshrl.u32 v45, $0x10;
	v52 =	vand.u32 $0x7F, v1;
	v53 =	vand.u32 $0xF800, v1;
	v9 =	vld.idx.msk [tilespmem:v9+s17+$0x0], $0xffff  }
0xcc: {  	v5 =	vand.u32 $0x7F, v2;
	v57 =	vand.u32 $0xF800, v2;
	v2 =	vshrl.u32 v50, $0x1;
	v8 =	vld.idx.msk [tilespmem:v8+s17+$0x0], $0xffff  }
0xcd: {  	v10 =	vor.u32 v10, v53;
	v12 =	vor.u32 v12, v57;
	v1 =	vshrl.u32 v11, $0x11  }
0xce: {  	v4 =	vor.u32 v4, v10;
	v10 =	vand.u32 $0x380, v17;
	v61 =	vshrl.u32 v11, $0x1  }
0xcf: {  	s8 =	simm.s32 $0x1E400;
	v63 =	vshll.u32 v11, $0x3;
	v17 =	vand.u32 $0x380, v59;
	v0 =	vand.u32 $0x380, v1  }
0xd0: {  	v4 =	vor.u32 v52, v4;
	v16 =	vor.u32 v10, v16;
	v7 =	vld.idx.msk [tilespmem:v7+s17+$0x0], $0xffff;
	[tilespmem:s8+$0x60] =	vst v9;
	v9 =	vand.u32 $0xF800, v15  }
0xd1: {  	v1 =	vshrl.u32 v11, $0x10;
	v6 =	vor.u32 v6, v9;
	v9 =	vor.u32 v14, v12;
	[tilespmem:s8+$0x20] =	vst v8;
	v8 =	vld.idx.msk [tilespmem:v55+s17+$0x0], $0xffff  }
0xd2: {  	v10 =	vand.u32 $0x400, v62;
	v58 =	vand.u32 $0xF800, v1;
	v3 =	vld.idx.msk [tilespmem:v3+s17+$0x0], $0xffff;
	v5 =	vor.u32 v5, v9  }
0xd3: {  	v15 =	vand.u32 $0x7F, v15;
	v12 =	vand.u32 $0x380, v51;
	v14 =	vand.u32 $0xF87F, v11;
	v9 =	vld.idx.msk [tilespmem:v13+s17+$0x0], $0xffff  }
0xd4: {  	v11 =	vshrl.u32 v11, $0xD;
	v13 =	vand.u32 $0xF800, v56;
	v6 =	vor.u32 v12, v6  }
0xd5: {  	[tilespmem:s8+$0x0] =	vst v7;
	v10 =	vor.u32 v10, v13;
	v13 =	vand.u32 $0x400, v63;
	v6 =	vor.u32 v15, v6  }
0xd6: {  	v7 =	vand.u32 $0xF87F, v50;
	v10 =	vor.u32 v17, v10;
	v4 =	vld.idx.msk [tilespmem:v4+s17+$0x0], $0xffff;
	v12 =	vor.u32 v13, v14;
	[tilespmem:s8+$0x420] =	vst v8  }
0xd7: {  	[dreg:$0x11] =	wrdreg s11;
	[tilespmem:s8+$0x70] =	vst v3;
	v3 =	vand.u32 $0x7F, v56;
	v8 =	vand.u32 $0x400, v11;
	v11 =	vshll.u32 v50, $0x3;
	v5 =	vld.idx.msk [tilespmem:v5+s17+$0x0], $0xffff  }
0xd8: {  	s13 =	simm.s32 $0x70;
	s11 =	simm.s32 $0x450;
	s10 =	simm.s32 $0x1E400;
	v3 =	vor.u32 v3, v10;
	v10 =	vand.u32 $0x380, v61;
	[tilespmem:s8+$0x30] =	vst v9;
	v9 =	vld.idx.msk [tilespmem:v16+s17+$0x0], $0xffff;
	v8 =	vor.u32 v8, v58  }
.LBB2_5:
0xd9: {  	s12 =	smov.u32 s13  }
0xda: {  	s14 =	sand.u32 $0x3F0, s13;
	v13 =	vld [tilespmem:s11+$0xFFFFFFD0];
	v11 =	vand.u32 $0x400, v11;
	v2 =	vand.u32 $0x380, v2;
	v10 =	vor.u32 v10, v12;
	s8 =	sadd.s32 $0x80, s8;
	s12 =	sadd.s32 $0x70, s13  }
0xdb: {  	p0 =	sne.s32 s13, $0x310;
	v7 =	vor.u32 v11, v7;
	v12 =	vld [tilespmem:s11+$0xFFFFFFB0]  }
0xdc: {  	v2 =	vor.u32 v2, v7;
	_ =	sdelay $0x1  }
0xdd: {  	[tilespmem:s10+$0x430] =	vst v5  }
0xde: {  	v5 =	vshrl.u32 v13, $0x10;
	v7 =	vshrl.u32 v13, $0xD;
	v11 =	vshrl.u32 v13, $0x11;
	v14 =	vld [tilespmem:s11+$0xFFFFFFF0];
	[tilespmem:s10+$0x40] =	vst v9  }
0xdf: {  	v9 =	vand.u32 $0xF800, v5;
	v7 =	vand.u32 $0x400, v7;
	v11 =	vand.u32 $0x380, v11;
	v10 =	vld.idx.msk [tilespmem:v10+s17+$0x0], $0xffff  }
0xe0: {  	v1 =	vand.u32 $0x7F, v1;
	v0 =	vor.u32 v0, v8;
	v15 =	vshrl.u32 v12, $0x10;
	v2 =	vld.idx.msk [tilespmem:v2+s17+$0x0], $0xffff  }
0xe1: {  	v0 =	vor.u32 v1, v0;
	v16 =	vshll.u32 v13, $0x3;
	v8 =	vshll.u32 v12, $0x3;
	v6 =	vld.idx.msk [tilespmem:v6+s17+$0x0], $0xffff  }
0xe2: {  	v17 =	vand.u32 $0xF87F, v13;
	v16 =	vand.u32 $0x400, v16;
	v1 =	vshrl.u32 v12, $0x11  }
0xe3: {  	v18 =	vand.u32 $0xF87F, v12;
	v16 =	vor.u32 v16, v17;
	v19 =	vand.u32 $0x7F, v15;
	[tilespmem:s10+$0x10] =	vst v4  }
0xe4: {  	v13 =	vshrl.u32 v13, $0x1;
	v4 =	vshrl.u32 v12, $0x1;
	v17 =	vshrl.u32 v14, $0xD  }
0xe5: {  	v13 =	vand.u32 $0x380, v13;
	v8 =	vand.u32 $0x400, v8;
	v12 =	vshrl.u32 v12, $0xD;
	v20 =	vld [tilespmem:s14+$0x380];
	[tilespmem:s10+$0x440] =	vst v10  }
0xe6: {  	v8 =	vor.u32 v8, v18;
	v10 =	vor.u32 v13, v16;
	v13 =	vshll.u32 v14, $0x3;
	[tilespmem:s10+$0x400] =	vst v2;
	v0 =	vld.idx.msk [tilespmem:v0+s17+$0x0], $0xffff  }
0xe7: {  	v1 =	vand.u32 $0x380, v1;
	v2 =	vand.u32 $0x400, v13;
	v13 =	vand.u32 $0xF87F, v14;
	[tilespmem:s10+$0x50] =	vst v6;
	v3 =	vld.idx.msk [tilespmem:v3+s17+$0x0], $0xffff  }
0xe8: {  	v6 =	vand.u32 $0xF800, v15;
	v15 =	vshrl.u32 v14, $0x1;
	v2 =	vor.u32 v2, v13  }
0xe9: {  	v12 =	vand.u32 $0x400, v12;
	v16 =	vand.u32 $0x400, v17;
	v17 =	vshrl.u32 v14, $0x11;
	v13 =	vld [tilespmem:s11+$0xFFFFFFC0]  }
0xea: {  	v6 =	vor.u32 v12, v6;
	v18 =	vshll.u32 v20, $0x3;
	v21 =	vshrl.u32 v20, $0x1  }
0xeb: {  	v1 =	vor.u32 v1, v6;
	v12 =	vand.u32 $0x400, v18;
	v18 =	vand.u32 $0xF87F, v20;
	v6 =	vld.idx.msk [tilespmem:v10+s17+$0x0], $0xffff  }
0xec: {  	v4 =	vand.u32 $0x380, v4;
	v10 =	vand.u32 $0x380, v21;
	v12 =	vor.u32 v12, v18;
	[tilespmem:s10+$0x450] =	vst v0  }
0xed: {  	v0 =	vor.u32 v10, v12;
	v10 =	vshrl.u32 v20, $0xD;
	v12 =	vor.u32 v19, v1;
	[tilespmem:s10+$0x410] =	vst v3;
	s10 =	smov.u32 s8  }
0xee: {  	v4 =	vor.u32 v4, v8;
	v1 =	vshrl.u32 v20, $0x10;
	v3 =	vand.u32 $0x400, v10;
	v8 =	vld [tilespmem:s11+$0x0]  }
0xef: {  	v5 =	vand.u32 $0x7F, v5;
	v7 =	vor.u32 v7, v9;
	v10 =	vand.u32 $0xF87F, v13  }
0xf0: {  	v7 =	vor.u32 v11, v7;
	v9 =	vshrl.u32 v20, $0x11;
	v18 =	vshrl.u32 v13, $0xD;
	v11 =	vld [tilespmem:s11+$0xFFFFFFE0]  }
0xf1: {  	v5 =	vor.u32 v5, v7;
	v9 =	vand.u32 $0x380, v9;
	v18 =	vand.u32 $0x400, v18;
	[tilespmem:s8+$0x60] =	vst v6  }
0xf2: {  	v19 =	vshrl.u32 v13, $0x10;
	v7 =	vshrl.u32 v13, $0x11;
	v6 =	vld.idx.msk [tilespmem:v0+s17+$0x0], $0xffff;
	v0 =	vand.u32 $0x380, v15  }
0xf3: {  	v20 =	vand.u32 $0xF800, v1;
	v15 =	vand.u32 $0x7F, v1;
	v1 =	vshrl.u32 v8, $0x11  }
0xf4: {  	v21 =	vshll.u32 v13, $0x3;
	v22 =	vor.u32 v0, v2;
	v4 =	vld.idx.msk [tilespmem:v4+s17+$0x0], $0xffff;
	v0 =	vand.u32 $0x380, v1  }
0xf5: {  	v2 =	vshrl.u32 v14, $0x10;
	v1 =	vshrl.u32 v8, $0x10;
	v23 =	vshrl.u32 v11, $0x10  }
0xf6: {  	v14 =	vand.u32 $0x7F, v2;
	v24 =	vand.u32 $0xF800, v2;
	v25 =	vand.u32 $0xF800, v1;
	v5 =	vld.idx.msk [tilespmem:v5+s17+$0x0], $0xffff  }
0xf7: {  	v13 =	vshrl.u32 v13, $0x1;
	v3 =	vor.u32 v3, v20;
	v2 =	vshrl.u32 v11, $0x1  }
0xf8: {  	v3 =	vor.u32 v9, v3;
	v9 =	vshrl.u32 v11, $0x11;
	[tilespmem:s8+$0x0] =	vst v6;
	v6 =	vand.u32 $0x380, v13  }
0xf9: {  	v3 =	vor.u32 v15, v3;
	v15 =	vand.u32 $0x380, v17;
	v13 =	vand.u32 $0x400, v21  }
0xfa: {  	v20 =	vshrl.u32 v8, $0x1;
	v16 =	vor.u32 v16, v24;
	[tilespmem:s8+$0x20] =	vst v4;
	v4 =	vand.u32 $0xF800, v19;
	v17 =	vld.idx.msk [tilespmem:v22+s17+$0x0], $0xffff  }
0xfb: {  	v10 =	vor.u32 v13, v10;
	v12 =	vld.idx.msk [tilespmem:v12+s17+$0x0], $0xffff;
	v13 =	vor.u32 v18, v4;
	v4 =	vor.u32 v15, v16  }
0xfc: {  	v15 =	vand.u32 $0x380, v7;
	[tilespmem:s8+$0x70] =	vst v5;
	v5 =	vor.u32 v14, v4;
	v14 =	vand.u32 $0xF87F, v8  }
0xfd: {  	v7 =	vand.u32 $0xF800, v23;
	v16 =	vshrl.u32 v11, $0xD;
	v18 =	vshll.u32 v8, $0x3  }
0xfe: {  	v9 =	vand.u32 $0x380, v9;
	v6 =	vor.u32 v6, v10;
	v4 =	vld.idx.msk [tilespmem:v3+s17+$0x0], $0xffff;
	v3 =	vand.u32 $0x400, v16  }
.Ltmp5:
0xff: {  	v8 =	vshrl.u32 v8, $0xD;
	v16 =	vand.u32 $0x400, v18;
	v3 =	vor.u32 v3, v7;
	(pc) =	sbr.rel @p0 .LBB2_5-.Ltmp5, $4  }
0x100: {  	v10 =	vand.u32 $0x7F, v23;
	v7 =	vand.u32 $0xF87F, v11;
	v3 =	vor.u32 v9, v3;
	[tilespmem:s8+$0x420] =	vst v17  }
0x101: {  	v8 =	vand.u32 $0x400, v8;
	[tilespmem:s8+$0x30] =	vst v12;
	v3 =	vor.u32 v10, v3;
	v5 =	vld.idx.msk [tilespmem:v5+s17+$0x0], $0xffff;
	v10 =	vand.u32 $0x380, v20  }
0x102: {  	v13 =	vor.u32 v15, v13;
	v11 =	vshll.u32 v11, $0x3;
	v12 =	vand.u32 $0x7F, v19  }
0x103: {  	s13 =	smov.u32 s12;
	s11 =	sadd.s32 $0x70, s11;
	v8 =	vor.u32 v8, v25;
	v9 =	vld.idx.msk [tilespmem:v6+s17+$0x0], $0xffff;
	v6 =	vor.u32 v12, v13;
	v12 =	vor.u32 v16, v14  }
0x104: {  	v11 =	vand.u32 $0x400, v11  }
0x105: {  	v2 =	vand.u32 $0x380, v2;
	v10 =	vor.u32 v10, v12;
	v7 =	vor.u32 v11, v7  }
0x106: {  	v2 =	vor.u32 v2, v7;
	_ =	sdelay $0x3  }
0x107: {  	v1 =	vand.u32 $0x7F, v1;
	v0 =	vor.u32 v0, v8;
	v7 =	vld.idx.msk [tilespmem:v10+s17+$0x0], $0xffff  }
0x108: {  	v0 =	vor.u32 v1, v0;
	v2 =	vld.idx.msk [tilespmem:v2+s17+$0x0], $0xffff;
	_ =	sdelay $0x2  }
0x109: {  	[tilespmem:s10+$0x40] =	vst v9  }
0x10a: {  	v1 =	vld.idx.msk [tilespmem:v6+s17+$0x0], $0xffff;
	[tilespmem:s10+$0x440] =	vst v7  }
0x10b: {  	v0 =	vld.idx.msk [tilespmem:v0+s17+$0x0], $0xffff;
	[tilespmem:s10+$0x400] =	vst v2  }
0x10c: {  	v2 =	vld.idx.msk [tilespmem:v3+s17+$0x0], $0xffff  }
0x10d: {  	[tilespmem:s10+$0x10] =	vst v4  }
0x10e: {  	[tilespmem:s10+$0x430] =	vst v5  }
0x10f: {  	[tilespmem:s10+$0x50] =	vst v1  }
0x110: {  	s6 =	rddreg [dreg:$0xa];
	[tilespmem:s10+$0x450] =	vst v0  }
0x111: {  	s20 =	simm.s32 $0x0;
	s22 =	simm.s32 $0x760;
	s8 =	sadd.s32 s1, s6;
	[tilespmem:s10+$0x410] =	vst v2  }
0x112: {  	[hbm4b:s8+s20] =	stream.linear.scatter [tilespmem:s25], [sflag:$0x2], $0x800, $0x38;
	[tilespmem:$0x1FC00] =	vst v63  }
0x113: {  	v0 =	vld [tilespmem:s22+$0xFFFFFFD0]  }
0x114: {  	v1 =	vld [tilespmem:s22+$0xFFFFFFB0];
	_ =	sdelay $0x1  }
0x115: {  	s10 =	sand.u32 $0x3F0, s20;
	v5 =	vld [tilespmem:s22+$0xFFFFFFF0]  }
0x116: {  	v15 =	vld [tilespmem:s10+$0x700]  }
0x117: {  	v17 =	vld [tilespmem:s22+$0xFFFFFFC0];
	v2 =	vshrl.u32 v0, $0x10;
	v3 =	vshrl.u32 v0, $0xD;
	v4 =	vshrl.u32 v0, $0x11  }
0x118: {  	v56 =	vld [tilespmem:s22+$0xFFFFFFE0];
	v7 =	vshrl.u32 v1, $0x10;
	v8 =	vshll.u32 v1, $0x3;
	v9 =	vshll.u32 v0, $0x3  }
0x119: {  	v10 =	vshrl.u32 v1, $0x11;
	v11 =	vand.u32 $0xF87F, v0;
	v12 =	vand.u32 $0xF87F, v1  }
0x11a: {  	v0 =	vshrl.u32 v0, $0x1;
	v14 =	vshrl.u32 v5, $0xD;
	v16 =	vshrl.u32 v5, $0x1  }
0x11b: {  	v18 =	vshll.u32 v15, $0x3;
	v19 =	vshrl.u32 v15, $0x1;
	v54 =	vand.u32 $0xF87F, v15  }
0x11c: {  	v55 =	vand.u32 $0xF87F, v17;
	v20 =	vshrl.u32 v17, $0x11;
	v22 =	vshll.u32 v17, $0x3  }
0x11d: {  	v24 =	vshrl.u32 v56, $0x10;
	v59 =	vshrl.u32 v56, $0x11;
	v62 =	vshrl.u32 v56, $0xD  }
0x11e: {  	v6 =	vand.u32 $0xF800, v2;
	v3 =	vand.u32 $0x400, v3;
	v4 =	vand.u32 $0x380, v4  }
0x11f: {  	v9 =	vand.u32 $0x400, v9;
	v13 =	vand.u32 $0x7F, v7;
	v8 =	vand.u32 $0x400, v8  }
0x120: {  	v0 =	vand.u32 $0x380, v0;
	v10 =	vand.u32 $0x380, v10;
	v7 =	vand.u32 $0xF800, v7  }
0x121: {  	v2 =	vand.u32 $0x7F, v2;
	v60 =	vand.u32 $0x400, v22;
	v9 =	vor.u32 v9, v11  }
0x122: {  	v11 =	vshrl.u32 v1, $0x1;
	v1 =	vshrl.u32 v1, $0xD;
	v8 =	vor.u32 v8, v12  }
0x123: {  	v12 =	vand.u32 $0xF87F, v5;
	v3 =	vor.u32 v3, v6;
	v6 =	vshrl.u32 v15, $0x11  }
0x124: {  	v9 =	vor.u32 v0, v9;
	v0 =	vshll.u32 v5, $0x3;
	v1 =	vand.u32 $0x400, v1  }
0x125: {  	v11 =	vand.u32 $0x380, v11;
	v3 =	vor.u32 v4, v3;
	v4 =	vand.u32 $0x380, v6  }
0x126: {  	v0 =	vand.u32 $0x400, v0;
	v1 =	vor.u32 v1, v7;
	v7 =	vand.u32 $0x400, v18  }
0x127: {  	v8 =	vor.u32 v11, v8;
	v3 =	vor.u32 v2, v3;
	v2 =	vand.u32 $0x380, v16  }
0x128: {  	v16 =	vand.u32 $0x380, v59;
	v0 =	vor.u32 v0, v12;
	v12 =	vand.u32 $0x400, v14  }
0x129: {  	v1 =	vor.u32 v10, v1;
	v10 =	vand.u32 $0x380, v19;
	v7 =	vor.u32 v7, v54  }
0x12a: {  	v14 =	vshrl.u32 v5, $0x11;
	v7 =	vor.u32 v10, v7;
	v10 =	vshrl.u32 v15, $0xD  }
0x12b: {  	v11 =	vld [tilespmem:s22+$0x0];
	v13 =	vor.u32 v13, v1;
	v1 =	vshrl.u32 v15, $0x10;
	v15 =	vshrl.u32 v17, $0xD  }
0x12c: {  	v23 =	vor.u32 v2, v0;
	v2 =	vshrl.u32 v5, $0x10;
	v14 =	vand.u32 $0x380, v14  }
0x12d: {  	v10 =	vand.u32 $0x400, v10;
	v6 =	vand.u32 $0x400, v15;
	v15 =	vshrl.u32 v17, $0x10  }
0x12e: {  	v57 =	vand.u32 $0x7F, v1;
	v21 =	vand.u32 $0xF800, v1;
	v5 =	vand.u32 $0x7F, v2;
	v9 =	vld.idx.msk [tilespmem:v9+s17+$0x0], $0xffff  }
0x12f: {  	v25 =	vand.u32 $0xF800, v2;
	v2 =	vor.u32 v10, v21;
	v10 =	vshrl.u32 v17, $0x1;
	v8 =	vld.idx.msk [tilespmem:v8+s17+$0x0], $0xffff  }
0x130: {  	v12 =	vor.u32 v12, v25;
	v17 =	vor.u32 v60, v55;
	v1 =	vshrl.u32 v11, $0x11  }
0x131: {  	v4 =	vor.u32 v4, v2;
	v2 =	vshrl.u32 v56, $0x1;
	v10 =	vand.u32 $0x380, v10  }
0x132: {  	s8 =	simm.s32 $0x1EC00;
	v61 =	vshrl.u32 v11, $0x1;
	v63 =	vshll.u32 v11, $0x3;
	v0 =	vand.u32 $0x380, v1  }
0x133: {  	v4 =	vor.u32 v57, v4;
	v17 =	vor.u32 v10, v17;
	v7 =	vld.idx.msk [tilespmem:v7+s17+$0x0], $0xffff;
	[tilespmem:s8+$0x60] =	vst v9;
	v9 =	vand.u32 $0xF800, v15  }
0x134: {  	v1 =	vshrl.u32 v11, $0x10;
	v6 =	vor.u32 v6, v9;
	v9 =	vor.u32 v14, v12;
	[tilespmem:s8+$0x20] =	vst v8;
	v8 =	vld.idx.msk [tilespmem:v23+s17+$0x0], $0xffff  }
0x135: {  	v10 =	vand.u32 $0x400, v62;
	v58 =	vand.u32 $0xF800, v1;
	v3 =	vld.idx.msk [tilespmem:v3+s17+$0x0], $0xffff;
	v5 =	vor.u32 v5, v9  }
0x136: {  	v15 =	vand.u32 $0x7F, v15;
	v12 =	vand.u32 $0x380, v20;
	v14 =	vand.u32 $0xF87F, v11;
	v9 =	vld.idx.msk [tilespmem:v13+s17+$0x0], $0xffff  }
0x137: {  	v11 =	vshrl.u32 v11, $0xD;
	v13 =	vand.u32 $0xF800, v24;
	v6 =	vor.u32 v12, v6  }
0x138: {  	[tilespmem:s8+$0x0] =	vst v7;
	v10 =	vor.u32 v10, v13;
	v13 =	vand.u32 $0x400, v63;
	v6 =	vor.u32 v15, v6  }
0x139: {  	v7 =	vand.u32 $0xF87F, v56;
	v10 =	vor.u32 v16, v10;
	v4 =	vld.idx.msk [tilespmem:v4+s17+$0x0], $0xffff;
	v12 =	vor.u32 v13, v14;
	[tilespmem:s8+$0x420] =	vst v8  }
0x13a: {  	[tilespmem:s8+$0x70] =	vst v3;
	v3 =	vand.u32 $0x7F, v24;
	v8 =	vand.u32 $0x400, v11;
	v11 =	vshll.u32 v56, $0x3;
	v5 =	vld.idx.msk [tilespmem:v5+s17+$0x0], $0xffff  }
0x13b: {  	s13 =	simm.s32 $0x70;
	s11 =	simm.s32 $0x7D0;
	s10 =	simm.s32 $0x1EC00;
	v3 =	vor.u32 v3, v10;
	v10 =	vand.u32 $0x380, v61;
	[tilespmem:s8+$0x30] =	vst v9;
	v9 =	vld.idx.msk [tilespmem:v17+s17+$0x0], $0xffff;
	v8 =	vor.u32 v8, v58  }
.LBB2_7:
0x13c: {  	s12 =	smov.u32 s13  }
0x13d: {  	s14 =	sand.u32 $0x3F0, s13;
	v13 =	vld [tilespmem:s11+$0xFFFFFFD0];
	v11 =	vand.u32 $0x400, v11;
	v2 =	vand.u32 $0x380, v2;
	v10 =	vor.u32 v10, v12;
	s8 =	sadd.s32 $0x80, s8;
	s12 =	sadd.s32 $0x70, s13  }
0x13e: {  	p0 =	sne.s32 s13, $0x310;
	v7 =	vor.u32 v11, v7;
	v12 =	vld [tilespmem:s11+$0xFFFFFFB0]  }
0x13f: {  	v2 =	vor.u32 v2, v7;
	_ =	sdelay $0x1  }
0x140: {  	[tilespmem:s10+$0x430] =	vst v5  }
0x141: {  	v5 =	vshrl.u32 v13, $0x10;
	v7 =	vshrl.u32 v13, $0xD;
	v11 =	vshrl.u32 v13, $0x11;
	v14 =	vld [tilespmem:s11+$0xFFFFFFF0];
	[tilespmem:s10+$0x40] =	vst v9  }
0x142: {  	v9 =	vand.u32 $0xF800, v5;
	v7 =	vand.u32 $0x400, v7;
	v11 =	vand.u32 $0x380, v11;
	v10 =	vld.idx.msk [tilespmem:v10+s17+$0x0], $0xffff  }
0x143: {  	v1 =	vand.u32 $0x7F, v1;
	v0 =	vor.u32 v0, v8;
	v15 =	vshrl.u32 v12, $0x10;
	v2 =	vld.idx.msk [tilespmem:v2+s17+$0x0], $0xffff  }
0x144: {  	v0 =	vor.u32 v1, v0;
	v16 =	vshll.u32 v13, $0x3;
	v8 =	vshll.u32 v12, $0x3;
	v6 =	vld.idx.msk [tilespmem:v6+s17+$0x0], $0xffff  }
0x145: {  	v17 =	vand.u32 $0xF87F, v13;
	v16 =	vand.u32 $0x400, v16;
	v1 =	vshrl.u32 v12, $0x11  }
0x146: {  	v18 =	vand.u32 $0xF87F, v12;
	v16 =	vor.u32 v16, v17;
	v19 =	vand.u32 $0x7F, v15;
	[tilespmem:s10+$0x10] =	vst v4  }
0x147: {  	v13 =	vshrl.u32 v13, $0x1;
	v4 =	vshrl.u32 v12, $0x1;
	v17 =	vshrl.u32 v14, $0xD  }
0x148: {  	v13 =	vand.u32 $0x380, v13;
	v8 =	vand.u32 $0x400, v8;
	v12 =	vshrl.u32 v12, $0xD;
	v20 =	vld [tilespmem:s14+$0x700];
	[tilespmem:s10+$0x440] =	vst v10  }
0x149: {  	v8 =	vor.u32 v8, v18;
	v10 =	vor.u32 v13, v16;
	v13 =	vshll.u32 v14, $0x3;
	[tilespmem:s10+$0x400] =	vst v2;
	v0 =	vld.idx.msk [tilespmem:v0+s17+$0x0], $0xffff  }
0x14a: {  	v1 =	vand.u32 $0x380, v1;
	v2 =	vand.u32 $0x400, v13;
	v13 =	vand.u32 $0xF87F, v14;
	[tilespmem:s10+$0x50] =	vst v6;
	v3 =	vld.idx.msk [tilespmem:v3+s17+$0x0], $0xffff  }
0x14b: {  	v6 =	vand.u32 $0xF800, v15;
	v15 =	vshrl.u32 v14, $0x1;
	v2 =	vor.u32 v2, v13  }
0x14c: {  	v12 =	vand.u32 $0x400, v12;
	v16 =	vand.u32 $0x400, v17;
	v17 =	vshrl.u32 v14, $0x11;
	v13 =	vld [tilespmem:s11+$0xFFFFFFC0]  }
0x14d: {  	v6 =	vor.u32 v12, v6;
	v18 =	vshll.u32 v20, $0x3;
	v21 =	vshrl.u32 v20, $0x1  }
0x14e: {  	v1 =	vor.u32 v1, v6;
	v12 =	vand.u32 $0x400, v18;
	v18 =	vand.u32 $0xF87F, v20;
	v6 =	vld.idx.msk [tilespmem:v10+s17+$0x0], $0xffff  }
0x14f: {  	v4 =	vand.u32 $0x380, v4;
	v10 =	vand.u32 $0x380, v21;
	v12 =	vor.u32 v12, v18;
	[tilespmem:s10+$0x450] =	vst v0  }
0x150: {  	v0 =	vor.u32 v10, v12;
	v10 =	vshrl.u32 v20, $0xD;
	v12 =	vor.u32 v19, v1;
	[tilespmem:s10+$0x410] =	vst v3;
	s10 =	smov.u32 s8  }
0x151: {  	v4 =	vor.u32 v4, v8;
	v1 =	vshrl.u32 v20, $0x10;
	v3 =	vand.u32 $0x400, v10;
	v8 =	vld [tilespmem:s11+$0x0]  }
0x152: {  	v5 =	vand.u32 $0x7F, v5;
	v7 =	vor.u32 v7, v9;
	v10 =	vand.u32 $0xF87F, v13  }
0x153: {  	v7 =	vor.u32 v11, v7;
	v9 =	vshrl.u32 v20, $0x11;
	v18 =	vshrl.u32 v13, $0xD;
	v11 =	vld [tilespmem:s11+$0xFFFFFFE0]  }
0x154: {  	v5 =	vor.u32 v5, v7;
	v9 =	vand.u32 $0x380, v9;
	v18 =	vand.u32 $0x400, v18;
	[tilespmem:s8+$0x60] =	vst v6  }
0x155: {  	v19 =	vshrl.u32 v13, $0x10;
	v7 =	vshrl.u32 v13, $0x11;
	v6 =	vld.idx.msk [tilespmem:v0+s17+$0x0], $0xffff;
	v0 =	vand.u32 $0x380, v15  }
0x156: {  	v20 =	vand.u32 $0xF800, v1;
	v15 =	vand.u32 $0x7F, v1;
	v1 =	vshrl.u32 v8, $0x11  }
0x157: {  	v21 =	vshll.u32 v13, $0x3;
	v22 =	vor.u32 v0, v2;
	v4 =	vld.idx.msk [tilespmem:v4+s17+$0x0], $0xffff;
	v0 =	vand.u32 $0x380, v1  }
0x158: {  	v2 =	vshrl.u32 v14, $0x10;
	v1 =	vshrl.u32 v8, $0x10;
	v23 =	vshrl.u32 v11, $0x10  }
0x159: {  	v14 =	vand.u32 $0x7F, v2;
	v24 =	vand.u32 $0xF800, v2;
	v25 =	vand.u32 $0xF800, v1;
	v5 =	vld.idx.msk [tilespmem:v5+s17+$0x0], $0xffff  }
0x15a: {  	v13 =	vshrl.u32 v13, $0x1;
	v3 =	vor.u32 v3, v20;
	v2 =	vshrl.u32 v11, $0x1  }
0x15b: {  	v3 =	vor.u32 v9, v3;
	v9 =	vshrl.u32 v11, $0x11;
	[tilespmem:s8+$0x0] =	vst v6;
	v6 =	vand.u32 $0x380, v13  }
0x15c: {  	v3 =	vor.u32 v15, v3;
	v15 =	vand.u32 $0x380, v17;
	v13 =	vand.u32 $0x400, v21  }
0x15d: {  	v20 =	vshrl.u32 v8, $0x1;
	v16 =	vor.u32 v16, v24;
	[tilespmem:s8+$0x20] =	vst v4;
	v4 =	vand.u32 $0xF800, v19;
	v17 =	vld.idx.msk [tilespmem:v22+s17+$0x0], $0xffff  }
0x15e: {  	v10 =	vor.u32 v13, v10;
	v12 =	vld.idx.msk [tilespmem:v12+s17+$0x0], $0xffff;
	v13 =	vor.u32 v18, v4;
	v4 =	vor.u32 v15, v16  }
0x15f: {  	v15 =	vand.u32 $0x380, v7;
	[tilespmem:s8+$0x70] =	vst v5;
	v5 =	vor.u32 v14, v4;
	v14 =	vand.u32 $0xF87F, v8  }
0x160: {  	v7 =	vand.u32 $0xF800, v23;
	v16 =	vshrl.u32 v11, $0xD;
	v18 =	vshll.u32 v8, $0x3  }
0x161: {  	v9 =	vand.u32 $0x380, v9;
	v6 =	vor.u32 v6, v10;
	v4 =	vld.idx.msk [tilespmem:v3+s17+$0x0], $0xffff;
	v3 =	vand.u32 $0x400, v16  }
.Ltmp6:
0x162: {  	v8 =	vshrl.u32 v8, $0xD;
	v16 =	vand.u32 $0x400, v18;
	v3 =	vor.u32 v3, v7;
	(pc) =	sbr.rel @p0 .LBB2_7-.Ltmp6, $4  }
0x163: {  	v10 =	vand.u32 $0x7F, v23;
	v7 =	vand.u32 $0xF87F, v11;
	v3 =	vor.u32 v9, v3;
	[tilespmem:s8+$0x420] =	vst v17  }
0x164: {  	v8 =	vand.u32 $0x400, v8;
	[tilespmem:s8+$0x30] =	vst v12;
	v3 =	vor.u32 v10, v3;
	v5 =	vld.idx.msk [tilespmem:v5+s17+$0x0], $0xffff;
	v10 =	vand.u32 $0x380, v20  }
0x165: {  	v13 =	vor.u32 v15, v13;
	v11 =	vshll.u32 v11, $0x3;
	v12 =	vand.u32 $0x7F, v19  }
0x166: {  	s13 =	smov.u32 s12;
	s11 =	sadd.s32 $0x70, s11;
	v8 =	vor.u32 v8, v25;
	v9 =	vld.idx.msk [tilespmem:v6+s17+$0x0], $0xffff;
	v6 =	vor.u32 v12, v13;
	v12 =	vor.u32 v16, v14  }
0x167: {  	v11 =	vand.u32 $0x400, v11  }
0x168: {  	v2 =	vand.u32 $0x380, v2;
	v10 =	vor.u32 v10, v12;
	v7 =	vor.u32 v11, v7  }
0x169: {  	v2 =	vor.u32 v2, v7;
	_ =	sdelay $0x3  }
0x16a: {  	v1 =	vand.u32 $0x7F, v1;
	v0 =	vor.u32 v0, v8;
	v7 =	vld.idx.msk [tilespmem:v10+s17+$0x0], $0xffff  }
0x16b: {  	v0 =	vor.u32 v1, v0;
	v2 =	vld.idx.msk [tilespmem:v2+s17+$0x0], $0xffff;
	_ =	sdelay $0x2  }
0x16c: {  	[tilespmem:s10+$0x40] =	vst v9  }
0x16d: {  	v1 =	vld.idx.msk [tilespmem:v6+s17+$0x0], $0xffff;
	[tilespmem:s10+$0x440] =	vst v7  }
0x16e: {  	v0 =	vld.idx.msk [tilespmem:v0+s17+$0x0], $0xffff;
	[tilespmem:s10+$0x400] =	vst v2  }
0x16f: {  	v2 =	vld.idx.msk [tilespmem:v3+s17+$0x0], $0xffff  }
0x170: {  	[tilespmem:s10+$0x10] =	vst v4  }
0x171: {  	[tilespmem:s10+$0x430] =	vst v5  }
0x172: {  	[tilespmem:s10+$0x50] =	vst v1  }
0x173: {  	s6 =	rddreg [dreg:$0xb];
	[tilespmem:s10+$0x450] =	vst v0  }
0x174: {  	s20 =	simm.s32 $0x0;
	s22 =	simm.s32 $0xAE0;
	s8 =	sadd.s32 s1, s6;
	[tilespmem:s10+$0x410] =	vst v2  }
0x175: {  	[hbm4b:s8+s20] =	stream.linear.scatter [tilespmem:s26], [sflag:$0x3], $0x800, $0x38;
	[tilespmem:$0x1FC00] =	vst v63  }
0x176: {  	v0 =	vld [tilespmem:s22+$0xFFFFFFD0]  }
0x177: {  	v1 =	vld [tilespmem:s22+$0xFFFFFFB0];
	_ =	sdelay $0x1  }
0x178: {  	s10 =	sand.u32 $0x3F0, s20;
	v5 =	vld [tilespmem:s22+$0xFFFFFFF0]  }
0x179: {  	v15 =	vld [tilespmem:s10+$0xA80]  }
0x17a: {  	v17 =	vld [tilespmem:s22+$0xFFFFFFC0];
	v2 =	vshrl.u32 v0, $0x10;
	v3 =	vshrl.u32 v0, $0xD;
	v4 =	vshrl.u32 v0, $0x11  }
0x17b: {  	v56 =	vld [tilespmem:s22+$0xFFFFFFE0];
	v7 =	vshrl.u32 v1, $0x10;
	v8 =	vshll.u32 v1, $0x3;
	v9 =	vshll.u32 v0, $0x3  }
0x17c: {  	v10 =	vshrl.u32 v1, $0x11;
	v11 =	vand.u32 $0xF87F, v0;
	v12 =	vand.u32 $0xF87F, v1  }
0x17d: {  	v0 =	vshrl.u32 v0, $0x1;
	v14 =	vshrl.u32 v5, $0xD;
	v16 =	vshrl.u32 v5, $0x1  }
0x17e: {  	v18 =	vshll.u32 v15, $0x3;
	v19 =	vshrl.u32 v15, $0x1;
	v54 =	vand.u32 $0xF87F, v15  }
0x17f: {  	v55 =	vand.u32 $0xF87F, v17;
	v20 =	vshrl.u32 v17, $0x11;
	v22 =	vshll.u32 v17, $0x3  }
0x180: {  	v24 =	vshrl.u32 v56, $0x10;
	v59 =	vshrl.u32 v56, $0x11;
	v62 =	vshrl.u32 v56, $0xD  }
0x181: {  	v6 =	vand.u32 $0xF800, v2;
	v3 =	vand.u32 $0x400, v3;
	v4 =	vand.u32 $0x380, v4  }
0x182: {  	v9 =	vand.u32 $0x400, v9;
	v13 =	vand.u32 $0x7F, v7;
	v8 =	vand.u32 $0x400, v8  }
0x183: {  	v0 =	vand.u32 $0x380, v0;
	v10 =	vand.u32 $0x380, v10;
	v7 =	vand.u32 $0xF800, v7  }
0x184: {  	v2 =	vand.u32 $0x7F, v2;
	v60 =	vand.u32 $0x400, v22;
	v9 =	vor.u32 v9, v11  }
0x185: {  	v11 =	vshrl.u32 v1, $0x1;
	v1 =	vshrl.u32 v1, $0xD;
	v8 =	vor.u32 v8, v12  }
0x186: {  	v12 =	vand.u32 $0xF87F, v5;
	v3 =	vor.u32 v3, v6;
	v6 =	vshrl.u32 v15, $0x11  }
0x187: {  	v9 =	vor.u32 v0, v9;
	v0 =	vshll.u32 v5, $0x3;
	v1 =	vand.u32 $0x400, v1  }
0x188: {  	v11 =	vand.u32 $0x380, v11;
	v3 =	vor.u32 v4, v3;
	v4 =	vand.u32 $0x380, v6  }
0x189: {  	v0 =	vand.u32 $0x400, v0;
	v1 =	vor.u32 v1, v7;
	v7 =	vand.u32 $0x400, v18  }
0x18a: {  	v8 =	vor.u32 v11, v8;
	v3 =	vor.u32 v2, v3;
	v2 =	vand.u32 $0x380, v16  }
0x18b: {  	v16 =	vand.u32 $0x380, v59;
	v0 =	vor.u32 v0, v12;
	v12 =	vand.u32 $0x400, v14  }
0x18c: {  	v1 =	vor.u32 v10, v1;
	v10 =	vand.u32 $0x380, v19;
	v7 =	vor.u32 v7, v54  }
0x18d: {  	v14 =	vshrl.u32 v5, $0x11;
	v7 =	vor.u32 v10, v7;
	v10 =	vshrl.u32 v15, $0xD  }
0x18e: {  	v11 =	vld [tilespmem:s22+$0x0];
	v13 =	vor.u32 v13, v1;
	v1 =	vshrl.u32 v15, $0x10;
	v15 =	vshrl.u32 v17, $0xD  }
0x18f: {  	v23 =	vor.u32 v2, v0;
	v2 =	vshrl.u32 v5, $0x10;
	v14 =	vand.u32 $0x380, v14  }
0x190: {  	v10 =	vand.u32 $0x400, v10;
	v6 =	vand.u32 $0x400, v15;
	v15 =	vshrl.u32 v17, $0x10  }
0x191: {  	v57 =	vand.u32 $0x7F, v1;
	v21 =	vand.u32 $0xF800, v1;
	v5 =	vand.u32 $0x7F, v2;
	v9 =	vld.idx.msk [tilespmem:v9+s17+$0x0], $0xffff  }
0x192: {  	v25 =	vand.u32 $0xF800, v2;
	v2 =	vor.u32 v10, v21;
	v10 =	vshrl.u32 v17, $0x1;
	v8 =	vld.idx.msk [tilespmem:v8+s17+$0x0], $0xffff  }
0x193: {  	v12 =	vor.u32 v12, v25;
	v17 =	vor.u32 v60, v55;
	v1 =	vshrl.u32 v11, $0x11  }
0x194: {  	v4 =	vor.u32 v4, v2;
	v2 =	vshrl.u32 v56, $0x1;
	v10 =	vand.u32 $0x380, v10  }
0x195: {  	s8 =	simm.s32 $0x1F400;
	v61 =	vshrl.u32 v11, $0x1;
	v63 =	vshll.u32 v11, $0x3;
	v0 =	vand.u32 $0x380, v1  }
0x196: {  	v4 =	vor.u32 v57, v4;
	v17 =	vor.u32 v10, v17;
	v7 =	vld.idx.msk [tilespmem:v7+s17+$0x0], $0xffff;
	[tilespmem:s8+$0x60] =	vst v9;
	v9 =	vand.u32 $0xF800, v15  }
0x197: {  	v1 =	vshrl.u32 v11, $0x10;
	v6 =	vor.u32 v6, v9;
	v9 =	vor.u32 v14, v12;
	[tilespmem:s8+$0x20] =	vst v8;
	v8 =	vld.idx.msk [tilespmem:v23+s17+$0x0], $0xffff  }
0x198: {  	v10 =	vand.u32 $0x400, v62;
	v58 =	vand.u32 $0xF800, v1;
	v3 =	vld.idx.msk [tilespmem:v3+s17+$0x0], $0xffff;
	v5 =	vor.u32 v5, v9  }
0x199: {  	v15 =	vand.u32 $0x7F, v15;
	v12 =	vand.u32 $0x380, v20;
	v14 =	vand.u32 $0xF87F, v11;
	v9 =	vld.idx.msk [tilespmem:v13+s17+$0x0], $0xffff  }
0x19a: {  	v11 =	vshrl.u32 v11, $0xD;
	v13 =	vand.u32 $0xF800, v24;
	v6 =	vor.u32 v12, v6  }
0x19b: {  	[tilespmem:s8+$0x0] =	vst v7;
	v10 =	vor.u32 v10, v13;
	v13 =	vand.u32 $0x400, v63;
	v6 =	vor.u32 v15, v6  }
0x19c: {  	v7 =	vand.u32 $0xF87F, v56;
	v10 =	vor.u32 v16, v10;
	v4 =	vld.idx.msk [tilespmem:v4+s17+$0x0], $0xffff;
	v12 =	vor.u32 v13, v14;
	[tilespmem:s8+$0x420] =	vst v8  }
0x19d: {  	[tilespmem:s8+$0x70] =	vst v3;
	v3 =	vand.u32 $0x7F, v24;
	v8 =	vand.u32 $0x400, v11;
	v11 =	vshll.u32 v56, $0x3;
	v5 =	vld.idx.msk [tilespmem:v5+s17+$0x0], $0xffff  }
0x19e: {  	s13 =	simm.s32 $0x70;
	s11 =	simm.s32 $0xB50;
	s10 =	simm.s32 $0x1F400;
	v3 =	vor.u32 v3, v10;
	v10 =	vand.u32 $0x380, v61;
	[tilespmem:s8+$0x30] =	vst v9;
	v9 =	vld.idx.msk [tilespmem:v17+s17+$0x0], $0xffff;
	v8 =	vor.u32 v8, v58  }
.LBB2_9:
0x19f: {  	s12 =	smov.u32 s13  }
0x1a0: {  	s14 =	sand.u32 $0x3F0, s13;
	v13 =	vld [tilespmem:s11+$0xFFFFFFD0];
	v11 =	vand.u32 $0x400, v11;
	v2 =	vand.u32 $0x380, v2;
	v10 =	vor.u32 v10, v12;
	s8 =	sadd.s32 $0x80, s8;
	s12 =	sadd.s32 $0x70, s13  }
0x1a1: {  	p0 =	sne.s32 s13, $0x310;
	v7 =	vor.u32 v11, v7;
	v12 =	vld [tilespmem:s11+$0xFFFFFFB0]  }
0x1a2: {  	v2 =	vor.u32 v2, v7;
	_ =	sdelay $0x1  }
0x1a3: {  	[tilespmem:s10+$0x430] =	vst v5  }
0x1a4: {  	v5 =	vshrl.u32 v13, $0x10;
	v7 =	vshrl.u32 v13, $0xD;
	v11 =	vshrl.u32 v13, $0x11;
	v14 =	vld [tilespmem:s11+$0xFFFFFFF0];
	[tilespmem:s10+$0x40] =	vst v9  }
0x1a5: {  	v9 =	vand.u32 $0xF800, v5;
	v7 =	vand.u32 $0x400, v7;
	v11 =	vand.u32 $0x380, v11;
	v10 =	vld.idx.msk [tilespmem:v10+s17+$0x0], $0xffff  }
0x1a6: {  	v1 =	vand.u32 $0x7F, v1;
	v0 =	vor.u32 v0, v8;
	v15 =	vshrl.u32 v12, $0x10;
	v2 =	vld.idx.msk [tilespmem:v2+s17+$0x0], $0xffff  }
0x1a7: {  	v0 =	vor.u32 v1, v0;
	v16 =	vshll.u32 v13, $0x3;
	v8 =	vshll.u32 v12, $0x3;
	v6 =	vld.idx.msk [tilespmem:v6+s17+$0x0], $0xffff  }
0x1a8: {  	v17 =	vand.u32 $0xF87F, v13;
	v16 =	vand.u32 $0x400, v16;
	v1 =	vshrl.u32 v12, $0x11  }
0x1a9: {  	v18 =	vand.u32 $0xF87F, v12;
	v16 =	vor.u32 v16, v17;
	v19 =	vand.u32 $0x7F, v15;
	[tilespmem:s10+$0x10] =	vst v4  }
0x1aa: {  	v13 =	vshrl.u32 v13, $0x1;
	v4 =	vshrl.u32 v12, $0x1;
	v17 =	vshrl.u32 v14, $0xD  }
0x1ab: {  	v13 =	vand.u32 $0x380, v13;
	v8 =	vand.u32 $0x400, v8;
	v12 =	vshrl.u32 v12, $0xD;
	v20 =	vld [tilespmem:s14+$0xA80];
	[tilespmem:s10+$0x440] =	vst v10  }
0x1ac: {  	v8 =	vor.u32 v8, v18;
	v10 =	vor.u32 v13, v16;
	v13 =	vshll.u32 v14, $0x3;
	[tilespmem:s10+$0x400] =	vst v2;
	v0 =	vld.idx.msk [tilespmem:v0+s17+$0x0], $0xffff  }
0x1ad: {  	v1 =	vand.u32 $0x380, v1;
	v2 =	vand.u32 $0x400, v13;
	v13 =	vand.u32 $0xF87F, v14;
	[tilespmem:s10+$0x50] =	vst v6;
	v3 =	vld.idx.msk [tilespmem:v3+s17+$0x0], $0xffff  }
0x1ae: {  	v6 =	vand.u32 $0xF800, v15;
	v15 =	vshrl.u32 v14, $0x1;
	v2 =	vor.u32 v2, v13  }
0x1af: {  	v12 =	vand.u32 $0x400, v12;
	v16 =	vand.u32 $0x400, v17;
	v17 =	vshrl.u32 v14, $0x11;
	v13 =	vld [tilespmem:s11+$0xFFFFFFC0]  }
0x1b0: {  	v6 =	vor.u32 v12, v6;
	v18 =	vshll.u32 v20, $0x3;
	v21 =	vshrl.u32 v20, $0x1  }
0x1b1: {  	v1 =	vor.u32 v1, v6;
	v12 =	vand.u32 $0x400, v18;
	v18 =	vand.u32 $0xF87F, v20;
	v6 =	vld.idx.msk [tilespmem:v10+s17+$0x0], $0xffff  }
0x1b2: {  	v4 =	vand.u32 $0x380, v4;
	v10 =	vand.u32 $0x380, v21;
	v12 =	vor.u32 v12, v18;
	[tilespmem:s10+$0x450] =	vst v0  }
0x1b3: {  	v0 =	vor.u32 v10, v12;
	v10 =	vshrl.u32 v20, $0xD;
	v12 =	vor.u32 v19, v1;
	[tilespmem:s10+$0x410] =	vst v3;
	s10 =	smov.u32 s8  }
0x1b4: {  	v4 =	vor.u32 v4, v8;
	v1 =	vshrl.u32 v20, $0x10;
	v3 =	vand.u32 $0x400, v10;
	v8 =	vld [tilespmem:s11+$0x0]  }
0x1b5: {  	v5 =	vand.u32 $0x7F, v5;
	v7 =	vor.u32 v7, v9;
	v10 =	vand.u32 $0xF87F, v13  }
0x1b6: {  	v7 =	vor.u32 v11, v7;
	v9 =	vshrl.u32 v20, $0x11;
	v18 =	vshrl.u32 v13, $0xD;
	v11 =	vld [tilespmem:s11+$0xFFFFFFE0]  }
0x1b7: {  	v5 =	vor.u32 v5, v7;
	v9 =	vand.u32 $0x380, v9;
	v18 =	vand.u32 $0x400, v18;
	[tilespmem:s8+$0x60] =	vst v6  }
0x1b8: {  	v19 =	vshrl.u32 v13, $0x10;
	v7 =	vshrl.u32 v13, $0x11;
	v6 =	vld.idx.msk [tilespmem:v0+s17+$0x0], $0xffff;
	v0 =	vand.u32 $0x380, v15  }
0x1b9: {  	v20 =	vand.u32 $0xF800, v1;
	v15 =	vand.u32 $0x7F, v1;
	v1 =	vshrl.u32 v8, $0x11  }
0x1ba: {  	v21 =	vshll.u32 v13, $0x3;
	v22 =	vor.u32 v0, v2;
	v4 =	vld.idx.msk [tilespmem:v4+s17+$0x0], $0xffff;
	v0 =	vand.u32 $0x380, v1  }
0x1bb: {  	v2 =	vshrl.u32 v14, $0x10;
	v1 =	vshrl.u32 v8, $0x10;
	v23 =	vshrl.u32 v11, $0x10  }
0x1bc: {  	v14 =	vand.u32 $0x7F, v2;
	v24 =	vand.u32 $0xF800, v2;
	v25 =	vand.u32 $0xF800, v1;
	v5 =	vld.idx.msk [tilespmem:v5+s17+$0x0], $0xffff  }
0x1bd: {  	v13 =	vshrl.u32 v13, $0x1;
	v3 =	vor.u32 v3, v20;
	v2 =	vshrl.u32 v11, $0x1  }
0x1be: {  	v3 =	vor.u32 v9, v3;
	v9 =	vshrl.u32 v11, $0x11;
	[tilespmem:s8+$0x0] =	vst v6;
	v6 =	vand.u32 $0x380, v13  }
0x1bf: {  	v3 =	vor.u32 v15, v3;
	v15 =	vand.u32 $0x380, v17;
	v13 =	vand.u32 $0x400, v21  }
0x1c0: {  	v20 =	vshrl.u32 v8, $0x1;
	v16 =	vor.u32 v16, v24;
	[tilespmem:s8+$0x20] =	vst v4;
	v4 =	vand.u32 $0xF800, v19;
	v17 =	vld.idx.msk [tilespmem:v22+s17+$0x0], $0xffff  }
0x1c1: {  	v10 =	vor.u32 v13, v10;
	v12 =	vld.idx.msk [tilespmem:v12+s17+$0x0], $0xffff;
	v13 =	vor.u32 v18, v4;
	v4 =	vor.u32 v15, v16  }
0x1c2: {  	v15 =	vand.u32 $0x380, v7;
	[tilespmem:s8+$0x70] =	vst v5;
	v5 =	vor.u32 v14, v4;
	v14 =	vand.u32 $0xF87F, v8  }
0x1c3: {  	v7 =	vand.u32 $0xF800, v23;
	v16 =	vshrl.u32 v11, $0xD;
	v18 =	vshll.u32 v8, $0x3  }
0x1c4: {  	v9 =	vand.u32 $0x380, v9;
	v6 =	vor.u32 v6, v10;
	v4 =	vld.idx.msk [tilespmem:v3+s17+$0x0], $0xffff;
	v3 =	vand.u32 $0x400, v16  }
.Ltmp7:
0x1c5: {  	v8 =	vshrl.u32 v8, $0xD;
	v16 =	vand.u32 $0x400, v18;
	v3 =	vor.u32 v3, v7;
	(pc) =	sbr.rel @p0 .LBB2_9-.Ltmp7, $4  }
0x1c6: {  	v10 =	vand.u32 $0x7F, v23;
	v7 =	vand.u32 $0xF87F, v11;
	v3 =	vor.u32 v9, v3;
	[tilespmem:s8+$0x420] =	vst v17  }
0x1c7: {  	v8 =	vand.u32 $0x400, v8;
	[tilespmem:s8+$0x30] =	vst v12;
	v3 =	vor.u32 v10, v3;
	v5 =	vld.idx.msk [tilespmem:v5+s17+$0x0], $0xffff;
	v10 =	vand.u32 $0x380, v20  }
0x1c8: {  	v13 =	vor.u32 v15, v13;
	v11 =	vshll.u32 v11, $0x3;
	v12 =	vand.u32 $0x7F, v19  }
0x1c9: {  	s13 =	smov.u32 s12;
	s11 =	sadd.s32 $0x70, s11;
	v8 =	vor.u32 v8, v25;
	v9 =	vld.idx.msk [tilespmem:v6+s17+$0x0], $0xffff;
	v6 =	vor.u32 v12, v13;
	v12 =	vor.u32 v16, v14  }
0x1ca: {  	v11 =	vand.u32 $0x400, v11  }
0x1cb: {  	v2 =	vand.u32 $0x380, v2;
	v10 =	vor.u32 v10, v12;
	v7 =	vor.u32 v11, v7  }
0x1cc: {  	v2 =	vor.u32 v2, v7;
	_ =	sdelay $0x3  }
0x1cd: {  	v1 =	vand.u32 $0x7F, v1;
	v0 =	vor.u32 v0, v8;
	v62 =	vld.idx.msk [tilespmem:v10+s17+$0x0], $0xffff  }
0x1ce: {  	v0 =	vor.u32 v1, v0;
	v2 =	vld.idx.msk [tilespmem:v2+s17+$0x0], $0xffff;
	_ =	sdelay $0x2  }
0x1cf: {  	[tilespmem:s10+$0x40] =	vst v9  }
0x1d0: {  	v63 =	vld.idx.msk [tilespmem:v6+s17+$0x0], $0xffff;
	[tilespmem:s10+$0x440] =	vst v62  }
0x1d1: {  	v0 =	vld.idx.msk [tilespmem:v0+s17+$0x0], $0xffff;
	[tilespmem:s10+$0x400] =	vst v2  }
0x1d2: {  	v2 =	vld.idx.msk [tilespmem:v3+s17+$0x0], $0xffff  }
0x1d3: {  	[tilespmem:s10+$0x10] =	vst v4  }
0x1d4: {  	[tilespmem:s10+$0x430] =	vst v5  }
0x1d5: {  	[tilespmem:s10+$0x50] =	vst v63  }
0x1d6: {  	s6 =	rddreg [dreg:$0xc];
	[tilespmem:s10+$0x450] =	vst v0  }
0x1d7: {  	s20 =	simm.s32 $0x0;
	s22 =	sor.u32 $0x2000, s9;
	s1 =	sadd.s32 s1, s6;
	[tilespmem:s10+$0x410] =	vst v2  }
0x1d8: {  	[hbm4b:s1+s20] =	stream.linear.scatter [tilespmem:s28], [sflag:$0x4], $0x800, $0x38;
	[tilespmem:$0x1FC00] =	vst v63  }
0x1d9: {  	s8 =	sor.u32 $0x3000, s9;
	s1 =	sor.u32 $0x2800, s9;
	s9 =	sor.u32 $0x3800, s9  }
.LBB2_11:
0x1da: {  	_ =	swait.ge [sflag:s29], $0x380  }
0x1db: {  	[sflag:s29] =	ssyncset.done $0x0  }
0x1dc: {  	[sflag:s29] =	ssyncadd.s32 $0xFFFFFC80  }
0x1dd: {  	_ =	swait.ge [sflag:s30], $0x800  }
0x1de: {  	[sflag:s30] =	ssyncset.done $0x0  }
0x1df: {  	s10 =	simm.s32 $0x0;
	[sflag:s30] =	ssyncadd.s32 $0xFFFFF800  }
0x1e0: {  	v17 =	vld [tilespmem:s10+$0xE60]  }
0x1e1: {  	v11 =	vld [tilespmem:s10+$0xE20]  }
0x1e2: {  	v3 =	vld [tilespmem:s10+$0xE50]  }
0x1e3: {  	v5 =	vld [tilespmem:s10+$0xE30]  }
0x1e4: {  	v10 =	vld [tilespmem:s10+$0xE00]  }
0x1e5: {  	v2 =	vld [tilespmem:s10+$0xE40];
	v0 =	vshll.u32 v17, $0x3;
	v1 =	vshrl.u32 v17, $0x11  }
0x1e6: {  	v4 =	vand.u32 $0xF87F, v17;
	v12 =	vshrl.u32 v11, $0x10;
	v13 =	vshrl.u32 v11, $0x11  }
0x1e7: {  	v18 =	vshrl.u32 v17, $0xD;
	v7 =	vshrl.u32 v3, $0x1;
	v9 =	vshrl.u32 v3, $0x11  }
0x1e8: {  	v8 =	vld [tilespmem:s10+$0xE10];
	v14 =	vand.u32 $0xF87F, v3;
	v24 =	vshll.u32 v3, $0x3;
	v23 =	vshrl.u32 v17, $0x1  }
0x1e9: {  	v19 =	vshrl.u32 v11, $0x1;
	v20 =	vshll.u32 v5, $0x3;
	v22 =	vand.u32 $0xF87F, v10  }
0x1ea: {  	v32 =	vand.u32 $0xF87F, v2;
	v25 =	vshll.u32 v11, $0x3;
	v29 =	vand.u32 $0xF87F, v5  }
0x1eb: {  	v33 =	vshrl.u32 v5, $0x1;
	v34 =	vshrl.u32 v17, $0x10;
	v0 =	vand.u32 $0x400, v0  }
0x1ec: {  	v1 =	vand.u32 $0x380, v1;
	v15 =	vand.u32 $0x380, v7;
	v7 =	vshrl.u32 v3, $0xD  }
0x1ed: {  	v21 =	vand.u32 $0x380, v19;
	v19 =	vand.u32 $0xF87F, v8;
	v27 =	vand.u32 $0x400, v20  }
0x1ee: {  	v20 =	vshll.u32 v10, $0x3;
	v3 =	vshrl.u32 v3, $0x10;
	v28 =	vand.u32 $0x400, v25  }
0x1ef: {  	v18 =	vand.u32 $0x400, v18;
	v35 =	vand.u32 $0xF800, v34;
	v6 =	vor.u32 v0, v4  }
0x1f0: {  	v4 =	vshrl.u32 v2, $0x1;
	v0 =	vand.u32 $0x380, v9;
	v9 =	vshrl.u32 v5, $0x11  }
0x1f1: {  	v7 =	vand.u32 $0x400, v7;
	v20 =	vand.u32 $0x400, v20;
	v30 =	vand.u32 $0xF800, v3  }
0x1f2: {  	v3 =	vand.u32 $0x7F, v3;
	v27 =	vor.u32 v27, v29;
	v29 =	vand.u32 $0x380, v33  }
0x1f3: {  	v16 =	vand.u32 $0x380, v4;
	v4 =	vshll.u32 v2, $0x3;
	v26 =	vor.u32 v20, v22  }
0x1f4: {  	v20 =	vshll.u32 v8, $0x3;
	v7 =	vor.u32 v7, v30;
	v30 =	vand.u32 $0xF87F, v11  }
0x1f5: {  	v22 =	vshrl.u32 v10, $0x11;
	v31 =	vand.u32 $0x400, v4;
	v20 =	vand.u32 $0x400, v20  }
0x1f6: {  	v25 =	vor.u32 v20, v19;
	v19 =	vshrl.u32 v10, $0x10;
	v20 =	vshrl.u32 v10, $0xD  }
0x1f7: {  	v4 =	vshrl.u32 v8, $0x11;
	v17 =	vand.u32 $0xF800, v19;
	v20 =	vand.u32 $0x400, v20  }
0x1f8: {  	v31 =	vor.u32 v31, v32;
	v32 =	vshrl.u32 v2, $0xD;
	v17 =	vor.u32 v20, v17  }
0x1f9: {  	s12 =	simm.s32 $0x1C0;
	s11 =	simm.s32 $0x1DC00;
	s10 =	simm.s32 $0x1DC00;
	v20 =	vor.u32 v18, v35;
	v18 =	vand.u32 $0x7F, v19;
	v19 =	vand.u32 $0x7F, v34  }
.LBB2_12:
0x1fa: {  	p0 =	sne.s32 s12, $0xC40  }
0x1fb: {  	v28 =	vor.u32 v28, v30;
	v11 =	vshrl.u32 v11, $0xD;
	v24 =	vand.u32 $0x400, v24;
	s10 =	sadd.s32 $0x80, s10;
	s13 =	smov.u32 s12;
	s12 =	sadd.s32 $0x1C0, s12  }
0x1fc: {  	v30 =	vand.u32 $0xF800, v12;
	v32 =	vand.u32 $0x400, v32;
	v23 =	vand.u32 $0x380, v23  }
0x1fd: {  	v33 =	vshrl.u32 v8, $0x10;
	v13 =	vand.u32 $0x380, v13;
	v11 =	vand.u32 $0x400, v11  }
0x1fe: {  	v35 =	vshrl.u32 v8, $0xD;
	v12 =	vand.u32 $0x7F, v12;
	v34 =	vand.u32 $0xF800, v33  }
0x1ff: {  	v10 =	vshrl.u32 v10, $0x1;
	v16 =	vor.u32 v16, v31;
	v14 =	vor.u32 v24, v14  }
0x200: {  	v10 =	vand.u32 $0x380, v10;
	v24 =	vor.u32 v29, v27;
	v14 =	vor.u32 v15, v14  }
0x201: {  	v8 =	vshrl.u32 v8, $0x1;
	v27 =	vand.u32 $0x400, v35;
	v15 =	vand.u32 $0x7F, v33  }
0x202: {  	v21 =	vor.u32 v21, v28;
	v10 =	vor.u32 v10, v26;
	v26 =	vshrl.u32 v2, $0x10  }
0x203: {  	v8 =	vand.u32 $0x380, v8;
	v28 =	vshrl.u32 v5, $0x10;
	v5 =	vshrl.u32 v5, $0xD  }
0x204: {  	v6 =	vor.u32 v23, v6;
	v29 =	vand.u32 $0xF800, v28;
	v5 =	vand.u32 $0x400, v5  }
0x205: {  	v9 =	vand.u32 $0x380, v9;
	v8 =	vor.u32 v8, v25;
	v5 =	vor.u32 v5, v29  }
0x206: {  	v23 =	vand.u32 $0x7F, v28;
	v5 =	vor.u32 v9, v5;
	v9 =	vld.idx.msk [tilespmem:v16+s17+$0x0], $0xffff;
	v16 =	vand.u32 $0xF800, v26  }
0x207: {  	v25 =	vor.u32 v27, v34;
	v11 =	vor.u32 v11, v30;
	v5 =	vor.u32 v23, v5;
	v21 =	vld.idx.msk [tilespmem:v21+s17+$0x0], $0xffff  }
0x208: {  	v4 =	vand.u32 $0x380, v4;
	v2 =	vshrl.u32 v2, $0x11;
	v11 =	vor.u32 v13, v11;
	v13 =	vld.idx.msk [tilespmem:v24+s17+$0x0], $0xffff  }
0x209: {  	v22 =	vand.u32 $0x380, v22;
	v2 =	vand.u32 $0x380, v2;
	v11 =	vor.u32 v12, v11;
	v6 =	vld.idx.msk [tilespmem:v6+s17+$0x0], $0xffff  }
0x20a: {  	v1 =	vor.u32 v1, v20;
	v4 =	vor.u32 v4, v25;
	v12 =	vor.u32 v22, v17;
	v10 =	vld.idx.msk [tilespmem:v10+s17+$0x0], $0xffff  }
0x20b: {  	v1 =	vor.u32 v19, v1;
	v12 =	vor.u32 v18, v12;
	v16 =	vor.u32 v32, v16;
	v14 =	vld.idx.msk [tilespmem:v14+s17+$0x0], $0xffff  }
0x20c: {  	v4 =	vor.u32 v15, v4;
	v2 =	vor.u32 v2, v16;
	v8 =	vld.idx.msk [tilespmem:v8+s17+$0x0], $0xffff;
	[tilespmem:s11+$0x400] =	vst v9;
	v9 =	vand.u32 $0x7F, v26  }
0x20d: {  	v0 =	vor.u32 v0, v7;
	[tilespmem:s11+$0x40] =	vst v21;
	v2 =	vor.u32 v9, v2  }
0x20e: {  	v0 =	vor.u32 v3, v0;
	v7 =	vld.idx.msk [tilespmem:v11+s17+$0x0], $0xffff;
	[tilespmem:s11+$0x60] =	vst v13  }
0x20f: {  	v3 =	vld.idx.msk [tilespmem:v5+s17+$0x0], $0xffff;
	[tilespmem:s11+$0x440] =	vst v6  }
0x210: {  	[tilespmem:s11+$0x0] =	vst v10;
	v1 =	vld.idx.msk [tilespmem:v1+s17+$0x0], $0xffff  }
0x211: {  	v5 =	vld.idx.msk [tilespmem:v12+s17+$0x0], $0xffff;
	[tilespmem:s11+$0x420] =	vst v14  }
0x212: {  	[tilespmem:s11+$0x20] =	vst v8;
	v2 =	vld.idx.msk [tilespmem:v2+s17+$0x0], $0xffff  }
0x213: {  	v0 =	vld.idx.msk [tilespmem:v0+s17+$0x0], $0xffff  }
0x214: {  	v4 =	vld.idx.msk [tilespmem:v4+s17+$0x0], $0xffff;
	[tilespmem:s11+$0x50] =	vst v7  }
0x215: {  	[tilespmem:s11+$0x70] =	vst v3  }
0x216: {  	s13 =	sshra.s32 s13, $0x2;
	[tilespmem:s11+$0x450] =	vst v1  }
0x217: {  	v17 =	vld [tilespmem:s13+$0xE60];
	[tilespmem:s11+$0x10] =	vst v5  }
0x218: {  	[tilespmem:s11+$0x410] =	vst v2  }
0x219: {  	v11 =	vld [tilespmem:s13+$0xE20];
	[tilespmem:s11+$0x430] =	vst v0  }
0x21a: {  	v3 =	vld [tilespmem:s13+$0xE50];
	[tilespmem:s11+$0x30] =	vst v4;
	s11 =	smov.u32 s10  }
0x21b: {  	v2 =	vld [tilespmem:s13+$0xE40]  }
0x21c: {  	v8 =	vld [tilespmem:s13+$0xE10];
	v0 =	vshll.u32 v17, $0x3;
	v4 =	vand.u32 $0xF87F, v17;
	v1 =	vshrl.u32 v17, $0x11  }
0x21d: {  	v10 =	vld [tilespmem:s13+$0xE00];
	v0 =	vand.u32 $0x400, v0;
	v1 =	vand.u32 $0x380, v1  }
0x21e: {  	v18 =	vshrl.u32 v17, $0xD;
	v12 =	vshrl.u32 v11, $0x10;
	v13 =	vshrl.u32 v11, $0x11;
	v5 =	vld [tilespmem:s13+$0xE30]  }
0x21f: {  	v6 =	vor.u32 v0, v4;
	v7 =	vshrl.u32 v3, $0x1;
	v9 =	vshrl.u32 v3, $0x11  }
0x220: {  	v14 =	vand.u32 $0xF87F, v3;
	v4 =	vshrl.u32 v2, $0x1;
	v0 =	vand.u32 $0x380, v9  }
0x221: {  	v24 =	vshll.u32 v3, $0x3;
	v15 =	vand.u32 $0x380, v7;
	v16 =	vand.u32 $0x380, v4  }
0x222: {  	v23 =	vshrl.u32 v17, $0x1;
	v7 =	vshrl.u32 v3, $0xD;
	v4 =	vshll.u32 v2, $0x3  }
0x223: {  	v19 =	vshrl.u32 v11, $0x1;
	v20 =	vshll.u32 v5, $0x3;
	v9 =	vshrl.u32 v5, $0x11  }
0x224: {  	v32 =	vand.u32 $0xF87F, v2;
	v22 =	vand.u32 $0xF87F, v10;
	v31 =	vand.u32 $0x400, v4  }
0x225: {  	v25 =	vshll.u32 v11, $0x3;
	v21 =	vand.u32 $0x380, v19;
	v4 =	vshrl.u32 v8, $0x11  }
0x226: {  	v19 =	vand.u32 $0xF87F, v8;
	v7 =	vand.u32 $0x400, v7;
	v27 =	vand.u32 $0x400, v20  }
0x227: {  	v3 =	vshrl.u32 v3, $0x10;
	v29 =	vand.u32 $0xF87F, v5;
	v20 =	vshll.u32 v10, $0x3  }
0x228: {  	v30 =	vand.u32 $0xF800, v3;
	v33 =	vshrl.u32 v5, $0x1;
	v20 =	vand.u32 $0x400, v20  }
0x229: {  	v3 =	vand.u32 $0x7F, v3;
	v26 =	vor.u32 v20, v22;
	v20 =	vshll.u32 v8, $0x3  }
0x22a: {  	v28 =	vand.u32 $0x400, v25;
	v7 =	vor.u32 v7, v30;
	v20 =	vand.u32 $0x400, v20  }
0x22b: {  	v18 =	vand.u32 $0x400, v18;
	v30 =	vand.u32 $0xF87F, v11;
	v25 =	vor.u32 v20, v19  }
.Ltmp8:
0x22c: {  	v34 =	vshrl.u32 v17, $0x10;
	v19 =	vshrl.u32 v10, $0x10;
	v20 =	vshrl.u32 v10, $0xD;
	(pc) =	sbr.rel @p0 .LBB2_12-.Ltmp8, $4  }
0x22d: {  	v35 =	vand.u32 $0xF800, v34;
	v17 =	vand.u32 $0xF800, v19;
	v20 =	vand.u32 $0x400, v20  }
0x22e: {  	v22 =	vshrl.u32 v10, $0x11;
	v17 =	vor.u32 v20, v17;
	v20 =	vor.u32 v18, v35  }
0x22f: {  	v27 =	vor.u32 v27, v29;
	v18 =	vand.u32 $0x7F, v19;
	v19 =	vand.u32 $0x7F, v34  }
0x230: {  	v31 =	vor.u32 v31, v32;
	v32 =	vshrl.u32 v2, $0xD;
	v29 =	vand.u32 $0x380, v33  }
0x231: {  	v28 =	vor.u32 v28, v30;
	v11 =	vshrl.u32 v11, $0xD  }
0x232: {  	v24 =	vand.u32 $0x400, v24;
	v37 =	vand.u32 $0xF800, v12;
	v32 =	vand.u32 $0x400, v32  }
0x233: {  	v23 =	vand.u32 $0x380, v23;
	v33 =	vshrl.u32 v8, $0x10;
	v13 =	vand.u32 $0x380, v13  }
0x234: {  	v35 =	vshrl.u32 v8, $0xD;
	v12 =	vand.u32 $0x7F, v12;
	v10 =	vshrl.u32 v10, $0x1  }
0x235: {  	v16 =	vor.u32 v16, v31;
	v38 =	vor.u32 v29, v27;
	v8 =	vshrl.u32 v8, $0x1  }
0x236: {  	v39 =	vshrl.u32 v2, $0x10;
	v40 =	vshrl.u32 v5, $0x10;
	v5 =	vshrl.u32 v5, $0xD  }
0x237: {  	v9 =	vand.u32 $0x380, v9;
	v2 =	vshrl.u32 v2, $0x11;
	v1 =	vor.u32 v1, v20  }
0x238: {  	v4 =	vand.u32 $0x380, v4;
	v0 =	vor.u32 v0, v7;
	v11 =	vand.u32 $0x400, v11  }
0x239: {  	v14 =	vor.u32 v24, v14;
	v10 =	vand.u32 $0x380, v10;
	v21 =	vor.u32 v21, v28  }
0x23a: {  	v41 =	vand.u32 $0xF800, v40;
	v5 =	vand.u32 $0x400, v5;
	v6 =	vor.u32 v23, v6  }
0x23b: {  	v8 =	vand.u32 $0x380, v8;
	v10 =	vor.u32 v10, v26;
	v5 =	vor.u32 v5, v41  }
0x23c: {  	v14 =	vor.u32 v15, v14;
	v11 =	vor.u32 v11, v37;
	v5 =	vor.u32 v9, v5;
	v9 =	vld.idx.msk [tilespmem:v16+s17+$0x0], $0xffff  }
0x23d: {  	v42 =	vand.u32 $0x7F, v40;
	v8 =	vor.u32 v8, v25;
	v11 =	vor.u32 v13, v11;
	v13 =	vld.idx.msk [tilespmem:v38+s17+$0x0], $0xffff  }
0x23e: {  	v34 =	vand.u32 $0xF800, v33;
	v43 =	vand.u32 $0xF800, v39;
	v5 =	vor.u32 v42, v5;
	v21 =	vld.idx.msk [tilespmem:v21+s17+$0x0], $0xffff  }
0x23f: {  	v1 =	vor.u32 v19, v1;
	v11 =	vor.u32 v12, v11;
	v12 =	vand.u32 $0x380, v22;
	v6 =	vld.idx.msk [tilespmem:v6+s17+$0x0], $0xffff  }
0x240: {  	v0 =	vor.u32 v3, v0;
	v15 =	vand.u32 $0x400, v35;
	v12 =	vor.u32 v12, v17;
	v10 =	vld.idx.msk [tilespmem:v10+s17+$0x0], $0xffff  }
0x241: {  	v2 =	vand.u32 $0x380, v2;
	v15 =	vor.u32 v15, v34;
	v12 =	vor.u32 v18, v12;
	v14 =	vld.idx.msk [tilespmem:v14+s17+$0x0], $0xffff;
	[tilespmem:s11+$0x400] =	vst v9  }
0x242: {  	v7 =	vand.u32 $0x7F, v33;
	v4 =	vor.u32 v4, v15;
	v16 =	vor.u32 v32, v43;
	v8 =	vld.idx.msk [tilespmem:v8+s17+$0x0], $0xffff;
	[tilespmem:s11+$0x60] =	vst v13  }
0x243: {  	v3 =	vor.u32 v7, v4;
	v2 =	vor.u32 v2, v16;
	v9 =	vand.u32 $0x7F, v39;
	[tilespmem:s11+$0x40] =	vst v21;
	v4 =	vld.idx.msk [tilespmem:v5+s17+$0x0], $0xffff  }
0x244: {  	v2 =	vor.u32 v9, v2;
	[tilespmem:s11+$0x440] =	vst v6;
	v9 =	vld.idx.msk [tilespmem:v11+s17+$0x0], $0xffff  }
0x245: {  	[tilespmem:s11+$0x0] =	vst v10;
	v1 =	vld.idx.msk [tilespmem:v1+s17+$0x0], $0xffff  }
0x246: {  	[tilespmem:s11+$0x420] =	vst v14;
	v5 =	vld.idx.msk [tilespmem:v12+s17+$0x0], $0xffff  }
0x247: {  	[tilespmem:s11+$0x20] =	vst v8;
	v0 =	vld.idx.msk [tilespmem:v0+s17+$0x0], $0xffff  }
0x248: {  	v3 =	vld.idx.msk [tilespmem:v3+s17+$0x0], $0xffff;
	[tilespmem:s11+$0x70] =	vst v4  }
0x249: {  	s10 =	sshll.u32 s20, $0xD;
	v2 =	vld.idx.msk [tilespmem:v2+s17+$0x0], $0xffff;
	[tilespmem:s11+$0x50] =	vst v9  }
0x24a: {  	s12 =	sadd.s32 s10, s22;
	[tilespmem:s11+$0x450] =	vst v1  }
0x24b: {  	p0 =	seq.s32 s20, $0x5;
	s12 =	sshrl.u32 s12, $0x3;
	[tilespmem:s11+$0x10] =	vst v5  }
0x24c: {  	s14 =	sadd.s32 s4, s12;
	s12 =	smul.u32 @!p0 $0xE00, s20;
	[tilespmem:s11+$0x430] =	vst v0  }
0x24d: {  	[tilespmem:s11+$0x30] =	vst v3  }
0x24e: {  	[tilespmem:s11+$0x410] =	vst v2;
	s11 =	sshrl.u32 @!p0 s12, $0x3  }
0x24f: {  	[hbm4b:s14+s5] =	stream.linear.scatter [tilespmem:s24], [sflag:$0x1], $0x800, $0x38;
	[tilespmem:$0x1FC00] =	vst v63  }
0x250: {  	s11 =	sadd.s32 @!p0 s3, s11  }
0x251: {  	s13 =	simm.s32 @!p0 $0x0;
	s14 =	simm.s32 @!p0 $0xE00;
	s12 =	sadd.s32 @!p0 $0x380, s11  }
0x252: {  	[tilespmem:s14], [sflag:$0x7] =	stream.linear.gather @!p0 [hbm4b:s12+s13], $0x380, $0x38;
	[tilespmem:$0x1FC00] =	vst v63  }
0x253: {  	_ =	swait.ge [sflag:s31], $0x380  }
0x254: {  	[sflag:s31] =	ssyncset.done $0x0  }
0x255: {  	[sflag:s31] =	ssyncadd.s32 $0xFFFFFC80  }
0x256: {  	_ =	swait.ge [sflag:s2], $0x800  }
0x257: {  	[sflag:s2] =	ssyncset.done $0x0  }
0x258: {  	s18 =	simm.s32 $0x11E0;
	[sflag:s2] =	ssyncadd.s32 $0xFFFFF800  }
0x259: {  	v0 =	vld [tilespmem:s18+$0xFFFFFFD0]  }
0x25a: {  	v1 =	vld [tilespmem:s18+$0xFFFFFFB0]  }
0x25b: {  	s19 =	simm.s32 $0x0  }
0x25c: {  	s13 =	sand.u32 $0x3F0, s19;
	v5 =	vld [tilespmem:s18+$0xFFFFFFF0]  }
0x25d: {  	v15 =	vld [tilespmem:s13+$0x1180]  }
0x25e: {  	v45 =	vld [tilespmem:s18+$0xFFFFFFC0];
	v2 =	vshrl.u32 v0, $0x10;
	v3 =	vshrl.u32 v0, $0xD;
	v4 =	vshrl.u32 v0, $0x11  }
0x25f: {  	v50 =	vld [tilespmem:s18+$0xFFFFFFE0];
	v7 =	vshrl.u32 v1, $0x10;
	v8 =	vshll.u32 v1, $0x3;
	v9 =	vshll.u32 v0, $0x3  }
0x260: {  	v10 =	vshrl.u32 v1, $0x11;
	v11 =	vand.u32 $0xF87F, v0;
	v12 =	vand.u32 $0xF87F, v1  }
0x261: {  	v0 =	vshrl.u32 v0, $0x1;
	v14 =	vshrl.u32 v5, $0xD;
	v44 =	vshrl.u32 v5, $0x1  }
0x262: {  	v46 =	vshll.u32 v15, $0x3;
	v47 =	vshrl.u32 v15, $0x1;
	v48 =	vand.u32 $0xF87F, v15  }
0x263: {  	v49 =	vand.u32 $0xF87F, v45;
	v51 =	vshrl.u32 v45, $0x11;
	v54 =	vshll.u32 v45, $0x3  }
0x264: {  	v56 =	vshrl.u32 v50, $0x10;
	v17 =	vshrl.u32 v45, $0x1;
	v59 =	vshrl.u32 v50, $0x11  }
0x265: {  	v62 =	vshrl.u32 v50, $0xD;
	v6 =	vand.u32 $0xF800, v2;
	v3 =	vand.u32 $0x400, v3  }
0x266: {  	v4 =	vand.u32 $0x380, v4;
	v9 =	vand.u32 $0x400, v9;
	v13 =	vand.u32 $0x7F, v7  }
0x267: {  	v8 =	vand.u32 $0x400, v8;
	v0 =	vand.u32 $0x380, v0;
	v10 =	vand.u32 $0x380, v10  }
0x268: {  	v7 =	vand.u32 $0xF800, v7;
	v2 =	vand.u32 $0x7F, v2;
	v60 =	vand.u32 $0x400, v54  }
0x269: {  	v9 =	vor.u32 v9, v11;
	v11 =	vshrl.u32 v1, $0x1;
	v1 =	vshrl.u32 v1, $0xD  }
0x26a: {  	v8 =	vor.u32 v8, v12;
	v12 =	vand.u32 $0xF87F, v5;
	v3 =	vor.u32 v3, v6  }
0x26b: {  	v6 =	vshrl.u32 v15, $0x11;
	v16 =	vor.u32 v60, v49;
	v9 =	vor.u32 v0, v9  }
0x26c: {  	v0 =	vshll.u32 v5, $0x3;
	v1 =	vand.u32 $0x400, v1;
	v11 =	vand.u32 $0x380, v11  }
0x26d: {  	v3 =	vor.u32 v4, v3;
	v4 =	vand.u32 $0x380, v6;
	v0 =	vand.u32 $0x400, v0  }
0x26e: {  	v1 =	vor.u32 v1, v7;
	v7 =	vand.u32 $0x400, v46;
	v8 =	vor.u32 v11, v8  }
0x26f: {  	v3 =	vor.u32 v2, v3;
	v2 =	vand.u32 $0x380, v44;
	v0 =	vor.u32 v0, v12  }
0x270: {  	v1 =	vor.u32 v10, v1;
	v10 =	vand.u32 $0x380, v47;
	v7 =	vor.u32 v7, v48  }
0x271: {  	v12 =	vand.u32 $0x400, v14;
	v14 =	vshrl.u32 v5, $0x11;
	v7 =	vor.u32 v10, v7  }
0x272: {  	v11 =	vld [tilespmem:s18+$0x0];
	v10 =	vshrl.u32 v15, $0xD;
	v13 =	vor.u32 v13, v1;
	v1 =	vshrl.u32 v15, $0x10  }
0x273: {  	v15 =	vshrl.u32 v45, $0xD;
	v55 =	vor.u32 v2, v0;
	v2 =	vshrl.u32 v5, $0x10  }
0x274: {  	v14 =	vand.u32 $0x380, v14;
	v10 =	vand.u32 $0x400, v10;
	v6 =	vand.u32 $0x400, v15  }
0x275: {  	v15 =	vshrl.u32 v45, $0x10;
	v52 =	vand.u32 $0x7F, v1;
	v53 =	vand.u32 $0xF800, v1;
	v9 =	vld.idx.msk [tilespmem:v9+s17+$0x0], $0xffff  }
0x276: {  	v5 =	vand.u32 $0x7F, v2;
	v57 =	vand.u32 $0xF800, v2;
	v2 =	vshrl.u32 v50, $0x1;
	v8 =	vld.idx.msk [tilespmem:v8+s17+$0x0], $0xffff  }
0x277: {  	v10 =	vor.u32 v10, v53;
	v12 =	vor.u32 v12, v57;
	v1 =	vshrl.u32 v11, $0x11  }
0x278: {  	v4 =	vor.u32 v4, v10;
	v10 =	vand.u32 $0x380, v17;
	v61 =	vshrl.u32 v11, $0x1  }
0x279: {  	s12 =	simm.s32 $0x1E400;
	v63 =	vshll.u32 v11, $0x3;
	v17 =	vand.u32 $0x380, v59;
	v0 =	vand.u32 $0x380, v1  }
0x27a: {  	v4 =	vor.u32 v52, v4;
	v16 =	vor.u32 v10, v16;
	v7 =	vld.idx.msk [tilespmem:v7+s17+$0x0], $0xffff;
	[tilespmem:s12+$0x60] =	vst v9;
	v9 =	vand.u32 $0xF800, v15  }
0x27b: {  	v1 =	vshrl.u32 v11, $0x10;
	v6 =	vor.u32 v6, v9;
	v9 =	vor.u32 v14, v12;
	[tilespmem:s12+$0x20] =	vst v8;
	v8 =	vld.idx.msk [tilespmem:v55+s17+$0x0], $0xffff  }
0x27c: {  	v10 =	vand.u32 $0x400, v62;
	v58 =	vand.u32 $0xF800, v1;
	v3 =	vld.idx.msk [tilespmem:v3+s17+$0x0], $0xffff;
	v5 =	vor.u32 v5, v9  }
0x27d: {  	v15 =	vand.u32 $0x7F, v15;
	v12 =	vand.u32 $0x380, v51;
	v14 =	vand.u32 $0xF87F, v11;
	v9 =	vld.idx.msk [tilespmem:v13+s17+$0x0], $0xffff  }
0x27e: {  	v11 =	vshrl.u32 v11, $0xD;
	v13 =	vand.u32 $0xF800, v56;
	v6 =	vor.u32 v12, v6  }
0x27f: {  	[tilespmem:s12+$0x0] =	vst v7;
	v10 =	vor.u32 v10, v13;
	v13 =	vand.u32 $0x400, v63;
	v6 =	vor.u32 v15, v6  }
0x280: {  	v7 =	vand.u32 $0xF87F, v50;
	v10 =	vor.u32 v17, v10;
	v4 =	vld.idx.msk [tilespmem:v4+s17+$0x0], $0xffff;
	v12 =	vor.u32 v13, v14;
	[tilespmem:s12+$0x420] =	vst v8  }
0x281: {  	[tilespmem:s12+$0x70] =	vst v3;
	v3 =	vand.u32 $0x7F, v56;
	v8 =	vand.u32 $0x400, v11;
	v11 =	vshll.u32 v50, $0x3;
	v5 =	vld.idx.msk [tilespmem:v5+s17+$0x0], $0xffff  }
0x282: {  	s14 =	simm.s32 $0x1250;
	s13 =	simm.s32 $0x1E400;
	s18 =	simm.s32 $0x70;
	v3 =	vor.u32 v3, v10;
	v10 =	vand.u32 $0x380, v61;
	[tilespmem:s12+$0x30] =	vst v9;
	v9 =	vld.idx.msk [tilespmem:v16+s17+$0x0], $0xffff;
	v8 =	vor.u32 v8, v58  }
.LBB2_14:
0x283: {  	s19 =	smov.u32 s18  }
0x284: {  	s6 =	sand.u32 $0x3F0, s18;
	v13 =	vld [tilespmem:s14+$0xFFFFFFD0];
	v11 =	vand.u32 $0x400, v11;
	v2 =	vand.u32 $0x380, v2;
	v10 =	vor.u32 v10, v12;
	s12 =	sadd.s32 $0x80, s12;
	s19 =	sadd.s32 $0x70, s18  }
0x285: {  	p1 =	sne.s32 s18, $0x310;
	v7 =	vor.u32 v11, v7;
	v12 =	vld [tilespmem:s14+$0xFFFFFFB0]  }
0x286: {  	v2 =	vor.u32 v2, v7;
	_ =	sdelay $0x1  }
0x287: {  	[tilespmem:s13+$0x430] =	vst v5  }
0x288: {  	v5 =	vshrl.u32 v13, $0x10;
	v7 =	vshrl.u32 v13, $0xD;
	v11 =	vshrl.u32 v13, $0x11;
	v14 =	vld [tilespmem:s14+$0xFFFFFFF0];
	[tilespmem:s13+$0x40] =	vst v9  }
0x289: {  	v9 =	vand.u32 $0xF800, v5;
	v7 =	vand.u32 $0x400, v7;
	v11 =	vand.u32 $0x380, v11;
	v10 =	vld.idx.msk [tilespmem:v10+s17+$0x0], $0xffff  }
0x28a: {  	v1 =	vand.u32 $0x7F, v1;
	v0 =	vor.u32 v0, v8;
	v15 =	vshrl.u32 v12, $0x10;
	v2 =	vld.idx.msk [tilespmem:v2+s17+$0x0], $0xffff  }
0x28b: {  	v0 =	vor.u32 v1, v0;
	v16 =	vshll.u32 v13, $0x3;
	v8 =	vshll.u32 v12, $0x3;
	v6 =	vld.idx.msk [tilespmem:v6+s17+$0x0], $0xffff  }
0x28c: {  	v17 =	vand.u32 $0xF87F, v13;
	v16 =	vand.u32 $0x400, v16;
	v1 =	vshrl.u32 v12, $0x11  }
0x28d: {  	v18 =	vand.u32 $0xF87F, v12;
	v16 =	vor.u32 v16, v17;
	v19 =	vand.u32 $0x7F, v15;
	[tilespmem:s13+$0x10] =	vst v4  }
0x28e: {  	v13 =	vshrl.u32 v13, $0x1;
	v4 =	vshrl.u32 v12, $0x1;
	v17 =	vshrl.u32 v14, $0xD  }
0x28f: {  	v13 =	vand.u32 $0x380, v13;
	v8 =	vand.u32 $0x400, v8;
	v12 =	vshrl.u32 v12, $0xD;
	v20 =	vld [tilespmem:s6+$0x1180];
	[tilespmem:s13+$0x440] =	vst v10  }
0x290: {  	v8 =	vor.u32 v8, v18;
	v10 =	vor.u32 v13, v16;
	v13 =	vshll.u32 v14, $0x3;
	[tilespmem:s13+$0x400] =	vst v2;
	v0 =	vld.idx.msk [tilespmem:v0+s17+$0x0], $0xffff  }
0x291: {  	v1 =	vand.u32 $0x380, v1;
	v2 =	vand.u32 $0x400, v13;
	v13 =	vand.u32 $0xF87F, v14;
	[tilespmem:s13+$0x50] =	vst v6;
	v3 =	vld.idx.msk [tilespmem:v3+s17+$0x0], $0xffff  }
0x292: {  	v6 =	vand.u32 $0xF800, v15;
	v15 =	vshrl.u32 v14, $0x1;
	v2 =	vor.u32 v2, v13  }
0x293: {  	v12 =	vand.u32 $0x400, v12;
	v16 =	vand.u32 $0x400, v17;
	v17 =	vshrl.u32 v14, $0x11;
	v13 =	vld [tilespmem:s14+$0xFFFFFFC0]  }
0x294: {  	v6 =	vor.u32 v12, v6;
	v18 =	vshll.u32 v20, $0x3;
	v21 =	vshrl.u32 v20, $0x1  }
0x295: {  	v1 =	vor.u32 v1, v6;
	v12 =	vand.u32 $0x400, v18;
	v18 =	vand.u32 $0xF87F, v20;
	v6 =	vld.idx.msk [tilespmem:v10+s17+$0x0], $0xffff  }
0x296: {  	v4 =	vand.u32 $0x380, v4;
	v10 =	vand.u32 $0x380, v21;
	v12 =	vor.u32 v12, v18;
	[tilespmem:s13+$0x450] =	vst v0  }
0x297: {  	v0 =	vor.u32 v10, v12;
	v10 =	vshrl.u32 v20, $0xD;
	v12 =	vor.u32 v19, v1;
	[tilespmem:s13+$0x410] =	vst v3;
	s13 =	smov.u32 s12  }
0x298: {  	v4 =	vor.u32 v4, v8;
	v1 =	vshrl.u32 v20, $0x10;
	v3 =	vand.u32 $0x400, v10;
	v8 =	vld [tilespmem:s14+$0x0]  }
0x299: {  	v5 =	vand.u32 $0x7F, v5;
	v7 =	vor.u32 v7, v9;
	v10 =	vand.u32 $0xF87F, v13  }
0x29a: {  	v7 =	vor.u32 v11, v7;
	v9 =	vshrl.u32 v20, $0x11;
	v18 =	vshrl.u32 v13, $0xD;
	v11 =	vld [tilespmem:s14+$0xFFFFFFE0]  }
0x29b: {  	v5 =	vor.u32 v5, v7;
	v9 =	vand.u32 $0x380, v9;
	v18 =	vand.u32 $0x400, v18;
	[tilespmem:s12+$0x60] =	vst v6  }
0x29c: {  	v19 =	vshrl.u32 v13, $0x10;
	v7 =	vshrl.u32 v13, $0x11;
	v6 =	vld.idx.msk [tilespmem:v0+s17+$0x0], $0xffff;
	v0 =	vand.u32 $0x380, v15  }
0x29d: {  	v20 =	vand.u32 $0xF800, v1;
	v15 =	vand.u32 $0x7F, v1;
	v1 =	vshrl.u32 v8, $0x11  }
0x29e: {  	v21 =	vshll.u32 v13, $0x3;
	v22 =	vor.u32 v0, v2;
	v4 =	vld.idx.msk [tilespmem:v4+s17+$0x0], $0xffff;
	v0 =	vand.u32 $0x380, v1  }
0x29f: {  	v2 =	vshrl.u32 v14, $0x10;
	v1 =	vshrl.u32 v8, $0x10;
	v23 =	vshrl.u32 v11, $0x10  }
0x2a0: {  	v14 =	vand.u32 $0x7F, v2;
	v24 =	vand.u32 $0xF800, v2;
	v25 =	vand.u32 $0xF800, v1;
	v5 =	vld.idx.msk [tilespmem:v5+s17+$0x0], $0xffff  }
0x2a1: {  	v13 =	vshrl.u32 v13, $0x1;
	v3 =	vor.u32 v3, v20;
	v2 =	vshrl.u32 v11, $0x1  }
0x2a2: {  	v3 =	vor.u32 v9, v3;
	v9 =	vshrl.u32 v11, $0x11;
	[tilespmem:s12+$0x0] =	vst v6;
	v6 =	vand.u32 $0x380, v13  }
0x2a3: {  	v3 =	vor.u32 v15, v3;
	v15 =	vand.u32 $0x380, v17;
	v13 =	vand.u32 $0x400, v21  }
0x2a4: {  	v20 =	vshrl.u32 v8, $0x1;
	v16 =	vor.u32 v16, v24;
	[tilespmem:s12+$0x20] =	vst v4;
	v4 =	vand.u32 $0xF800, v19;
	v17 =	vld.idx.msk [tilespmem:v22+s17+$0x0], $0xffff  }
0x2a5: {  	v10 =	vor.u32 v13, v10;
	v12 =	vld.idx.msk [tilespmem:v12+s17+$0x0], $0xffff;
	v13 =	vor.u32 v18, v4;
	v4 =	vor.u32 v15, v16  }
0x2a6: {  	v15 =	vand.u32 $0x380, v7;
	[tilespmem:s12+$0x70] =	vst v5;
	v5 =	vor.u32 v14, v4;
	v14 =	vand.u32 $0xF87F, v8  }
0x2a7: {  	v7 =	vand.u32 $0xF800, v23;
	v16 =	vshrl.u32 v11, $0xD;
	v18 =	vshll.u32 v8, $0x3  }
0x2a8: {  	v9 =	vand.u32 $0x380, v9;
	v6 =	vor.u32 v6, v10;
	v4 =	vld.idx.msk [tilespmem:v3+s17+$0x0], $0xffff;
	v3 =	vand.u32 $0x400, v16  }
.Ltmp9:
0x2a9: {  	v8 =	vshrl.u32 v8, $0xD;
	v16 =	vand.u32 $0x400, v18;
	v3 =	vor.u32 v3, v7;
	(pc) =	sbr.rel @p1 .LBB2_14-.Ltmp9, $4  }
0x2aa: {  	v10 =	vand.u32 $0x7F, v23;
	v7 =	vand.u32 $0xF87F, v11;
	v3 =	vor.u32 v9, v3;
	[tilespmem:s12+$0x420] =	vst v17  }
0x2ab: {  	v8 =	vand.u32 $0x400, v8;
	[tilespmem:s12+$0x30] =	vst v12;
	v3 =	vor.u32 v10, v3;
	v5 =	vld.idx.msk [tilespmem:v5+s17+$0x0], $0xffff;
	v10 =	vand.u32 $0x380, v20  }
0x2ac: {  	v13 =	vor.u32 v15, v13;
	v11 =	vshll.u32 v11, $0x3;
	v12 =	vand.u32 $0x7F, v19  }
0x2ad: {  	s18 =	smov.u32 s19;
	s14 =	sadd.s32 $0x70, s14;
	v8 =	vor.u32 v8, v25;
	v9 =	vld.idx.msk [tilespmem:v6+s17+$0x0], $0xffff;
	v6 =	vor.u32 v12, v13;
	v12 =	vor.u32 v16, v14  }
0x2ae: {  	v11 =	vand.u32 $0x400, v11  }
0x2af: {  	v2 =	vand.u32 $0x380, v2;
	v10 =	vor.u32 v10, v12;
	v7 =	vor.u32 v11, v7  }
0x2b0: {  	v2 =	vor.u32 v2, v7;
	_ =	sdelay $0x3  }
0x2b1: {  	v1 =	vand.u32 $0x7F, v1;
	v0 =	vor.u32 v0, v8;
	v7 =	vld.idx.msk [tilespmem:v10+s17+$0x0], $0xffff  }
0x2b2: {  	v0 =	vor.u32 v1, v0;
	v2 =	vld.idx.msk [tilespmem:v2+s17+$0x0], $0xffff;
	_ =	sdelay $0x2  }
0x2b3: {  	[tilespmem:s13+$0x40] =	vst v9  }
0x2b4: {  	v1 =	vld.idx.msk [tilespmem:v6+s17+$0x0], $0xffff;
	[tilespmem:s13+$0x440] =	vst v7  }
0x2b5: {  	v0 =	vld.idx.msk [tilespmem:v0+s17+$0x0], $0xffff;
	[tilespmem:s13+$0x400] =	vst v2  }
0x2b6: {  	v2 =	vld.idx.msk [tilespmem:v3+s17+$0x0], $0xffff  }
0x2b7: {  	[tilespmem:s13+$0x10] =	vst v4  }
0x2b8: {  	[tilespmem:s13+$0x430] =	vst v5  }
0x2b9: {  	s6 =	sadd.s32 s10, s1;
	[tilespmem:s13+$0x50] =	vst v1  }
0x2ba: {  	s6 =	sshrl.u32 s6, $0x3;
	[tilespmem:s13+$0x450] =	vst v0  }
0x2bb: {  	s6 =	sadd.s32 s4, s6;
	[tilespmem:s13+$0x410] =	vst v2  }
0x2bc: {  	[hbm4b:s6+s5] =	stream.linear.scatter [tilespmem:s25], [sflag:$0x2], $0x800, $0x38;
	[tilespmem:$0x1FC00] =	vst v63  }
0x2bd: {  	s12 =	simm.s32 @!p0 $0x0;
	s13 =	simm.s32 @!p0 $0x1180;
	s6 =	sadd.s32 @!p0 $0x3F0, s11  }
0x2be: {  	[tilespmem:s13], [sflag:$0x8] =	stream.linear.gather @!p0 [hbm4b:s6+s12], $0x380, $0x38;
	[tilespmem:$0x1FC00] =	vst v63  }
0x2bf: {  	_ =	swait.ge [sflag:s0], $0x380  }
0x2c0: {  	[sflag:s0] =	ssyncset.done $0x0  }
0x2c1: {  	[sflag:s0] =	ssyncadd.s32 $0xFFFFFC80  }
0x2c2: {  	_ =	swait.ge [sflag:s7], $0x800  }
0x2c3: {  	[sflag:s7] =	ssyncset.done $0x0  }
0x2c4: {  	s18 =	simm.s32 $0x1560;
	[sflag:s7] =	ssyncadd.s32 $0xFFFFF800  }
0x2c5: {  	v0 =	vld [tilespmem:s18+$0xFFFFFFD0]  }
0x2c6: {  	v1 =	vld [tilespmem:s18+$0xFFFFFFB0]  }
0x2c7: {  	s19 =	simm.s32 $0x0  }
0x2c8: {  	s6 =	sand.u32 $0x3F0, s19;
	v5 =	vld [tilespmem:s18+$0xFFFFFFF0]  }
0x2c9: {  	v15 =	vld [tilespmem:s6+$0x1500]  }
0x2ca: {  	v17 =	vld [tilespmem:s18+$0xFFFFFFC0];
	v2 =	vshrl.u32 v0, $0x10;
	v3 =	vshrl.u32 v0, $0xD;
	v4 =	vshrl.u32 v0, $0x11  }
0x2cb: {  	v56 =	vld [tilespmem:s18+$0xFFFFFFE0];
	v7 =	vshrl.u32 v1, $0x10;
	v8 =	vshll.u32 v1, $0x3;
	v9 =	vshll.u32 v0, $0x3  }
0x2cc: {  	v10 =	vshrl.u32 v1, $0x11;
	v11 =	vand.u32 $0xF87F, v0;
	v12 =	vand.u32 $0xF87F, v1  }
0x2cd: {  	v0 =	vshrl.u32 v0, $0x1;
	v14 =	vshrl.u32 v5, $0xD;
	v16 =	vshrl.u32 v5, $0x1  }
0x2ce: {  	v18 =	vshll.u32 v15, $0x3;
	v19 =	vshrl.u32 v15, $0x1;
	v54 =	vand.u32 $0xF87F, v15  }
0x2cf: {  	v55 =	vand.u32 $0xF87F, v17;
	v20 =	vshrl.u32 v17, $0x11;
	v22 =	vshll.u32 v17, $0x3  }
0x2d0: {  	v24 =	vshrl.u32 v56, $0x10;
	v59 =	vshrl.u32 v56, $0x11;
	v62 =	vshrl.u32 v56, $0xD  }
0x2d1: {  	v6 =	vand.u32 $0xF800, v2;
	v3 =	vand.u32 $0x400, v3;
	v4 =	vand.u32 $0x380, v4  }
0x2d2: {  	v9 =	vand.u32 $0x400, v9;
	v13 =	vand.u32 $0x7F, v7;
	v8 =	vand.u32 $0x400, v8  }
0x2d3: {  	v0 =	vand.u32 $0x380, v0;
	v10 =	vand.u32 $0x380, v10;
	v7 =	vand.u32 $0xF800, v7  }
0x2d4: {  	v2 =	vand.u32 $0x7F, v2;
	v60 =	vand.u32 $0x400, v22;
	v9 =	vor.u32 v9, v11  }
0x2d5: {  	v11 =	vshrl.u32 v1, $0x1;
	v1 =	vshrl.u32 v1, $0xD;
	v8 =	vor.u32 v8, v12  }
0x2d6: {  	v12 =	vand.u32 $0xF87F, v5;
	v3 =	vor.u32 v3, v6;
	v6 =	vshrl.u32 v15, $0x11  }
0x2d7: {  	v9 =	vor.u32 v0, v9;
	v0 =	vshll.u32 v5, $0x3;
	v1 =	vand.u32 $0x400, v1  }
0x2d8: {  	v11 =	vand.u32 $0x380, v11;
	v3 =	vor.u32 v4, v3;
	v4 =	vand.u32 $0x380, v6  }
0x2d9: {  	v0 =	vand.u32 $0x400, v0;
	v1 =	vor.u32 v1, v7;
	v7 =	vand.u32 $0x400, v18  }
0x2da: {  	v8 =	vor.u32 v11, v8;
	v3 =	vor.u32 v2, v3;
	v2 =	vand.u32 $0x380, v16  }
0x2db: {  	v16 =	vand.u32 $0x380, v59;
	v0 =	vor.u32 v0, v12;
	v12 =	vand.u32 $0x400, v14  }
0x2dc: {  	v1 =	vor.u32 v10, v1;
	v10 =	vand.u32 $0x380, v19;
	v7 =	vor.u32 v7, v54  }
0x2dd: {  	v14 =	vshrl.u32 v5, $0x11;
	v7 =	vor.u32 v10, v7;
	v10 =	vshrl.u32 v15, $0xD  }
0x2de: {  	v11 =	vld [tilespmem:s18+$0x0];
	v13 =	vor.u32 v13, v1;
	v1 =	vshrl.u32 v15, $0x10;
	v15 =	vshrl.u32 v17, $0xD  }
0x2df: {  	v23 =	vor.u32 v2, v0;
	v2 =	vshrl.u32 v5, $0x10;
	v14 =	vand.u32 $0x380, v14  }
0x2e0: {  	v10 =	vand.u32 $0x400, v10;
	v6 =	vand.u32 $0x400, v15;
	v15 =	vshrl.u32 v17, $0x10  }
0x2e1: {  	v57 =	vand.u32 $0x7F, v1;
	v21 =	vand.u32 $0xF800, v1;
	v5 =	vand.u32 $0x7F, v2;
	v9 =	vld.idx.msk [tilespmem:v9+s17+$0x0], $0xffff  }
0x2e2: {  	v25 =	vand.u32 $0xF800, v2;
	v2 =	vor.u32 v10, v21;
	v10 =	vshrl.u32 v17, $0x1;
	v8 =	vld.idx.msk [tilespmem:v8+s17+$0x0], $0xffff  }
0x2e3: {  	v12 =	vor.u32 v12, v25;
	v17 =	vor.u32 v60, v55;
	v1 =	vshrl.u32 v11, $0x11  }
0x2e4: {  	v4 =	vor.u32 v4, v2;
	v2 =	vshrl.u32 v56, $0x1;
	v10 =	vand.u32 $0x380, v10  }
0x2e5: {  	s12 =	simm.s32 $0x1EC00;
	v61 =	vshrl.u32 v11, $0x1;
	v63 =	vshll.u32 v11, $0x3;
	v0 =	vand.u32 $0x380, v1  }
0x2e6: {  	v4 =	vor.u32 v57, v4;
	v17 =	vor.u32 v10, v17;
	v7 =	vld.idx.msk [tilespmem:v7+s17+$0x0], $0xffff;
	[tilespmem:s12+$0x60] =	vst v9;
	v9 =	vand.u32 $0xF800, v15  }
0x2e7: {  	v1 =	vshrl.u32 v11, $0x10;
	v6 =	vor.u32 v6, v9;
	v9 =	vor.u32 v14, v12;
	[tilespmem:s12+$0x20] =	vst v8;
	v8 =	vld.idx.msk [tilespmem:v23+s17+$0x0], $0xffff  }
0x2e8: {  	v10 =	vand.u32 $0x400, v62;
	v58 =	vand.u32 $0xF800, v1;
	v3 =	vld.idx.msk [tilespmem:v3+s17+$0x0], $0xffff;
	v5 =	vor.u32 v5, v9  }
0x2e9: {  	v15 =	vand.u32 $0x7F, v15;
	v12 =	vand.u32 $0x380, v20;
	v14 =	vand.u32 $0xF87F, v11;
	v9 =	vld.idx.msk [tilespmem:v13+s17+$0x0], $0xffff  }
0x2ea: {  	v11 =	vshrl.u32 v11, $0xD;
	v13 =	vand.u32 $0xF800, v24;
	v6 =	vor.u32 v12, v6  }
0x2eb: {  	[tilespmem:s12+$0x0] =	vst v7;
	v10 =	vor.u32 v10, v13;
	v13 =	vand.u32 $0x400, v63;
	v6 =	vor.u32 v15, v6  }
0x2ec: {  	v7 =	vand.u32 $0xF87F, v56;
	v10 =	vor.u32 v16, v10;
	v4 =	vld.idx.msk [tilespmem:v4+s17+$0x0], $0xffff;
	v12 =	vor.u32 v13, v14;
	[tilespmem:s12+$0x420] =	vst v8  }
0x2ed: {  	[tilespmem:s12+$0x70] =	vst v3;
	v3 =	vand.u32 $0x7F, v24;
	v8 =	vand.u32 $0x400, v11;
	v11 =	vshll.u32 v56, $0x3;
	v5 =	vld.idx.msk [tilespmem:v5+s17+$0x0], $0xffff  }
0x2ee: {  	s14 =	simm.s32 $0x15D0;
	s19 =	simm.s32 $0x70;
	s13 =	simm.s32 $0x1EC00;
	v3 =	vor.u32 v3, v10;
	v10 =	vand.u32 $0x380, v61;
	[tilespmem:s12+$0x30] =	vst v9;
	v9 =	vld.idx.msk [tilespmem:v17+s17+$0x0], $0xffff;
	v8 =	vor.u32 v8, v58  }
.LBB2_16:
0x2ef: {  	s18 =	smov.u32 s19  }
0x2f0: {  	s6 =	sand.u32 $0x3F0, s19;
	v13 =	vld [tilespmem:s14+$0xFFFFFFD0];
	v11 =	vand.u32 $0x400, v11;
	v2 =	vand.u32 $0x380, v2;
	v10 =	vor.u32 v10, v12;
	s12 =	sadd.s32 $0x80, s12;
	s18 =	sadd.s32 $0x70, s19  }
0x2f1: {  	p1 =	sne.s32 s19, $0x310;
	v7 =	vor.u32 v11, v7;
	v12 =	vld [tilespmem:s14+$0xFFFFFFB0]  }
0x2f2: {  	v2 =	vor.u32 v2, v7;
	_ =	sdelay $0x1  }
0x2f3: {  	[tilespmem:s13+$0x430] =	vst v5  }
0x2f4: {  	v5 =	vshrl.u32 v13, $0x10;
	v7 =	vshrl.u32 v13, $0xD;
	v11 =	vshrl.u32 v13, $0x11;
	v14 =	vld [tilespmem:s14+$0xFFFFFFF0];
	[tilespmem:s13+$0x40] =	vst v9  }
0x2f5: {  	v9 =	vand.u32 $0xF800, v5;
	v7 =	vand.u32 $0x400, v7;
	v11 =	vand.u32 $0x380, v11;
	v10 =	vld.idx.msk [tilespmem:v10+s17+$0x0], $0xffff  }
0x2f6: {  	v1 =	vand.u32 $0x7F, v1;
	v0 =	vor.u32 v0, v8;
	v15 =	vshrl.u32 v12, $0x10;
	v2 =	vld.idx.msk [tilespmem:v2+s17+$0x0], $0xffff  }
0x2f7: {  	v0 =	vor.u32 v1, v0;
	v16 =	vshll.u32 v13, $0x3;
	v8 =	vshll.u32 v12, $0x3;
	v6 =	vld.idx.msk [tilespmem:v6+s17+$0x0], $0xffff  }
0x2f8: {  	v17 =	vand.u32 $0xF87F, v13;
	v16 =	vand.u32 $0x400, v16;
	v1 =	vshrl.u32 v12, $0x11  }
0x2f9: {  	v18 =	vand.u32 $0xF87F, v12;
	v16 =	vor.u32 v16, v17;
	v19 =	vand.u32 $0x7F, v15;
	[tilespmem:s13+$0x10] =	vst v4  }
0x2fa: {  	v13 =	vshrl.u32 v13, $0x1;
	v4 =	vshrl.u32 v12, $0x1;
	v17 =	vshrl.u32 v14, $0xD  }
0x2fb: {  	v13 =	vand.u32 $0x380, v13;
	v8 =	vand.u32 $0x400, v8;
	v12 =	vshrl.u32 v12, $0xD;
	v20 =	vld [tilespmem:s6+$0x1500];
	[tilespmem:s13+$0x440] =	vst v10  }
0x2fc: {  	v8 =	vor.u32 v8, v18;
	v10 =	vor.u32 v13, v16;
	v13 =	vshll.u32 v14, $0x3;
	[tilespmem:s13+$0x400] =	vst v2;
	v0 =	vld.idx.msk [tilespmem:v0+s17+$0x0], $0xffff  }
0x2fd: {  	v1 =	vand.u32 $0x380, v1;
	v2 =	vand.u32 $0x400, v13;
	v13 =	vand.u32 $0xF87F, v14;
	[tilespmem:s13+$0x50] =	vst v6;
	v3 =	vld.idx.msk [tilespmem:v3+s17+$0x0], $0xffff  }
0x2fe: {  	v6 =	vand.u32 $0xF800, v15;
	v15 =	vshrl.u32 v14, $0x1;
	v2 =	vor.u32 v2, v13  }
0x2ff: {  	v12 =	vand.u32 $0x400, v12;
	v16 =	vand.u32 $0x400, v17;
	v17 =	vshrl.u32 v14, $0x11;
	v13 =	vld [tilespmem:s14+$0xFFFFFFC0]  }
0x300: {  	v6 =	vor.u32 v12, v6;
	v18 =	vshll.u32 v20, $0x3;
	v21 =	vshrl.u32 v20, $0x1  }
0x301: {  	v1 =	vor.u32 v1, v6;
	v12 =	vand.u32 $0x400, v18;
	v18 =	vand.u32 $0xF87F, v20;
	v6 =	vld.idx.msk [tilespmem:v10+s17+$0x0], $0xffff  }
0x302: {  	v4 =	vand.u32 $0x380, v4;
	v10 =	vand.u32 $0x380, v21;
	v12 =	vor.u32 v12, v18;
	[tilespmem:s13+$0x450] =	vst v0  }
0x303: {  	v0 =	vor.u32 v10, v12;
	v10 =	vshrl.u32 v20, $0xD;
	v12 =	vor.u32 v19, v1;
	[tilespmem:s13+$0x410] =	vst v3;
	s13 =	smov.u32 s12  }
0x304: {  	v4 =	vor.u32 v4, v8;
	v1 =	vshrl.u32 v20, $0x10;
	v3 =	vand.u32 $0x400, v10;
	v8 =	vld [tilespmem:s14+$0x0]  }
0x305: {  	v5 =	vand.u32 $0x7F, v5;
	v7 =	vor.u32 v7, v9;
	v10 =	vand.u32 $0xF87F, v13  }
0x306: {  	v7 =	vor.u32 v11, v7;
	v9 =	vshrl.u32 v20, $0x11;
	v18 =	vshrl.u32 v13, $0xD;
	v11 =	vld [tilespmem:s14+$0xFFFFFFE0]  }
0x307: {  	v5 =	vor.u32 v5, v7;
	v9 =	vand.u32 $0x380, v9;
	v18 =	vand.u32 $0x400, v18;
	[tilespmem:s12+$0x60] =	vst v6  }
0x308: {  	v19 =	vshrl.u32 v13, $0x10;
	v7 =	vshrl.u32 v13, $0x11;
	v6 =	vld.idx.msk [tilespmem:v0+s17+$0x0], $0xffff;
	v0 =	vand.u32 $0x380, v15  }
0x309: {  	v20 =	vand.u32 $0xF800, v1;
	v15 =	vand.u32 $0x7F, v1;
	v1 =	vshrl.u32 v8, $0x11  }
0x30a: {  	v21 =	vshll.u32 v13, $0x3;
	v22 =	vor.u32 v0, v2;
	v4 =	vld.idx.msk [tilespmem:v4+s17+$0x0], $0xffff;
	v0 =	vand.u32 $0x380, v1  }
0x30b: {  	v2 =	vshrl.u32 v14, $0x10;
	v1 =	vshrl.u32 v8, $0x10;
	v23 =	vshrl.u32 v11, $0x10  }
0x30c: {  	v14 =	vand.u32 $0x7F, v2;
	v24 =	vand.u32 $0xF800, v2;
	v25 =	vand.u32 $0xF800, v1;
	v5 =	vld.idx.msk [tilespmem:v5+s17+$0x0], $0xffff  }
0x30d: {  	v13 =	vshrl.u32 v13, $0x1;
	v3 =	vor.u32 v3, v20;
	v2 =	vshrl.u32 v11, $0x1  }
0x30e: {  	v3 =	vor.u32 v9, v3;
	v9 =	vshrl.u32 v11, $0x11;
	[tilespmem:s12+$0x0] =	vst v6;
	v6 =	vand.u32 $0x380, v13  }
0x30f: {  	v3 =	vor.u32 v15, v3;
	v15 =	vand.u32 $0x380, v17;
	v13 =	vand.u32 $0x400, v21  }
0x310: {  	v20 =	vshrl.u32 v8, $0x1;
	v16 =	vor.u32 v16, v24;
	[tilespmem:s12+$0x20] =	vst v4;
	v4 =	vand.u32 $0xF800, v19;
	v17 =	vld.idx.msk [tilespmem:v22+s17+$0x0], $0xffff  }
0x311: {  	v10 =	vor.u32 v13, v10;
	v12 =	vld.idx.msk [tilespmem:v12+s17+$0x0], $0xffff;
	v13 =	vor.u32 v18, v4;
	v4 =	vor.u32 v15, v16  }
0x312: {  	v15 =	vand.u32 $0x380, v7;
	[tilespmem:s12+$0x70] =	vst v5;
	v5 =	vor.u32 v14, v4;
	v14 =	vand.u32 $0xF87F, v8  }
0x313: {  	v7 =	vand.u32 $0xF800, v23;
	v16 =	vshrl.u32 v11, $0xD;
	v18 =	vshll.u32 v8, $0x3  }
0x314: {  	v9 =	vand.u32 $0x380, v9;
	v6 =	vor.u32 v6, v10;
	v4 =	vld.idx.msk [tilespmem:v3+s17+$0x0], $0xffff;
	v3 =	vand.u32 $0x400, v16  }
.Ltmp10:
0x315: {  	v8 =	vshrl.u32 v8, $0xD;
	v16 =	vand.u32 $0x400, v18;
	v3 =	vor.u32 v3, v7;
	(pc) =	sbr.rel @p1 .LBB2_16-.Ltmp10, $4  }
0x316: {  	v10 =	vand.u32 $0x7F, v23;
	v7 =	vand.u32 $0xF87F, v11;
	v3 =	vor.u32 v9, v3;
	[tilespmem:s12+$0x420] =	vst v17  }
0x317: {  	v8 =	vand.u32 $0x400, v8;
	[tilespmem:s12+$0x30] =	vst v12;
	v3 =	vor.u32 v10, v3;
	v5 =	vld.idx.msk [tilespmem:v5+s17+$0x0], $0xffff;
	v10 =	vand.u32 $0x380, v20  }
0x318: {  	v13 =	vor.u32 v15, v13;
	v11 =	vshll.u32 v11, $0x3;
	v12 =	vand.u32 $0x7F, v19  }
0x319: {  	s19 =	smov.u32 s18;
	s14 =	sadd.s32 $0x70, s14;
	v8 =	vor.u32 v8, v25;
	v9 =	vld.idx.msk [tilespmem:v6+s17+$0x0], $0xffff;
	v6 =	vor.u32 v12, v13;
	v12 =	vor.u32 v16, v14  }
0x31a: {  	v11 =	vand.u32 $0x400, v11  }
0x31b: {  	v2 =	vand.u32 $0x380, v2;
	v10 =	vor.u32 v10, v12;
	v7 =	vor.u32 v11, v7  }
0x31c: {  	v2 =	vor.u32 v2, v7;
	_ =	sdelay $0x3  }
0x31d: {  	v1 =	vand.u32 $0x7F, v1;
	v0 =	vor.u32 v0, v8;
	v7 =	vld.idx.msk [tilespmem:v10+s17+$0x0], $0xffff  }
0x31e: {  	v0 =	vor.u32 v1, v0;
	v2 =	vld.idx.msk [tilespmem:v2+s17+$0x0], $0xffff;
	_ =	sdelay $0x2  }
0x31f: {  	[tilespmem:s13+$0x40] =	vst v9  }
0x320: {  	v1 =	vld.idx.msk [tilespmem:v6+s17+$0x0], $0xffff;
	[tilespmem:s13+$0x440] =	vst v7  }
0x321: {  	v0 =	vld.idx.msk [tilespmem:v0+s17+$0x0], $0xffff;
	[tilespmem:s13+$0x400] =	vst v2  }
0x322: {  	v2 =	vld.idx.msk [tilespmem:v3+s17+$0x0], $0xffff  }
0x323: {  	[tilespmem:s13+$0x10] =	vst v4  }
0x324: {  	[tilespmem:s13+$0x430] =	vst v5  }
0x325: {  	s6 =	sadd.s32 s10, s8;
	[tilespmem:s13+$0x50] =	vst v1  }
0x326: {  	s6 =	sshrl.u32 s6, $0x3;
	[tilespmem:s13+$0x450] =	vst v0  }
0x327: {  	s6 =	sadd.s32 s4, s6;
	[tilespmem:s13+$0x410] =	vst v2  }
0x328: {  	[hbm4b:s6+s5] =	stream.linear.scatter [tilespmem:s26], [sflag:$0x3], $0x800, $0x38;
	[tilespmem:$0x1FC00] =	vst v63  }
0x329: {  	s12 =	simm.s32 @!p0 $0x1500;
	s6 =	sadd.s32 @!p0 $0x460, s11;
	s11 =	simm.s32 @!p0 $0x0  }
0x32a: {  	[tilespmem:s12], [sflag:$0x9] =	stream.linear.gather @!p0 [hbm4b:s6+s11], $0x380, $0x38;
	[tilespmem:$0x1FC00] =	vst v63  }
0x32b: {  	_ =	swait.ge [sflag:s15], $0x380  }
0x32c: {  	[sflag:s15] =	ssyncset.done $0x0  }
0x32d: {  	[sflag:s15] =	ssyncadd.s32 $0xFFFFFC80  }
0x32e: {  	_ =	swait.ge [sflag:s16], $0x800  }
0x32f: {  	[sflag:s16] =	ssyncset.done $0x0  }
0x330: {  	s18 =	simm.s32 $0x18E0;
	[sflag:s16] =	ssyncadd.s32 $0xFFFFF800  }
0x331: {  	v0 =	vld [tilespmem:s18+$0xFFFFFFD0]  }
0x332: {  	v1 =	vld [tilespmem:s18+$0xFFFFFFB0]  }
0x333: {  	s19 =	simm.s32 $0x0  }
0x334: {  	s6 =	sand.u32 $0x3F0, s19;
	v5 =	vld [tilespmem:s18+$0xFFFFFFF0]  }
0x335: {  	v15 =	vld [tilespmem:s6+$0x1880]  }
0x336: {  	v17 =	vld [tilespmem:s18+$0xFFFFFFC0];
	v2 =	vshrl.u32 v0, $0x10;
	v3 =	vshrl.u32 v0, $0xD;
	v4 =	vshrl.u32 v0, $0x11  }
0x337: {  	v56 =	vld [tilespmem:s18+$0xFFFFFFE0];
	v7 =	vshrl.u32 v1, $0x10;
	v8 =	vshll.u32 v1, $0x3;
	v9 =	vshll.u32 v0, $0x3  }
0x338: {  	v10 =	vshrl.u32 v1, $0x11;
	v11 =	vand.u32 $0xF87F, v0;
	v12 =	vand.u32 $0xF87F, v1  }
0x339: {  	v0 =	vshrl.u32 v0, $0x1;
	v14 =	vshrl.u32 v5, $0xD;
	v16 =	vshrl.u32 v5, $0x1  }
0x33a: {  	v18 =	vshll.u32 v15, $0x3;
	v19 =	vshrl.u32 v15, $0x1;
	v54 =	vand.u32 $0xF87F, v15  }
0x33b: {  	v55 =	vand.u32 $0xF87F, v17;
	v20 =	vshrl.u32 v17, $0x11;
	v22 =	vshll.u32 v17, $0x3  }
0x33c: {  	v24 =	vshrl.u32 v56, $0x10;
	v59 =	vshrl.u32 v56, $0x11;
	v62 =	vshrl.u32 v56, $0xD  }
0x33d: {  	v6 =	vand.u32 $0xF800, v2;
	v3 =	vand.u32 $0x400, v3;
	v4 =	vand.u32 $0x380, v4  }
0x33e: {  	v9 =	vand.u32 $0x400, v9;
	v13 =	vand.u32 $0x7F, v7;
	v8 =	vand.u32 $0x400, v8  }
0x33f: {  	v0 =	vand.u32 $0x380, v0;
	v10 =	vand.u32 $0x380, v10;
	v7 =	vand.u32 $0xF800, v7  }
0x340: {  	v2 =	vand.u32 $0x7F, v2;
	v60 =	vand.u32 $0x400, v22;
	v9 =	vor.u32 v9, v11  }
0x341: {  	v11 =	vshrl.u32 v1, $0x1;
	v1 =	vshrl.u32 v1, $0xD;
	v8 =	vor.u32 v8, v12  }
0x342: {  	v12 =	vand.u32 $0xF87F, v5;
	v3 =	vor.u32 v3, v6;
	v6 =	vshrl.u32 v15, $0x11  }
0x343: {  	v9 =	vor.u32 v0, v9;
	v0 =	vshll.u32 v5, $0x3;
	v1 =	vand.u32 $0x400, v1  }
0x344: {  	v11 =	vand.u32 $0x380, v11;
	v3 =	vor.u32 v4, v3;
	v4 =	vand.u32 $0x380, v6  }
0x345: {  	v0 =	vand.u32 $0x400, v0;
	v1 =	vor.u32 v1, v7;
	v7 =	vand.u32 $0x400, v18  }
0x346: {  	v8 =	vor.u32 v11, v8;
	v3 =	vor.u32 v2, v3;
	v2 =	vand.u32 $0x380, v16  }
0x347: {  	v16 =	vand.u32 $0x380, v59;
	v0 =	vor.u32 v0, v12;
	v12 =	vand.u32 $0x400, v14  }
0x348: {  	v1 =	vor.u32 v10, v1;
	v10 =	vand.u32 $0x380, v19;
	v7 =	vor.u32 v7, v54  }
0x349: {  	v14 =	vshrl.u32 v5, $0x11;
	v7 =	vor.u32 v10, v7;
	v10 =	vshrl.u32 v15, $0xD  }
0x34a: {  	v11 =	vld [tilespmem:s18+$0x0];
	v13 =	vor.u32 v13, v1;
	v1 =	vshrl.u32 v15, $0x10;
	v15 =	vshrl.u32 v17, $0xD  }
0x34b: {  	v23 =	vor.u32 v2, v0;
	v2 =	vshrl.u32 v5, $0x10;
	v14 =	vand.u32 $0x380, v14  }
0x34c: {  	v10 =	vand.u32 $0x400, v10;
	v6 =	vand.u32 $0x400, v15;
	v15 =	vshrl.u32 v17, $0x10  }
0x34d: {  	v57 =	vand.u32 $0x7F, v1;
	v21 =	vand.u32 $0xF800, v1;
	v5 =	vand.u32 $0x7F, v2;
	v9 =	vld.idx.msk [tilespmem:v9+s17+$0x0], $0xffff  }
0x34e: {  	v25 =	vand.u32 $0xF800, v2;
	v2 =	vor.u32 v10, v21;
	v10 =	vshrl.u32 v17, $0x1;
	v8 =	vld.idx.msk [tilespmem:v8+s17+$0x0], $0xffff  }
0x34f: {  	v12 =	vor.u32 v12, v25;
	v17 =	vor.u32 v60, v55;
	v1 =	vshrl.u32 v11, $0x11  }
0x350: {  	v4 =	vor.u32 v4, v2;
	v2 =	vshrl.u32 v56, $0x1;
	v10 =	vand.u32 $0x380, v10  }
0x351: {  	s11 =	simm.s32 $0x1F400;
	v61 =	vshrl.u32 v11, $0x1;
	v63 =	vshll.u32 v11, $0x3;
	v0 =	vand.u32 $0x380, v1  }
0x352: {  	v4 =	vor.u32 v57, v4;
	v17 =	vor.u32 v10, v17;
	v7 =	vld.idx.msk [tilespmem:v7+s17+$0x0], $0xffff;
	[tilespmem:s11+$0x60] =	vst v9;
	v9 =	vand.u32 $0xF800, v15  }
0x353: {  	v1 =	vshrl.u32 v11, $0x10;
	v6 =	vor.u32 v6, v9;
	v9 =	vor.u32 v14, v12;
	[tilespmem:s11+$0x20] =	vst v8;
	v8 =	vld.idx.msk [tilespmem:v23+s17+$0x0], $0xffff  }
0x354: {  	v10 =	vand.u32 $0x400, v62;
	v58 =	vand.u32 $0xF800, v1;
	v3 =	vld.idx.msk [tilespmem:v3+s17+$0x0], $0xffff;
	v5 =	vor.u32 v5, v9  }
0x355: {  	v15 =	vand.u32 $0x7F, v15;
	v12 =	vand.u32 $0x380, v20;
	v14 =	vand.u32 $0xF87F, v11;
	v9 =	vld.idx.msk [tilespmem:v13+s17+$0x0], $0xffff  }
0x356: {  	v11 =	vshrl.u32 v11, $0xD;
	v13 =	vand.u32 $0xF800, v24;
	v6 =	vor.u32 v12, v6  }
0x357: {  	[tilespmem:s11+$0x0] =	vst v7;
	v10 =	vor.u32 v10, v13;
	v13 =	vand.u32 $0x400, v63;
	v6 =	vor.u32 v15, v6  }
0x358: {  	v7 =	vand.u32 $0xF87F, v56;
	v10 =	vor.u32 v16, v10;
	v4 =	vld.idx.msk [tilespmem:v4+s17+$0x0], $0xffff;
	v12 =	vor.u32 v13, v14;
	[tilespmem:s11+$0x420] =	vst v8  }
0x359: {  	[tilespmem:s11+$0x70] =	vst v3;
	v3 =	vand.u32 $0x7F, v24;
	v8 =	vand.u32 $0x400, v11;
	v11 =	vshll.u32 v56, $0x3;
	v5 =	vld.idx.msk [tilespmem:v5+s17+$0x0], $0xffff  }
0x35a: {  	s13 =	simm.s32 $0x1950;
	s12 =	simm.s32 $0x1F400;
	s18 =	simm.s32 $0x70;
	v3 =	vor.u32 v3, v10;
	v10 =	vand.u32 $0x380, v61;
	[tilespmem:s11+$0x30] =	vst v9;
	v9 =	vld.idx.msk [tilespmem:v17+s17+$0x0], $0xffff;
	v8 =	vor.u32 v8, v58  }
.LBB2_18:
0x35b: {  	s14 =	smov.u32 s18  }
0x35c: {  	s6 =	sand.u32 $0x3F0, s18;
	v13 =	vld [tilespmem:s13+$0xFFFFFFD0];
	v11 =	vand.u32 $0x400, v11;
	v2 =	vand.u32 $0x380, v2;
	v10 =	vor.u32 v10, v12;
	s11 =	sadd.s32 $0x80, s11;
	s14 =	sadd.s32 $0x70, s18  }
0x35d: {  	p1 =	sne.s32 s18, $0x310;
	v7 =	vor.u32 v11, v7;
	v12 =	vld [tilespmem:s13+$0xFFFFFFB0]  }
0x35e: {  	v2 =	vor.u32 v2, v7;
	_ =	sdelay $0x1  }
0x35f: {  	[tilespmem:s12+$0x430] =	vst v5  }
0x360: {  	v5 =	vshrl.u32 v13, $0x10;
	v7 =	vshrl.u32 v13, $0xD;
	v11 =	vshrl.u32 v13, $0x11;
	v14 =	vld [tilespmem:s13+$0xFFFFFFF0];
	[tilespmem:s12+$0x40] =	vst v9  }
0x361: {  	v9 =	vand.u32 $0xF800, v5;
	v7 =	vand.u32 $0x400, v7;
	v11 =	vand.u32 $0x380, v11;
	v10 =	vld.idx.msk [tilespmem:v10+s17+$0x0], $0xffff  }
0x362: {  	v1 =	vand.u32 $0x7F, v1;
	v0 =	vor.u32 v0, v8;
	v15 =	vshrl.u32 v12, $0x10;
	v2 =	vld.idx.msk [tilespmem:v2+s17+$0x0], $0xffff  }
0x363: {  	v0 =	vor.u32 v1, v0;
	v16 =	vshll.u32 v13, $0x3;
	v8 =	vshll.u32 v12, $0x3;
	v6 =	vld.idx.msk [tilespmem:v6+s17+$0x0], $0xffff  }
0x364: {  	v17 =	vand.u32 $0xF87F, v13;
	v16 =	vand.u32 $0x400, v16;
	v1 =	vshrl.u32 v12, $0x11  }
0x365: {  	v18 =	vand.u32 $0xF87F, v12;
	v16 =	vor.u32 v16, v17;
	v19 =	vand.u32 $0x7F, v15;
	[tilespmem:s12+$0x10] =	vst v4  }
0x366: {  	v13 =	vshrl.u32 v13, $0x1;
	v4 =	vshrl.u32 v12, $0x1;
	v17 =	vshrl.u32 v14, $0xD  }
0x367: {  	v13 =	vand.u32 $0x380, v13;
	v8 =	vand.u32 $0x400, v8;
	v12 =	vshrl.u32 v12, $0xD;
	v20 =	vld [tilespmem:s6+$0x1880];
	[tilespmem:s12+$0x440] =	vst v10  }
0x368: {  	v8 =	vor.u32 v8, v18;
	v10 =	vor.u32 v13, v16;
	v13 =	vshll.u32 v14, $0x3;
	[tilespmem:s12+$0x400] =	vst v2;
	v0 =	vld.idx.msk [tilespmem:v0+s17+$0x0], $0xffff  }
0x369: {  	v1 =	vand.u32 $0x380, v1;
	v2 =	vand.u32 $0x400, v13;
	v13 =	vand.u32 $0xF87F, v14;
	[tilespmem:s12+$0x50] =	vst v6;
	v3 =	vld.idx.msk [tilespmem:v3+s17+$0x0], $0xffff  }
0x36a: {  	v6 =	vand.u32 $0xF800, v15;
	v15 =	vshrl.u32 v14, $0x1;
	v2 =	vor.u32 v2, v13  }
0x36b: {  	v12 =	vand.u32 $0x400, v12;
	v16 =	vand.u32 $0x400, v17;
	v17 =	vshrl.u32 v14, $0x11;
	v13 =	vld [tilespmem:s13+$0xFFFFFFC0]  }
0x36c: {  	v6 =	vor.u32 v12, v6;
	v18 =	vshll.u32 v20, $0x3;
	v21 =	vshrl.u32 v20, $0x1  }
0x36d: {  	v1 =	vor.u32 v1, v6;
	v12 =	vand.u32 $0x400, v18;
	v18 =	vand.u32 $0xF87F, v20;
	v6 =	vld.idx.msk [tilespmem:v10+s17+$0x0], $0xffff  }
0x36e: {  	v4 =	vand.u32 $0x380, v4;
	v10 =	vand.u32 $0x380, v21;
	v12 =	vor.u32 v12, v18;
	[tilespmem:s12+$0x450] =	vst v0  }
0x36f: {  	v0 =	vor.u32 v10, v12;
	v10 =	vshrl.u32 v20, $0xD;
	v12 =	vor.u32 v19, v1;
	[tilespmem:s12+$0x410] =	vst v3;
	s12 =	smov.u32 s11  }
0x370: {  	v4 =	vor.u32 v4, v8;
	v1 =	vshrl.u32 v20, $0x10;
	v3 =	vand.u32 $0x400, v10;
	v8 =	vld [tilespmem:s13+$0x0]  }
0x371: {  	v5 =	vand.u32 $0x7F, v5;
	v7 =	vor.u32 v7, v9;
	v10 =	vand.u32 $0xF87F, v13  }
0x372: {  	v7 =	vor.u32 v11, v7;
	v9 =	vshrl.u32 v20, $0x11;
	v18 =	vshrl.u32 v13, $0xD;
	v11 =	vld [tilespmem:s13+$0xFFFFFFE0]  }
0x373: {  	v5 =	vor.u32 v5, v7;
	v9 =	vand.u32 $0x380, v9;
	v18 =	vand.u32 $0x400, v18;
	[tilespmem:s11+$0x60] =	vst v6  }
0x374: {  	v19 =	vshrl.u32 v13, $0x10;
	v7 =	vshrl.u32 v13, $0x11;
	v6 =	vld.idx.msk [tilespmem:v0+s17+$0x0], $0xffff;
	v0 =	vand.u32 $0x380, v15  }
0x375: {  	v20 =	vand.u32 $0xF800, v1;
	v15 =	vand.u32 $0x7F, v1;
	v1 =	vshrl.u32 v8, $0x11  }
0x376: {  	v21 =	vshll.u32 v13, $0x3;
	v22 =	vor.u32 v0, v2;
	v4 =	vld.idx.msk [tilespmem:v4+s17+$0x0], $0xffff;
	v0 =	vand.u32 $0x380, v1  }
0x377: {  	v2 =	vshrl.u32 v14, $0x10;
	v1 =	vshrl.u32 v8, $0x10;
	v23 =	vshrl.u32 v11, $0x10  }
0x378: {  	v14 =	vand.u32 $0x7F, v2;
	v24 =	vand.u32 $0xF800, v2;
	v25 =	vand.u32 $0xF800, v1;
	v5 =	vld.idx.msk [tilespmem:v5+s17+$0x0], $0xffff  }
0x379: {  	v13 =	vshrl.u32 v13, $0x1;
	v3 =	vor.u32 v3, v20;
	v2 =	vshrl.u32 v11, $0x1  }
0x37a: {  	v3 =	vor.u32 v9, v3;
	v9 =	vshrl.u32 v11, $0x11;
	[tilespmem:s11+$0x0] =	vst v6;
	v6 =	vand.u32 $0x380, v13  }
0x37b: {  	v3 =	vor.u32 v15, v3;
	v15 =	vand.u32 $0x380, v17;
	v13 =	vand.u32 $0x400, v21  }
0x37c: {  	v20 =	vshrl.u32 v8, $0x1;
	v16 =	vor.u32 v16, v24;
	[tilespmem:s11+$0x20] =	vst v4;
	v4 =	vand.u32 $0xF800, v19;
	v17 =	vld.idx.msk [tilespmem:v22+s17+$0x0], $0xffff  }
0x37d: {  	v10 =	vor.u32 v13, v10;
	v12 =	vld.idx.msk [tilespmem:v12+s17+$0x0], $0xffff;
	v13 =	vor.u32 v18, v4;
	v4 =	vor.u32 v15, v16  }
0x37e: {  	v15 =	vand.u32 $0x380, v7;
	[tilespmem:s11+$0x70] =	vst v5;
	v5 =	vor.u32 v14, v4;
	v14 =	vand.u32 $0xF87F, v8  }
0x37f: {  	v7 =	vand.u32 $0xF800, v23;
	v16 =	vshrl.u32 v11, $0xD;
	v18 =	vshll.u32 v8, $0x3  }
0x380: {  	v9 =	vand.u32 $0x380, v9;
	v6 =	vor.u32 v6, v10;
	v4 =	vld.idx.msk [tilespmem:v3+s17+$0x0], $0xffff;
	v3 =	vand.u32 $0x400, v16  }
.Ltmp11:
0x381: {  	v8 =	vshrl.u32 v8, $0xD;
	v16 =	vand.u32 $0x400, v18;
	v3 =	vor.u32 v3, v7;
	(pc) =	sbr.rel @p1 .LBB2_18-.Ltmp11, $4  }
0x382: {  	v10 =	vand.u32 $0x7F, v23;
	v7 =	vand.u32 $0xF87F, v11;
	v3 =	vor.u32 v9, v3;
	[tilespmem:s11+$0x420] =	vst v17  }
0x383: {  	v8 =	vand.u32 $0x400, v8;
	[tilespmem:s11+$0x30] =	vst v12;
	v3 =	vor.u32 v10, v3;
	v5 =	vld.idx.msk [tilespmem:v5+s17+$0x0], $0xffff;
	v10 =	vand.u32 $0x380, v20  }
0x384: {  	v13 =	vor.u32 v15, v13;
	v11 =	vshll.u32 v11, $0x3;
	v12 =	vand.u32 $0x7F, v19  }
0x385: {  	s18 =	smov.u32 s14;
	s13 =	sadd.s32 $0x70, s13;
	v8 =	vor.u32 v8, v25;
	v9 =	vld.idx.msk [tilespmem:v6+s17+$0x0], $0xffff;
	v6 =	vor.u32 v12, v13;
	v12 =	vor.u32 v16, v14  }
0x386: {  	v11 =	vand.u32 $0x400, v11  }
0x387: {  	v2 =	vand.u32 $0x380, v2;
	v10 =	vor.u32 v10, v12;
	v7 =	vor.u32 v11, v7  }
0x388: {  	v2 =	vor.u32 v2, v7;
	_ =	sdelay $0x3  }
0x389: {  	v1 =	vand.u32 $0x7F, v1;
	v0 =	vor.u32 v0, v8;
	v62 =	vld.idx.msk [tilespmem:v10+s17+$0x0], $0xffff  }
0x38a: {  	v0 =	vor.u32 v1, v0;
	v2 =	vld.idx.msk [tilespmem:v2+s17+$0x0], $0xffff;
	_ =	sdelay $0x2  }
0x38b: {  	[tilespmem:s12+$0x40] =	vst v9  }
0x38c: {  	v63 =	vld.idx.msk [tilespmem:v6+s17+$0x0], $0xffff;
	[tilespmem:s12+$0x440] =	vst v62  }
0x38d: {  	v0 =	vld.idx.msk [tilespmem:v0+s17+$0x0], $0xffff;
	[tilespmem:s12+$0x400] =	vst v2  }
0x38e: {  	v2 =	vld.idx.msk [tilespmem:v3+s17+$0x0], $0xffff  }
0x38f: {  	[tilespmem:s12+$0x10] =	vst v4  }
.Ltmp12:
0x390: {  	[tilespmem:s12+$0x430] =	vst v5;
	(pc) =	sbr.rel @p0 .LBB2_21-.Ltmp12, $4  }
0x391: {  	s6 =	sadd.s32 s10, s9;
	[tilespmem:s12+$0x50] =	vst v63  }
0x392: {  	s6 =	sshrl.u32 s6, $0x3;
	[tilespmem:s12+$0x450] =	vst v0  }
0x393: {  	s6 =	sadd.s32 s4, s6;
	[tilespmem:s12+$0x410] =	vst v2  }
0x394: {  	[hbm4b:s6+s5] =	stream.linear.scatter [tilespmem:s28], [sflag:$0x4], $0x800, $0x38;
	[tilespmem:$0x1FC00] =	vst v63  }
0x395: {  	s6 =	smul.u32 $0xE00, s20  }
.Ltmp13:
0x396: {  	_ = 	snop;
	(pc) =	sbr.rel .LBB2_11-.Ltmp13, $4  }
0x397: {  	s6 =	sshrl.u32 s6, $0x3  }
0x398: {  	s6 =	sadd.s32 s3, s6  }
0x399: {  	s20 =	sadd.s32 $0x1, s20;
	s6 =	sadd.s32 $0x4D0, s6  }
0x39a: {  	[tilespmem:s21], [sflag:$0xA] =	stream.linear.gather [hbm4b:s6+s5], $0x380, $0x38;
	[tilespmem:$0x1FC00] =	vst v63  }
.LBB2_21:
0x39b: {  	_ =	swait.ge [sflag:s30], $0x800  }
0x39c: {  	[sflag:s30] =	ssyncset.done $0x0  }
0x39d: {  	[sflag:s30] =	ssyncadd.s32 $0xFFFFF800  }
0x39e: {  	_ =	swait.ge [sflag:s2], $0x800  }
0x39f: {  	[sflag:s2] =	ssyncset.done $0x0  }
0x3a0: {  	[sflag:s2] =	ssyncadd.s32 $0xFFFFF800  }
0x3a1: {  	_ =	swait.ge [sflag:s7], $0x800  }
0x3a2: {  	[sflag:s7] =	ssyncset.done $0x0  }
0x3a3: {  	[sflag:s7] =	ssyncadd.s32 $0xFFFFF800  }
0x3a4: {  	_ =	swait.ge [sflag:s16], $0x800  }
0x3a5: {  	s1 =	simm.s32 $0x0;
	[sflag:s16] =	ssyncset.done $0x0;
	s6 =	rddreg [dreg:$0x6]  }
0x3a6: {  	s8 =	simm.s32 $0xE00;
	s11 =	rddreg [dreg:$0x7];
	[sflag:s16] =	ssyncadd.s32 $0xFFFFF800  }
0x3a7: {  	[tilespmem:s8], [sflag:$0x7] =	stream.linear.gather [hbm4b:s6+s1], $0x380, $0x38;
	[tilespmem:$0x1FC00] =	vst v63  }
0x3a8: {  	s12 =	simm.s32 $0x1180;
	s13 =	rddreg [dreg:$0x8]  }
0x3a9: {  	[tilespmem:s12], [sflag:$0x8] =	stream.linear.gather [hbm4b:s11+s1], $0x380, $0x38;
	[tilespmem:$0x1FC00] =	vst v63  }
0x3aa: {  	s14 =	simm.s32 $0x1500;
	s18 =	rddreg [dreg:$0x11]  }
0x3ab: {  	[tilespmem:s14], [sflag:$0x9] =	stream.linear.gather [hbm4b:s13+s1], $0x380, $0x38;
	[tilespmem:$0x1FC00] =	vst v63  }
0x3ac: {  	s9 =	simm.s32 $0x6;
	s19 =	rddreg [dreg:$0x9];
	s6 =	smin.u32 s18, $0x5FD  }
0x3ad: {  	[tilespmem:s21], [sflag:$0xA] =	stream.linear.gather [hbm4b:s19+s1], $0x380, $0x38;
	[tilespmem:$0x1FC00] =	vst v63  }
0x3ae: {  	s6 =	smul.u32 $0xE000, s6;
	_ =	swait.ge [sflag:s9], $0xE000  }
0x3af: {  	[sflag:s9] =	ssyncset.done $0x0  }
0x3b0: {  	s6 =	sshrl.u32 s6, $0x3;
	s20 =	rddreg [dreg:$0x0]  }
0x3b1: {  	s6 =	sadd.s32 s20, s6  }
0x3b2: {  	s22 =	simm.s32 $0x0;
	[sflag:s9] =	ssyncadd.s32 $0xFFFF2000;
	s6 =	sadd.s32 $0x3800, s6  }
0x3b3: {  	[tilespmem:s17], [sflag:$0x5] =	stream.linear.gather [hbm4b:s6+s1], $0xE000, $0x38;
	[tilespmem:$0x1FC00] =	vst v63  }
0x3b4: {  	v17 =	vld [tilespmem:s22+$0x60]  }
0x3b5: {  	v11 =	vld [tilespmem:s22+$0x20]  }
0x3b6: {  	v3 =	vld [tilespmem:s22+$0x50]  }
0x3b7: {  	v5 =	vld [tilespmem:s22+$0x30]  }
0x3b8: {  	v10 =	vld [tilespmem:s22+$0x0]  }
0x3b9: {  	v2 =	vld [tilespmem:s22+$0x40];
	v0 =	vshll.u32 v17, $0x3;
	v1 =	vshrl.u32 v17, $0x11  }
0x3ba: {  	v4 =	vand.u32 $0xF87F, v17;
	v12 =	vshrl.u32 v11, $0x10;
	v13 =	vshrl.u32 v11, $0x11  }
0x3bb: {  	v18 =	vshrl.u32 v17, $0xD;
	v7 =	vshrl.u32 v3, $0x1;
	v9 =	vshrl.u32 v3, $0x11  }
0x3bc: {  	v8 =	vld [tilespmem:s22+$0x10];
	v14 =	vand.u32 $0xF87F, v3;
	v24 =	vshll.u32 v3, $0x3;
	v23 =	vshrl.u32 v17, $0x1  }
0x3bd: {  	v19 =	vshrl.u32 v11, $0x1;
	v20 =	vshll.u32 v5, $0x3;
	v22 =	vand.u32 $0xF87F, v10  }
0x3be: {  	v32 =	vand.u32 $0xF87F, v2;
	v25 =	vshll.u32 v11, $0x3;
	v29 =	vand.u32 $0xF87F, v5  }
0x3bf: {  	v33 =	vshrl.u32 v5, $0x1;
	v34 =	vshrl.u32 v17, $0x10;
	v0 =	vand.u32 $0x400, v0  }
0x3c0: {  	v1 =	vand.u32 $0x380, v1;
	v15 =	vand.u32 $0x380, v7;
	v7 =	vshrl.u32 v3, $0xD  }
0x3c1: {  	v21 =	vand.u32 $0x380, v19;
	v19 =	vand.u32 $0xF87F, v8;
	v27 =	vand.u32 $0x400, v20  }
0x3c2: {  	v20 =	vshll.u32 v10, $0x3;
	v3 =	vshrl.u32 v3, $0x10;
	v28 =	vand.u32 $0x400, v25  }
0x3c3: {  	v18 =	vand.u32 $0x400, v18;
	v35 =	vand.u32 $0xF800, v34;
	v6 =	vor.u32 v0, v4  }
0x3c4: {  	v4 =	vshrl.u32 v2, $0x1;
	v0 =	vand.u32 $0x380, v9;
	v9 =	vshrl.u32 v5, $0x11  }
0x3c5: {  	v7 =	vand.u32 $0x400, v7;
	v20 =	vand.u32 $0x400, v20;
	v30 =	vand.u32 $0xF800, v3  }
0x3c6: {  	v3 =	vand.u32 $0x7F, v3;
	v27 =	vor.u32 v27, v29;
	v29 =	vand.u32 $0x380, v33  }
0x3c7: {  	v16 =	vand.u32 $0x380, v4;
	v4 =	vshll.u32 v2, $0x3;
	v26 =	vor.u32 v20, v22  }
0x3c8: {  	v20 =	vshll.u32 v8, $0x3;
	v7 =	vor.u32 v7, v30;
	v30 =	vand.u32 $0xF87F, v11  }
0x3c9: {  	v22 =	vshrl.u32 v10, $0x11;
	v31 =	vand.u32 $0x400, v4;
	v20 =	vand.u32 $0x400, v20  }
0x3ca: {  	v25 =	vor.u32 v20, v19;
	v19 =	vshrl.u32 v10, $0x10;
	v20 =	vshrl.u32 v10, $0xD  }
0x3cb: {  	v4 =	vshrl.u32 v8, $0x11;
	v17 =	vand.u32 $0xF800, v19;
	v20 =	vand.u32 $0x400, v20  }
0x3cc: {  	v31 =	vor.u32 v31, v32;
	v32 =	vshrl.u32 v2, $0xD;
	v17 =	vor.u32 v20, v17  }
0x3cd: {  	s8 =	simm.s32 $0x1DC00;
	s9 =	simm.s32 $0x1C0;
	s1 =	simm.s32 $0x1DC00;
	v20 =	vor.u32 v18, v35;
	v18 =	vand.u32 $0x7F, v19;
	v19 =	vand.u32 $0x7F, v34  }
.LBB2_22:
0x3ce: {  	p0 =	sne.s32 s9, $0xC40  }
0x3cf: {  	v28 =	vor.u32 v28, v30;
	v11 =	vshrl.u32 v11, $0xD;
	v24 =	vand.u32 $0x400, v24;
	s1 =	sadd.s32 $0x80, s1;
	s10 =	smov.u32 s9;
	s9 =	sadd.s32 $0x1C0, s9  }
0x3d0: {  	v30 =	vand.u32 $0xF800, v12;
	v32 =	vand.u32 $0x400, v32;
	v23 =	vand.u32 $0x380, v23  }
0x3d1: {  	v33 =	vshrl.u32 v8, $0x10;
	v13 =	vand.u32 $0x380, v13;
	v11 =	vand.u32 $0x400, v11  }
0x3d2: {  	v35 =	vshrl.u32 v8, $0xD;
	v12 =	vand.u32 $0x7F, v12;
	v34 =	vand.u32 $0xF800, v33  }
0x3d3: {  	v10 =	vshrl.u32 v10, $0x1;
	v16 =	vor.u32 v16, v31;
	v14 =	vor.u32 v24, v14  }
0x3d4: {  	v10 =	vand.u32 $0x380, v10;
	v24 =	vor.u32 v29, v27;
	v14 =	vor.u32 v15, v14  }
0x3d5: {  	v8 =	vshrl.u32 v8, $0x1;
	v27 =	vand.u32 $0x400, v35;
	v15 =	vand.u32 $0x7F, v33  }
0x3d6: {  	v21 =	vor.u32 v21, v28;
	v10 =	vor.u32 v10, v26;
	v26 =	vshrl.u32 v2, $0x10  }
0x3d7: {  	v8 =	vand.u32 $0x380, v8;
	v28 =	vshrl.u32 v5, $0x10;
	v5 =	vshrl.u32 v5, $0xD  }
0x3d8: {  	v6 =	vor.u32 v23, v6;
	v29 =	vand.u32 $0xF800, v28;
	v5 =	vand.u32 $0x400, v5  }
0x3d9: {  	v9 =	vand.u32 $0x380, v9;
	v8 =	vor.u32 v8, v25;
	v5 =	vor.u32 v5, v29  }
0x3da: {  	v23 =	vand.u32 $0x7F, v28;
	v5 =	vor.u32 v9, v5;
	v9 =	vld.idx.msk [tilespmem:v16+s23+$0x0], $0xffff;
	v16 =	vand.u32 $0xF800, v26  }
0x3db: {  	v25 =	vor.u32 v27, v34;
	v11 =	vor.u32 v11, v30;
	v5 =	vor.u32 v23, v5;
	v21 =	vld.idx.msk [tilespmem:v21+s23+$0x0], $0xffff  }
0x3dc: {  	v4 =	vand.u32 $0x380, v4;
	v2 =	vshrl.u32 v2, $0x11;
	v11 =	vor.u32 v13, v11;
	v13 =	vld.idx.msk [tilespmem:v24+s23+$0x0], $0xffff  }
0x3dd: {  	v22 =	vand.u32 $0x380, v22;
	v2 =	vand.u32 $0x380, v2;
	v11 =	vor.u32 v12, v11;
	v6 =	vld.idx.msk [tilespmem:v6+s23+$0x0], $0xffff  }
0x3de: {  	v1 =	vor.u32 v1, v20;
	v4 =	vor.u32 v4, v25;
	v12 =	vor.u32 v22, v17;
	v10 =	vld.idx.msk [tilespmem:v10+s23+$0x0], $0xffff  }
0x3df: {  	v1 =	vor.u32 v19, v1;
	v12 =	vor.u32 v18, v12;
	v16 =	vor.u32 v32, v16;
	v14 =	vld.idx.msk [tilespmem:v14+s23+$0x0], $0xffff  }
0x3e0: {  	v4 =	vor.u32 v15, v4;
	v2 =	vor.u32 v2, v16;
	v8 =	vld.idx.msk [tilespmem:v8+s23+$0x0], $0xffff;
	[tilespmem:s8+$0x400] =	vst v9;
	v9 =	vand.u32 $0x7F, v26  }
0x3e1: {  	v0 =	vor.u32 v0, v7;
	[tilespmem:s8+$0x40] =	vst v21;
	v2 =	vor.u32 v9, v2  }
0x3e2: {  	v0 =	vor.u32 v3, v0;
	v7 =	vld.idx.msk [tilespmem:v11+s23+$0x0], $0xffff;
	[tilespmem:s8+$0x60] =	vst v13  }
0x3e3: {  	v3 =	vld.idx.msk [tilespmem:v5+s23+$0x0], $0xffff;
	[tilespmem:s8+$0x440] =	vst v6  }
0x3e4: {  	[tilespmem:s8+$0x0] =	vst v10;
	v1 =	vld.idx.msk [tilespmem:v1+s23+$0x0], $0xffff  }
0x3e5: {  	v5 =	vld.idx.msk [tilespmem:v12+s23+$0x0], $0xffff;
	[tilespmem:s8+$0x420] =	vst v14  }
0x3e6: {  	[tilespmem:s8+$0x20] =	vst v8;
	v2 =	vld.idx.msk [tilespmem:v2+s23+$0x0], $0xffff  }
0x3e7: {  	v0 =	vld.idx.msk [tilespmem:v0+s23+$0x0], $0xffff  }
0x3e8: {  	v4 =	vld.idx.msk [tilespmem:v4+s23+$0x0], $0xffff;
	[tilespmem:s8+$0x50] =	vst v7  }
0x3e9: {  	[tilespmem:s8+$0x70] =	vst v3  }
0x3ea: {  	s6 =	sshra.s32 s10, $0x2;
	[tilespmem:s8+$0x450] =	vst v1  }
0x3eb: {  	v17 =	vld [tilespmem:s6+$0x60];
	[tilespmem:s8+$0x10] =	vst v5  }
0x3ec: {  	[tilespmem:s8+$0x410] =	vst v2  }
0x3ed: {  	v11 =	vld [tilespmem:s6+$0x20];
	[tilespmem:s8+$0x430] =	vst v0  }
0x3ee: {  	v3 =	vld [tilespmem:s6+$0x50];
	[tilespmem:s8+$0x30] =	vst v4;
	s8 =	smov.u32 s1  }
0x3ef: {  	v2 =	vld [tilespmem:s6+$0x40]  }
0x3f0: {  	v8 =	vld [tilespmem:s6+$0x10];
	v0 =	vshll.u32 v17, $0x3;
	v4 =	vand.u32 $0xF87F, v17;
	v1 =	vshrl.u32 v17, $0x11  }
0x3f1: {  	v10 =	vld [tilespmem:s6+$0x0];
	v0 =	vand.u32 $0x400, v0;
	v1 =	vand.u32 $0x380, v1  }
0x3f2: {  	v18 =	vshrl.u32 v17, $0xD;
	v12 =	vshrl.u32 v11, $0x10;
	v13 =	vshrl.u32 v11, $0x11;
	v5 =	vld [tilespmem:s6+$0x30]  }
0x3f3: {  	v6 =	vor.u32 v0, v4;
	v7 =	vshrl.u32 v3, $0x1;
	v9 =	vshrl.u32 v3, $0x11  }
0x3f4: {  	v14 =	vand.u32 $0xF87F, v3;
	v4 =	vshrl.u32 v2, $0x1;
	v0 =	vand.u32 $0x380, v9  }
0x3f5: {  	v24 =	vshll.u32 v3, $0x3;
	v15 =	vand.u32 $0x380, v7;
	v16 =	vand.u32 $0x380, v4  }
0x3f6: {  	v23 =	vshrl.u32 v17, $0x1;
	v7 =	vshrl.u32 v3, $0xD;
	v4 =	vshll.u32 v2, $0x3  }
0x3f7: {  	v19 =	vshrl.u32 v11, $0x1;
	v20 =	vshll.u32 v5, $0x3;
	v9 =	vshrl.u32 v5, $0x11  }
0x3f8: {  	v32 =	vand.u32 $0xF87F, v2;
	v22 =	vand.u32 $0xF87F, v10;
	v31 =	vand.u32 $0x400, v4  }
0x3f9: {  	v25 =	vshll.u32 v11, $0x3;
	v21 =	vand.u32 $0x380, v19;
	v4 =	vshrl.u32 v8, $0x11  }
0x3fa: {  	v19 =	vand.u32 $0xF87F, v8;
	v7 =	vand.u32 $0x400, v7;
	v27 =	vand.u32 $0x400, v20  }
0x3fb: {  	v3 =	vshrl.u32 v3, $0x10;
	v29 =	vand.u32 $0xF87F, v5;
	v20 =	vshll.u32 v10, $0x3  }
0x3fc: {  	v30 =	vand.u32 $0xF800, v3;
	v33 =	vshrl.u32 v5, $0x1;
	v20 =	vand.u32 $0x400, v20  }
0x3fd: {  	v3 =	vand.u32 $0x7F, v3;
	v26 =	vor.u32 v20, v22;
	v20 =	vshll.u32 v8, $0x3  }
0x3fe: {  	v28 =	vand.u32 $0x400, v25;
	v7 =	vor.u32 v7, v30;
	v20 =	vand.u32 $0x400, v20  }
0x3ff: {  	v18 =	vand.u32 $0x400, v18;
	v30 =	vand.u32 $0xF87F, v11;
	v25 =	vor.u32 v20, v19  }
.Ltmp14:
0x400: {  	v34 =	vshrl.u32 v17, $0x10;
	v19 =	vshrl.u32 v10, $0x10;
	v20 =	vshrl.u32 v10, $0xD;
	(pc) =	sbr.rel @p0 .LBB2_22-.Ltmp14, $4  }
0x401: {  	v35 =	vand.u32 $0xF800, v34;
	v17 =	vand.u32 $0xF800, v19;
	v20 =	vand.u32 $0x400, v20  }
0x402: {  	v22 =	vshrl.u32 v10, $0x11;
	v17 =	vor.u32 v20, v17;
	v20 =	vor.u32 v18, v35  }
0x403: {  	v27 =	vor.u32 v27, v29;
	v18 =	vand.u32 $0x7F, v19;
	v19 =	vand.u32 $0x7F, v34  }
0x404: {  	v31 =	vor.u32 v31, v32;
	v32 =	vshrl.u32 v2, $0xD;
	v29 =	vand.u32 $0x380, v33  }
0x405: {  	v28 =	vor.u32 v28, v30;
	v11 =	vshrl.u32 v11, $0xD  }
0x406: {  	v24 =	vand.u32 $0x400, v24;
	v37 =	vand.u32 $0xF800, v12;
	v32 =	vand.u32 $0x400, v32  }
0x407: {  	v23 =	vand.u32 $0x380, v23;
	v33 =	vshrl.u32 v8, $0x10;
	v13 =	vand.u32 $0x380, v13  }
0x408: {  	v35 =	vshrl.u32 v8, $0xD;
	v12 =	vand.u32 $0x7F, v12;
	v10 =	vshrl.u32 v10, $0x1  }
0x409: {  	v16 =	vor.u32 v16, v31;
	v38 =	vor.u32 v29, v27;
	v8 =	vshrl.u32 v8, $0x1  }
0x40a: {  	v39 =	vshrl.u32 v2, $0x10;
	v40 =	vshrl.u32 v5, $0x10;
	v5 =	vshrl.u32 v5, $0xD  }
0x40b: {  	v9 =	vand.u32 $0x380, v9;
	v2 =	vshrl.u32 v2, $0x11;
	v1 =	vor.u32 v1, v20  }
0x40c: {  	v4 =	vand.u32 $0x380, v4;
	v0 =	vor.u32 v0, v7;
	v11 =	vand.u32 $0x400, v11  }
0x40d: {  	v14 =	vor.u32 v24, v14;
	v10 =	vand.u32 $0x380, v10;
	v21 =	vor.u32 v21, v28  }
0x40e: {  	v41 =	vand.u32 $0xF800, v40;
	v5 =	vand.u32 $0x400, v5;
	v6 =	vor.u32 v23, v6  }
0x40f: {  	v8 =	vand.u32 $0x380, v8;
	v10 =	vor.u32 v10, v26;
	v5 =	vor.u32 v5, v41  }
0x410: {  	v14 =	vor.u32 v15, v14;
	v11 =	vor.u32 v11, v37;
	v5 =	vor.u32 v9, v5;
	v9 =	vld.idx.msk [tilespmem:v16+s23+$0x0], $0xffff  }
0x411: {  	v42 =	vand.u32 $0x7F, v40;
	v8 =	vor.u32 v8, v25;
	v11 =	vor.u32 v13, v11;
	v13 =	vld.idx.msk [tilespmem:v38+s23+$0x0], $0xffff  }
0x412: {  	v34 =	vand.u32 $0xF800, v33;
	v43 =	vand.u32 $0xF800, v39;
	v5 =	vor.u32 v42, v5;
	v21 =	vld.idx.msk [tilespmem:v21+s23+$0x0], $0xffff  }
0x413: {  	v1 =	vor.u32 v19, v1;
	v11 =	vor.u32 v12, v11;
	v12 =	vand.u32 $0x380, v22;
	v6 =	vld.idx.msk [tilespmem:v6+s23+$0x0], $0xffff  }
0x414: {  	v0 =	vor.u32 v3, v0;
	v15 =	vand.u32 $0x400, v35;
	v12 =	vor.u32 v12, v17;
	v10 =	vld.idx.msk [tilespmem:v10+s23+$0x0], $0xffff  }
0x415: {  	v2 =	vand.u32 $0x380, v2;
	v15 =	vor.u32 v15, v34;
	v12 =	vor.u32 v18, v12;
	v14 =	vld.idx.msk [tilespmem:v14+s23+$0x0], $0xffff;
	[tilespmem:s8+$0x400] =	vst v9  }
0x416: {  	v7 =	vand.u32 $0x7F, v33;
	v4 =	vor.u32 v4, v15;
	v16 =	vor.u32 v32, v43;
	v8 =	vld.idx.msk [tilespmem:v8+s23+$0x0], $0xffff;
	[tilespmem:s8+$0x60] =	vst v13  }
0x417: {  	v3 =	vor.u32 v7, v4;
	v2 =	vor.u32 v2, v16;
	v9 =	vand.u32 $0x7F, v39;
	[tilespmem:s8+$0x40] =	vst v21;
	v4 =	vld.idx.msk [tilespmem:v5+s23+$0x0], $0xffff  }
0x418: {  	v2 =	vor.u32 v9, v2;
	[tilespmem:s8+$0x440] =	vst v6;
	v9 =	vld.idx.msk [tilespmem:v11+s23+$0x0], $0xffff  }
0x419: {  	[tilespmem:s8+$0x0] =	vst v10;
	v1 =	vld.idx.msk [tilespmem:v1+s23+$0x0], $0xffff  }
0x41a: {  	[tilespmem:s8+$0x420] =	vst v14;
	v5 =	vld.idx.msk [tilespmem:v12+s23+$0x0], $0xffff  }
0x41b: {  	[tilespmem:s8+$0x20] =	vst v8;
	v0 =	vld.idx.msk [tilespmem:v0+s23+$0x0], $0xffff  }
0x41c: {  	v3 =	vld.idx.msk [tilespmem:v3+s23+$0x0], $0xffff;
	[tilespmem:s8+$0x70] =	vst v4  }
0x41d: {  	v2 =	vld.idx.msk [tilespmem:v2+s23+$0x0], $0xffff;
	[tilespmem:s8+$0x50] =	vst v9  }
0x41e: {  	s1 =	rddreg [dreg:$0x10];
	[tilespmem:s8+$0x450] =	vst v1  }
0x41f: {  	s9 =	smul.u32 $0xE000, s1;
	[tilespmem:s8+$0x10] =	vst v5  }
0x420: {  	[tilespmem:s8+$0x430] =	vst v0  }
0x421: {  	s1 =	sshrl.u32 s9, $0x3;
	[tilespmem:s8+$0x30] =	vst v3  }
0x422: {  	s20 =	simm.s32 $0x0;
	s22 =	simm.s32 $0x3E0;
	s6 =	sadd.s32 s4, s1;
	[tilespmem:s8+$0x410] =	vst v2  }
0x423: {  	[hbm4b:s6+s20] =	stream.linear.scatter [tilespmem:s24], [sflag:$0x1], $0x800, $0x38;
	[tilespmem:$0x1FC00] =	vst v63  }
0x424: {  	v0 =	vld [tilespmem:s22+$0xFFFFFFD0]  }
0x425: {  	v1 =	vld [tilespmem:s22+$0xFFFFFFB0];
	_ =	sdelay $0x1  }
0x426: {  	s8 =	sand.u32 $0x3F0, s20;
	v5 =	vld [tilespmem:s22+$0xFFFFFFF0]  }
0x427: {  	v15 =	vld [tilespmem:s8+$0x380]  }
0x428: {  	v45 =	vld [tilespmem:s22+$0xFFFFFFC0];
	v2 =	vshrl.u32 v0, $0x10;
	v3 =	vshrl.u32 v0, $0xD;
	v4 =	vshrl.u32 v0, $0x11  }
0x429: {  	v50 =	vld [tilespmem:s22+$0xFFFFFFE0];
	v7 =	vshrl.u32 v1, $0x10;
	v8 =	vshll.u32 v1, $0x3;
	v9 =	vshll.u32 v0, $0x3  }
0x42a: {  	v10 =	vshrl.u32 v1, $0x11;
	v11 =	vand.u32 $0xF87F, v0;
	v12 =	vand.u32 $0xF87F, v1  }
0x42b: {  	v0 =	vshrl.u32 v0, $0x1;
	v14 =	vshrl.u32 v5, $0xD;
	v44 =	vshrl.u32 v5, $0x1  }
0x42c: {  	v46 =	vshll.u32 v15, $0x3;
	v47 =	vshrl.u32 v15, $0x1;
	v48 =	vand.u32 $0xF87F, v15  }
0x42d: {  	v49 =	vand.u32 $0xF87F, v45;
	v51 =	vshrl.u32 v45, $0x11;
	v54 =	vshll.u32 v45, $0x3  }
0x42e: {  	v56 =	vshrl.u32 v50, $0x10;
	v17 =	vshrl.u32 v45, $0x1;
	v59 =	vshrl.u32 v50, $0x11  }
0x42f: {  	v62 =	vshrl.u32 v50, $0xD;
	v6 =	vand.u32 $0xF800, v2;
	v3 =	vand.u32 $0x400, v3  }
0x430: {  	v4 =	vand.u32 $0x380, v4;
	v9 =	vand.u32 $0x400, v9;
	v13 =	vand.u32 $0x7F, v7  }
0x431: {  	v8 =	vand.u32 $0x400, v8;
	v0 =	vand.u32 $0x380, v0;
	v10 =	vand.u32 $0x380, v10  }
0x432: {  	v7 =	vand.u32 $0xF800, v7;
	v2 =	vand.u32 $0x7F, v2;
	v60 =	vand.u32 $0x400, v54  }
0x433: {  	v9 =	vor.u32 v9, v11;
	v11 =	vshrl.u32 v1, $0x1;
	v1 =	vshrl.u32 v1, $0xD  }
0x434: {  	v8 =	vor.u32 v8, v12;
	v12 =	vand.u32 $0xF87F, v5;
	v3 =	vor.u32 v3, v6  }
0x435: {  	v6 =	vshrl.u32 v15, $0x11;
	v16 =	vor.u32 v60, v49;
	v9 =	vor.u32 v0, v9  }
0x436: {  	v0 =	vshll.u32 v5, $0x3;
	v1 =	vand.u32 $0x400, v1;
	v11 =	vand.u32 $0x380, v11  }
0x437: {  	v3 =	vor.u32 v4, v3;
	v4 =	vand.u32 $0x380, v6;
	v0 =	vand.u32 $0x400, v0  }
0x438: {  	v1 =	vor.u32 v1, v7;
	v7 =	vand.u32 $0x400, v46;
	v8 =	vor.u32 v11, v8  }
0x439: {  	v3 =	vor.u32 v2, v3;
	v2 =	vand.u32 $0x380, v44;
	v0 =	vor.u32 v0, v12  }
0x43a: {  	v1 =	vor.u32 v10, v1;
	v10 =	vand.u32 $0x380, v47;
	v7 =	vor.u32 v7, v48  }
0x43b: {  	v12 =	vand.u32 $0x400, v14;
	v14 =	vshrl.u32 v5, $0x11;
	v7 =	vor.u32 v10, v7  }
0x43c: {  	v11 =	vld [tilespmem:s22+$0x0];
	v10 =	vshrl.u32 v15, $0xD;
	v13 =	vor.u32 v13, v1;
	v1 =	vshrl.u32 v15, $0x10  }
0x43d: {  	v15 =	vshrl.u32 v45, $0xD;
	v55 =	vor.u32 v2, v0;
	v2 =	vshrl.u32 v5, $0x10  }
0x43e: {  	v14 =	vand.u32 $0x380, v14;
	v10 =	vand.u32 $0x400, v10;
	v6 =	vand.u32 $0x400, v15  }
0x43f: {  	v15 =	vshrl.u32 v45, $0x10;
	v52 =	vand.u32 $0x7F, v1;
	v53 =	vand.u32 $0xF800, v1;
	v9 =	vld.idx.msk [tilespmem:v9+s23+$0x0], $0xffff  }
0x440: {  	v5 =	vand.u32 $0x7F, v2;
	v57 =	vand.u32 $0xF800, v2;
	v2 =	vshrl.u32 v50, $0x1;
	v8 =	vld.idx.msk [tilespmem:v8+s23+$0x0], $0xffff  }
0x441: {  	v10 =	vor.u32 v10, v53;
	v12 =	vor.u32 v12, v57;
	v1 =	vshrl.u32 v11, $0x11  }
0x442: {  	v4 =	vor.u32 v4, v10;
	v10 =	vand.u32 $0x380, v17;
	v61 =	vshrl.u32 v11, $0x1  }
0x443: {  	s8 =	simm.s32 $0x1E400;
	v63 =	vshll.u32 v11, $0x3;
	v17 =	vand.u32 $0x380, v59;
	v0 =	vand.u32 $0x380, v1  }
0x444: {  	v4 =	vor.u32 v52, v4;
	v16 =	vor.u32 v10, v16;
	v7 =	vld.idx.msk [tilespmem:v7+s23+$0x0], $0xffff;
	[tilespmem:s8+$0x60] =	vst v9;
	v9 =	vand.u32 $0xF800, v15  }
0x445: {  	v1 =	vshrl.u32 v11, $0x10;
	v6 =	vor.u32 v6, v9;
	v9 =	vor.u32 v14, v12;
	[tilespmem:s8+$0x20] =	vst v8;
	v8 =	vld.idx.msk [tilespmem:v55+s23+$0x0], $0xffff  }
0x446: {  	v10 =	vand.u32 $0x400, v62;
	v58 =	vand.u32 $0xF800, v1;
	v3 =	vld.idx.msk [tilespmem:v3+s23+$0x0], $0xffff;
	v5 =	vor.u32 v5, v9  }
0x447: {  	v15 =	vand.u32 $0x7F, v15;
	v12 =	vand.u32 $0x380, v51;
	v14 =	vand.u32 $0xF87F, v11;
	v9 =	vld.idx.msk [tilespmem:v13+s23+$0x0], $0xffff  }
0x448: {  	v11 =	vshrl.u32 v11, $0xD;
	v13 =	vand.u32 $0xF800, v56;
	v6 =	vor.u32 v12, v6  }
0x449: {  	[tilespmem:s8+$0x0] =	vst v7;
	v10 =	vor.u32 v10, v13;
	v13 =	vand.u32 $0x400, v63;
	v6 =	vor.u32 v15, v6  }
0x44a: {  	v7 =	vand.u32 $0xF87F, v50;
	v10 =	vor.u32 v17, v10;
	v4 =	vld.idx.msk [tilespmem:v4+s23+$0x0], $0xffff;
	v12 =	vor.u32 v13, v14;
	[tilespmem:s8+$0x420] =	vst v8  }
0x44b: {  	[tilespmem:s8+$0x70] =	vst v3;
	v3 =	vand.u32 $0x7F, v56;
	v8 =	vand.u32 $0x400, v11;
	v11 =	vshll.u32 v50, $0x3;
	v5 =	vld.idx.msk [tilespmem:v5+s23+$0x0], $0xffff  }
0x44c: {  	s13 =	simm.s32 $0x70;
	s11 =	simm.s32 $0x450;
	s10 =	simm.s32 $0x1E400;
	v3 =	vor.u32 v3, v10;
	v10 =	vand.u32 $0x380, v61;
	[tilespmem:s8+$0x30] =	vst v9;
	v9 =	vld.idx.msk [tilespmem:v16+s23+$0x0], $0xffff;
	v8 =	vor.u32 v8, v58  }
.LBB2_24:
0x44d: {  	s12 =	smov.u32 s13  }
0x44e: {  	s6 =	sand.u32 $0x3F0, s13;
	v13 =	vld [tilespmem:s11+$0xFFFFFFD0];
	v11 =	vand.u32 $0x400, v11;
	v2 =	vand.u32 $0x380, v2;
	v10 =	vor.u32 v10, v12;
	s8 =	sadd.s32 $0x80, s8;
	s12 =	sadd.s32 $0x70, s13  }
0x44f: {  	p0 =	sne.s32 s13, $0x310;
	v7 =	vor.u32 v11, v7;
	v12 =	vld [tilespmem:s11+$0xFFFFFFB0]  }
0x450: {  	v2 =	vor.u32 v2, v7;
	_ =	sdelay $0x1  }
0x451: {  	[tilespmem:s10+$0x430] =	vst v5  }
0x452: {  	v5 =	vshrl.u32 v13, $0x10;
	v7 =	vshrl.u32 v13, $0xD;
	v11 =	vshrl.u32 v13, $0x11;
	v14 =	vld [tilespmem:s11+$0xFFFFFFF0];
	[tilespmem:s10+$0x40] =	vst v9  }
0x453: {  	v9 =	vand.u32 $0xF800, v5;
	v7 =	vand.u32 $0x400, v7;
	v11 =	vand.u32 $0x380, v11;
	v10 =	vld.idx.msk [tilespmem:v10+s23+$0x0], $0xffff  }
0x454: {  	v1 =	vand.u32 $0x7F, v1;
	v0 =	vor.u32 v0, v8;
	v15 =	vshrl.u32 v12, $0x10;
	v2 =	vld.idx.msk [tilespmem:v2+s23+$0x0], $0xffff  }
0x455: {  	v0 =	vor.u32 v1, v0;
	v16 =	vshll.u32 v13, $0x3;
	v8 =	vshll.u32 v12, $0x3;
	v6 =	vld.idx.msk [tilespmem:v6+s23+$0x0], $0xffff  }
0x456: {  	v17 =	vand.u32 $0xF87F, v13;
	v16 =	vand.u32 $0x400, v16;
	v1 =	vshrl.u32 v12, $0x11  }
0x457: {  	v18 =	vand.u32 $0xF87F, v12;
	v16 =	vor.u32 v16, v17;
	v19 =	vand.u32 $0x7F, v15;
	[tilespmem:s10+$0x10] =	vst v4  }
0x458: {  	v13 =	vshrl.u32 v13, $0x1;
	v4 =	vshrl.u32 v12, $0x1;
	v17 =	vshrl.u32 v14, $0xD  }
0x459: {  	v13 =	vand.u32 $0x380, v13;
	v8 =	vand.u32 $0x400, v8;
	v12 =	vshrl.u32 v12, $0xD;
	v20 =	vld [tilespmem:s6+$0x380];
	[tilespmem:s10+$0x440] =	vst v10  }
0x45a: {  	v8 =	vor.u32 v8, v18;
	v10 =	vor.u32 v13, v16;
	v13 =	vshll.u32 v14, $0x3;
	[tilespmem:s10+$0x400] =	vst v2;
	v0 =	vld.idx.msk [tilespmem:v0+s23+$0x0], $0xffff  }
0x45b: {  	v1 =	vand.u32 $0x380, v1;
	v2 =	vand.u32 $0x400, v13;
	v13 =	vand.u32 $0xF87F, v14;
	[tilespmem:s10+$0x50] =	vst v6;
	v3 =	vld.idx.msk [tilespmem:v3+s23+$0x0], $0xffff  }
0x45c: {  	v6 =	vand.u32 $0xF800, v15;
	v15 =	vshrl.u32 v14, $0x1;
	v2 =	vor.u32 v2, v13  }
0x45d: {  	v12 =	vand.u32 $0x400, v12;
	v16 =	vand.u32 $0x400, v17;
	v17 =	vshrl.u32 v14, $0x11;
	v13 =	vld [tilespmem:s11+$0xFFFFFFC0]  }
0x45e: {  	v6 =	vor.u32 v12, v6;
	v18 =	vshll.u32 v20, $0x3;
	v21 =	vshrl.u32 v20, $0x1  }
0x45f: {  	v1 =	vor.u32 v1, v6;
	v12 =	vand.u32 $0x400, v18;
	v18 =	vand.u32 $0xF87F, v20;
	v6 =	vld.idx.msk [tilespmem:v10+s23+$0x0], $0xffff  }
0x460: {  	v4 =	vand.u32 $0x380, v4;
	v10 =	vand.u32 $0x380, v21;
	v12 =	vor.u32 v12, v18;
	[tilespmem:s10+$0x450] =	vst v0  }
0x461: {  	v0 =	vor.u32 v10, v12;
	v10 =	vshrl.u32 v20, $0xD;
	v12 =	vor.u32 v19, v1;
	[tilespmem:s10+$0x410] =	vst v3;
	s10 =	smov.u32 s8  }
0x462: {  	v4 =	vor.u32 v4, v8;
	v1 =	vshrl.u32 v20, $0x10;
	v3 =	vand.u32 $0x400, v10;
	v8 =	vld [tilespmem:s11+$0x0]  }
0x463: {  	v5 =	vand.u32 $0x7F, v5;
	v7 =	vor.u32 v7, v9;
	v10 =	vand.u32 $0xF87F, v13  }
0x464: {  	v7 =	vor.u32 v11, v7;
	v9 =	vshrl.u32 v20, $0x11;
	v18 =	vshrl.u32 v13, $0xD;
	v11 =	vld [tilespmem:s11+$0xFFFFFFE0]  }
0x465: {  	v5 =	vor.u32 v5, v7;
	v9 =	vand.u32 $0x380, v9;
	v18 =	vand.u32 $0x400, v18;
	[tilespmem:s8+$0x60] =	vst v6  }
0x466: {  	v19 =	vshrl.u32 v13, $0x10;
	v7 =	vshrl.u32 v13, $0x11;
	v6 =	vld.idx.msk [tilespmem:v0+s23+$0x0], $0xffff;
	v0 =	vand.u32 $0x380, v15  }
0x467: {  	v20 =	vand.u32 $0xF800, v1;
	v15 =	vand.u32 $0x7F, v1;
	v1 =	vshrl.u32 v8, $0x11  }
0x468: {  	v21 =	vshll.u32 v13, $0x3;
	v22 =	vor.u32 v0, v2;
	v4 =	vld.idx.msk [tilespmem:v4+s23+$0x0], $0xffff;
	v0 =	vand.u32 $0x380, v1  }
0x469: {  	v2 =	vshrl.u32 v14, $0x10;
	v1 =	vshrl.u32 v8, $0x10;
	v23 =	vshrl.u32 v11, $0x10  }
0x46a: {  	v14 =	vand.u32 $0x7F, v2;
	v24 =	vand.u32 $0xF800, v2;
	v25 =	vand.u32 $0xF800, v1;
	v5 =	vld.idx.msk [tilespmem:v5+s23+$0x0], $0xffff  }
0x46b: {  	v13 =	vshrl.u32 v13, $0x1;
	v3 =	vor.u32 v3, v20;
	v2 =	vshrl.u32 v11, $0x1  }
0x46c: {  	v3 =	vor.u32 v9, v3;
	v9 =	vshrl.u32 v11, $0x11;
	[tilespmem:s8+$0x0] =	vst v6;
	v6 =	vand.u32 $0x380, v13  }
0x46d: {  	v3 =	vor.u32 v15, v3;
	v15 =	vand.u32 $0x380, v17;
	v13 =	vand.u32 $0x400, v21  }
0x46e: {  	v20 =	vshrl.u32 v8, $0x1;
	v16 =	vor.u32 v16, v24;
	[tilespmem:s8+$0x20] =	vst v4;
	v4 =	vand.u32 $0xF800, v19;
	v17 =	vld.idx.msk [tilespmem:v22+s23+$0x0], $0xffff  }
0x46f: {  	v10 =	vor.u32 v13, v10;
	v12 =	vld.idx.msk [tilespmem:v12+s23+$0x0], $0xffff;
	v13 =	vor.u32 v18, v4;
	v4 =	vor.u32 v15, v16  }
0x470: {  	v15 =	vand.u32 $0x380, v7;
	[tilespmem:s8+$0x70] =	vst v5;
	v5 =	vor.u32 v14, v4;
	v14 =	vand.u32 $0xF87F, v8  }
0x471: {  	v7 =	vand.u32 $0xF800, v23;
	v16 =	vshrl.u32 v11, $0xD;
	v18 =	vshll.u32 v8, $0x3  }
0x472: {  	v9 =	vand.u32 $0x380, v9;
	v6 =	vor.u32 v6, v10;
	v4 =	vld.idx.msk [tilespmem:v3+s23+$0x0], $0xffff;
	v3 =	vand.u32 $0x400, v16  }
.Ltmp15:
0x473: {  	v8 =	vshrl.u32 v8, $0xD;
	v16 =	vand.u32 $0x400, v18;
	v3 =	vor.u32 v3, v7;
	(pc) =	sbr.rel @p0 .LBB2_24-.Ltmp15, $4  }
0x474: {  	v10 =	vand.u32 $0x7F, v23;
	v7 =	vand.u32 $0xF87F, v11;
	v3 =	vor.u32 v9, v3;
	[tilespmem:s8+$0x420] =	vst v17  }
0x475: {  	v8 =	vand.u32 $0x400, v8;
	[tilespmem:s8+$0x30] =	vst v12;
	v3 =	vor.u32 v10, v3;
	v5 =	vld.idx.msk [tilespmem:v5+s23+$0x0], $0xffff;
	v10 =	vand.u32 $0x380, v20  }
0x476: {  	v13 =	vor.u32 v15, v13;
	v11 =	vshll.u32 v11, $0x3;
	v12 =	vand.u32 $0x7F, v19  }
0x477: {  	s13 =	smov.u32 s12;
	s11 =	sadd.s32 $0x70, s11;
	v8 =	vor.u32 v8, v25;
	v9 =	vld.idx.msk [tilespmem:v6+s23+$0x0], $0xffff;
	v6 =	vor.u32 v12, v13;
	v12 =	vor.u32 v16, v14  }
0x478: {  	v11 =	vand.u32 $0x400, v11  }
0x479: {  	v2 =	vand.u32 $0x380, v2;
	v10 =	vor.u32 v10, v12;
	v7 =	vor.u32 v11, v7  }
0x47a: {  	v2 =	vor.u32 v2, v7;
	_ =	sdelay $0x3  }
0x47b: {  	v1 =	vand.u32 $0x7F, v1;
	v0 =	vor.u32 v0, v8;
	v7 =	vld.idx.msk [tilespmem:v10+s23+$0x0], $0xffff  }
0x47c: {  	v0 =	vor.u32 v1, v0;
	v2 =	vld.idx.msk [tilespmem:v2+s23+$0x0], $0xffff;
	_ =	sdelay $0x2  }
0x47d: {  	[tilespmem:s10+$0x40] =	vst v9  }
0x47e: {  	v1 =	vld.idx.msk [tilespmem:v6+s23+$0x0], $0xffff;
	[tilespmem:s10+$0x440] =	vst v7  }
0x47f: {  	v0 =	vld.idx.msk [tilespmem:v0+s23+$0x0], $0xffff;
	[tilespmem:s10+$0x400] =	vst v2  }
0x480: {  	v2 =	vld.idx.msk [tilespmem:v3+s23+$0x0], $0xffff  }
0x481: {  	[tilespmem:s10+$0x10] =	vst v4  }
0x482: {  	[tilespmem:s10+$0x430] =	vst v5  }
0x483: {  	[tilespmem:s10+$0x50] =	vst v1  }
0x484: {  	s6 =	rddreg [dreg:$0xa];
	[tilespmem:s10+$0x450] =	vst v0  }
0x485: {  	s8 =	simm.s32 $0x0;
	s22 =	simm.s32 $0x760;
	s6 =	sadd.s32 s1, s6;
	[tilespmem:s10+$0x410] =	vst v2  }
0x486: {  	[hbm4b:s6+s8] =	stream.linear.scatter [tilespmem:s25], [sflag:$0x2], $0x800, $0x38;
	[tilespmem:$0x1FC00] =	vst v63  }
0x487: {  	v0 =	vld [tilespmem:s22+$0xFFFFFFD0]  }
0x488: {  	v1 =	vld [tilespmem:s22+$0xFFFFFFB0];
	_ =	sdelay $0x1  }
0x489: {  	s8 =	sand.u32 $0x3F0, s8;
	v5 =	vld [tilespmem:s22+$0xFFFFFFF0]  }
0x48a: {  	v15 =	vld [tilespmem:s8+$0x700]  }
0x48b: {  	v17 =	vld [tilespmem:s22+$0xFFFFFFC0];
	v2 =	vshrl.u32 v0, $0x10;
	v3 =	vshrl.u32 v0, $0xD;
	v4 =	vshrl.u32 v0, $0x11  }
0x48c: {  	v56 =	vld [tilespmem:s22+$0xFFFFFFE0];
	v7 =	vshrl.u32 v1, $0x10;
	v8 =	vshll.u32 v1, $0x3;
	v9 =	vshll.u32 v0, $0x3  }
0x48d: {  	v10 =	vshrl.u32 v1, $0x11;
	v11 =	vand.u32 $0xF87F, v0;
	v12 =	vand.u32 $0xF87F, v1  }
0x48e: {  	v0 =	vshrl.u32 v0, $0x1;
	v14 =	vshrl.u32 v5, $0xD;
	v16 =	vshrl.u32 v5, $0x1  }
0x48f: {  	v18 =	vshll.u32 v15, $0x3;
	v19 =	vshrl.u32 v15, $0x1;
	v54 =	vand.u32 $0xF87F, v15  }
0x490: {  	v55 =	vand.u32 $0xF87F, v17;
	v20 =	vshrl.u32 v17, $0x11;
	v22 =	vshll.u32 v17, $0x3  }
0x491: {  	v24 =	vshrl.u32 v56, $0x10;
	v59 =	vshrl.u32 v56, $0x11;
	v62 =	vshrl.u32 v56, $0xD  }
0x492: {  	v6 =	vand.u32 $0xF800, v2;
	v3 =	vand.u32 $0x400, v3;
	v4 =	vand.u32 $0x380, v4  }
0x493: {  	v9 =	vand.u32 $0x400, v9;
	v13 =	vand.u32 $0x7F, v7;
	v8 =	vand.u32 $0x400, v8  }
0x494: {  	v0 =	vand.u32 $0x380, v0;
	v10 =	vand.u32 $0x380, v10;
	v7 =	vand.u32 $0xF800, v7  }
0x495: {  	v2 =	vand.u32 $0x7F, v2;
	v60 =	vand.u32 $0x400, v22;
	v9 =	vor.u32 v9, v11  }
0x496: {  	v11 =	vshrl.u32 v1, $0x1;
	v1 =	vshrl.u32 v1, $0xD;
	v8 =	vor.u32 v8, v12  }
0x497: {  	v12 =	vand.u32 $0xF87F, v5;
	v3 =	vor.u32 v3, v6;
	v6 =	vshrl.u32 v15, $0x11  }
0x498: {  	v9 =	vor.u32 v0, v9;
	v0 =	vshll.u32 v5, $0x3;
	v1 =	vand.u32 $0x400, v1  }
0x499: {  	v11 =	vand.u32 $0x380, v11;
	v3 =	vor.u32 v4, v3;
	v4 =	vand.u32 $0x380, v6  }
0x49a: {  	v0 =	vand.u32 $0x400, v0;
	v1 =	vor.u32 v1, v7;
	v7 =	vand.u32 $0x400, v18  }
0x49b: {  	v8 =	vor.u32 v11, v8;
	v3 =	vor.u32 v2, v3;
	v2 =	vand.u32 $0x380, v16  }
0x49c: {  	v16 =	vand.u32 $0x380, v59;
	v0 =	vor.u32 v0, v12;
	v12 =	vand.u32 $0x400, v14  }
0x49d: {  	v1 =	vor.u32 v10, v1;
	v10 =	vand.u32 $0x380, v19;
	v7 =	vor.u32 v7, v54  }
0x49e: {  	v14 =	vshrl.u32 v5, $0x11;
	v7 =	vor.u32 v10, v7;
	v10 =	vshrl.u32 v15, $0xD  }
0x49f: {  	v11 =	vld [tilespmem:s22+$0x0];
	v13 =	vor.u32 v13, v1;
	v1 =	vshrl.u32 v15, $0x10;
	v15 =	vshrl.u32 v17, $0xD  }
0x4a0: {  	v23 =	vor.u32 v2, v0;
	v2 =	vshrl.u32 v5, $0x10;
	v14 =	vand.u32 $0x380, v14  }
0x4a1: {  	v10 =	vand.u32 $0x400, v10;
	v6 =	vand.u32 $0x400, v15;
	v15 =	vshrl.u32 v17, $0x10  }
0x4a2: {  	v57 =	vand.u32 $0x7F, v1;
	v21 =	vand.u32 $0xF800, v1;
	v5 =	vand.u32 $0x7F, v2;
	v9 =	vld.idx.msk [tilespmem:v9+s23+$0x0], $0xffff  }
0x4a3: {  	v25 =	vand.u32 $0xF800, v2;
	v2 =	vor.u32 v10, v21;
	v10 =	vshrl.u32 v17, $0x1;
	v8 =	vld.idx.msk [tilespmem:v8+s23+$0x0], $0xffff  }
0x4a4: {  	v12 =	vor.u32 v12, v25;
	v17 =	vor.u32 v60, v55;
	v1 =	vshrl.u32 v11, $0x11  }
0x4a5: {  	v4 =	vor.u32 v4, v2;
	v2 =	vshrl.u32 v56, $0x1;
	v10 =	vand.u32 $0x380, v10  }
0x4a6: {  	s8 =	simm.s32 $0x1EC00;
	v61 =	vshrl.u32 v11, $0x1;
	v63 =	vshll.u32 v11, $0x3;
	v0 =	vand.u32 $0x380, v1  }
0x4a7: {  	v4 =	vor.u32 v57, v4;
	v17 =	vor.u32 v10, v17;
	v7 =	vld.idx.msk [tilespmem:v7+s23+$0x0], $0xffff;
	[tilespmem:s8+$0x60] =	vst v9;
	v9 =	vand.u32 $0xF800, v15  }
0x4a8: {  	v1 =	vshrl.u32 v11, $0x10;
	v6 =	vor.u32 v6, v9;
	v9 =	vor.u32 v14, v12;
	[tilespmem:s8+$0x20] =	vst v8;
	v8 =	vld.idx.msk [tilespmem:v23+s23+$0x0], $0xffff  }
0x4a9: {  	v10 =	vand.u32 $0x400, v62;
	v58 =	vand.u32 $0xF800, v1;
	v3 =	vld.idx.msk [tilespmem:v3+s23+$0x0], $0xffff;
	v5 =	vor.u32 v5, v9  }
0x4aa: {  	v15 =	vand.u32 $0x7F, v15;
	v12 =	vand.u32 $0x380, v20;
	v14 =	vand.u32 $0xF87F, v11;
	v9 =	vld.idx.msk [tilespmem:v13+s23+$0x0], $0xffff  }
0x4ab: {  	v11 =	vshrl.u32 v11, $0xD;
	v13 =	vand.u32 $0xF800, v24;
	v6 =	vor.u32 v12, v6  }
0x4ac: {  	[tilespmem:s8+$0x0] =	vst v7;
	v10 =	vor.u32 v10, v13;
	v13 =	vand.u32 $0x400, v63;
	v6 =	vor.u32 v15, v6  }
0x4ad: {  	v7 =	vand.u32 $0xF87F, v56;
	v10 =	vor.u32 v16, v10;
	v4 =	vld.idx.msk [tilespmem:v4+s23+$0x0], $0xffff;
	v12 =	vor.u32 v13, v14;
	[tilespmem:s8+$0x420] =	vst v8  }
0x4ae: {  	[tilespmem:s8+$0x70] =	vst v3;
	v3 =	vand.u32 $0x7F, v24;
	v8 =	vand.u32 $0x400, v11;
	v11 =	vshll.u32 v56, $0x3;
	v5 =	vld.idx.msk [tilespmem:v5+s23+$0x0], $0xffff  }
0x4af: {  	s13 =	simm.s32 $0x70;
	s11 =	simm.s32 $0x7D0;
	s10 =	simm.s32 $0x1EC00;
	v3 =	vor.u32 v3, v10;
	v10 =	vand.u32 $0x380, v61;
	[tilespmem:s8+$0x30] =	vst v9;
	v9 =	vld.idx.msk [tilespmem:v17+s23+$0x0], $0xffff;
	v8 =	vor.u32 v8, v58  }
.LBB2_26:
0x4b0: {  	s12 =	smov.u32 s13  }
0x4b1: {  	s6 =	sand.u32 $0x3F0, s13;
	v13 =	vld [tilespmem:s11+$0xFFFFFFD0];
	v11 =	vand.u32 $0x400, v11;
	v2 =	vand.u32 $0x380, v2;
	v10 =	vor.u32 v10, v12;
	s8 =	sadd.s32 $0x80, s8;
	s12 =	sadd.s32 $0x70, s13  }
0x4b2: {  	p0 =	sne.s32 s13, $0x310;
	v7 =	vor.u32 v11, v7;
	v12 =	vld [tilespmem:s11+$0xFFFFFFB0]  }
0x4b3: {  	v2 =	vor.u32 v2, v7;
	_ =	sdelay $0x1  }
0x4b4: {  	[tilespmem:s10+$0x430] =	vst v5  }
0x4b5: {  	v5 =	vshrl.u32 v13, $0x10;
	v7 =	vshrl.u32 v13, $0xD;
	v11 =	vshrl.u32 v13, $0x11;
	v14 =	vld [tilespmem:s11+$0xFFFFFFF0];
	[tilespmem:s10+$0x40] =	vst v9  }
0x4b6: {  	v9 =	vand.u32 $0xF800, v5;
	v7 =	vand.u32 $0x400, v7;
	v11 =	vand.u32 $0x380, v11;
	v10 =	vld.idx.msk [tilespmem:v10+s23+$0x0], $0xffff  }
0x4b7: {  	v1 =	vand.u32 $0x7F, v1;
	v0 =	vor.u32 v0, v8;
	v15 =	vshrl.u32 v12, $0x10;
	v2 =	vld.idx.msk [tilespmem:v2+s23+$0x0], $0xffff  }
0x4b8: {  	v0 =	vor.u32 v1, v0;
	v16 =	vshll.u32 v13, $0x3;
	v8 =	vshll.u32 v12, $0x3;
	v6 =	vld.idx.msk [tilespmem:v6+s23+$0x0], $0xffff  }
0x4b9: {  	v17 =	vand.u32 $0xF87F, v13;
	v16 =	vand.u32 $0x400, v16;
	v1 =	vshrl.u32 v12, $0x11  }
0x4ba: {  	v18 =	vand.u32 $0xF87F, v12;
	v16 =	vor.u32 v16, v17;
	v19 =	vand.u32 $0x7F, v15;
	[tilespmem:s10+$0x10] =	vst v4  }
0x4bb: {  	v13 =	vshrl.u32 v13, $0x1;
	v4 =	vshrl.u32 v12, $0x1;
	v17 =	vshrl.u32 v14, $0xD  }
0x4bc: {  	v13 =	vand.u32 $0x380, v13;
	v8 =	vand.u32 $0x400, v8;
	v12 =	vshrl.u32 v12, $0xD;
	v20 =	vld [tilespmem:s6+$0x700];
	[tilespmem:s10+$0x440] =	vst v10  }
0x4bd: {  	v8 =	vor.u32 v8, v18;
	v10 =	vor.u32 v13, v16;
	v13 =	vshll.u32 v14, $0x3;
	[tilespmem:s10+$0x400] =	vst v2;
	v0 =	vld.idx.msk [tilespmem:v0+s23+$0x0], $0xffff  }
0x4be: {  	v1 =	vand.u32 $0x380, v1;
	v2 =	vand.u32 $0x400, v13;
	v13 =	vand.u32 $0xF87F, v14;
	[tilespmem:s10+$0x50] =	vst v6;
	v3 =	vld.idx.msk [tilespmem:v3+s23+$0x0], $0xffff  }
0x4bf: {  	v6 =	vand.u32 $0xF800, v15;
	v15 =	vshrl.u32 v14, $0x1;
	v2 =	vor.u32 v2, v13  }
0x4c0: {  	v12 =	vand.u32 $0x400, v12;
	v16 =	vand.u32 $0x400, v17;
	v17 =	vshrl.u32 v14, $0x11;
	v13 =	vld [tilespmem:s11+$0xFFFFFFC0]  }
0x4c1: {  	v6 =	vor.u32 v12, v6;
	v18 =	vshll.u32 v20, $0x3;
	v21 =	vshrl.u32 v20, $0x1  }
0x4c2: {  	v1 =	vor.u32 v1, v6;
	v12 =	vand.u32 $0x400, v18;
	v18 =	vand.u32 $0xF87F, v20;
	v6 =	vld.idx.msk [tilespmem:v10+s23+$0x0], $0xffff  }
0x4c3: {  	v4 =	vand.u32 $0x380, v4;
	v10 =	vand.u32 $0x380, v21;
	v12 =	vor.u32 v12, v18;
	[tilespmem:s10+$0x450] =	vst v0  }
0x4c4: {  	v0 =	vor.u32 v10, v12;
	v10 =	vshrl.u32 v20, $0xD;
	v12 =	vor.u32 v19, v1;
	[tilespmem:s10+$0x410] =	vst v3;
	s10 =	smov.u32 s8  }
0x4c5: {  	v4 =	vor.u32 v4, v8;
	v1 =	vshrl.u32 v20, $0x10;
	v3 =	vand.u32 $0x400, v10;
	v8 =	vld [tilespmem:s11+$0x0]  }
0x4c6: {  	v5 =	vand.u32 $0x7F, v5;
	v7 =	vor.u32 v7, v9;
	v10 =	vand.u32 $0xF87F, v13  }
0x4c7: {  	v7 =	vor.u32 v11, v7;
	v9 =	vshrl.u32 v20, $0x11;
	v18 =	vshrl.u32 v13, $0xD;
	v11 =	vld [tilespmem:s11+$0xFFFFFFE0]  }
0x4c8: {  	v5 =	vor.u32 v5, v7;
	v9 =	vand.u32 $0x380, v9;
	v18 =	vand.u32 $0x400, v18;
	[tilespmem:s8+$0x60] =	vst v6  }
0x4c9: {  	v19 =	vshrl.u32 v13, $0x10;
	v7 =	vshrl.u32 v13, $0x11;
	v6 =	vld.idx.msk [tilespmem:v0+s23+$0x0], $0xffff;
	v0 =	vand.u32 $0x380, v15  }
0x4ca: {  	v20 =	vand.u32 $0xF800, v1;
	v15 =	vand.u32 $0x7F, v1;
	v1 =	vshrl.u32 v8, $0x11  }
0x4cb: {  	v21 =	vshll.u32 v13, $0x3;
	v22 =	vor.u32 v0, v2;
	v4 =	vld.idx.msk [tilespmem:v4+s23+$0x0], $0xffff;
	v0 =	vand.u32 $0x380, v1  }
0x4cc: {  	v2 =	vshrl.u32 v14, $0x10;
	v1 =	vshrl.u32 v8, $0x10;
	v23 =	vshrl.u32 v11, $0x10  }
0x4cd: {  	v14 =	vand.u32 $0x7F, v2;
	v24 =	vand.u32 $0xF800, v2;
	v25 =	vand.u32 $0xF800, v1;
	v5 =	vld.idx.msk [tilespmem:v5+s23+$0x0], $0xffff  }
0x4ce: {  	v13 =	vshrl.u32 v13, $0x1;
	v3 =	vor.u32 v3, v20;
	v2 =	vshrl.u32 v11, $0x1  }
0x4cf: {  	v3 =	vor.u32 v9, v3;
	v9 =	vshrl.u32 v11, $0x11;
	[tilespmem:s8+$0x0] =	vst v6;
	v6 =	vand.u32 $0x380, v13  }
0x4d0: {  	v3 =	vor.u32 v15, v3;
	v15 =	vand.u32 $0x380, v17;
	v13 =	vand.u32 $0x400, v21  }
0x4d1: {  	v20 =	vshrl.u32 v8, $0x1;
	v16 =	vor.u32 v16, v24;
	[tilespmem:s8+$0x20] =	vst v4;
	v4 =	vand.u32 $0xF800, v19;
	v17 =	vld.idx.msk [tilespmem:v22+s23+$0x0], $0xffff  }
0x4d2: {  	v10 =	vor.u32 v13, v10;
	v12 =	vld.idx.msk [tilespmem:v12+s23+$0x0], $0xffff;
	v13 =	vor.u32 v18, v4;
	v4 =	vor.u32 v15, v16  }
0x4d3: {  	v15 =	vand.u32 $0x380, v7;
	[tilespmem:s8+$0x70] =	vst v5;
	v5 =	vor.u32 v14, v4;
	v14 =	vand.u32 $0xF87F, v8  }
0x4d4: {  	v7 =	vand.u32 $0xF800, v23;
	v16 =	vshrl.u32 v11, $0xD;
	v18 =	vshll.u32 v8, $0x3  }
0x4d5: {  	v9 =	vand.u32 $0x380, v9;
	v6 =	vor.u32 v6, v10;
	v4 =	vld.idx.msk [tilespmem:v3+s23+$0x0], $0xffff;
	v3 =	vand.u32 $0x400, v16  }
.Ltmp16:
0x4d6: {  	v8 =	vshrl.u32 v8, $0xD;
	v16 =	vand.u32 $0x400, v18;
	v3 =	vor.u32 v3, v7;
	(pc) =	sbr.rel @p0 .LBB2_26-.Ltmp16, $4  }
0x4d7: {  	v10 =	vand.u32 $0x7F, v23;
	v7 =	vand.u32 $0xF87F, v11;
	v3 =	vor.u32 v9, v3;
	[tilespmem:s8+$0x420] =	vst v17  }
0x4d8: {  	v8 =	vand.u32 $0x400, v8;
	[tilespmem:s8+$0x30] =	vst v12;
	v3 =	vor.u32 v10, v3;
	v5 =	vld.idx.msk [tilespmem:v5+s23+$0x0], $0xffff;
	v10 =	vand.u32 $0x380, v20  }
0x4d9: {  	v13 =	vor.u32 v15, v13;
	v11 =	vshll.u32 v11, $0x3;
	v12 =	vand.u32 $0x7F, v19  }
0x4da: {  	s13 =	smov.u32 s12;
	s11 =	sadd.s32 $0x70, s11;
	v8 =	vor.u32 v8, v25;
	v9 =	vld.idx.msk [tilespmem:v6+s23+$0x0], $0xffff;
	v6 =	vor.u32 v12, v13;
	v12 =	vor.u32 v16, v14  }
0x4db: {  	v11 =	vand.u32 $0x400, v11  }
0x4dc: {  	v2 =	vand.u32 $0x380, v2;
	v10 =	vor.u32 v10, v12;
	v7 =	vor.u32 v11, v7  }
0x4dd: {  	v2 =	vor.u32 v2, v7;
	_ =	sdelay $0x3  }
0x4de: {  	v1 =	vand.u32 $0x7F, v1;
	v0 =	vor.u32 v0, v8;
	v7 =	vld.idx.msk [tilespmem:v10+s23+$0x0], $0xffff  }
0x4df: {  	v0 =	vor.u32 v1, v0;
	v2 =	vld.idx.msk [tilespmem:v2+s23+$0x0], $0xffff;
	_ =	sdelay $0x2  }
0x4e0: {  	[tilespmem:s10+$0x40] =	vst v9  }
0x4e1: {  	v1 =	vld.idx.msk [tilespmem:v6+s23+$0x0], $0xffff;
	[tilespmem:s10+$0x440] =	vst v7  }
0x4e2: {  	v0 =	vld.idx.msk [tilespmem:v0+s23+$0x0], $0xffff;
	[tilespmem:s10+$0x400] =	vst v2  }
0x4e3: {  	v2 =	vld.idx.msk [tilespmem:v3+s23+$0x0], $0xffff  }
0x4e4: {  	[tilespmem:s10+$0x10] =	vst v4  }
0x4e5: {  	[tilespmem:s10+$0x430] =	vst v5  }
0x4e6: {  	[tilespmem:s10+$0x50] =	vst v1  }
0x4e7: {  	s6 =	rddreg [dreg:$0xb];
	[tilespmem:s10+$0x450] =	vst v0  }
0x4e8: {  	s8 =	simm.s32 $0x0;
	s22 =	simm.s32 $0xAE0;
	s6 =	sadd.s32 s1, s6;
	[tilespmem:s10+$0x410] =	vst v2  }
0x4e9: {  	[hbm4b:s6+s8] =	stream.linear.scatter [tilespmem:s26], [sflag:$0x3], $0x800, $0x38;
	[tilespmem:$0x1FC00] =	vst v63  }
0x4ea: {  	v0 =	vld [tilespmem:s22+$0xFFFFFFD0]  }
0x4eb: {  	v1 =	vld [tilespmem:s22+$0xFFFFFFB0];
	_ =	sdelay $0x1  }
0x4ec: {  	s8 =	sand.u32 $0x3F0, s8;
	v5 =	vld [tilespmem:s22+$0xFFFFFFF0]  }
0x4ed: {  	v15 =	vld [tilespmem:s8+$0xA80]  }
0x4ee: {  	v17 =	vld [tilespmem:s22+$0xFFFFFFC0];
	v2 =	vshrl.u32 v0, $0x10;
	v3 =	vshrl.u32 v0, $0xD;
	v4 =	vshrl.u32 v0, $0x11  }
0x4ef: {  	v56 =	vld [tilespmem:s22+$0xFFFFFFE0];
	v7 =	vshrl.u32 v1, $0x10;
	v8 =	vshll.u32 v1, $0x3;
	v9 =	vshll.u32 v0, $0x3  }
0x4f0: {  	v10 =	vshrl.u32 v1, $0x11;
	v11 =	vand.u32 $0xF87F, v0;
	v12 =	vand.u32 $0xF87F, v1  }
0x4f1: {  	v0 =	vshrl.u32 v0, $0x1;
	v14 =	vshrl.u32 v5, $0xD;
	v16 =	vshrl.u32 v5, $0x1  }
0x4f2: {  	v18 =	vshll.u32 v15, $0x3;
	v19 =	vshrl.u32 v15, $0x1;
	v54 =	vand.u32 $0xF87F, v15  }
0x4f3: {  	v55 =	vand.u32 $0xF87F, v17;
	v20 =	vshrl.u32 v17, $0x11;
	v22 =	vshll.u32 v17, $0x3  }
0x4f4: {  	v24 =	vshrl.u32 v56, $0x10;
	v59 =	vshrl.u32 v56, $0x11;
	v62 =	vshrl.u32 v56, $0xD  }
0x4f5: {  	v6 =	vand.u32 $0xF800, v2;
	v3 =	vand.u32 $0x400, v3;
	v4 =	vand.u32 $0x380, v4  }
0x4f6: {  	v9 =	vand.u32 $0x400, v9;
	v13 =	vand.u32 $0x7F, v7;
	v8 =	vand.u32 $0x400, v8  }
0x4f7: {  	v0 =	vand.u32 $0x380, v0;
	v10 =	vand.u32 $0x380, v10;
	v7 =	vand.u32 $0xF800, v7  }
0x4f8: {  	v2 =	vand.u32 $0x7F, v2;
	v60 =	vand.u32 $0x400, v22;
	v9 =	vor.u32 v9, v11  }
0x4f9: {  	v11 =	vshrl.u32 v1, $0x1;
	v1 =	vshrl.u32 v1, $0xD;
	v8 =	vor.u32 v8, v12  }
0x4fa: {  	v12 =	vand.u32 $0xF87F, v5;
	v3 =	vor.u32 v3, v6;
	v6 =	vshrl.u32 v15, $0x11  }
0x4fb: {  	v9 =	vor.u32 v0, v9;
	v0 =	vshll.u32 v5, $0x3;
	v1 =	vand.u32 $0x400, v1  }
0x4fc: {  	v11 =	vand.u32 $0x380, v11;
	v3 =	vor.u32 v4, v3;
	v4 =	vand.u32 $0x380, v6  }
0x4fd: {  	v0 =	vand.u32 $0x400, v0;
	v1 =	vor.u32 v1, v7;
	v7 =	vand.u32 $0x400, v18  }
0x4fe: {  	v8 =	vor.u32 v11, v8;
	v3 =	vor.u32 v2, v3;
	v2 =	vand.u32 $0x380, v16  }
0x4ff: {  	v16 =	vand.u32 $0x380, v59;
	v0 =	vor.u32 v0, v12;
	v12 =	vand.u32 $0x400, v14  }
0x500: {  	v1 =	vor.u32 v10, v1;
	v10 =	vand.u32 $0x380, v19;
	v7 =	vor.u32 v7, v54  }
0x501: {  	v14 =	vshrl.u32 v5, $0x11;
	v7 =	vor.u32 v10, v7;
	v10 =	vshrl.u32 v15, $0xD  }
0x502: {  	v11 =	vld [tilespmem:s22+$0x0];
	v13 =	vor.u32 v13, v1;
	v1 =	vshrl.u32 v15, $0x10;
	v15 =	vshrl.u32 v17, $0xD  }
0x503: {  	v23 =	vor.u32 v2, v0;
	v2 =	vshrl.u32 v5, $0x10;
	v14 =	vand.u32 $0x380, v14  }
0x504: {  	v10 =	vand.u32 $0x400, v10;
	v6 =	vand.u32 $0x400, v15;
	v15 =	vshrl.u32 v17, $0x10  }
0x505: {  	v57 =	vand.u32 $0x7F, v1;
	v21 =	vand.u32 $0xF800, v1;
	v5 =	vand.u32 $0x7F, v2;
	v9 =	vld.idx.msk [tilespmem:v9+s23+$0x0], $0xffff  }
0x506: {  	v25 =	vand.u32 $0xF800, v2;
	v2 =	vor.u32 v10, v21;
	v10 =	vshrl.u32 v17, $0x1;
	v8 =	vld.idx.msk [tilespmem:v8+s23+$0x0], $0xffff  }
0x507: {  	v12 =	vor.u32 v12, v25;
	v17 =	vor.u32 v60, v55;
	v1 =	vshrl.u32 v11, $0x11  }
0x508: {  	v4 =	vor.u32 v4, v2;
	v2 =	vshrl.u32 v56, $0x1;
	v10 =	vand.u32 $0x380, v10  }
0x509: {  	s8 =	simm.s32 $0x1F400;
	v61 =	vshrl.u32 v11, $0x1;
	v63 =	vshll.u32 v11, $0x3;
	v0 =	vand.u32 $0x380, v1  }
0x50a: {  	v4 =	vor.u32 v57, v4;
	v17 =	vor.u32 v10, v17;
	v7 =	vld.idx.msk [tilespmem:v7+s23+$0x0], $0xffff;
	[tilespmem:s8+$0x60] =	vst v9;
	v9 =	vand.u32 $0xF800, v15  }
0x50b: {  	v1 =	vshrl.u32 v11, $0x10;
	v6 =	vor.u32 v6, v9;
	v9 =	vor.u32 v14, v12;
	[tilespmem:s8+$0x20] =	vst v8;
	v8 =	vld.idx.msk [tilespmem:v23+s23+$0x0], $0xffff  }
0x50c: {  	v10 =	vand.u32 $0x400, v62;
	v58 =	vand.u32 $0xF800, v1;
	v3 =	vld.idx.msk [tilespmem:v3+s23+$0x0], $0xffff;
	v5 =	vor.u32 v5, v9  }
0x50d: {  	v15 =	vand.u32 $0x7F, v15;
	v12 =	vand.u32 $0x380, v20;
	v14 =	vand.u32 $0xF87F, v11;
	v9 =	vld.idx.msk [tilespmem:v13+s23+$0x0], $0xffff  }
0x50e: {  	v11 =	vshrl.u32 v11, $0xD;
	v13 =	vand.u32 $0xF800, v24;
	v6 =	vor.u32 v12, v6  }
0x50f: {  	[tilespmem:s8+$0x0] =	vst v7;
	v10 =	vor.u32 v10, v13;
	v13 =	vand.u32 $0x400, v63;
	v6 =	vor.u32 v15, v6  }
0x510: {  	v7 =	vand.u32 $0xF87F, v56;
	v10 =	vor.u32 v16, v10;
	v4 =	vld.idx.msk [tilespmem:v4+s23+$0x0], $0xffff;
	v12 =	vor.u32 v13, v14;
	[tilespmem:s8+$0x420] =	vst v8  }
0x511: {  	[tilespmem:s8+$0x70] =	vst v3;
	v3 =	vand.u32 $0x7F, v24;
	v8 =	vand.u32 $0x400, v11;
	v11 =	vshll.u32 v56, $0x3;
	v5 =	vld.idx.msk [tilespmem:v5+s23+$0x0], $0xffff  }
0x512: {  	s13 =	simm.s32 $0x70;
	s11 =	simm.s32 $0xB50;
	s10 =	simm.s32 $0x1F400;
	v3 =	vor.u32 v3, v10;
	v10 =	vand.u32 $0x380, v61;
	[tilespmem:s8+$0x30] =	vst v9;
	v9 =	vld.idx.msk [tilespmem:v17+s23+$0x0], $0xffff;
	v8 =	vor.u32 v8, v58  }
.LBB2_28:
0x513: {  	s12 =	smov.u32 s13  }
0x514: {  	s6 =	sand.u32 $0x3F0, s13;
	v13 =	vld [tilespmem:s11+$0xFFFFFFD0];
	v11 =	vand.u32 $0x400, v11;
	v2 =	vand.u32 $0x380, v2;
	v10 =	vor.u32 v10, v12;
	s8 =	sadd.s32 $0x80, s8;
	s12 =	sadd.s32 $0x70, s13  }
0x515: {  	p0 =	sne.s32 s13, $0x310;
	v7 =	vor.u32 v11, v7;
	v12 =	vld [tilespmem:s11+$0xFFFFFFB0]  }
0x516: {  	v2 =	vor.u32 v2, v7;
	_ =	sdelay $0x1  }
0x517: {  	[tilespmem:s10+$0x430] =	vst v5  }
0x518: {  	v5 =	vshrl.u32 v13, $0x10;
	v7 =	vshrl.u32 v13, $0xD;
	v11 =	vshrl.u32 v13, $0x11;
	v14 =	vld [tilespmem:s11+$0xFFFFFFF0];
	[tilespmem:s10+$0x40] =	vst v9  }
0x519: {  	v9 =	vand.u32 $0xF800, v5;
	v7 =	vand.u32 $0x400, v7;
	v11 =	vand.u32 $0x380, v11;
	v10 =	vld.idx.msk [tilespmem:v10+s23+$0x0], $0xffff  }
0x51a: {  	v1 =	vand.u32 $0x7F, v1;
	v0 =	vor.u32 v0, v8;
	v15 =	vshrl.u32 v12, $0x10;
	v2 =	vld.idx.msk [tilespmem:v2+s23+$0x0], $0xffff  }
0x51b: {  	v0 =	vor.u32 v1, v0;
	v16 =	vshll.u32 v13, $0x3;
	v8 =	vshll.u32 v12, $0x3;
	v6 =	vld.idx.msk [tilespmem:v6+s23+$0x0], $0xffff  }
0x51c: {  	v17 =	vand.u32 $0xF87F, v13;
	v16 =	vand.u32 $0x400, v16;
	v1 =	vshrl.u32 v12, $0x11  }
0x51d: {  	v18 =	vand.u32 $0xF87F, v12;
	v16 =	vor.u32 v16, v17;
	v19 =	vand.u32 $0x7F, v15;
	[tilespmem:s10+$0x10] =	vst v4  }
0x51e: {  	v13 =	vshrl.u32 v13, $0x1;
	v4 =	vshrl.u32 v12, $0x1;
	v17 =	vshrl.u32 v14, $0xD  }
0x51f: {  	v13 =	vand.u32 $0x380, v13;
	v8 =	vand.u32 $0x400, v8;
	v12 =	vshrl.u32 v12, $0xD;
	v20 =	vld [tilespmem:s6+$0xA80];
	[tilespmem:s10+$0x440] =	vst v10  }
0x520: {  	v8 =	vor.u32 v8, v18;
	v10 =	vor.u32 v13, v16;
	v13 =	vshll.u32 v14, $0x3;
	[tilespmem:s10+$0x400] =	vst v2;
	v0 =	vld.idx.msk [tilespmem:v0+s23+$0x0], $0xffff  }
0x521: {  	v1 =	vand.u32 $0x380, v1;
	v2 =	vand.u32 $0x400, v13;
	v13 =	vand.u32 $0xF87F, v14;
	[tilespmem:s10+$0x50] =	vst v6;
	v3 =	vld.idx.msk [tilespmem:v3+s23+$0x0], $0xffff  }
0x522: {  	v6 =	vand.u32 $0xF800, v15;
	v15 =	vshrl.u32 v14, $0x1;
	v2 =	vor.u32 v2, v13  }
0x523: {  	v12 =	vand.u32 $0x400, v12;
	v16 =	vand.u32 $0x400, v17;
	v17 =	vshrl.u32 v14, $0x11;
	v13 =	vld [tilespmem:s11+$0xFFFFFFC0]  }
0x524: {  	v6 =	vor.u32 v12, v6;
	v18 =	vshll.u32 v20, $0x3;
	v21 =	vshrl.u32 v20, $0x1  }
0x525: {  	v1 =	vor.u32 v1, v6;
	v12 =	vand.u32 $0x400, v18;
	v18 =	vand.u32 $0xF87F, v20;
	v6 =	vld.idx.msk [tilespmem:v10+s23+$0x0], $0xffff  }
0x526: {  	v4 =	vand.u32 $0x380, v4;
	v10 =	vand.u32 $0x380, v21;
	v12 =	vor.u32 v12, v18;
	[tilespmem:s10+$0x450] =	vst v0  }
0x527: {  	v0 =	vor.u32 v10, v12;
	v10 =	vshrl.u32 v20, $0xD;
	v12 =	vor.u32 v19, v1;
	[tilespmem:s10+$0x410] =	vst v3;
	s10 =	smov.u32 s8  }
0x528: {  	v4 =	vor.u32 v4, v8;
	v1 =	vshrl.u32 v20, $0x10;
	v3 =	vand.u32 $0x400, v10;
	v8 =	vld [tilespmem:s11+$0x0]  }
0x529: {  	v5 =	vand.u32 $0x7F, v5;
	v7 =	vor.u32 v7, v9;
	v10 =	vand.u32 $0xF87F, v13  }
0x52a: {  	v7 =	vor.u32 v11, v7;
	v9 =	vshrl.u32 v20, $0x11;
	v18 =	vshrl.u32 v13, $0xD;
	v11 =	vld [tilespmem:s11+$0xFFFFFFE0]  }
0x52b: {  	v5 =	vor.u32 v5, v7;
	v9 =	vand.u32 $0x380, v9;
	v18 =	vand.u32 $0x400, v18;
	[tilespmem:s8+$0x60] =	vst v6  }
0x52c: {  	v19 =	vshrl.u32 v13, $0x10;
	v7 =	vshrl.u32 v13, $0x11;
	v6 =	vld.idx.msk [tilespmem:v0+s23+$0x0], $0xffff;
	v0 =	vand.u32 $0x380, v15  }
0x52d: {  	v20 =	vand.u32 $0xF800, v1;
	v15 =	vand.u32 $0x7F, v1;
	v1 =	vshrl.u32 v8, $0x11  }
0x52e: {  	v21 =	vshll.u32 v13, $0x3;
	v22 =	vor.u32 v0, v2;
	v4 =	vld.idx.msk [tilespmem:v4+s23+$0x0], $0xffff;
	v0 =	vand.u32 $0x380, v1  }
0x52f: {  	v2 =	vshrl.u32 v14, $0x10;
	v1 =	vshrl.u32 v8, $0x10;
	v23 =	vshrl.u32 v11, $0x10  }
0x530: {  	v14 =	vand.u32 $0x7F, v2;
	v24 =	vand.u32 $0xF800, v2;
	v25 =	vand.u32 $0xF800, v1;
	v5 =	vld.idx.msk [tilespmem:v5+s23+$0x0], $0xffff  }
0x531: {  	v13 =	vshrl.u32 v13, $0x1;
	v3 =	vor.u32 v3, v20;
	v2 =	vshrl.u32 v11, $0x1  }
0x532: {  	v3 =	vor.u32 v9, v3;
	v9 =	vshrl.u32 v11, $0x11;
	[tilespmem:s8+$0x0] =	vst v6;
	v6 =	vand.u32 $0x380, v13  }
0x533: {  	v3 =	vor.u32 v15, v3;
	v15 =	vand.u32 $0x380, v17;
	v13 =	vand.u32 $0x400, v21  }
0x534: {  	v20 =	vshrl.u32 v8, $0x1;
	v16 =	vor.u32 v16, v24;
	[tilespmem:s8+$0x20] =	vst v4;
	v4 =	vand.u32 $0xF800, v19;
	v17 =	vld.idx.msk [tilespmem:v22+s23+$0x0], $0xffff  }
0x535: {  	v10 =	vor.u32 v13, v10;
	v12 =	vld.idx.msk [tilespmem:v12+s23+$0x0], $0xffff;
	v13 =	vor.u32 v18, v4;
	v4 =	vor.u32 v15, v16  }
0x536: {  	v15 =	vand.u32 $0x380, v7;
	[tilespmem:s8+$0x70] =	vst v5;
	v5 =	vor.u32 v14, v4;
	v14 =	vand.u32 $0xF87F, v8  }
0x537: {  	v7 =	vand.u32 $0xF800, v23;
	v16 =	vshrl.u32 v11, $0xD;
	v18 =	vshll.u32 v8, $0x3  }
0x538: {  	v9 =	vand.u32 $0x380, v9;
	v6 =	vor.u32 v6, v10;
	v4 =	vld.idx.msk [tilespmem:v3+s23+$0x0], $0xffff;
	v3 =	vand.u32 $0x400, v16  }
.Ltmp17:
0x539: {  	v8 =	vshrl.u32 v8, $0xD;
	v16 =	vand.u32 $0x400, v18;
	v3 =	vor.u32 v3, v7;
	(pc) =	sbr.rel @p0 .LBB2_28-.Ltmp17, $4  }
0x53a: {  	v10 =	vand.u32 $0x7F, v23;
	v7 =	vand.u32 $0xF87F, v11;
	v3 =	vor.u32 v9, v3;
	[tilespmem:s8+$0x420] =	vst v17  }
0x53b: {  	v8 =	vand.u32 $0x400, v8;
	[tilespmem:s8+$0x30] =	vst v12;
	v3 =	vor.u32 v10, v3;
	v5 =	vld.idx.msk [tilespmem:v5+s23+$0x0], $0xffff;
	v10 =	vand.u32 $0x380, v20  }
0x53c: {  	v13 =	vor.u32 v15, v13;
	v11 =	vshll.u32 v11, $0x3;
	v12 =	vand.u32 $0x7F, v19  }
0x53d: {  	s13 =	smov.u32 s12;
	s11 =	sadd.s32 $0x70, s11;
	v8 =	vor.u32 v8, v25;
	v9 =	vld.idx.msk [tilespmem:v6+s23+$0x0], $0xffff;
	v6 =	vor.u32 v12, v13;
	v12 =	vor.u32 v16, v14  }
0x53e: {  	v11 =	vand.u32 $0x400, v11  }
0x53f: {  	v2 =	vand.u32 $0x380, v2;
	v10 =	vor.u32 v10, v12;
	v7 =	vor.u32 v11, v7  }
0x540: {  	v2 =	vor.u32 v2, v7;
	_ =	sdelay $0x3  }
0x541: {  	v1 =	vand.u32 $0x7F, v1;
	v0 =	vor.u32 v0, v8;
	v62 =	vld.idx.msk [tilespmem:v10+s23+$0x0], $0xffff  }
0x542: {  	v0 =	vor.u32 v1, v0;
	v2 =	vld.idx.msk [tilespmem:v2+s23+$0x0], $0xffff;
	_ =	sdelay $0x2  }
0x543: {  	[tilespmem:s10+$0x40] =	vst v9  }
0x544: {  	v63 =	vld.idx.msk [tilespmem:v6+s23+$0x0], $0xffff;
	[tilespmem:s10+$0x440] =	vst v62  }
0x545: {  	v0 =	vld.idx.msk [tilespmem:v0+s23+$0x0], $0xffff;
	[tilespmem:s10+$0x400] =	vst v2  }
0x546: {  	v2 =	vld.idx.msk [tilespmem:v3+s23+$0x0], $0xffff  }
0x547: {  	[tilespmem:s10+$0x10] =	vst v4  }
0x548: {  	[tilespmem:s10+$0x430] =	vst v5  }
0x549: {  	[tilespmem:s10+$0x50] =	vst v63  }
0x54a: {  	s6 =	rddreg [dreg:$0xc];
	[tilespmem:s10+$0x450] =	vst v0  }
0x54b: {  	s18 =	simm.s32 $0x0;
	s19 =	sadd.s32 $0x2000, s9;
	s1 =	sadd.s32 s1, s6;
	[tilespmem:s10+$0x410] =	vst v2  }
0x54c: {  	[hbm4b:s1+s18] =	stream.linear.scatter [tilespmem:s28], [sflag:$0x4], $0x800, $0x38;
	[tilespmem:$0x1FC00] =	vst v63  }
0x54d: {  	s8 =	sadd.s32 $0x3000, s9;
	s1 =	sadd.s32 $0x2800, s9;
	s9 =	sadd.s32 $0x3800, s9  }
.LBB2_30:
0x54e: {  	_ =	swait.ge [sflag:s29], $0x380  }
0x54f: {  	[sflag:s29] =	ssyncset.done $0x0  }
0x550: {  	[sflag:s29] =	ssyncadd.s32 $0xFFFFFC80  }
0x551: {  	_ =	swait.ge [sflag:s30], $0x800  }
0x552: {  	[sflag:s30] =	ssyncset.done $0x0  }
0x553: {  	s6 =	simm.s32 $0x0;
	[sflag:s30] =	ssyncadd.s32 $0xFFFFF800  }
0x554: {  	v17 =	vld [tilespmem:s6+$0xE60]  }
0x555: {  	v11 =	vld [tilespmem:s6+$0xE20]  }
0x556: {  	v3 =	vld [tilespmem:s6+$0xE50]  }
0x557: {  	v5 =	vld [tilespmem:s6+$0xE30]  }
0x558: {  	v10 =	vld [tilespmem:s6+$0xE00]  }
0x559: {  	v2 =	vld [tilespmem:s6+$0xE40];
	v0 =	vshll.u32 v17, $0x3;
	v1 =	vshrl.u32 v17, $0x11  }
0x55a: {  	v4 =	vand.u32 $0xF87F, v17;
	v12 =	vshrl.u32 v11, $0x10;
	v13 =	vshrl.u32 v11, $0x11  }
0x55b: {  	v18 =	vshrl.u32 v17, $0xD;
	v7 =	vshrl.u32 v3, $0x1;
	v9 =	vshrl.u32 v3, $0x11  }
0x55c: {  	v8 =	vld [tilespmem:s6+$0xE10];
	v14 =	vand.u32 $0xF87F, v3;
	v24 =	vshll.u32 v3, $0x3;
	v23 =	vshrl.u32 v17, $0x1  }
0x55d: {  	v19 =	vshrl.u32 v11, $0x1;
	v20 =	vshll.u32 v5, $0x3;
	v22 =	vand.u32 $0xF87F, v10  }
0x55e: {  	v32 =	vand.u32 $0xF87F, v2;
	v25 =	vshll.u32 v11, $0x3;
	v29 =	vand.u32 $0xF87F, v5  }
0x55f: {  	v33 =	vshrl.u32 v5, $0x1;
	v34 =	vshrl.u32 v17, $0x10;
	v0 =	vand.u32 $0x400, v0  }
0x560: {  	v1 =	vand.u32 $0x380, v1;
	v15 =	vand.u32 $0x380, v7;
	v7 =	vshrl.u32 v3, $0xD  }
0x561: {  	v21 =	vand.u32 $0x380, v19;
	v19 =	vand.u32 $0xF87F, v8;
	v27 =	vand.u32 $0x400, v20  }
0x562: {  	v20 =	vshll.u32 v10, $0x3;
	v3 =	vshrl.u32 v3, $0x10;
	v28 =	vand.u32 $0x400, v25  }
0x563: {  	v18 =	vand.u32 $0x400, v18;
	v35 =	vand.u32 $0xF800, v34;
	v6 =	vor.u32 v0, v4  }
0x564: {  	v4 =	vshrl.u32 v2, $0x1;
	v0 =	vand.u32 $0x380, v9;
	v9 =	vshrl.u32 v5, $0x11  }
0x565: {  	v7 =	vand.u32 $0x400, v7;
	v20 =	vand.u32 $0x400, v20;
	v30 =	vand.u32 $0xF800, v3  }
0x566: {  	v3 =	vand.u32 $0x7F, v3;
	v27 =	vor.u32 v27, v29;
	v29 =	vand.u32 $0x380, v33  }
0x567: {  	v16 =	vand.u32 $0x380, v4;
	v4 =	vshll.u32 v2, $0x3;
	v26 =	vor.u32 v20, v22  }
0x568: {  	v20 =	vshll.u32 v8, $0x3;
	v7 =	vor.u32 v7, v30;
	v30 =	vand.u32 $0xF87F, v11  }
0x569: {  	v22 =	vshrl.u32 v10, $0x11;
	v31 =	vand.u32 $0x400, v4;
	v20 =	vand.u32 $0x400, v20  }
0x56a: {  	v25 =	vor.u32 v20, v19;
	v19 =	vshrl.u32 v10, $0x10;
	v20 =	vshrl.u32 v10, $0xD  }
0x56b: {  	v4 =	vshrl.u32 v8, $0x11;
	v17 =	vand.u32 $0xF800, v19;
	v20 =	vand.u32 $0x400, v20  }
0x56c: {  	v31 =	vor.u32 v31, v32;
	v32 =	vshrl.u32 v2, $0xD;
	v17 =	vor.u32 v20, v17  }
0x56d: {  	s10 =	simm.s32 $0x1DC00;
	s12 =	simm.s32 $0x1C0;
	s11 =	simm.s32 $0x1DC00;
	v20 =	vor.u32 v18, v35;
	v18 =	vand.u32 $0x7F, v19;
	v19 =	vand.u32 $0x7F, v34  }
.LBB2_31:
0x56e: {  	p0 =	sne.s32 s12, $0xC40  }
0x56f: {  	v28 =	vor.u32 v28, v30;
	v11 =	vshrl.u32 v11, $0xD;
	v24 =	vand.u32 $0x400, v24;
	s10 =	sadd.s32 $0x80, s10;
	s13 =	smov.u32 s12;
	s12 =	sadd.s32 $0x1C0, s12  }
0x570: {  	v30 =	vand.u32 $0xF800, v12;
	v32 =	vand.u32 $0x400, v32;
	v23 =	vand.u32 $0x380, v23  }
0x571: {  	v33 =	vshrl.u32 v8, $0x10;
	v13 =	vand.u32 $0x380, v13;
	v11 =	vand.u32 $0x400, v11  }
0x572: {  	v35 =	vshrl.u32 v8, $0xD;
	v12 =	vand.u32 $0x7F, v12;
	v34 =	vand.u32 $0xF800, v33  }
0x573: {  	v10 =	vshrl.u32 v10, $0x1;
	v16 =	vor.u32 v16, v31;
	v14 =	vor.u32 v24, v14  }
0x574: {  	v10 =	vand.u32 $0x380, v10;
	v24 =	vor.u32 v29, v27;
	v14 =	vor.u32 v15, v14  }
0x575: {  	v8 =	vshrl.u32 v8, $0x1;
	v27 =	vand.u32 $0x400, v35;
	v15 =	vand.u32 $0x7F, v33  }
0x576: {  	v21 =	vor.u32 v21, v28;
	v10 =	vor.u32 v10, v26;
	v26 =	vshrl.u32 v2, $0x10  }
0x577: {  	v8 =	vand.u32 $0x380, v8;
	v28 =	vshrl.u32 v5, $0x10;
	v5 =	vshrl.u32 v5, $0xD  }
0x578: {  	v6 =	vor.u32 v23, v6;
	v29 =	vand.u32 $0xF800, v28;
	v5 =	vand.u32 $0x400, v5  }
0x579: {  	v9 =	vand.u32 $0x380, v9;
	v8 =	vor.u32 v8, v25;
	v5 =	vor.u32 v5, v29  }
0x57a: {  	v23 =	vand.u32 $0x7F, v28;
	v5 =	vor.u32 v9, v5;
	v9 =	vld.idx.msk [tilespmem:v16+s23+$0x0], $0xffff;
	v16 =	vand.u32 $0xF800, v26  }
0x57b: {  	v25 =	vor.u32 v27, v34;
	v11 =	vor.u32 v11, v30;
	v5 =	vor.u32 v23, v5;
	v21 =	vld.idx.msk [tilespmem:v21+s23+$0x0], $0xffff  }
0x57c: {  	v4 =	vand.u32 $0x380, v4;
	v2 =	vshrl.u32 v2, $0x11;
	v11 =	vor.u32 v13, v11;
	v13 =	vld.idx.msk [tilespmem:v24+s23+$0x0], $0xffff  }
0x57d: {  	v22 =	vand.u32 $0x380, v22;
	v2 =	vand.u32 $0x380, v2;
	v11 =	vor.u32 v12, v11;
	v6 =	vld.idx.msk [tilespmem:v6+s23+$0x0], $0xffff  }
0x57e: {  	v1 =	vor.u32 v1, v20;
	v4 =	vor.u32 v4, v25;
	v12 =	vor.u32 v22, v17;
	v10 =	vld.idx.msk [tilespmem:v10+s23+$0x0], $0xffff  }
0x57f: {  	v1 =	vor.u32 v19, v1;
	v12 =	vor.u32 v18, v12;
	v16 =	vor.u32 v32, v16;
	v14 =	vld.idx.msk [tilespmem:v14+s23+$0x0], $0xffff  }
0x580: {  	v4 =	vor.u32 v15, v4;
	v2 =	vor.u32 v2, v16;
	v8 =	vld.idx.msk [tilespmem:v8+s23+$0x0], $0xffff;
	[tilespmem:s11+$0x400] =	vst v9;
	v9 =	vand.u32 $0x7F, v26  }
0x581: {  	v0 =	vor.u32 v0, v7;
	[tilespmem:s11+$0x40] =	vst v21;
	v2 =	vor.u32 v9, v2  }
0x582: {  	v0 =	vor.u32 v3, v0;
	v7 =	vld.idx.msk [tilespmem:v11+s23+$0x0], $0xffff;
	[tilespmem:s11+$0x60] =	vst v13  }
0x583: {  	v3 =	vld.idx.msk [tilespmem:v5+s23+$0x0], $0xffff;
	[tilespmem:s11+$0x440] =	vst v6  }
0x584: {  	[tilespmem:s11+$0x0] =	vst v10;
	v1 =	vld.idx.msk [tilespmem:v1+s23+$0x0], $0xffff  }
0x585: {  	v5 =	vld.idx.msk [tilespmem:v12+s23+$0x0], $0xffff;
	[tilespmem:s11+$0x420] =	vst v14  }
0x586: {  	[tilespmem:s11+$0x20] =	vst v8;
	v2 =	vld.idx.msk [tilespmem:v2+s23+$0x0], $0xffff  }
0x587: {  	v0 =	vld.idx.msk [tilespmem:v0+s23+$0x0], $0xffff  }
0x588: {  	v4 =	vld.idx.msk [tilespmem:v4+s23+$0x0], $0xffff;
	[tilespmem:s11+$0x50] =	vst v7  }
0x589: {  	[tilespmem:s11+$0x70] =	vst v3  }
0x58a: {  	s6 =	sshra.s32 s13, $0x2;
	[tilespmem:s11+$0x450] =	vst v1  }
0x58b: {  	v17 =	vld [tilespmem:s6+$0xE60];
	[tilespmem:s11+$0x10] =	vst v5  }
0x58c: {  	[tilespmem:s11+$0x410] =	vst v2  }
0x58d: {  	v11 =	vld [tilespmem:s6+$0xE20];
	[tilespmem:s11+$0x430] =	vst v0  }
0x58e: {  	v3 =	vld [tilespmem:s6+$0xE50];
	[tilespmem:s11+$0x30] =	vst v4;
	s11 =	smov.u32 s10  }
0x58f: {  	v2 =	vld [tilespmem:s6+$0xE40]  }
0x590: {  	v8 =	vld [tilespmem:s6+$0xE10];
	v0 =	vshll.u32 v17, $0x3;
	v4 =	vand.u32 $0xF87F, v17;
	v1 =	vshrl.u32 v17, $0x11  }
0x591: {  	v10 =	vld [tilespmem:s6+$0xE00];
	v0 =	vand.u32 $0x400, v0;
	v1 =	vand.u32 $0x380, v1  }
0x592: {  	v18 =	vshrl.u32 v17, $0xD;
	v12 =	vshrl.u32 v11, $0x10;
	v13 =	vshrl.u32 v11, $0x11;
	v5 =	vld [tilespmem:s6+$0xE30]  }
0x593: {  	v6 =	vor.u32 v0, v4;
	v7 =	vshrl.u32 v3, $0x1;
	v9 =	vshrl.u32 v3, $0x11  }
0x594: {  	v14 =	vand.u32 $0xF87F, v3;
	v4 =	vshrl.u32 v2, $0x1;
	v0 =	vand.u32 $0x380, v9  }
0x595: {  	v24 =	vshll.u32 v3, $0x3;
	v15 =	vand.u32 $0x380, v7;
	v16 =	vand.u32 $0x380, v4  }
0x596: {  	v23 =	vshrl.u32 v17, $0x1;
	v7 =	vshrl.u32 v3, $0xD;
	v4 =	vshll.u32 v2, $0x3  }
0x597: {  	v19 =	vshrl.u32 v11, $0x1;
	v20 =	vshll.u32 v5, $0x3;
	v9 =	vshrl.u32 v5, $0x11  }
0x598: {  	v32 =	vand.u32 $0xF87F, v2;
	v22 =	vand.u32 $0xF87F, v10;
	v31 =	vand.u32 $0x400, v4  }
0x599: {  	v25 =	vshll.u32 v11, $0x3;
	v21 =	vand.u32 $0x380, v19;
	v4 =	vshrl.u32 v8, $0x11  }
0x59a: {  	v19 =	vand.u32 $0xF87F, v8;
	v7 =	vand.u32 $0x400, v7;
	v27 =	vand.u32 $0x400, v20  }
0x59b: {  	v3 =	vshrl.u32 v3, $0x10;
	v29 =	vand.u32 $0xF87F, v5;
	v20 =	vshll.u32 v10, $0x3  }
0x59c: {  	v30 =	vand.u32 $0xF800, v3;
	v33 =	vshrl.u32 v5, $0x1;
	v20 =	vand.u32 $0x400, v20  }
0x59d: {  	v3 =	vand.u32 $0x7F, v3;
	v26 =	vor.u32 v20, v22;
	v20 =	vshll.u32 v8, $0x3  }
0x59e: {  	v28 =	vand.u32 $0x400, v25;
	v7 =	vor.u32 v7, v30;
	v20 =	vand.u32 $0x400, v20  }
0x59f: {  	v18 =	vand.u32 $0x400, v18;
	v30 =	vand.u32 $0xF87F, v11;
	v25 =	vor.u32 v20, v19  }
.Ltmp18:
0x5a0: {  	v34 =	vshrl.u32 v17, $0x10;
	v19 =	vshrl.u32 v10, $0x10;
	v20 =	vshrl.u32 v10, $0xD;
	(pc) =	sbr.rel @p0 .LBB2_31-.Ltmp18, $4  }
0x5a1: {  	v35 =	vand.u32 $0xF800, v34;
	v17 =	vand.u32 $0xF800, v19;
	v20 =	vand.u32 $0x400, v20  }
0x5a2: {  	v22 =	vshrl.u32 v10, $0x11;
	v17 =	vor.u32 v20, v17;
	v20 =	vor.u32 v18, v35  }
0x5a3: {  	v27 =	vor.u32 v27, v29;
	v18 =	vand.u32 $0x7F, v19;
	v19 =	vand.u32 $0x7F, v34  }
0x5a4: {  	v31 =	vor.u32 v31, v32;
	v32 =	vshrl.u32 v2, $0xD;
	v29 =	vand.u32 $0x380, v33  }
0x5a5: {  	v28 =	vor.u32 v28, v30;
	v11 =	vshrl.u32 v11, $0xD  }
0x5a6: {  	v24 =	vand.u32 $0x400, v24;
	v37 =	vand.u32 $0xF800, v12;
	v32 =	vand.u32 $0x400, v32  }
0x5a7: {  	v23 =	vand.u32 $0x380, v23;
	v33 =	vshrl.u32 v8, $0x10;
	v13 =	vand.u32 $0x380, v13  }
0x5a8: {  	v35 =	vshrl.u32 v8, $0xD;
	v12 =	vand.u32 $0x7F, v12;
	v10 =	vshrl.u32 v10, $0x1  }
0x5a9: {  	v16 =	vor.u32 v16, v31;
	v38 =	vor.u32 v29, v27;
	v8 =	vshrl.u32 v8, $0x1  }
0x5aa: {  	v39 =	vshrl.u32 v2, $0x10;
	v40 =	vshrl.u32 v5, $0x10;
	v5 =	vshrl.u32 v5, $0xD  }
0x5ab: {  	v9 =	vand.u32 $0x380, v9;
	v2 =	vshrl.u32 v2, $0x11;
	v1 =	vor.u32 v1, v20  }
0x5ac: {  	v4 =	vand.u32 $0x380, v4;
	v0 =	vor.u32 v0, v7;
	v11 =	vand.u32 $0x400, v11  }
0x5ad: {  	v14 =	vor.u32 v24, v14;
	v10 =	vand.u32 $0x380, v10;
	v21 =	vor.u32 v21, v28  }
0x5ae: {  	v41 =	vand.u32 $0xF800, v40;
	v5 =	vand.u32 $0x400, v5;
	v6 =	vor.u32 v23, v6  }
0x5af: {  	v8 =	vand.u32 $0x380, v8;
	v10 =	vor.u32 v10, v26;
	v5 =	vor.u32 v5, v41  }
0x5b0: {  	v14 =	vor.u32 v15, v14;
	v11 =	vor.u32 v11, v37;
	v5 =	vor.u32 v9, v5;
	v9 =	vld.idx.msk [tilespmem:v16+s23+$0x0], $0xffff  }
0x5b1: {  	v42 =	vand.u32 $0x7F, v40;
	v8 =	vor.u32 v8, v25;
	v11 =	vor.u32 v13, v11;
	v13 =	vld.idx.msk [tilespmem:v38+s23+$0x0], $0xffff  }
0x5b2: {  	v34 =	vand.u32 $0xF800, v33;
	v43 =	vand.u32 $0xF800, v39;
	v5 =	vor.u32 v42, v5;
	v21 =	vld.idx.msk [tilespmem:v21+s23+$0x0], $0xffff  }
0x5b3: {  	v1 =	vor.u32 v19, v1;
	v11 =	vor.u32 v12, v11;
	v12 =	vand.u32 $0x380, v22;
	v6 =	vld.idx.msk [tilespmem:v6+s23+$0x0], $0xffff  }
0x5b4: {  	v0 =	vor.u32 v3, v0;
	v15 =	vand.u32 $0x400, v35;
	v12 =	vor.u32 v12, v17;
	v10 =	vld.idx.msk [tilespmem:v10+s23+$0x0], $0xffff  }
0x5b5: {  	v2 =	vand.u32 $0x380, v2;
	v15 =	vor.u32 v15, v34;
	v12 =	vor.u32 v18, v12;
	v14 =	vld.idx.msk [tilespmem:v14+s23+$0x0], $0xffff;
	[tilespmem:s11+$0x400] =	vst v9  }
0x5b6: {  	v7 =	vand.u32 $0x7F, v33;
	v4 =	vor.u32 v4, v15;
	v16 =	vor.u32 v32, v43;
	v8 =	vld.idx.msk [tilespmem:v8+s23+$0x0], $0xffff;
	[tilespmem:s11+$0x60] =	vst v13  }
0x5b7: {  	v3 =	vor.u32 v7, v4;
	v2 =	vor.u32 v2, v16;
	v9 =	vand.u32 $0x7F, v39;
	[tilespmem:s11+$0x40] =	vst v21;
	v4 =	vld.idx.msk [tilespmem:v5+s23+$0x0], $0xffff  }
0x5b8: {  	v2 =	vor.u32 v9, v2;
	[tilespmem:s11+$0x440] =	vst v6;
	v9 =	vld.idx.msk [tilespmem:v11+s23+$0x0], $0xffff  }
0x5b9: {  	[tilespmem:s11+$0x0] =	vst v10;
	v1 =	vld.idx.msk [tilespmem:v1+s23+$0x0], $0xffff  }
0x5ba: {  	[tilespmem:s11+$0x420] =	vst v14;
	v5 =	vld.idx.msk [tilespmem:v12+s23+$0x0], $0xffff  }
0x5bb: {  	[tilespmem:s11+$0x20] =	vst v8;
	v0 =	vld.idx.msk [tilespmem:v0+s23+$0x0], $0xffff  }
0x5bc: {  	v3 =	vld.idx.msk [tilespmem:v3+s23+$0x0], $0xffff;
	[tilespmem:s11+$0x70] =	vst v4  }
0x5bd: {  	v2 =	vld.idx.msk [tilespmem:v2+s23+$0x0], $0xffff;
	[tilespmem:s11+$0x50] =	vst v9  }
0x5be: {  	[tilespmem:s11+$0x450] =	vst v1  }
0x5bf: {  	s10 =	sshll.u32 s18, $0xD;
	[tilespmem:s11+$0x10] =	vst v5  }
0x5c0: {  	s6 =	sadd.s32 s10, s19;
	[tilespmem:s11+$0x430] =	vst v0  }
0x5c1: {  	p0 =	seq.s32 s18, $0x5;
	s6 =	sshrl.u32 s6, $0x3;
	[tilespmem:s11+$0x30] =	vst v3  }
0x5c2: {  	s6 =	sadd.s32 s4, s6;
	[tilespmem:s11+$0x410] =	vst v2;
	s11 =	smul.u32 @!p0 $0xE00, s18  }
0x5c3: {  	[hbm4b:s6+s5] =	stream.linear.scatter [tilespmem:s24], [sflag:$0x1], $0x800, $0x38;
	[tilespmem:$0x1FC00] =	vst v63  }
0x5c4: {  	s6 =	sshrl.u32 @!p0 s11, $0x3  }
0x5c5: {  	s11 =	sadd.s32 @!p0 s3, s6  }
0x5c6: {  	s12 =	simm.s32 @!p0 $0x0;
	s13 =	simm.s32 @!p0 $0xE00;
	s6 =	sadd.s32 @!p0 $0x380, s11  }
0x5c7: {  	[tilespmem:s13], [sflag:$0x7] =	stream.linear.gather @!p0 [hbm4b:s6+s12], $0x380, $0x38;
	[tilespmem:$0x1FC00] =	vst v63  }
0x5c8: {  	_ =	swait.ge [sflag:s31], $0x380  }
0x5c9: {  	[sflag:s31] =	ssyncset.done $0x0  }
0x5ca: {  	[sflag:s31] =	ssyncadd.s32 $0xFFFFFC80  }
0x5cb: {  	_ =	swait.ge [sflag:s2], $0x800  }
0x5cc: {  	[sflag:s2] =	ssyncset.done $0x0  }
0x5cd: {  	s20 =	simm.s32 $0x11E0;
	[sflag:s2] =	ssyncadd.s32 $0xFFFFF800  }
0x5ce: {  	v0 =	vld [tilespmem:s20+$0xFFFFFFD0]  }
0x5cf: {  	v1 =	vld [tilespmem:s20+$0xFFFFFFB0]  }
0x5d0: {  	s22 =	simm.s32 $0x0  }
0x5d1: {  	s6 =	sand.u32 $0x3F0, s22;
	v5 =	vld [tilespmem:s20+$0xFFFFFFF0]  }
0x5d2: {  	v15 =	vld [tilespmem:s6+$0x1180]  }
0x5d3: {  	v45 =	vld [tilespmem:s20+$0xFFFFFFC0];
	v2 =	vshrl.u32 v0, $0x10;
	v3 =	vshrl.u32 v0, $0xD;
	v4 =	vshrl.u32 v0, $0x11  }
0x5d4: {  	v50 =	vld [tilespmem:s20+$0xFFFFFFE0];
	v7 =	vshrl.u32 v1, $0x10;
	v8 =	vshll.u32 v1, $0x3;
	v9 =	vshll.u32 v0, $0x3  }
0x5d5: {  	v10 =	vshrl.u32 v1, $0x11;
	v11 =	vand.u32 $0xF87F, v0;
	v12 =	vand.u32 $0xF87F, v1  }
0x5d6: {  	v0 =	vshrl.u32 v0, $0x1;
	v14 =	vshrl.u32 v5, $0xD;
	v44 =	vshrl.u32 v5, $0x1  }
0x5d7: {  	v46 =	vshll.u32 v15, $0x3;
	v47 =	vshrl.u32 v15, $0x1;
	v48 =	vand.u32 $0xF87F, v15  }
0x5d8: {  	v49 =	vand.u32 $0xF87F, v45;
	v51 =	vshrl.u32 v45, $0x11;
	v54 =	vshll.u32 v45, $0x3  }
0x5d9: {  	v56 =	vshrl.u32 v50, $0x10;
	v17 =	vshrl.u32 v45, $0x1;
	v59 =	vshrl.u32 v50, $0x11  }
0x5da: {  	v62 =	vshrl.u32 v50, $0xD;
	v6 =	vand.u32 $0xF800, v2;
	v3 =	vand.u32 $0x400, v3  }
0x5db: {  	v4 =	vand.u32 $0x380, v4;
	v9 =	vand.u32 $0x400, v9;
	v13 =	vand.u32 $0x7F, v7  }
0x5dc: {  	v8 =	vand.u32 $0x400, v8;
	v0 =	vand.u32 $0x380, v0;
	v10 =	vand.u32 $0x380, v10  }
0x5dd: {  	v7 =	vand.u32 $0xF800, v7;
	v2 =	vand.u32 $0x7F, v2;
	v60 =	vand.u32 $0x400, v54  }
0x5de: {  	v9 =	vor.u32 v9, v11;
	v11 =	vshrl.u32 v1, $0x1;
	v1 =	vshrl.u32 v1, $0xD  }
0x5df: {  	v8 =	vor.u32 v8, v12;
	v12 =	vand.u32 $0xF87F, v5;
	v3 =	vor.u32 v3, v6  }
0x5e0: {  	v6 =	vshrl.u32 v15, $0x11;
	v16 =	vor.u32 v60, v49;
	v9 =	vor.u32 v0, v9  }
0x5e1: {  	v0 =	vshll.u32 v5, $0x3;
	v1 =	vand.u32 $0x400, v1;
	v11 =	vand.u32 $0x380, v11  }
0x5e2: {  	v3 =	vor.u32 v4, v3;
	v4 =	vand.u32 $0x380, v6;
	v0 =	vand.u32 $0x400, v0  }
0x5e3: {  	v1 =	vor.u32 v1, v7;
	v7 =	vand.u32 $0x400, v46;
	v8 =	vor.u32 v11, v8  }
0x5e4: {  	v3 =	vor.u32 v2, v3;
	v2 =	vand.u32 $0x380, v44;
	v0 =	vor.u32 v0, v12  }
0x5e5: {  	v1 =	vor.u32 v10, v1;
	v10 =	vand.u32 $0x380, v47;
	v7 =	vor.u32 v7, v48  }
0x5e6: {  	v12 =	vand.u32 $0x400, v14;
	v14 =	vshrl.u32 v5, $0x11;
	v7 =	vor.u32 v10, v7  }
0x5e7: {  	v11 =	vld [tilespmem:s20+$0x0];
	v10 =	vshrl.u32 v15, $0xD;
	v13 =	vor.u32 v13, v1;
	v1 =	vshrl.u32 v15, $0x10  }
0x5e8: {  	v15 =	vshrl.u32 v45, $0xD;
	v55 =	vor.u32 v2, v0;
	v2 =	vshrl.u32 v5, $0x10  }
0x5e9: {  	v14 =	vand.u32 $0x380, v14;
	v10 =	vand.u32 $0x400, v10;
	v6 =	vand.u32 $0x400, v15  }
0x5ea: {  	v15 =	vshrl.u32 v45, $0x10;
	v52 =	vand.u32 $0x7F, v1;
	v53 =	vand.u32 $0xF800, v1;
	v9 =	vld.idx.msk [tilespmem:v9+s23+$0x0], $0xffff  }
0x5eb: {  	v5 =	vand.u32 $0x7F, v2;
	v57 =	vand.u32 $0xF800, v2;
	v2 =	vshrl.u32 v50, $0x1;
	v8 =	vld.idx.msk [tilespmem:v8+s23+$0x0], $0xffff  }
0x5ec: {  	v10 =	vor.u32 v10, v53;
	v12 =	vor.u32 v12, v57;
	v1 =	vshrl.u32 v11, $0x11  }
0x5ed: {  	v4 =	vor.u32 v4, v10;
	v10 =	vand.u32 $0x380, v17;
	v61 =	vshrl.u32 v11, $0x1  }
0x5ee: {  	s12 =	simm.s32 $0x1E400;
	v63 =	vshll.u32 v11, $0x3;
	v17 =	vand.u32 $0x380, v59;
	v0 =	vand.u32 $0x380, v1  }
0x5ef: {  	v4 =	vor.u32 v52, v4;
	v16 =	vor.u32 v10, v16;
	v7 =	vld.idx.msk [tilespmem:v7+s23+$0x0], $0xffff;
	[tilespmem:s12+$0x60] =	vst v9;
	v9 =	vand.u32 $0xF800, v15  }
0x5f0: {  	v1 =	vshrl.u32 v11, $0x10;
	v6 =	vor.u32 v6, v9;
	v9 =	vor.u32 v14, v12;
	[tilespmem:s12+$0x20] =	vst v8;
	v8 =	vld.idx.msk [tilespmem:v55+s23+$0x0], $0xffff  }
0x5f1: {  	v10 =	vand.u32 $0x400, v62;
	v58 =	vand.u32 $0xF800, v1;
	v3 =	vld.idx.msk [tilespmem:v3+s23+$0x0], $0xffff;
	v5 =	vor.u32 v5, v9  }
0x5f2: {  	v15 =	vand.u32 $0x7F, v15;
	v12 =	vand.u32 $0x380, v51;
	v14 =	vand.u32 $0xF87F, v11;
	v9 =	vld.idx.msk [tilespmem:v13+s23+$0x0], $0xffff  }
0x5f3: {  	v11 =	vshrl.u32 v11, $0xD;
	v13 =	vand.u32 $0xF800, v56;
	v6 =	vor.u32 v12, v6  }
0x5f4: {  	[tilespmem:s12+$0x0] =	vst v7;
	v10 =	vor.u32 v10, v13;
	v13 =	vand.u32 $0x400, v63;
	v6 =	vor.u32 v15, v6  }
0x5f5: {  	v7 =	vand.u32 $0xF87F, v50;
	v10 =	vor.u32 v17, v10;
	v4 =	vld.idx.msk [tilespmem:v4+s23+$0x0], $0xffff;
	v12 =	vor.u32 v13, v14;
	[tilespmem:s12+$0x420] =	vst v8  }
0x5f6: {  	[tilespmem:s12+$0x70] =	vst v3;
	v3 =	vand.u32 $0x7F, v56;
	v8 =	vand.u32 $0x400, v11;
	v11 =	vshll.u32 v50, $0x3;
	v5 =	vld.idx.msk [tilespmem:v5+s23+$0x0], $0xffff  }
0x5f7: {  	s14 =	simm.s32 $0x1250;
	s22 =	simm.s32 $0x70;
	s13 =	simm.s32 $0x1E400;
	v3 =	vor.u32 v3, v10;
	v10 =	vand.u32 $0x380, v61;
	[tilespmem:s12+$0x30] =	vst v9;
	v9 =	vld.idx.msk [tilespmem:v16+s23+$0x0], $0xffff;
	v8 =	vor.u32 v8, v58  }
.LBB2_33:
0x5f8: {  	s20 =	smov.u32 s22  }
0x5f9: {  	s6 =	sand.u32 $0x3F0, s22;
	v13 =	vld [tilespmem:s14+$0xFFFFFFD0];
	v11 =	vand.u32 $0x400, v11;
	v2 =	vand.u32 $0x380, v2;
	v10 =	vor.u32 v10, v12;
	s12 =	sadd.s32 $0x80, s12;
	s20 =	sadd.s32 $0x70, s22  }
0x5fa: {  	p1 =	sne.s32 s22, $0x310;
	v7 =	vor.u32 v11, v7;
	v12 =	vld [tilespmem:s14+$0xFFFFFFB0]  }
0x5fb: {  	v2 =	vor.u32 v2, v7;
	_ =	sdelay $0x1  }
0x5fc: {  	[tilespmem:s13+$0x430] =	vst v5  }
0x5fd: {  	v5 =	vshrl.u32 v13, $0x10;
	v7 =	vshrl.u32 v13, $0xD;
	v11 =	vshrl.u32 v13, $0x11;
	v14 =	vld [tilespmem:s14+$0xFFFFFFF0];
	[tilespmem:s13+$0x40] =	vst v9  }
0x5fe: {  	v9 =	vand.u32 $0xF800, v5;
	v7 =	vand.u32 $0x400, v7;
	v11 =	vand.u32 $0x380, v11;
	v10 =	vld.idx.msk [tilespmem:v10+s23+$0x0], $0xffff  }
0x5ff: {  	v1 =	vand.u32 $0x7F, v1;
	v0 =	vor.u32 v0, v8;
	v15 =	vshrl.u32 v12, $0x10;
	v2 =	vld.idx.msk [tilespmem:v2+s23+$0x0], $0xffff  }
0x600: {  	v0 =	vor.u32 v1, v0;
	v16 =	vshll.u32 v13, $0x3;
	v8 =	vshll.u32 v12, $0x3;
	v6 =	vld.idx.msk [tilespmem:v6+s23+$0x0], $0xffff  }
0x601: {  	v17 =	vand.u32 $0xF87F, v13;
	v16 =	vand.u32 $0x400, v16;
	v1 =	vshrl.u32 v12, $0x11  }
0x602: {  	v18 =	vand.u32 $0xF87F, v12;
	v16 =	vor.u32 v16, v17;
	v19 =	vand.u32 $0x7F, v15;
	[tilespmem:s13+$0x10] =	vst v4  }
0x603: {  	v13 =	vshrl.u32 v13, $0x1;
	v4 =	vshrl.u32 v12, $0x1;
	v17 =	vshrl.u32 v14, $0xD  }
0x604: {  	v13 =	vand.u32 $0x380, v13;
	v8 =	vand.u32 $0x400, v8;
	v12 =	vshrl.u32 v12, $0xD;
	v20 =	vld [tilespmem:s6+$0x1180];
	[tilespmem:s13+$0x440] =	vst v10  }
0x605: {  	v8 =	vor.u32 v8, v18;
	v10 =	vor.u32 v13, v16;
	v13 =	vshll.u32 v14, $0x3;
	[tilespmem:s13+$0x400] =	vst v2;
	v0 =	vld.idx.msk [tilespmem:v0+s23+$0x0], $0xffff  }
0x606: {  	v1 =	vand.u32 $0x380, v1;
	v2 =	vand.u32 $0x400, v13;
	v13 =	vand.u32 $0xF87F, v14;
	[tilespmem:s13+$0x50] =	vst v6;
	v3 =	vld.idx.msk [tilespmem:v3+s23+$0x0], $0xffff  }
0x607: {  	v6 =	vand.u32 $0xF800, v15;
	v15 =	vshrl.u32 v14, $0x1;
	v2 =	vor.u32 v2, v13  }
0x608: {  	v12 =	vand.u32 $0x400, v12;
	v16 =	vand.u32 $0x400, v17;
	v17 =	vshrl.u32 v14, $0x11;
	v13 =	vld [tilespmem:s14+$0xFFFFFFC0]  }
0x609: {  	v6 =	vor.u32 v12, v6;
	v18 =	vshll.u32 v20, $0x3;
	v21 =	vshrl.u32 v20, $0x1  }
0x60a: {  	v1 =	vor.u32 v1, v6;
	v12 =	vand.u32 $0x400, v18;
	v18 =	vand.u32 $0xF87F, v20;
	v6 =	vld.idx.msk [tilespmem:v10+s23+$0x0], $0xffff  }
0x60b: {  	v4 =	vand.u32 $0x380, v4;
	v10 =	vand.u32 $0x380, v21;
	v12 =	vor.u32 v12, v18;
	[tilespmem:s13+$0x450] =	vst v0  }
0x60c: {  	v0 =	vor.u32 v10, v12;
	v10 =	vshrl.u32 v20, $0xD;
	v12 =	vor.u32 v19, v1;
	[tilespmem:s13+$0x410] =	vst v3;
	s13 =	smov.u32 s12  }
0x60d: {  	v4 =	vor.u32 v4, v8;
	v1 =	vshrl.u32 v20, $0x10;
	v3 =	vand.u32 $0x400, v10;
	v8 =	vld [tilespmem:s14+$0x0]  }
0x60e: {  	v5 =	vand.u32 $0x7F, v5;
	v7 =	vor.u32 v7, v9;
	v10 =	vand.u32 $0xF87F, v13  }
0x60f: {  	v7 =	vor.u32 v11, v7;
	v9 =	vshrl.u32 v20, $0x11;
	v18 =	vshrl.u32 v13, $0xD;
	v11 =	vld [tilespmem:s14+$0xFFFFFFE0]  }
0x610: {  	v5 =	vor.u32 v5, v7;
	v9 =	vand.u32 $0x380, v9;
	v18 =	vand.u32 $0x400, v18;
	[tilespmem:s12+$0x60] =	vst v6  }
0x611: {  	v19 =	vshrl.u32 v13, $0x10;
	v7 =	vshrl.u32 v13, $0x11;
	v6 =	vld.idx.msk [tilespmem:v0+s23+$0x0], $0xffff;
	v0 =	vand.u32 $0x380, v15  }
0x612: {  	v20 =	vand.u32 $0xF800, v1;
	v15 =	vand.u32 $0x7F, v1;
	v1 =	vshrl.u32 v8, $0x11  }
0x613: {  	v21 =	vshll.u32 v13, $0x3;
	v22 =	vor.u32 v0, v2;
	v4 =	vld.idx.msk [tilespmem:v4+s23+$0x0], $0xffff;
	v0 =	vand.u32 $0x380, v1  }
0x614: {  	v2 =	vshrl.u32 v14, $0x10;
	v1 =	vshrl.u32 v8, $0x10;
	v23 =	vshrl.u32 v11, $0x10  }
0x615: {  	v14 =	vand.u32 $0x7F, v2;
	v24 =	vand.u32 $0xF800, v2;
	v25 =	vand.u32 $0xF800, v1;
	v5 =	vld.idx.msk [tilespmem:v5+s23+$0x0], $0xffff  }
0x616: {  	v13 =	vshrl.u32 v13, $0x1;
	v3 =	vor.u32 v3, v20;
	v2 =	vshrl.u32 v11, $0x1  }
0x617: {  	v3 =	vor.u32 v9, v3;
	v9 =	vshrl.u32 v11, $0x11;
	[tilespmem:s12+$0x0] =	vst v6;
	v6 =	vand.u32 $0x380, v13  }
0x618: {  	v3 =	vor.u32 v15, v3;
	v15 =	vand.u32 $0x380, v17;
	v13 =	vand.u32 $0x400, v21  }
0x619: {  	v20 =	vshrl.u32 v8, $0x1;
	v16 =	vor.u32 v16, v24;
	[tilespmem:s12+$0x20] =	vst v4;
	v4 =	vand.u32 $0xF800, v19;
	v17 =	vld.idx.msk [tilespmem:v22+s23+$0x0], $0xffff  }
0x61a: {  	v10 =	vor.u32 v13, v10;
	v12 =	vld.idx.msk [tilespmem:v12+s23+$0x0], $0xffff;
	v13 =	vor.u32 v18, v4;
	v4 =	vor.u32 v15, v16  }
0x61b: {  	v15 =	vand.u32 $0x380, v7;
	[tilespmem:s12+$0x70] =	vst v5;
	v5 =	vor.u32 v14, v4;
	v14 =	vand.u32 $0xF87F, v8  }
0x61c: {  	v7 =	vand.u32 $0xF800, v23;
	v16 =	vshrl.u32 v11, $0xD;
	v18 =	vshll.u32 v8, $0x3  }
0x61d: {  	v9 =	vand.u32 $0x380, v9;
	v6 =	vor.u32 v6, v10;
	v4 =	vld.idx.msk [tilespmem:v3+s23+$0x0], $0xffff;
	v3 =	vand.u32 $0x400, v16  }
.Ltmp19:
0x61e: {  	v8 =	vshrl.u32 v8, $0xD;
	v16 =	vand.u32 $0x400, v18;
	v3 =	vor.u32 v3, v7;
	(pc) =	sbr.rel @p1 .LBB2_33-.Ltmp19, $4  }
0x61f: {  	v10 =	vand.u32 $0x7F, v23;
	v7 =	vand.u32 $0xF87F, v11;
	v3 =	vor.u32 v9, v3;
	[tilespmem:s12+$0x420] =	vst v17  }
0x620: {  	v8 =	vand.u32 $0x400, v8;
	[tilespmem:s12+$0x30] =	vst v12;
	v3 =	vor.u32 v10, v3;
	v5 =	vld.idx.msk [tilespmem:v5+s23+$0x0], $0xffff;
	v10 =	vand.u32 $0x380, v20  }
0x621: {  	v13 =	vor.u32 v15, v13;
	v11 =	vshll.u32 v11, $0x3;
	v12 =	vand.u32 $0x7F, v19  }
0x622: {  	s22 =	smov.u32 s20;
	s14 =	sadd.s32 $0x70, s14;
	v8 =	vor.u32 v8, v25;
	v9 =	vld.idx.msk [tilespmem:v6+s23+$0x0], $0xffff;
	v6 =	vor.u32 v12, v13;
	v12 =	vor.u32 v16, v14  }
0x623: {  	v11 =	vand.u32 $0x400, v11  }
0x624: {  	v2 =	vand.u32 $0x380, v2;
	v10 =	vor.u32 v10, v12;
	v7 =	vor.u32 v11, v7  }
0x625: {  	v2 =	vor.u32 v2, v7;
	_ =	sdelay $0x3  }
0x626: {  	v1 =	vand.u32 $0x7F, v1;
	v0 =	vor.u32 v0, v8;
	v7 =	vld.idx.msk [tilespmem:v10+s23+$0x0], $0xffff  }
0x627: {  	v0 =	vor.u32 v1, v0;
	v2 =	vld.idx.msk [tilespmem:v2+s23+$0x0], $0xffff;
	_ =	sdelay $0x2  }
0x628: {  	[tilespmem:s13+$0x40] =	vst v9  }
0x629: {  	v1 =	vld.idx.msk [tilespmem:v6+s23+$0x0], $0xffff;
	[tilespmem:s13+$0x440] =	vst v7  }
0x62a: {  	v0 =	vld.idx.msk [tilespmem:v0+s23+$0x0], $0xffff;
	[tilespmem:s13+$0x400] =	vst v2  }
0x62b: {  	v2 =	vld.idx.msk [tilespmem:v3+s23+$0x0], $0xffff  }
0x62c: {  	[tilespmem:s13+$0x10] =	vst v4  }
0x62d: {  	[tilespmem:s13+$0x430] =	vst v5  }
0x62e: {  	s6 =	sadd.s32 s10, s1;
	[tilespmem:s13+$0x50] =	vst v1  }
0x62f: {  	s6 =	sshrl.u32 s6, $0x3;
	[tilespmem:s13+$0x450] =	vst v0  }
0x630: {  	s6 =	sadd.s32 s4, s6;
	[tilespmem:s13+$0x410] =	vst v2  }
0x631: {  	[hbm4b:s6+s5] =	stream.linear.scatter [tilespmem:s25], [sflag:$0x2], $0x800, $0x38;
	[tilespmem:$0x1FC00] =	vst v63  }
0x632: {  	s12 =	simm.s32 @!p0 $0x0;
	s13 =	simm.s32 @!p0 $0x1180;
	s6 =	sadd.s32 @!p0 $0x3F0, s11  }
0x633: {  	[tilespmem:s13], [sflag:$0x8] =	stream.linear.gather @!p0 [hbm4b:s6+s12], $0x380, $0x38;
	[tilespmem:$0x1FC00] =	vst v63  }
0x634: {  	_ =	swait.ge [sflag:s0], $0x380  }
0x635: {  	[sflag:s0] =	ssyncset.done $0x0  }
0x636: {  	[sflag:s0] =	ssyncadd.s32 $0xFFFFFC80  }
0x637: {  	_ =	swait.ge [sflag:s7], $0x800  }
0x638: {  	[sflag:s7] =	ssyncset.done $0x0  }
0x639: {  	s20 =	simm.s32 $0x1560;
	[sflag:s7] =	ssyncadd.s32 $0xFFFFF800  }
0x63a: {  	v0 =	vld [tilespmem:s20+$0xFFFFFFD0]  }
0x63b: {  	v1 =	vld [tilespmem:s20+$0xFFFFFFB0]  }
0x63c: {  	s22 =	simm.s32 $0x0  }
0x63d: {  	s6 =	sand.u32 $0x3F0, s22;
	v5 =	vld [tilespmem:s20+$0xFFFFFFF0]  }
0x63e: {  	v15 =	vld [tilespmem:s6+$0x1500]  }
0x63f: {  	v17 =	vld [tilespmem:s20+$0xFFFFFFC0];
	v2 =	vshrl.u32 v0, $0x10;
	v3 =	vshrl.u32 v0, $0xD;
	v4 =	vshrl.u32 v0, $0x11  }
0x640: {  	v56 =	vld [tilespmem:s20+$0xFFFFFFE0];
	v7 =	vshrl.u32 v1, $0x10;
	v8 =	vshll.u32 v1, $0x3;
	v9 =	vshll.u32 v0, $0x3  }
0x641: {  	v10 =	vshrl.u32 v1, $0x11;
	v11 =	vand.u32 $0xF87F, v0;
	v12 =	vand.u32 $0xF87F, v1  }
0x642: {  	v0 =	vshrl.u32 v0, $0x1;
	v14 =	vshrl.u32 v5, $0xD;
	v16 =	vshrl.u32 v5, $0x1  }
0x643: {  	v18 =	vshll.u32 v15, $0x3;
	v19 =	vshrl.u32 v15, $0x1;
	v54 =	vand.u32 $0xF87F, v15  }
0x644: {  	v55 =	vand.u32 $0xF87F, v17;
	v20 =	vshrl.u32 v17, $0x11;
	v22 =	vshll.u32 v17, $0x3  }
0x645: {  	v24 =	vshrl.u32 v56, $0x10;
	v59 =	vshrl.u32 v56, $0x11;
	v62 =	vshrl.u32 v56, $0xD  }
0x646: {  	v6 =	vand.u32 $0xF800, v2;
	v3 =	vand.u32 $0x400, v3;
	v4 =	vand.u32 $0x380, v4  }
0x647: {  	v9 =	vand.u32 $0x400, v9;
	v13 =	vand.u32 $0x7F, v7;
	v8 =	vand.u32 $0x400, v8  }
0x648: {  	v0 =	vand.u32 $0x380, v0;
	v10 =	vand.u32 $0x380, v10;
	v7 =	vand.u32 $0xF800, v7  }
0x649: {  	v2 =	vand.u32 $0x7F, v2;
	v60 =	vand.u32 $0x400, v22;
	v9 =	vor.u32 v9, v11  }
0x64a: {  	v11 =	vshrl.u32 v1, $0x1;
	v1 =	vshrl.u32 v1, $0xD;
	v8 =	vor.u32 v8, v12  }
0x64b: {  	v12 =	vand.u32 $0xF87F, v5;
	v3 =	vor.u32 v3, v6;
	v6 =	vshrl.u32 v15, $0x11  }
0x64c: {  	v9 =	vor.u32 v0, v9;
	v0 =	vshll.u32 v5, $0x3;
	v1 =	vand.u32 $0x400, v1  }
0x64d: {  	v11 =	vand.u32 $0x380, v11;
	v3 =	vor.u32 v4, v3;
	v4 =	vand.u32 $0x380, v6  }
0x64e: {  	v0 =	vand.u32 $0x400, v0;
	v1 =	vor.u32 v1, v7;
	v7 =	vand.u32 $0x400, v18  }
0x64f: {  	v8 =	vor.u32 v11, v8;
	v3 =	vor.u32 v2, v3;
	v2 =	vand.u32 $0x380, v16  }
0x650: {  	v16 =	vand.u32 $0x380, v59;
	v0 =	vor.u32 v0, v12;
	v12 =	vand.u32 $0x400, v14  }
0x651: {  	v1 =	vor.u32 v10, v1;
	v10 =	vand.u32 $0x380, v19;
	v7 =	vor.u32 v7, v54  }
0x652: {  	v14 =	vshrl.u32 v5, $0x11;
	v7 =	vor.u32 v10, v7;
	v10 =	vshrl.u32 v15, $0xD  }
0x653: {  	v11 =	vld [tilespmem:s20+$0x0];
	v13 =	vor.u32 v13, v1;
	v1 =	vshrl.u32 v15, $0x10;
	v15 =	vshrl.u32 v17, $0xD  }
0x654: {  	v23 =	vor.u32 v2, v0;
	v2 =	vshrl.u32 v5, $0x10;
	v14 =	vand.u32 $0x380, v14  }
0x655: {  	v10 =	vand.u32 $0x400, v10;
	v6 =	vand.u32 $0x400, v15;
	v15 =	vshrl.u32 v17, $0x10  }
0x656: {  	v57 =	vand.u32 $0x7F, v1;
	v21 =	vand.u32 $0xF800, v1;
	v5 =	vand.u32 $0x7F, v2;
	v9 =	vld.idx.msk [tilespmem:v9+s23+$0x0], $0xffff  }
0x657: {  	v25 =	vand.u32 $0xF800, v2;
	v2 =	vor.u32 v10, v21;
	v10 =	vshrl.u32 v17, $0x1;
	v8 =	vld.idx.msk [tilespmem:v8+s23+$0x0], $0xffff  }
0x658: {  	v12 =	vor.u32 v12, v25;
	v17 =	vor.u32 v60, v55;
	v1 =	vshrl.u32 v11, $0x11  }
0x659: {  	v4 =	vor.u32 v4, v2;
	v2 =	vshrl.u32 v56, $0x1;
	v10 =	vand.u32 $0x380, v10  }
0x65a: {  	s12 =	simm.s32 $0x1EC00;
	v61 =	vshrl.u32 v11, $0x1;
	v63 =	vshll.u32 v11, $0x3;
	v0 =	vand.u32 $0x380, v1  }
0x65b: {  	v4 =	vor.u32 v57, v4;
	v17 =	vor.u32 v10, v17;
	v7 =	vld.idx.msk [tilespmem:v7+s23+$0x0], $0xffff;
	[tilespmem:s12+$0x60] =	vst v9;
	v9 =	vand.u32 $0xF800, v15  }
0x65c: {  	v1 =	vshrl.u32 v11, $0x10;
	v6 =	vor.u32 v6, v9;
	v9 =	vor.u32 v14, v12;
	[tilespmem:s12+$0x20] =	vst v8;
	v8 =	vld.idx.msk [tilespmem:v23+s23+$0x0], $0xffff  }
0x65d: {  	v10 =	vand.u32 $0x400, v62;
	v58 =	vand.u32 $0xF800, v1;
	v3 =	vld.idx.msk [tilespmem:v3+s23+$0x0], $0xffff;
	v5 =	vor.u32 v5, v9  }
0x65e: {  	v15 =	vand.u32 $0x7F, v15;
	v12 =	vand.u32 $0x380, v20;
	v14 =	vand.u32 $0xF87F, v11;
	v9 =	vld.idx.msk [tilespmem:v13+s23+$0x0], $0xffff  }
0x65f: {  	v11 =	vshrl.u32 v11, $0xD;
	v13 =	vand.u32 $0xF800, v24;
	v6 =	vor.u32 v12, v6  }
0x660: {  	[tilespmem:s12+$0x0] =	vst v7;
	v10 =	vor.u32 v10, v13;
	v13 =	vand.u32 $0x400, v63;
	v6 =	vor.u32 v15, v6  }
0x661: {  	v7 =	vand.u32 $0xF87F, v56;
	v10 =	vor.u32 v16, v10;
	v4 =	vld.idx.msk [tilespmem:v4+s23+$0x0], $0xffff;
	v12 =	vor.u32 v13, v14;
	[tilespmem:s12+$0x420] =	vst v8  }
0x662: {  	[tilespmem:s12+$0x70] =	vst v3;
	v3 =	vand.u32 $0x7F, v24;
	v8 =	vand.u32 $0x400, v11;
	v11 =	vshll.u32 v56, $0x3;
	v5 =	vld.idx.msk [tilespmem:v5+s23+$0x0], $0xffff  }
0x663: {  	s14 =	simm.s32 $0x15D0;
	s22 =	simm.s32 $0x70;
	s13 =	simm.s32 $0x1EC00;
	v3 =	vor.u32 v3, v10;
	v10 =	vand.u32 $0x380, v61;
	[tilespmem:s12+$0x30] =	vst v9;
	v9 =	vld.idx.msk [tilespmem:v17+s23+$0x0], $0xffff;
	v8 =	vor.u32 v8, v58  }
.LBB2_35:
0x664: {  	s20 =	smov.u32 s22  }
0x665: {  	s6 =	sand.u32 $0x3F0, s22;
	v13 =	vld [tilespmem:s14+$0xFFFFFFD0];
	v11 =	vand.u32 $0x400, v11;
	v2 =	vand.u32 $0x380, v2;
	v10 =	vor.u32 v10, v12;
	s12 =	sadd.s32 $0x80, s12;
	s20 =	sadd.s32 $0x70, s22  }
0x666: {  	p1 =	sne.s32 s22, $0x310;
	v7 =	vor.u32 v11, v7;
	v12 =	vld [tilespmem:s14+$0xFFFFFFB0]  }
0x667: {  	v2 =	vor.u32 v2, v7;
	_ =	sdelay $0x1  }
0x668: {  	[tilespmem:s13+$0x430] =	vst v5  }
0x669: {  	v5 =	vshrl.u32 v13, $0x10;
	v7 =	vshrl.u32 v13, $0xD;
	v11 =	vshrl.u32 v13, $0x11;
	v14 =	vld [tilespmem:s14+$0xFFFFFFF0];
	[tilespmem:s13+$0x40] =	vst v9  }
0x66a: {  	v9 =	vand.u32 $0xF800, v5;
	v7 =	vand.u32 $0x400, v7;
	v11 =	vand.u32 $0x380, v11;
	v10 =	vld.idx.msk [tilespmem:v10+s23+$0x0], $0xffff  }
0x66b: {  	v1 =	vand.u32 $0x7F, v1;
	v0 =	vor.u32 v0, v8;
	v15 =	vshrl.u32 v12, $0x10;
	v2 =	vld.idx.msk [tilespmem:v2+s23+$0x0], $0xffff  }
0x66c: {  	v0 =	vor.u32 v1, v0;
	v16 =	vshll.u32 v13, $0x3;
	v8 =	vshll.u32 v12, $0x3;
	v6 =	vld.idx.msk [tilespmem:v6+s23+$0x0], $0xffff  }
0x66d: {  	v17 =	vand.u32 $0xF87F, v13;
	v16 =	vand.u32 $0x400, v16;
	v1 =	vshrl.u32 v12, $0x11  }
0x66e: {  	v18 =	vand.u32 $0xF87F, v12;
	v16 =	vor.u32 v16, v17;
	v19 =	vand.u32 $0x7F, v15;
	[tilespmem:s13+$0x10] =	vst v4  }
0x66f: {  	v13 =	vshrl.u32 v13, $0x1;
	v4 =	vshrl.u32 v12, $0x1;
	v17 =	vshrl.u32 v14, $0xD  }
0x670: {  	v13 =	vand.u32 $0x380, v13;
	v8 =	vand.u32 $0x400, v8;
	v12 =	vshrl.u32 v12, $0xD;
	v20 =	vld [tilespmem:s6+$0x1500];
	[tilespmem:s13+$0x440] =	vst v10  }
0x671: {  	v8 =	vor.u32 v8, v18;
	v10 =	vor.u32 v13, v16;
	v13 =	vshll.u32 v14, $0x3;
	[tilespmem:s13+$0x400] =	vst v2;
	v0 =	vld.idx.msk [tilespmem:v0+s23+$0x0], $0xffff  }
0x672: {  	v1 =	vand.u32 $0x380, v1;
	v2 =	vand.u32 $0x400, v13;
	v13 =	vand.u32 $0xF87F, v14;
	[tilespmem:s13+$0x50] =	vst v6;
	v3 =	vld.idx.msk [tilespmem:v3+s23+$0x0], $0xffff  }
0x673: {  	v6 =	vand.u32 $0xF800, v15;
	v15 =	vshrl.u32 v14, $0x1;
	v2 =	vor.u32 v2, v13  }
0x674: {  	v12 =	vand.u32 $0x400, v12;
	v16 =	vand.u32 $0x400, v17;
	v17 =	vshrl.u32 v14, $0x11;
	v13 =	vld [tilespmem:s14+$0xFFFFFFC0]  }
0x675: {  	v6 =	vor.u32 v12, v6;
	v18 =	vshll.u32 v20, $0x3;
	v21 =	vshrl.u32 v20, $0x1  }
0x676: {  	v1 =	vor.u32 v1, v6;
	v12 =	vand.u32 $0x400, v18;
	v18 =	vand.u32 $0xF87F, v20;
	v6 =	vld.idx.msk [tilespmem:v10+s23+$0x0], $0xffff  }
0x677: {  	v4 =	vand.u32 $0x380, v4;
	v10 =	vand.u32 $0x380, v21;
	v12 =	vor.u32 v12, v18;
	[tilespmem:s13+$0x450] =	vst v0  }
0x678: {  	v0 =	vor.u32 v10, v12;
	v10 =	vshrl.u32 v20, $0xD;
	v12 =	vor.u32 v19, v1;
	[tilespmem:s13+$0x410] =	vst v3;
	s13 =	smov.u32 s12  }
0x679: {  	v4 =	vor.u32 v4, v8;
	v1 =	vshrl.u32 v20, $0x10;
	v3 =	vand.u32 $0x400, v10;
	v8 =	vld [tilespmem:s14+$0x0]  }
0x67a: {  	v5 =	vand.u32 $0x7F, v5;
	v7 =	vor.u32 v7, v9;
	v10 =	vand.u32 $0xF87F, v13  }
0x67b: {  	v7 =	vor.u32 v11, v7;
	v9 =	vshrl.u32 v20, $0x11;
	v18 =	vshrl.u32 v13, $0xD;
	v11 =	vld [tilespmem:s14+$0xFFFFFFE0]  }
0x67c: {  	v5 =	vor.u32 v5, v7;
	v9 =	vand.u32 $0x380, v9;
	v18 =	vand.u32 $0x400, v18;
	[tilespmem:s12+$0x60] =	vst v6  }
0x67d: {  	v19 =	vshrl.u32 v13, $0x10;
	v7 =	vshrl.u32 v13, $0x11;
	v6 =	vld.idx.msk [tilespmem:v0+s23+$0x0], $0xffff;
	v0 =	vand.u32 $0x380, v15  }
0x67e: {  	v20 =	vand.u32 $0xF800, v1;
	v15 =	vand.u32 $0x7F, v1;
	v1 =	vshrl.u32 v8, $0x11  }
0x67f: {  	v21 =	vshll.u32 v13, $0x3;
	v22 =	vor.u32 v0, v2;
	v4 =	vld.idx.msk [tilespmem:v4+s23+$0x0], $0xffff;
	v0 =	vand.u32 $0x380, v1  }
0x680: {  	v2 =	vshrl.u32 v14, $0x10;
	v1 =	vshrl.u32 v8, $0x10;
	v23 =	vshrl.u32 v11, $0x10  }
0x681: {  	v14 =	vand.u32 $0x7F, v2;
	v24 =	vand.u32 $0xF800, v2;
	v25 =	vand.u32 $0xF800, v1;
	v5 =	vld.idx.msk [tilespmem:v5+s23+$0x0], $0xffff  }
0x682: {  	v13 =	vshrl.u32 v13, $0x1;
	v3 =	vor.u32 v3, v20;
	v2 =	vshrl.u32 v11, $0x1  }
0x683: {  	v3 =	vor.u32 v9, v3;
	v9 =	vshrl.u32 v11, $0x11;
	[tilespmem:s12+$0x0] =	vst v6;
	v6 =	vand.u32 $0x380, v13  }
0x684: {  	v3 =	vor.u32 v15, v3;
	v15 =	vand.u32 $0x380, v17;
	v13 =	vand.u32 $0x400, v21  }
0x685: {  	v20 =	vshrl.u32 v8, $0x1;
	v16 =	vor.u32 v16, v24;
	[tilespmem:s12+$0x20] =	vst v4;
	v4 =	vand.u32 $0xF800, v19;
	v17 =	vld.idx.msk [tilespmem:v22+s23+$0x0], $0xffff  }
0x686: {  	v10 =	vor.u32 v13, v10;
	v12 =	vld.idx.msk [tilespmem:v12+s23+$0x0], $0xffff;
	v13 =	vor.u32 v18, v4;
	v4 =	vor.u32 v15, v16  }
0x687: {  	v15 =	vand.u32 $0x380, v7;
	[tilespmem:s12+$0x70] =	vst v5;
	v5 =	vor.u32 v14, v4;
	v14 =	vand.u32 $0xF87F, v8  }
0x688: {  	v7 =	vand.u32 $0xF800, v23;
	v16 =	vshrl.u32 v11, $0xD;
	v18 =	vshll.u32 v8, $0x3  }
0x689: {  	v9 =	vand.u32 $0x380, v9;
	v6 =	vor.u32 v6, v10;
	v4 =	vld.idx.msk [tilespmem:v3+s23+$0x0], $0xffff;
	v3 =	vand.u32 $0x400, v16  }
.Ltmp20:
0x68a: {  	v8 =	vshrl.u32 v8, $0xD;
	v16 =	vand.u32 $0x400, v18;
	v3 =	vor.u32 v3, v7;
	(pc) =	sbr.rel @p1 .LBB2_35-.Ltmp20, $4  }
0x68b: {  	v10 =	vand.u32 $0x7F, v23;
	v7 =	vand.u32 $0xF87F, v11;
	v3 =	vor.u32 v9, v3;
	[tilespmem:s12+$0x420] =	vst v17  }
0x68c: {  	v8 =	vand.u32 $0x400, v8;
	[tilespmem:s12+$0x30] =	vst v12;
	v3 =	vor.u32 v10, v3;
	v5 =	vld.idx.msk [tilespmem:v5+s23+$0x0], $0xffff;
	v10 =	vand.u32 $0x380, v20  }
0x68d: {  	v13 =	vor.u32 v15, v13;
	v11 =	vshll.u32 v11, $0x3;
	v12 =	vand.u32 $0x7F, v19  }
0x68e: {  	s22 =	smov.u32 s20;
	s14 =	sadd.s32 $0x70, s14;
	v8 =	vor.u32 v8, v25;
	v9 =	vld.idx.msk [tilespmem:v6+s23+$0x0], $0xffff;
	v6 =	vor.u32 v12, v13;
	v12 =	vor.u32 v16, v14  }
0x68f: {  	v11 =	vand.u32 $0x400, v11  }
0x690: {  	v2 =	vand.u32 $0x380, v2;
	v10 =	vor.u32 v10, v12;
	v7 =	vor.u32 v11, v7  }
0x691: {  	v2 =	vor.u32 v2, v7;
	_ =	sdelay $0x3  }
0x692: {  	v1 =	vand.u32 $0x7F, v1;
	v0 =	vor.u32 v0, v8;
	v7 =	vld.idx.msk [tilespmem:v10+s23+$0x0], $0xffff  }
0x693: {  	v0 =	vor.u32 v1, v0;
	v2 =	vld.idx.msk [tilespmem:v2+s23+$0x0], $0xffff;
	_ =	sdelay $0x2  }
0x694: {  	[tilespmem:s13+$0x40] =	vst v9  }
0x695: {  	v1 =	vld.idx.msk [tilespmem:v6+s23+$0x0], $0xffff;
	[tilespmem:s13+$0x440] =	vst v7  }
0x696: {  	v0 =	vld.idx.msk [tilespmem:v0+s23+$0x0], $0xffff;
	[tilespmem:s13+$0x400] =	vst v2  }
0x697: {  	v2 =	vld.idx.msk [tilespmem:v3+s23+$0x0], $0xffff  }
0x698: {  	[tilespmem:s13+$0x10] =	vst v4  }
0x699: {  	[tilespmem:s13+$0x430] =	vst v5  }
0x69a: {  	s6 =	sadd.s32 s10, s8;
	[tilespmem:s13+$0x50] =	vst v1  }
0x69b: {  	s6 =	sshrl.u32 s6, $0x3;
	[tilespmem:s13+$0x450] =	vst v0  }
0x69c: {  	s6 =	sadd.s32 s4, s6;
	[tilespmem:s13+$0x410] =	vst v2  }
0x69d: {  	[hbm4b:s6+s5] =	stream.linear.scatter [tilespmem:s26], [sflag:$0x3], $0x800, $0x38;
	[tilespmem:$0x1FC00] =	vst v63  }
0x69e: {  	s12 =	simm.s32 @!p0 $0x1500;
	s6 =	sadd.s32 @!p0 $0x460, s11;
	s11 =	simm.s32 @!p0 $0x0  }
0x69f: {  	[tilespmem:s12], [sflag:$0x9] =	stream.linear.gather @!p0 [hbm4b:s6+s11], $0x380, $0x38;
	[tilespmem:$0x1FC00] =	vst v63  }
0x6a0: {  	_ =	swait.ge [sflag:s15], $0x380  }
0x6a1: {  	[sflag:s15] =	ssyncset.done $0x0  }
0x6a2: {  	[sflag:s15] =	ssyncadd.s32 $0xFFFFFC80  }
0x6a3: {  	_ =	swait.ge [sflag:s16], $0x800  }
0x6a4: {  	[sflag:s16] =	ssyncset.done $0x0  }
0x6a5: {  	s20 =	simm.s32 $0x18E0;
	[sflag:s16] =	ssyncadd.s32 $0xFFFFF800  }
0x6a6: {  	v0 =	vld [tilespmem:s20+$0xFFFFFFD0]  }
0x6a7: {  	v1 =	vld [tilespmem:s20+$0xFFFFFFB0]  }
0x6a8: {  	s22 =	simm.s32 $0x0  }
0x6a9: {  	s6 =	sand.u32 $0x3F0, s22;
	v5 =	vld [tilespmem:s20+$0xFFFFFFF0]  }
0x6aa: {  	v15 =	vld [tilespmem:s6+$0x1880]  }
0x6ab: {  	v17 =	vld [tilespmem:s20+$0xFFFFFFC0];
	v2 =	vshrl.u32 v0, $0x10;
	v3 =	vshrl.u32 v0, $0xD;
	v4 =	vshrl.u32 v0, $0x11  }
0x6ac: {  	v56 =	vld [tilespmem:s20+$0xFFFFFFE0];
	v7 =	vshrl.u32 v1, $0x10;
	v8 =	vshll.u32 v1, $0x3;
	v9 =	vshll.u32 v0, $0x3  }
0x6ad: {  	v10 =	vshrl.u32 v1, $0x11;
	v11 =	vand.u32 $0xF87F, v0;
	v12 =	vand.u32 $0xF87F, v1  }
0x6ae: {  	v0 =	vshrl.u32 v0, $0x1;
	v14 =	vshrl.u32 v5, $0xD;
	v16 =	vshrl.u32 v5, $0x1  }
0x6af: {  	v18 =	vshll.u32 v15, $0x3;
	v19 =	vshrl.u32 v15, $0x1;
	v54 =	vand.u32 $0xF87F, v15  }
0x6b0: {  	v55 =	vand.u32 $0xF87F, v17;
	v20 =	vshrl.u32 v17, $0x11;
	v22 =	vshll.u32 v17, $0x3  }
0x6b1: {  	v24 =	vshrl.u32 v56, $0x10;
	v59 =	vshrl.u32 v56, $0x11;
	v62 =	vshrl.u32 v56, $0xD  }
0x6b2: {  	v6 =	vand.u32 $0xF800, v2;
	v3 =	vand.u32 $0x400, v3;
	v4 =	vand.u32 $0x380, v4  }
0x6b3: {  	v9 =	vand.u32 $0x400, v9;
	v13 =	vand.u32 $0x7F, v7;
	v8 =	vand.u32 $0x400, v8  }
0x6b4: {  	v0 =	vand.u32 $0x380, v0;
	v10 =	vand.u32 $0x380, v10;
	v7 =	vand.u32 $0xF800, v7  }
0x6b5: {  	v2 =	vand.u32 $0x7F, v2;
	v60 =	vand.u32 $0x400, v22;
	v9 =	vor.u32 v9, v11  }
0x6b6: {  	v11 =	vshrl.u32 v1, $0x1;
	v1 =	vshrl.u32 v1, $0xD;
	v8 =	vor.u32 v8, v12  }
0x6b7: {  	v12 =	vand.u32 $0xF87F, v5;
	v3 =	vor.u32 v3, v6;
	v6 =	vshrl.u32 v15, $0x11  }
0x6b8: {  	v9 =	vor.u32 v0, v9;
	v0 =	vshll.u32 v5, $0x3;
	v1 =	vand.u32 $0x400, v1  }
0x6b9: {  	v11 =	vand.u32 $0x380, v11;
	v3 =	vor.u32 v4, v3;
	v4 =	vand.u32 $0x380, v6  }
0x6ba: {  	v0 =	vand.u32 $0x400, v0;
	v1 =	vor.u32 v1, v7;
	v7 =	vand.u32 $0x400, v18  }
0x6bb: {  	v8 =	vor.u32 v11, v8;
	v3 =	vor.u32 v2, v3;
	v2 =	vand.u32 $0x380, v16  }
0x6bc: {  	v16 =	vand.u32 $0x380, v59;
	v0 =	vor.u32 v0, v12;
	v12 =	vand.u32 $0x400, v14  }
0x6bd: {  	v1 =	vor.u32 v10, v1;
	v10 =	vand.u32 $0x380, v19;
	v7 =	vor.u32 v7, v54  }
0x6be: {  	v14 =	vshrl.u32 v5, $0x11;
	v7 =	vor.u32 v10, v7;
	v10 =	vshrl.u32 v15, $0xD  }
0x6bf: {  	v11 =	vld [tilespmem:s20+$0x0];
	v13 =	vor.u32 v13, v1;
	v1 =	vshrl.u32 v15, $0x10;
	v15 =	vshrl.u32 v17, $0xD  }
0x6c0: {  	v23 =	vor.u32 v2, v0;
	v2 =	vshrl.u32 v5, $0x10;
	v14 =	vand.u32 $0x380, v14  }
0x6c1: {  	v10 =	vand.u32 $0x400, v10;
	v6 =	vand.u32 $0x400, v15;
	v15 =	vshrl.u32 v17, $0x10  }
0x6c2: {  	v57 =	vand.u32 $0x7F, v1;
	v21 =	vand.u32 $0xF800, v1;
	v5 =	vand.u32 $0x7F, v2;
	v9 =	vld.idx.msk [tilespmem:v9+s23+$0x0], $0xffff  }
0x6c3: {  	v25 =	vand.u32 $0xF800, v2;
	v2 =	vor.u32 v10, v21;
	v10 =	vshrl.u32 v17, $0x1;
	v8 =	vld.idx.msk [tilespmem:v8+s23+$0x0], $0xffff  }
0x6c4: {  	v12 =	vor.u32 v12, v25;
	v17 =	vor.u32 v60, v55;
	v1 =	vshrl.u32 v11, $0x11  }
0x6c5: {  	v4 =	vor.u32 v4, v2;
	v2 =	vshrl.u32 v56, $0x1;
	v10 =	vand.u32 $0x380, v10  }
0x6c6: {  	s11 =	simm.s32 $0x1F400;
	v61 =	vshrl.u32 v11, $0x1;
	v63 =	vshll.u32 v11, $0x3;
	v0 =	vand.u32 $0x380, v1  }
0x6c7: {  	v4 =	vor.u32 v57, v4;
	v17 =	vor.u32 v10, v17;
	v7 =	vld.idx.msk [tilespmem:v7+s23+$0x0], $0xffff;
	[tilespmem:s11+$0x60] =	vst v9;
	v9 =	vand.u32 $0xF800, v15  }
0x6c8: {  	v1 =	vshrl.u32 v11, $0x10;
	v6 =	vor.u32 v6, v9;
	v9 =	vor.u32 v14, v12;
	[tilespmem:s11+$0x20] =	vst v8;
	v8 =	vld.idx.msk [tilespmem:v23+s23+$0x0], $0xffff  }
0x6c9: {  	v10 =	vand.u32 $0x400, v62;
	v58 =	vand.u32 $0xF800, v1;
	v3 =	vld.idx.msk [tilespmem:v3+s23+$0x0], $0xffff;
	v5 =	vor.u32 v5, v9  }
0x6ca: {  	v15 =	vand.u32 $0x7F, v15;
	v12 =	vand.u32 $0x380, v20;
	v14 =	vand.u32 $0xF87F, v11;
	v9 =	vld.idx.msk [tilespmem:v13+s23+$0x0], $0xffff  }
0x6cb: {  	v11 =	vshrl.u32 v11, $0xD;
	v13 =	vand.u32 $0xF800, v24;
	v6 =	vor.u32 v12, v6  }
0x6cc: {  	[tilespmem:s11+$0x0] =	vst v7;
	v10 =	vor.u32 v10, v13;
	v13 =	vand.u32 $0x400, v63;
	v6 =	vor.u32 v15, v6  }
0x6cd: {  	v7 =	vand.u32 $0xF87F, v56;
	v10 =	vor.u32 v16, v10;
	v4 =	vld.idx.msk [tilespmem:v4+s23+$0x0], $0xffff;
	v12 =	vor.u32 v13, v14;
	[tilespmem:s11+$0x420] =	vst v8  }
0x6ce: {  	[tilespmem:s11+$0x70] =	vst v3;
	v3 =	vand.u32 $0x7F, v24;
	v8 =	vand.u32 $0x400, v11;
	v11 =	vshll.u32 v56, $0x3;
	v5 =	vld.idx.msk [tilespmem:v5+s23+$0x0], $0xffff  }
0x6cf: {  	s13 =	simm.s32 $0x1950;
	s12 =	simm.s32 $0x1F400;
	s20 =	simm.s32 $0x70;
	v3 =	vor.u32 v3, v10;
	v10 =	vand.u32 $0x380, v61;
	[tilespmem:s11+$0x30] =	vst v9;
	v9 =	vld.idx.msk [tilespmem:v17+s23+$0x0], $0xffff;
	v8 =	vor.u32 v8, v58  }
.LBB2_37:
0x6d0: {  	s14 =	smov.u32 s20  }
0x6d1: {  	s6 =	sand.u32 $0x3F0, s20;
	v13 =	vld [tilespmem:s13+$0xFFFFFFD0];
	v11 =	vand.u32 $0x400, v11;
	v2 =	vand.u32 $0x380, v2;
	v10 =	vor.u32 v10, v12;
	s11 =	sadd.s32 $0x80, s11;
	s14 =	sadd.s32 $0x70, s20  }
0x6d2: {  	p1 =	sne.s32 s20, $0x310;
	v7 =	vor.u32 v11, v7;
	v12 =	vld [tilespmem:s13+$0xFFFFFFB0]  }
0x6d3: {  	v2 =	vor.u32 v2, v7;
	_ =	sdelay $0x1  }
0x6d4: {  	[tilespmem:s12+$0x430] =	vst v5  }
0x6d5: {  	v5 =	vshrl.u32 v13, $0x10;
	v7 =	vshrl.u32 v13, $0xD;
	v11 =	vshrl.u32 v13, $0x11;
	v14 =	vld [tilespmem:s13+$0xFFFFFFF0];
	[tilespmem:s12+$0x40] =	vst v9  }
0x6d6: {  	v9 =	vand.u32 $0xF800, v5;
	v7 =	vand.u32 $0x400, v7;
	v11 =	vand.u32 $0x380, v11;
	v10 =	vld.idx.msk [tilespmem:v10+s23+$0x0], $0xffff  }
0x6d7: {  	v1 =	vand.u32 $0x7F, v1;
	v0 =	vor.u32 v0, v8;
	v15 =	vshrl.u32 v12, $0x10;
	v2 =	vld.idx.msk [tilespmem:v2+s23+$0x0], $0xffff  }
0x6d8: {  	v0 =	vor.u32 v1, v0;
	v16 =	vshll.u32 v13, $0x3;
	v8 =	vshll.u32 v12, $0x3;
	v6 =	vld.idx.msk [tilespmem:v6+s23+$0x0], $0xffff  }
0x6d9: {  	v17 =	vand.u32 $0xF87F, v13;
	v16 =	vand.u32 $0x400, v16;
	v1 =	vshrl.u32 v12, $0x11  }
0x6da: {  	v18 =	vand.u32 $0xF87F, v12;
	v16 =	vor.u32 v16, v17;
	v19 =	vand.u32 $0x7F, v15;
	[tilespmem:s12+$0x10] =	vst v4  }
0x6db: {  	v13 =	vshrl.u32 v13, $0x1;
	v4 =	vshrl.u32 v12, $0x1;
	v17 =	vshrl.u32 v14, $0xD  }
0x6dc: {  	v13 =	vand.u32 $0x380, v13;
	v8 =	vand.u32 $0x400, v8;
	v12 =	vshrl.u32 v12, $0xD;
	v20 =	vld [tilespmem:s6+$0x1880];
	[tilespmem:s12+$0x440] =	vst v10  }
0x6dd: {  	v8 =	vor.u32 v8, v18;
	v10 =	vor.u32 v13, v16;
	v13 =	vshll.u32 v14, $0x3;
	[tilespmem:s12+$0x400] =	vst v2;
	v0 =	vld.idx.msk [tilespmem:v0+s23+$0x0], $0xffff  }
0x6de: {  	v1 =	vand.u32 $0x380, v1;
	v2 =	vand.u32 $0x400, v13;
	v13 =	vand.u32 $0xF87F, v14;
	[tilespmem:s12+$0x50] =	vst v6;
	v3 =	vld.idx.msk [tilespmem:v3+s23+$0x0], $0xffff  }
0x6df: {  	v6 =	vand.u32 $0xF800, v15;
	v15 =	vshrl.u32 v14, $0x1;
	v2 =	vor.u32 v2, v13  }
0x6e0: {  	v12 =	vand.u32 $0x400, v12;
	v16 =	vand.u32 $0x400, v17;
	v17 =	vshrl.u32 v14, $0x11;
	v13 =	vld [tilespmem:s13+$0xFFFFFFC0]  }
0x6e1: {  	v6 =	vor.u32 v12, v6;
	v18 =	vshll.u32 v20, $0x3;
	v21 =	vshrl.u32 v20, $0x1  }
0x6e2: {  	v1 =	vor.u32 v1, v6;
	v12 =	vand.u32 $0x400, v18;
	v18 =	vand.u32 $0xF87F, v20;
	v6 =	vld.idx.msk [tilespmem:v10+s23+$0x0], $0xffff  }
0x6e3: {  	v4 =	vand.u32 $0x380, v4;
	v10 =	vand.u32 $0x380, v21;
	v12 =	vor.u32 v12, v18;
	[tilespmem:s12+$0x450] =	vst v0  }
0x6e4: {  	v0 =	vor.u32 v10, v12;
	v10 =	vshrl.u32 v20, $0xD;
	v12 =	vor.u32 v19, v1;
	[tilespmem:s12+$0x410] =	vst v3;
	s12 =	smov.u32 s11  }
0x6e5: {  	v4 =	vor.u32 v4, v8;
	v1 =	vshrl.u32 v20, $0x10;
	v3 =	vand.u32 $0x400, v10;
	v8 =	vld [tilespmem:s13+$0x0]  }
0x6e6: {  	v5 =	vand.u32 $0x7F, v5;
	v7 =	vor.u32 v7, v9;
	v10 =	vand.u32 $0xF87F, v13  }
0x6e7: {  	v7 =	vor.u32 v11, v7;
	v9 =	vshrl.u32 v20, $0x11;
	v18 =	vshrl.u32 v13, $0xD;
	v11 =	vld [tilespmem:s13+$0xFFFFFFE0]  }
0x6e8: {  	v5 =	vor.u32 v5, v7;
	v9 =	vand.u32 $0x380, v9;
	v18 =	vand.u32 $0x400, v18;
	[tilespmem:s11+$0x60] =	vst v6  }
0x6e9: {  	v19 =	vshrl.u32 v13, $0x10;
	v7 =	vshrl.u32 v13, $0x11;
	v6 =	vld.idx.msk [tilespmem:v0+s23+$0x0], $0xffff;
	v0 =	vand.u32 $0x380, v15  }
0x6ea: {  	v20 =	vand.u32 $0xF800, v1;
	v15 =	vand.u32 $0x7F, v1;
	v1 =	vshrl.u32 v8, $0x11  }
0x6eb: {  	v21 =	vshll.u32 v13, $0x3;
	v22 =	vor.u32 v0, v2;
	v4 =	vld.idx.msk [tilespmem:v4+s23+$0x0], $0xffff;
	v0 =	vand.u32 $0x380, v1  }
0x6ec: {  	v2 =	vshrl.u32 v14, $0x10;
	v1 =	vshrl.u32 v8, $0x10;
	v23 =	vshrl.u32 v11, $0x10  }
0x6ed: {  	v14 =	vand.u32 $0x7F, v2;
	v24 =	vand.u32 $0xF800, v2;
	v25 =	vand.u32 $0xF800, v1;
	v5 =	vld.idx.msk [tilespmem:v5+s23+$0x0], $0xffff  }
0x6ee: {  	v13 =	vshrl.u32 v13, $0x1;
	v3 =	vor.u32 v3, v20;
	v2 =	vshrl.u32 v11, $0x1  }
0x6ef: {  	v3 =	vor.u32 v9, v3;
	v9 =	vshrl.u32 v11, $0x11;
	[tilespmem:s11+$0x0] =	vst v6;
	v6 =	vand.u32 $0x380, v13  }
0x6f0: {  	v3 =	vor.u32 v15, v3;
	v15 =	vand.u32 $0x380, v17;
	v13 =	vand.u32 $0x400, v21  }
0x6f1: {  	v20 =	vshrl.u32 v8, $0x1;
	v16 =	vor.u32 v16, v24;
	[tilespmem:s11+$0x20] =	vst v4;
	v4 =	vand.u32 $0xF800, v19;
	v17 =	vld.idx.msk [tilespmem:v22+s23+$0x0], $0xffff  }
0x6f2: {  	v10 =	vor.u32 v13, v10;
	v12 =	vld.idx.msk [tilespmem:v12+s23+$0x0], $0xffff;
	v13 =	vor.u32 v18, v4;
	v4 =	vor.u32 v15, v16  }
0x6f3: {  	v15 =	vand.u32 $0x380, v7;
	[tilespmem:s11+$0x70] =	vst v5;
	v5 =	vor.u32 v14, v4;
	v14 =	vand.u32 $0xF87F, v8  }
0x6f4: {  	v7 =	vand.u32 $0xF800, v23;
	v16 =	vshrl.u32 v11, $0xD;
	v18 =	vshll.u32 v8, $0x3  }
0x6f5: {  	v9 =	vand.u32 $0x380, v9;
	v6 =	vor.u32 v6, v10;
	v4 =	vld.idx.msk [tilespmem:v3+s23+$0x0], $0xffff;
	v3 =	vand.u32 $0x400, v16  }
.Ltmp21:
0x6f6: {  	v8 =	vshrl.u32 v8, $0xD;
	v16 =	vand.u32 $0x400, v18;
	v3 =	vor.u32 v3, v7;
	(pc) =	sbr.rel @p1 .LBB2_37-.Ltmp21, $4  }
0x6f7: {  	v10 =	vand.u32 $0x7F, v23;
	v7 =	vand.u32 $0xF87F, v11;
	v3 =	vor.u32 v9, v3;
	[tilespmem:s11+$0x420] =	vst v17  }
0x6f8: {  	v8 =	vand.u32 $0x400, v8;
	[tilespmem:s11+$0x30] =	vst v12;
	v3 =	vor.u32 v10, v3;
	v5 =	vld.idx.msk [tilespmem:v5+s23+$0x0], $0xffff;
	v10 =	vand.u32 $0x380, v20  }
0x6f9: {  	v13 =	vor.u32 v15, v13;
	v11 =	vshll.u32 v11, $0x3;
	v12 =	vand.u32 $0x7F, v19  }
0x6fa: {  	s20 =	smov.u32 s14;
	s13 =	sadd.s32 $0x70, s13;
	v8 =	vor.u32 v8, v25;
	v9 =	vld.idx.msk [tilespmem:v6+s23+$0x0], $0xffff;
	v6 =	vor.u32 v12, v13;
	v12 =	vor.u32 v16, v14  }
0x6fb: {  	v11 =	vand.u32 $0x400, v11  }
0x6fc: {  	v2 =	vand.u32 $0x380, v2;
	v10 =	vor.u32 v10, v12;
	v7 =	vor.u32 v11, v7  }
0x6fd: {  	v2 =	vor.u32 v2, v7;
	_ =	sdelay $0x3  }
0x6fe: {  	v1 =	vand.u32 $0x7F, v1;
	v0 =	vor.u32 v0, v8;
	v62 =	vld.idx.msk [tilespmem:v10+s23+$0x0], $0xffff  }
0x6ff: {  	v0 =	vor.u32 v1, v0;
	v2 =	vld.idx.msk [tilespmem:v2+s23+$0x0], $0xffff;
	_ =	sdelay $0x2  }
0x700: {  	[tilespmem:s12+$0x40] =	vst v9  }
0x701: {  	v63 =	vld.idx.msk [tilespmem:v6+s23+$0x0], $0xffff;
	[tilespmem:s12+$0x440] =	vst v62  }
0x702: {  	v0 =	vld.idx.msk [tilespmem:v0+s23+$0x0], $0xffff;
	[tilespmem:s12+$0x400] =	vst v2  }
0x703: {  	v2 =	vld.idx.msk [tilespmem:v3+s23+$0x0], $0xffff  }
0x704: {  	[tilespmem:s12+$0x10] =	vst v4  }
.Ltmp22:
0x705: {  	[tilespmem:s12+$0x430] =	vst v5;
	(pc) =	sbr.rel @p0 .LBB2_40-.Ltmp22, $4  }
0x706: {  	s6 =	sadd.s32 s10, s9;
	[tilespmem:s12+$0x50] =	vst v63  }
0x707: {  	s6 =	sshrl.u32 s6, $0x3;
	[tilespmem:s12+$0x450] =	vst v0  }
0x708: {  	s6 =	sadd.s32 s4, s6;
	[tilespmem:s12+$0x410] =	vst v2  }
0x709: {  	[hbm4b:s6+s5] =	stream.linear.scatter [tilespmem:s28], [sflag:$0x4], $0x800, $0x38;
	[tilespmem:$0x1FC00] =	vst v63  }
0x70a: {  	s6 =	smul.u32 $0xE00, s18  }
.Ltmp23:
0x70b: {  	_ = 	snop;
	(pc) =	sbr.rel .LBB2_30-.Ltmp23, $4  }
0x70c: {  	s6 =	sshrl.u32 s6, $0x3  }
0x70d: {  	s6 =	sadd.s32 s3, s6  }
0x70e: {  	s18 =	sadd.s32 $0x1, s18;
	s6 =	sadd.s32 $0x4D0, s6  }
0x70f: {  	[tilespmem:s21], [sflag:$0xA] =	stream.linear.gather [hbm4b:s6+s5], $0x380, $0x38;
	[tilespmem:$0x1FC00] =	vst v63  }
.LBB2_42:
0x710: {  	_ =	sfence.sel $0x180000  }
0x711: {  	[bflag:$0x0] =	sbarrier.arrive $0xFFFF  }
0x712: {  	_ =	strace $0x90000047  }
0x713: {  	s0 =	stileid.u32;
	[bflag:$0x2] =	sbarrier.arrive $0xFFFF  }
0x714: {  	p0 =	sne.s32 s0, $0x0;
	s0 =	rddreg [dreg:$0x3]  }
0x715: {  	s0 =	sadd.s32 @!p0 $0x100000, s0  }
0x716: {  	[sflag:s0] =	ssyncadd.tile.s32 @!p0 $0x1;
	_ =	shalt  }
.Lfunc_end2:
_tile_overlayer_lowered:
.L_overlay_start_2:
0x717: {  	(tag) =	ssettag $0x2  }
0x718: {  	s0 =	rddreg [dreg:$0x0];
	s2 =	stileid.u32  }
0x719: {  	s1 =	rddreg [dreg:$0x1];
	p0 =	sne.s32 s2, $0x0  }
0x71a: {  	s3 =	rddreg [dreg:$0x2];
	[bflag:$0x3] =	sbarrier.arrive $0xFFFF;
	s2 =	simm.s32 @!p0 $0x1C0B  }
0x71b: {  	[timem:s3], [sflag:s2] =	dma.local @!p0 [hbm:s0], s1  }
0x71c: {  	s0 =	simm.s32 @!p0 $0xB  }
0x71d: {  	_ =	swait.ge @!p0 [sflag:s0], s1  }
0x71e: {  	s1 =	ssub.s32 @!p0 $0x0, s1;
	[sflag:s0] =	ssyncset.done @!p0 $0x0  }
0x71f: {  	[sflag:s0] =	ssyncadd.s32 @!p0 s1  }
0x720: {  	[bflag:$0x3] =	sbarrier.arrive $0xFFFF  }
0x721: {  	_ =	shalt  }

</sc_bundles>
